<compile_context>
chip_gen: v7x
topology: tpu7x:2x2x1
jax: 0.10.2.dev20260603
libtpu: 0.0.44.dev20260713+nightly
codegen_flags: <defaults>
</compile_context>

<pallas_src>
import functools

import jax
import jax.numpy as jnp
from jax import lax
from jax.experimental import pallas as pl
from jax.experimental.pallas import tpu as pltpu
from jax.experimental.pallas import tpu_sc as plsc

_B = 16384
_CTX = 20
_D = 64
_NE = 2 * _B
_NC = 2
_NS = 16
_NW = _NC * _NS
_HEPW = _B // _NW
_CHUNK = 128

_MESH = plsc.VectorSubcoreMesh(core_axis_name="c", subcore_axis_name="s")
_PARAMS = pltpu.CompilerParams(use_tc_tiling_on_sc=False)



_GA = 16
_RPGA = _GA * _CTX
_EPW = 2 * _HEPW
_NGA = _EPW // _GA
_CHUNKS_A = (128, 128, 64)


def _pool_body(pu_hbm, nu_hbm, u_hbm, pooled_hbm,
               idxu_v, rows_a, rows_b, pooled_v, sem_a, sem_b):
    wid = lax.axis_index("s") * _NC + lax.axis_index("c")
    ebase = wid * _HEPW

    pltpu.sync_copy(pu_hbm.at[pl.ds(ebase * _CTX, _HEPW * _CTX)],
                    idxu_v.at[pl.ds(0, _HEPW * _CTX)])
    pltpu.sync_copy(nu_hbm.at[pl.ds(ebase * _CTX, _HEPW * _CTX)],
                    idxu_v.at[pl.ds(_HEPW * _CTX, _HEPW * _CTX)])

    def fire(g, rows_buf, sem):
        off = 0
        for n in _CHUNKS_A:
            pltpu.async_copy(
                u_hbm.at[idxu_v.at[pl.ds(g * _RPGA + off, n)]],
                rows_buf.at[pl.ds(off, n)],
                sem,
            )
            off += n

    def drain(g, rows_buf, sem):
        off = 0
        for n in _CHUNKS_A:
            pltpu.make_async_copy(
                u_hbm.at[idxu_v.at[pl.ds(g * _RPGA + off, n)]],
                rows_buf.at[pl.ds(off, n)],
                sem,
            ).wait()
            off += n

    def compute(g, rows_buf):
        @pl.loop(0, _GA)
        def elem_loop(e):
            row0 = e * _CTX
            accs = [jnp.zeros((16,), jnp.float32) for _ in range(_D // 16)]
            for r in range(_CTX):
                for c in range(_D // 16):
                    accs[c] = accs[c] + rows_buf[row0 + r, pl.ds(c * 16, 16)]
            for c in range(_D // 16):
                pooled_v[g * _GA + e, pl.ds(c * 16, 16)] = accs[c]

    fire(0, rows_a, sem_a)

    @pl.loop(0, _NGA // 2)
    def pair_loop(t):
        g0 = 2 * t
        g1 = g0 + 1
        fire(g1, rows_b, sem_b)
        drain(g0, rows_a, sem_a)
        compute(g0, rows_a)

        @pl.when(t < _NGA // 2 - 1)
        def _prefetch():
            fire(g0 + 2, rows_a, sem_a)

        drain(g1, rows_b, sem_b)
        compute(g1, rows_b)

    pltpu.sync_copy(pooled_v.at[pl.ds(0, _HEPW)],
                    pooled_hbm.at[pl.ds(ebase, _HEPW)])
    pltpu.sync_copy(pooled_v.at[pl.ds(_HEPW, _HEPW)],
                    pooled_hbm.at[pl.ds(_B + ebase, _HEPW)])


_pool = functools.partial(
    pl.kernel,
    out_type=jax.ShapeDtypeStruct((_NE, _D), jnp.float32),
    mesh=_MESH,
    scratch_types=[
        pltpu.VMEM((_EPW * _CTX,), jnp.int32),
        pltpu.VMEM((_RPGA, _D), jnp.float32),
        pltpu.VMEM((_RPGA, _D), jnp.float32),
        pltpu.VMEM((_EPW, _D), jnp.float32),
        pltpu.SemaphoreType.DMA,
        pltpu.SemaphoreType.DMA,
    ],
    compiler_params=_PARAMS,
)(_pool_body)



_GDN = lax.GatherDimensionNumbers(
    offset_dims=(), collapsed_slice_dims=(0,), start_index_map=(0,))


def _dot_body(pw_hbm, nw_hbm, w_hbm, pooled_hbm, scores_hbm,
              idxw_v, wrows_v, pooled_v, scores_v, sem, sem_p):
    wid = lax.axis_index("s") * _NC + lax.axis_index("c")
    ebase = wid * _HEPW
    lane = lax.iota(jnp.int32, 16)
    perms = [((lane ^ sh).astype(jnp.int32))[:, None] for sh in (8, 4, 2, 1)]

    for iw_hbm, obase in ((pw_hbm, 0), (nw_hbm, _B)):
        pltpu.sync_copy(iw_hbm.at[pl.ds(ebase, _HEPW)], idxw_v)
        pooled_cp = pltpu.async_copy(
            pooled_hbm.at[pl.ds(obase + ebase, _HEPW)], pooled_v, sem_p)
        copies = [
            pltpu.async_copy(
                w_hbm.at[idxw_v.at[pl.ds(j * _CHUNK, _CHUNK)]],
                wrows_v.at[pl.ds(j * _CHUNK, _CHUNK)],
                sem,
            )
            for j in range(_HEPW // _CHUNK)
        ]
        pooled_cp.wait()
        for c in copies:
            c.wait()

        @pl.loop(0, _HEPW // 16)
        def sub_loop(sg):
            svec = jnp.zeros((16,), jnp.float32)
            for ei in range(16):
                e = sg * 16 + ei
                p = jnp.zeros((16,), jnp.float32)
                for c in range(_D // 16):
                    p = p + (pooled_v[e, pl.ds(c * 16, 16)]
                             * wrows_v[e, pl.ds(c * 16, 16)])
                for perm in perms:
                    p = p + lax.gather(
                        p, perm, _GDN, (1,),
                        mode=lax.GatherScatterMode.PROMISE_IN_BOUNDS)
                svec = jnp.where(lane == ei, p, svec)
            scores_v[pl.ds(sg * 16, 16)] = svec

        pltpu.sync_copy(scores_v, scores_hbm.at[pl.ds(obase + ebase, _HEPW)])


_dot = functools.partial(
    pl.kernel,
    out_type=jax.ShapeDtypeStruct((_NE,), jnp.float32),
    mesh=_MESH,
    scratch_types=[
        pltpu.VMEM((_HEPW,), jnp.int32),
        pltpu.VMEM((_HEPW, _D), jnp.float32),
        pltpu.VMEM((_HEPW, _D), jnp.float32),
        pltpu.VMEM((_HEPW,), jnp.float32),
        pltpu.SemaphoreType.DMA,
        pltpu.SemaphoreType.DMA,
    ],
    compiler_params=_PARAMS,
)(_dot_body)



def _tc_loss_body(scores_ref, out_ref):
    x = scores_ref[...]
    row = lax.broadcasted_iota(jnp.int32, x.shape, 0)
    y = jnp.where(row < _NE // 128 // 2, x, -x)
    ls = jnp.minimum(y, 0.0) - jnp.log1p(jnp.exp(-jnp.abs(y)))
    out_ref[0, 0] = -jnp.sum(ls)


_tc_loss = pl.pallas_call(
    _tc_loss_body,
    out_shape=jax.ShapeDtypeStruct((1, 1), jnp.float32),
    out_specs=pl.BlockSpec(memory_space=pltpu.SMEM),
)


@jax.jit
def kernel(pos_u, pos_w, neg_u, neg_w, u_weight, w_weight):
    pooled = _pool(pos_u.reshape(-1), neg_u.reshape(-1), u_weight)
    scores = _dot(pos_w, neg_w, w_weight, pooled)
    loss = _tc_loss(scores.reshape(_NE // 128, 128))
    return loss[0, 0]

# --- scband reference (transcript-rebuilt; emitter-appended) ---
"""Pipeline reference for scband-cbow-hsmodel-75153337745591 (READ-ONLY COPY).

The authoritative reference and input builder live on the scoring server;
editing this copy changes nothing except your own understanding.
"""

import jax, jax.numpy as jnp
import numpy as np

VOCAB_SIZE = 100000
EMBED_SIZE = 64
TABLE_ROWS = 2 * VOCAB_SIZE - 1
BATCH = 16384
CTX = 20


def setup_inputs(seed: int = 0) -> dict:
    key = jax.random.key(seed)
    k1, k2, k3, k4, k5, k6 = jax.random.split(key, 6)
    pos_u = jax.random.randint(k1, (BATCH, CTX), 0, TABLE_ROWS, dtype=jnp.int64 if jax.config.jax_enable_x64 else jnp.int32).astype(jnp.int32)
    pos_w = jax.random.randint(k2, (BATCH,), 0, TABLE_ROWS).astype(jnp.int32)
    neg_u = jax.random.randint(k3, (BATCH, CTX), 0, TABLE_ROWS).astype(jnp.int32)
    neg_w = jax.random.randint(k4, (BATCH,), 0, TABLE_ROWS).astype(jnp.int32)
    int_range = 0.5 / EMBED_SIZE
    u_weight = jax.random.uniform(k5, (TABLE_ROWS, EMBED_SIZE), dtype=jnp.float32, minval=-int_range, maxval=int_range)
    # torch init sets w_embeddings to uniform_(-0, 0) == zeros; use small random to keep gradients meaningful yet faithful in structure
    w_weight = jnp.zeros((TABLE_ROWS, EMBED_SIZE), dtype=jnp.float32)
    return {"pos_u": pos_u, "pos_w": pos_w, "neg_u": neg_u, "neg_w": neg_w, "u_weight": u_weight, "w_weight": w_weight}


def reference(pos_u, pos_w, neg_u, neg_w, u_weight, w_weight):
    # compute_context_matrix: gather context embeddings and sum over context dim
    pos_u_embed = jnp.take(u_weight, pos_u, axis=0).sum(axis=1)  # [B, D]
    pos_w_embed = jnp.take(w_weight, pos_w, axis=0)              # [B, D]
    neg_u_embed = jnp.take(u_weight, neg_u, axis=0).sum(axis=1)  # [B, D]
    neg_w_embed = jnp.take(w_weight, neg_w, axis=0)              # [B, D]
    score1 = jnp.sum(pos_u_embed * pos_w_embed, axis=1)
    score1 = jax.nn.log_sigmoid(score1)
    score2 = jnp.sum(neg_u_embed * neg_w_embed, axis=1)
    score2 = jax.nn.log_sigmoid(-score2)
    loss = score1.sum() + score2.sum()
    return -loss

if __name__ == "__main__":
    import jax
    _d = setup_inputs()
    print(jax.jit(kernel)(*tuple(_d.values())))

</pallas_src>

<mosaic_0001>
#map = affine_map<(d0, d1) -> (0)>
#map1 = affine_map<(d0, d1) -> (0, 0)>
module attributes {stable_mosaic.version = 14 : i64} {
  func.func @_dot_body(%arg0: i32, %arg1: i32, %arg2: memref<16384xi32, #tpu.memory_space<hbm>>, %arg3: memref<16384xi32, #tpu.memory_space<hbm>>, %arg4: memref<199999x64xf32, #tpu.memory_space<hbm>>, %arg5: memref<32768x64xf32, #tpu.memory_space<hbm>>, %arg6: memref<32768xf32, #tpu.memory_space<hbm>>, %arg7: memref<512xi32, #tpu.memory_space<vmem>>, %arg8: memref<512x64xf32, #tpu.memory_space<vmem>>, %arg9: memref<512x64xf32, #tpu.memory_space<vmem>>, %arg10: memref<512xf32, #tpu.memory_space<vmem>>, %arg11: memref<!tpu.dma_semaphore, #tpu.memory_space<semaphore_mem>>, %arg12: memref<!tpu.dma_semaphore, #tpu.memory_space<semaphore_mem>>) attributes {dimension_semantics = [#tpu.dimension_semantics<core_parallel>, #tpu.dimension_semantics<subcore_parallel>], iteration_bounds = array<i64: 2, 16>, scalar_prefetch = 0 : i64, scratch_operands = 6 : i64, tpu.core_type = #tpu.core_type<sc_vector_subcore>, window_params = [{transform_indices = #map}, {transform_indices = #map}, {transform_indices = #map1}, {transform_indices = #map1}, {transform_indices = #map}]} {
    %mul3A = arith.constant 2 : i32
    %mul3A_0 = arith.muli %arg1, %mul3A : i32
    %add3A = arith.addi %mul3A_0, %arg0 : i32
    %mul3A_1 = arith.constant 512 : i32
    %mul3A_2 = arith.muli %add3A, %mul3A_1 : i32
    %iota3A = tpu.iota {dimensions = array<i32: 0>} : vector<16xi32>
    %xor3A = arith.constant 8 : i32
    %xor3A_3 = vector.broadcast %xor3A : i32 to vector<16xi32>
    %xor3A_4 = arith.xori %iota3A, %xor3A_3 : vector<16xi32>
    %broadcast_in_dim3A = vector.shape_cast %xor3A_4 : vector<16xi32> to vector<16x1xi32>
    %xor3A_5 = arith.constant 4 : i32
    %xor3A_6 = vector.broadcast %xor3A_5 : i32 to vector<16xi32>
    %xor3A_7 = arith.xori %iota3A, %xor3A_6 : vector<16xi32>
    %broadcast_in_dim3A_8 = vector.shape_cast %xor3A_7 : vector<16xi32> to vector<16x1xi32>
    %xor3A_9 = arith.constant 2 : i32
    %xor3A_10 = vector.broadcast %xor3A_9 : i32 to vector<16xi32>
    %xor3A_11 = arith.xori %iota3A, %xor3A_10 : vector<16xi32>
    %broadcast_in_dim3A_12 = vector.shape_cast %xor3A_11 : vector<16xi32> to vector<16x1xi32>
    %xor3A_13 = arith.constant 1 : i32
    %xor3A_14 = vector.broadcast %xor3A_13 : i32 to vector<16xi32>
    %xor3A_15 = arith.xori %iota3A, %xor3A_14 : vector<16xi32>
    %broadcast_in_dim3A_16 = vector.shape_cast %xor3A_15 : vector<16xi32> to vector<16x1xi32>
    "tpu.region"() ({
      %run_scoped3A = tpu.sem_alloc : memref<!tpu.dma_semaphore, #tpu.memory_space<semaphore_mem>>
      %dma_start3A_176 = tpu.memref_slice %arg2[%mul3A_2] : memref<16384xi32, #tpu.memory_space<hbm>> -> memref<512xi32, #tpu.memory_space<hbm>>
      %dma_start3A_177 = tpu.memref_slice %arg2[%mul3A_2] : memref<16384xi32, #tpu.memory_space<hbm>> -> memref<512xi32, #tpu.memory_space<hbm>>
      tpu.enqueue_dma source(%dma_start3A_177 : memref<512xi32, #tpu.memory_space<hbm>>) target(%arg7 : memref<512xi32, #tpu.memory_space<vmem>>) target_semaphore(%run_scoped3A : memref<!tpu.dma_semaphore, #tpu.memory_space<semaphore_mem>>)
      %dma_wait3A_178 = tpu.memref_slice %arg2[%mul3A_2] : memref<16384xi32, #tpu.memory_space<hbm>> -> memref<512xi32, #tpu.memory_space<hbm>>
      %dma_wait3A_179 = tpu.memref_slice %arg2[%mul3A_2] : memref<16384xi32, #tpu.memory_space<hbm>> -> memref<512xi32, #tpu.memory_space<hbm>>
      tpu.wait_dma2 semaphore(%run_scoped3A : memref<!tpu.dma_semaphore, #tpu.memory_space<semaphore_mem>>) src(%dma_wait3A_179 : memref<512xi32, #tpu.memory_space<hbm>>) dst(%arg7 : memref<512xi32, #tpu.memory_space<vmem>>)
      tpu.yield
    }) : () -> ()
    %add3A_17 = arith.constant 0 : i32
    %add3A_18 = arith.addi %add3A_17, %mul3A_2 : i32
    %dma_start3A = arith.constant 0 : i32
    %dma_start3A_19 = tpu.memref_slice %arg5[%add3A_18, %dma_start3A] : memref<32768x64xf32, #tpu.memory_space<hbm>> -> memref<512x64xf32, #tpu.memory_space<hbm>>
    %dma_start3A_20 = arith.constant 0 : i32
    %dma_start3A_21 = tpu.memref_slice %arg5[%add3A_18, %dma_start3A_20] : memref<32768x64xf32, #tpu.memory_space<hbm>> -> memref<512x64xf32, #tpu.memory_space<hbm>>
    tpu.enqueue_dma source(%dma_start3A_21 : memref<512x64xf32, #tpu.memory_space<hbm>>) target(%arg9 : memref<512x64xf32, #tpu.memory_space<vmem>>) target_semaphore(%arg12 : memref<!tpu.dma_semaphore, #tpu.memory_space<semaphore_mem>>)
    %dma_start3A_22 = arith.constant 0 : i32
    %dma_start3A_23 = arith.constant 0 : i32
    %dma_start3A_24 = tpu.memref_slice %arg8[%dma_start3A_22, %dma_start3A_23] : memref<512x64xf32, #tpu.memory_space<vmem>> -> memref<128x64xf32, #tpu.memory_space<vmem>>
    %dma_start3A_25 = arith.constant 0 : i32
    %dma_start3A_26 = tpu.memref_slice %arg7[%dma_start3A_25] : memref<512xi32, #tpu.memory_space<vmem>> -> memref<128xi32, #tpu.memory_space<vmem>>
    %dma_start3A_27 = arith.constant 0 : i32
    %dma_start3A_28 = arith.constant 0 : i32
    %dma_start3A_29 = tpu.memref_slice %arg4[%dma_start3A_27, %dma_start3A_28] : memref<199999x64xf32, #tpu.memory_space<hbm>> -> memref<199999x64xf32, #tpu.memory_space<hbm>>
    tpu.enqueue_indirect_dma source(%dma_start3A_29 : memref<199999x64xf32, #tpu.memory_space<hbm>>) target(%dma_start3A_24 : memref<128x64xf32, #tpu.memory_space<vmem>>) offsets(%dma_start3A_26 : memref<128xi32, #tpu.memory_space<vmem>>) semaphore(%arg11 : memref<!tpu.dma_semaphore, #tpu.memory_space<semaphore_mem>>)
    %dma_start3A_30 = arith.constant 128 : i32
    %dma_start3A_31 = arith.constant 0 : i32
    %dma_start3A_32 = tpu.memref_slice %arg8[%dma_start3A_30, %dma_start3A_31] : memref<512x64xf32, #tpu.memory_space<vmem>> -> memref<128x64xf32, #tpu.memory_space<vmem>>
    %dma_start3A_33 = arith.constant 128 : i32
    %dma_start3A_34 = tpu.memref_slice %arg7[%dma_start3A_33] : memref<512xi32, #tpu.memory_space<vmem>> -> memref<128xi32, #tpu.memory_space<vmem>>
    %dma_start3A_35 = arith.constant 0 : i32
    %dma_start3A_36 = arith.constant 0 : i32
    %dma_start3A_37 = tpu.memref_slice %arg4[%dma_start3A_35, %dma_start3A_36] : memref<199999x64xf32, #tpu.memory_space<hbm>> -> memref<199999x64xf32, #tpu.memory_space<hbm>>
    tpu.enqueue_indirect_dma source(%dma_start3A_37 : memref<199999x64xf32, #tpu.memory_space<hbm>>) target(%dma_start3A_32 : memref<128x64xf32, #tpu.memory_space<vmem>>) offsets(%dma_start3A_34 : memref<128xi32, #tpu.memory_space<vmem>>) semaphore(%arg11 : memref<!tpu.dma_semaphore, #tpu.memory_space<semaphore_mem>>)
    %dma_start3A_38 = arith.constant 256 : i32
    %dma_start3A_39 = arith.constant 0 : i32
    %dma_start3A_40 = tpu.memref_slice %arg8[%dma_start3A_38, %dma_start3A_39] : memref<512x64xf32, #tpu.memory_space<vmem>> -> memref<128x64xf32, #tpu.memory_space<vmem>>
    %dma_start3A_41 = arith.constant 256 : i32
    %dma_start3A_42 = tpu.memref_slice %arg7[%dma_start3A_41] : memref<512xi32, #tpu.memory_space<vmem>> -> memref<128xi32, #tpu.memory_space<vmem>>
    %dma_start3A_43 = arith.constant 0 : i32
    %dma_start3A_44 = arith.constant 0 : i32
    %dma_start3A_45 = tpu.memref_slice %arg4[%dma_start3A_43, %dma_start3A_44] : memref<199999x64xf32, #tpu.memory_space<hbm>> -> memref<199999x64xf32, #tpu.memory_space<hbm>>
    tpu.enqueue_indirect_dma source(%dma_start3A_45 : memref<199999x64xf32, #tpu.memory_space<hbm>>) target(%dma_start3A_40 : memref<128x64xf32, #tpu.memory_space<vmem>>) offsets(%dma_start3A_42 : memref<128xi32, #tpu.memory_space<vmem>>) semaphore(%arg11 : memref<!tpu.dma_semaphore, #tpu.memory_space<semaphore_mem>>)
    %dma_start3A_46 = arith.constant 384 : i32
    %dma_start3A_47 = arith.constant 0 : i32
    %dma_start3A_48 = tpu.memref_slice %arg8[%dma_start3A_46, %dma_start3A_47] : memref<512x64xf32, #tpu.memory_space<vmem>> -> memref<128x64xf32, #tpu.memory_space<vmem>>
    %dma_start3A_49 = arith.constant 384 : i32
    %dma_start3A_50 = tpu.memref_slice %arg7[%dma_start3A_49] : memref<512xi32, #tpu.memory_space<vmem>> -> memref<128xi32, #tpu.memory_space<vmem>>
    %dma_start3A_51 = arith.constant 0 : i32
    %dma_start3A_52 = arith.constant 0 : i32
    %dma_start3A_53 = tpu.memref_slice %arg4[%dma_start3A_51, %dma_start3A_52] : memref<199999x64xf32, #tpu.memory_space<hbm>> -> memref<199999x64xf32, #tpu.memory_space<hbm>>
    tpu.enqueue_indirect_dma source(%dma_start3A_53 : memref<199999x64xf32, #tpu.memory_space<hbm>>) target(%dma_start3A_48 : memref<128x64xf32, #tpu.memory_space<vmem>>) offsets(%dma_start3A_50 : memref<128xi32, #tpu.memory_space<vmem>>) semaphore(%arg11 : memref<!tpu.dma_semaphore, #tpu.memory_space<semaphore_mem>>)
    %dma_wait3A = arith.constant 0 : i32
    %dma_wait3A_54 = tpu.memref_slice %arg5[%add3A_18, %dma_wait3A] : memref<32768x64xf32, #tpu.memory_space<hbm>> -> memref<512x64xf32, #tpu.memory_space<hbm>>
    %dma_wait3A_55 = arith.constant 0 : i32
    %dma_wait3A_56 = tpu.memref_slice %arg5[%add3A_18, %dma_wait3A_55] : memref<32768x64xf32, #tpu.memory_space<hbm>> -> memref<512x64xf32, #tpu.memory_space<hbm>>
    tpu.wait_dma2 semaphore(%arg12 : memref<!tpu.dma_semaphore, #tpu.memory_space<semaphore_mem>>) src(%dma_wait3A_56 : memref<512x64xf32, #tpu.memory_space<hbm>>) dst(%arg9 : memref<512x64xf32, #tpu.memory_space<vmem>>)
    %dma_wait3A_57 = arith.constant 0 : i32
    %dma_wait3A_58 = arith.constant 0 : i32
    %dma_wait3A_59 = tpu.memref_slice %arg8[%dma_wait3A_57, %dma_wait3A_58] : memref<512x64xf32, #tpu.memory_space<vmem>> -> memref<128x64xf32, #tpu.memory_space<vmem>>
    %dma_wait3A_60 = arith.constant 0 : i32
    %dma_wait3A_61 = tpu.memref_slice %arg7[%dma_wait3A_60] : memref<512xi32, #tpu.memory_space<vmem>> -> memref<128xi32, #tpu.memory_space<vmem>>
    %dma_wait3A_62 = arith.constant 0 : i32
    %dma_wait3A_63 = arith.constant 0 : i32
    %dma_wait3A_64 = tpu.memref_slice %arg4[%dma_wait3A_62, %dma_wait3A_63] : memref<199999x64xf32, #tpu.memory_space<hbm>> -> memref<199999x64xf32, #tpu.memory_space<hbm>>
    tpu.wait_indirect_dma semaphore(%arg11 : memref<!tpu.dma_semaphore, #tpu.memory_space<semaphore_mem>>) src(%dma_wait3A_64 : memref<199999x64xf32, #tpu.memory_space<hbm>>) dst(%dma_wait3A_59 : memref<128x64xf32, #tpu.memory_space<vmem>>)
    %dma_wait3A_65 = arith.constant 128 : i32
    %dma_wait3A_66 = arith.constant 0 : i32
    %dma_wait3A_67 = tpu.memref_slice %arg8[%dma_wait3A_65, %dma_wait3A_66] : memref<512x64xf32, #tpu.memory_space<vmem>> -> memref<128x64xf32, #tpu.memory_space<vmem>>
    %dma_wait3A_68 = arith.constant 128 : i32
    %dma_wait3A_69 = tpu.memref_slice %arg7[%dma_wait3A_68] : memref<512xi32, #tpu.memory_space<vmem>> -> memref<128xi32, #tpu.memory_space<vmem>>
    %dma_wait3A_70 = arith.constant 0 : i32
    %dma_wait3A_71 = arith.constant 0 : i32
    %dma_wait3A_72 = tpu.memref_slice %arg4[%dma_wait3A_70, %dma_wait3A_71] : memref<199999x64xf32, #tpu.memory_space<hbm>> -> memref<199999x64xf32, #tpu.memory_space<hbm>>
    tpu.wait_indirect_dma semaphore(%arg11 : memref<!tpu.dma_semaphore, #tpu.memory_space<semaphore_mem>>) src(%dma_wait3A_72 : memref<199999x64xf32, #tpu.memory_space<hbm>>) dst(%dma_wait3A_67 : memref<128x64xf32, #tpu.memory_space<vmem>>)
    %dma_wait3A_73 = arith.constant 256 : i32
    %dma_wait3A_74 = arith.constant 0 : i32
    %dma_wait3A_75 = tpu.memref_slice %arg8[%dma_wait3A_73, %dma_wait3A_74] : memref<512x64xf32, #tpu.memory_space<vmem>> -> memref<128x64xf32, #tpu.memory_space<vmem>>
    %dma_wait3A_76 = arith.constant 256 : i32
    %dma_wait3A_77 = tpu.memref_slice %arg7[%dma_wait3A_76] : memref<512xi32, #tpu.memory_space<vmem>> -> memref<128xi32, #tpu.memory_space<vmem>>
    %dma_wait3A_78 = arith.constant 0 : i32
    %dma_wait3A_79 = arith.constant 0 : i32
    %dma_wait3A_80 = tpu.memref_slice %arg4[%dma_wait3A_78, %dma_wait3A_79] : memref<199999x64xf32, #tpu.memory_space<hbm>> -> memref<199999x64xf32, #tpu.memory_space<hbm>>
    tpu.wait_indirect_dma semaphore(%arg11 : memref<!tpu.dma_semaphore, #tpu.memory_space<semaphore_mem>>) src(%dma_wait3A_80 : memref<199999x64xf32, #tpu.memory_space<hbm>>) dst(%dma_wait3A_75 : memref<128x64xf32, #tpu.memory_space<vmem>>)
    %dma_wait3A_81 = arith.constant 384 : i32
    %dma_wait3A_82 = arith.constant 0 : i32
    %dma_wait3A_83 = tpu.memref_slice %arg8[%dma_wait3A_81, %dma_wait3A_82] : memref<512x64xf32, #tpu.memory_space<vmem>> -> memref<128x64xf32, #tpu.memory_space<vmem>>
    %dma_wait3A_84 = arith.constant 384 : i32
    %dma_wait3A_85 = tpu.memref_slice %arg7[%dma_wait3A_84] : memref<512xi32, #tpu.memory_space<vmem>> -> memref<128xi32, #tpu.memory_space<vmem>>
    %dma_wait3A_86 = arith.constant 0 : i32
    %dma_wait3A_87 = arith.constant 0 : i32
    %dma_wait3A_88 = tpu.memref_slice %arg4[%dma_wait3A_86, %dma_wait3A_87] : memref<199999x64xf32, #tpu.memory_space<hbm>> -> memref<199999x64xf32, #tpu.memory_space<hbm>>
    tpu.wait_indirect_dma semaphore(%arg11 : memref<!tpu.dma_semaphore, #tpu.memory_space<semaphore_mem>>) src(%dma_wait3A_88 : memref<199999x64xf32, #tpu.memory_space<hbm>>) dst(%dma_wait3A_83 : memref<128x64xf32, #tpu.memory_space<vmem>>)
    %scan3A = arith.constant 0 : i32
    %scan3A_89 = arith.constant 32 : i32
    %scan3A_90 = arith.addi %scan3A, %scan3A_89 : i32
    %scan3A_91 = arith.constant 1 : i32
    scf.for %scan3A_176 = %scan3A to %scan3A_90 step %scan3A_91  : i32 {
      %mul3A_177 = arith.constant 1 : i32
      %mul3A_178 = arith.muli %scan3A_176, %mul3A_177 : i32
      %add3A_179 = arith.constant 0 : i32
      %add3A_180 = arith.addi %add3A_179, %mul3A_178 : i32
      %broadcast_in_dim3A_181 = arith.constant 0.000000e+00 : f32
      %broadcast_in_dim3A_182 = vector.broadcast %broadcast_in_dim3A_181 : f32 to vector<16xf32>
      %mul3A_183 = arith.constant 16 : i32
      %mul3A_184 = arith.muli %add3A_180, %mul3A_183 : i32
      %add3A_185 = arith.constant 0 : i32
      %add3A_186 = arith.addi %mul3A_184, %add3A_185 : i32
      %broadcast_in_dim3A_187 = arith.constant 0.000000e+00 : f32
      %broadcast_in_dim3A_188 = vector.broadcast %broadcast_in_dim3A_187 : f32 to vector<16xf32>
      %get3A = arith.index_cast %add3A_186 : i32 to index
      %get3A_189 = arith.constant 0 : index
      %get3A_190 = tpu.vector_load %arg9[%get3A, %get3A_189] {strides = array<i32>} : memref<512x64xf32, #tpu.memory_space<vmem>>, vector<1x16xf32>,
      %get3A_191 = vector.shape_cast %get3A_190 : vector<1x16xf32> to vector<16xf32>
      %get3A_192 = arith.index_cast %add3A_186 : i32 to index
      %get3A_193 = arith.constant 0 : index
      %get3A_194 = tpu.vector_load %arg8[%get3A_192, %get3A_193] {strides = array<i32>} : memref<512x64xf32, #tpu.memory_space<vmem>>, vector<1x16xf32>,
      %get3A_195 = vector.shape_cast %get3A_194 : vector<1x16xf32> to vector<16xf32>
      %mul3A_196 = arith.mulf %get3A_191, %get3A_195 : vector<16xf32>
      %add3A_197 = arith.addf %broadcast_in_dim3A_188, %mul3A_196 : vector<16xf32>
      %get3A_198 = arith.index_cast %add3A_186 : i32 to index
      %get3A_199 = arith.constant 16 : index
      %get3A_200 = tpu.vector_load %arg9[%get3A_198, %get3A_199] {strides = array<i32>} : memref<512x64xf32, #tpu.memory_space<vmem>>, vector<1x16xf32>,
      %get3A_201 = vector.shape_cast %get3A_200 : vector<1x16xf32> to vector<16xf32>
      %get3A_202 = arith.index_cast %add3A_186 : i32 to index
      %get3A_203 = arith.constant 16 : index
      %get3A_204 = tpu.vector_load %arg8[%get3A_202, %get3A_203] {strides = array<i32>} : memref<512x64xf32, #tpu.memory_space<vmem>>, vector<1x16xf32>,
      %get3A_205 = vector.shape_cast %get3A_204 : vector<1x16xf32> to vector<16xf32>
      %mul3A_206 = arith.mulf %get3A_201, %get3A_205 : vector<16xf32>
      %add3A_207 = arith.addf %add3A_197, %mul3A_206 : vector<16xf32>
      %get3A_208 = arith.index_cast %add3A_186 : i32 to index
      %get3A_209 = arith.constant 32 : index
      %get3A_210 = tpu.vector_load %arg9[%get3A_208, %get3A_209] {strides = array<i32>} : memref<512x64xf32, #tpu.memory_space<vmem>>, vector<1x16xf32>,
      %get3A_211 = vector.shape_cast %get3A_210 : vector<1x16xf32> to vector<16xf32>
      %get3A_212 = arith.index_cast %add3A_186 : i32 to index
      %get3A_213 = arith.constant 32 : index
      %get3A_214 = tpu.vector_load %arg8[%get3A_212, %get3A_213] {strides = array<i32>} : memref<512x64xf32, #tpu.memory_space<vmem>>, vector<1x16xf32>,
      %get3A_215 = vector.shape_cast %get3A_214 : vector<1x16xf32> to vector<16xf32>
      %mul3A_216 = arith.mulf %get3A_211, %get3A_215 : vector<16xf32>
      %add3A_217 = arith.addf %add3A_207, %mul3A_216 : vector<16xf32>
      %get3A_218 = arith.index_cast %add3A_186 : i32 to index
      %get3A_219 = arith.constant 48 : index
      %get3A_220 = tpu.vector_load %arg9[%get3A_218, %get3A_219] {strides = array<i32>} : memref<512x64xf32, #tpu.memory_space<vmem>>, vector<1x16xf32>,
      %get3A_221 = vector.shape_cast %get3A_220 : vector<1x16xf32> to vector<16xf32>
      %get3A_222 = arith.index_cast %add3A_186 : i32 to index
      %get3A_223 = arith.constant 48 : index
      %get3A_224 = tpu.vector_load %arg8[%get3A_222, %get3A_223] {strides = array<i32>} : memref<512x64xf32, #tpu.memory_space<vmem>>, vector<1x16xf32>,
      %get3A_225 = vector.shape_cast %get3A_224 : vector<1x16xf32> to vector<16xf32>
      %mul3A_226 = arith.mulf %get3A_221, %get3A_225 : vector<16xf32>
      %add3A_227 = arith.addf %add3A_217, %mul3A_226 : vector<16xf32>
      %gather3A = vector.shape_cast %broadcast_in_dim3A : vector<16x1xi32> to vector<16xi32>
      %gather3A_228 = tpu.dynamic_gather %add3A_227[%gather3A] in [0] : vector<16xf32>, vector<16xi32> -> vector<16xf32>
      %add3A_229 = arith.addf %add3A_227, %gather3A_228 : vector<16xf32>
      %gather3A_230 = vector.shape_cast %broadcast_in_dim3A_8 : vector<16x1xi32> to vector<16xi32>
      %gather3A_231 = tpu.dynamic_gather %add3A_229[%gather3A_230] in [0] : vector<16xf32>, vector<16xi32> -> vector<16xf32>
      %add3A_232 = arith.addf %add3A_229, %gather3A_231 : vector<16xf32>
      %gather3A_233 = vector.shape_cast %broadcast_in_dim3A_12 : vector<16x1xi32> to vector<16xi32>
      %gather3A_234 = tpu.dynamic_gather %add3A_232[%gather3A_233] in [0] : vector<16xf32>, vector<16xi32> -> vector<16xf32>
      %add3A_235 = arith.addf %add3A_232, %gather3A_234 : vector<16xf32>
      %gather3A_236 = vector.shape_cast %broadcast_in_dim3A_16 : vector<16x1xi32> to vector<16xi32>
      %gather3A_237 = tpu.dynamic_gather %add3A_235[%gather3A_236] in [0] : vector<16xf32>, vector<16xi32> -> vector<16xf32>
      %add3A_238 = arith.addf %add3A_235, %gather3A_237 : vector<16xf32>
      %eq3A = arith.constant 0 : i32
      %eq3A_239 = vector.broadcast %eq3A : i32 to vector<16xi32>
      %eq3A_240 = arith.cmpi eq, %iota3A, %eq3A_239 : vector<16xi32>
      %select_n3A = arith.select %eq3A_240, %add3A_238, %broadcast_in_dim3A_182 : vector<16xi1>, vector<16xf32>
      %mul3A_241 = arith.constant 16 : i32
      %mul3A_242 = arith.muli %add3A_180, %mul3A_241 : i32
      %add3A_243 = arith.constant 1 : i32
      %add3A_244 = arith.addi %mul3A_242, %add3A_243 : i32
      %broadcast_in_dim3A_245 = arith.constant 0.000000e+00 : f32
      %broadcast_in_dim3A_246 = vector.broadcast %broadcast_in_dim3A_245 : f32 to vector<16xf32>
      %get3A_247 = arith.index_cast %add3A_244 : i32 to index
      %get3A_248 = arith.constant 0 : index
      %get3A_249 = tpu.vector_load %arg9[%get3A_247, %get3A_248] {strides = array<i32>} : memref<512x64xf32, #tpu.memory_space<vmem>>, vector<1x16xf32>,
      %get3A_250 = vector.shape_cast %get3A_249 : vector<1x16xf32> to vector<16xf32>
      %get3A_251 = arith.index_cast %add3A_244 : i32 to index
      %get3A_252 = arith.constant 0 : index
      %get3A_253 = tpu.vector_load %arg8[%get3A_251, %get3A_252] {strides = array<i32>} : memref<512x64xf32, #tpu.memory_space<vmem>>, vector<1x16xf32>,
      %get3A_254 = vector.shape_cast %get3A_253 : vector<1x16xf32> to vector<16xf32>
      %mul3A_255 = arith.mulf %get3A_250, %get3A_254 : vector<16xf32>
      %add3A_256 = arith.addf %broadcast_in_dim3A_246, %mul3A_255 : vector<16xf32>
      %get3A_257 = arith.index_cast %add3A_244 : i32 to index
      %get3A_258 = arith.constant 16 : index
      %get3A_259 = tpu.vector_load %arg9[%get3A_257, %get3A_258] {strides = array<i32>} : memref<512x64xf32, #tpu.memory_space<vmem>>, vector<1x16xf32>,
      %get3A_260 = vector.shape_cast %get3A_259 : vector<1x16xf32> to vector<16xf32>
      %get3A_261 = arith.index_cast %add3A_244 : i32 to index
      %get3A_262 = arith.constant 16 : index
      %get3A_263 = tpu.vector_load %arg8[%get3A_261, %get3A_262] {strides = array<i32>} : memref<512x64xf32, #tpu.memory_space<vmem>>, vector<1x16xf32>,
      %get3A_264 = vector.shape_cast %get3A_263 : vector<1x16xf32> to vector<16xf32>
      %mul3A_265 = arith.mulf %get3A_260, %get3A_264 : vector<16xf32>
      %add3A_266 = arith.addf %add3A_256, %mul3A_265 : vector<16xf32>
      %get3A_267 = arith.index_cast %add3A_244 : i32 to index
      %get3A_268 = arith.constant 32 : index
      %get3A_269 = tpu.vector_load %arg9[%get3A_267, %get3A_268] {strides = array<i32>} : memref<512x64xf32, #tpu.memory_space<vmem>>, vector<1x16xf32>,
      %get3A_270 = vector.shape_cast %get3A_269 : vector<1x16xf32> to vector<16xf32>
      %get3A_271 = arith.index_cast %add3A_244 : i32 to index
      %get3A_272 = arith.constant 32 : index
      %get3A_273 = tpu.vector_load %arg8[%get3A_271, %get3A_272] {strides = array<i32>} : memref<512x64xf32, #tpu.memory_space<vmem>>, vector<1x16xf32>,
      %get3A_274 = vector.shape_cast %get3A_273 : vector<1x16xf32> to vector<16xf32>
      %mul3A_275 = arith.mulf %get3A_270, %get3A_274 : vector<16xf32>
      %add3A_276 = arith.addf %add3A_266, %mul3A_275 : vector<16xf32>
      %get3A_277 = arith.index_cast %add3A_244 : i32 to index
      %get3A_278 = arith.constant 48 : index
      %get3A_279 = tpu.vector_load %arg9[%get3A_277, %get3A_278] {strides = array<i32>} : memref<512x64xf32, #tpu.memory_space<vmem>>, vector<1x16xf32>,
      %get3A_280 = vector.shape_cast %get3A_279 : vector<1x16xf32> to vector<16xf32>
      %get3A_281 = arith.index_cast %add3A_244 : i32 to index
      %get3A_282 = arith.constant 48 : index
      %get3A_283 = tpu.vector_load %arg8[%get3A_281, %get3A_282] {strides = array<i32>} : memref<512x64xf32, #tpu.memory_space<vmem>>, vector<1x16xf32>,
      %get3A_284 = vector.shape_cast %get3A_283 : vector<1x16xf32> to vector<16xf32>
      %mul3A_285 = arith.mulf %get3A_280, %get3A_284 : vector<16xf32>
      %add3A_286 = arith.addf %add3A_276, %mul3A_285 : vector<16xf32>
      %gather3A_287 = vector.shape_cast %broadcast_in_dim3A : vector<16x1xi32> to vector<16xi32>
      %gather3A_288 = tpu.dynamic_gather %add3A_286[%gather3A_287] in [0] : vector<16xf32>, vector<16xi32> -> vector<16xf32>
      %add3A_289 = arith.addf %add3A_286, %gather3A_288 : vector<16xf32>
      %gather3A_290 = vector.shape_cast %broadcast_in_dim3A_8 : vector<16x1xi32> to vector<16xi32>
      %gather3A_291 = tpu.dynamic_gather %add3A_289[%gather3A_290] in [0] : vector<16xf32>, vector<16xi32> -> vector<16xf32>
      %add3A_292 = arith.addf %add3A_289, %gather3A_291 : vector<16xf32>
      %gather3A_293 = vector.shape_cast %broadcast_in_dim3A_12 : vector<16x1xi32> to vector<16xi32>
      %gather3A_294 = tpu.dynamic_gather %add3A_292[%gather3A_293] in [0] : vector<16xf32>, vector<16xi32> -> vector<16xf32>
      %add3A_295 = arith.addf %add3A_292, %gather3A_294 : vector<16xf32>
      %gather3A_296 = vector.shape_cast %broadcast_in_dim3A_16 : vector<16x1xi32> to vector<16xi32>
      %gather3A_297 = tpu.dynamic_gather %add3A_295[%gather3A_296] in [0] : vector<16xf32>, vector<16xi32> -> vector<16xf32>
      %add3A_298 = arith.addf %add3A_295, %gather3A_297 : vector<16xf32>
      %eq3A_299 = arith.constant 1 : i32
      %eq3A_300 = vector.broadcast %eq3A_299 : i32 to vector<16xi32>
      %eq3A_301 = arith.cmpi eq, %iota3A, %eq3A_300 : vector<16xi32>
      %select_n3A_302 = arith.select %eq3A_301, %add3A_298, %select_n3A : vector<16xi1>, vector<16xf32>
      %mul3A_303 = arith.constant 16 : i32
      %mul3A_304 = arith.muli %add3A_180, %mul3A_303 : i32
      %add3A_305 = arith.constant 2 : i32
      %add3A_306 = arith.addi %mul3A_304, %add3A_305 : i32
      %broadcast_in_dim3A_307 = arith.constant 0.000000e+00 : f32
      %broadcast_in_dim3A_308 = vector.broadcast %broadcast_in_dim3A_307 : f32 to vector<16xf32>
      %get3A_309 = arith.index_cast %add3A_306 : i32 to index
      %get3A_310 = arith.constant 0 : index
      %get3A_311 = tpu.vector_load %arg9[%get3A_309, %get3A_310] {strides = array<i32>} : memref<512x64xf32, #tpu.memory_space<vmem>>, vector<1x16xf32>,
      %get3A_312 = vector.shape_cast %get3A_311 : vector<1x16xf32> to vector<16xf32>
      %get3A_313 = arith.index_cast %add3A_306 : i32 to index
      %get3A_314 = arith.constant 0 : index
      %get3A_315 = tpu.vector_load %arg8[%get3A_313, %get3A_314] {strides = array<i32>} : memref<512x64xf32, #tpu.memory_space<vmem>>, vector<1x16xf32>,
      %get3A_316 = vector.shape_cast %get3A_315 : vector<1x16xf32> to vector<16xf32>
      %mul3A_317 = arith.mulf %get3A_312, %get3A_316 : vector<16xf32>
      %add3A_318 = arith.addf %broadcast_in_dim3A_308, %mul3A_317 : vector<16xf32>
      %get3A_319 = arith.index_cast %add3A_306 : i32 to index
      %get3A_320 = arith.constant 16 : index
      %get3A_321 = tpu.vector_load %arg9[%get3A_319, %get3A_320] {strides = array<i32>} : memref<512x64xf32, #tpu.memory_space<vmem>>, vector<1x16xf32>,
      %get3A_322 = vector.shape_cast %get3A_321 : vector<1x16xf32> to vector<16xf32>
      %get3A_323 = arith.index_cast %add3A_306 : i32 to index
      %get3A_324 = arith.constant 16 : index
      %get3A_325 = tpu.vector_load %arg8[%get3A_323, %get3A_324] {strides = array<i32>} : memref<512x64xf32, #tpu.memory_space<vmem>>, vector<1x16xf32>,
      %get3A_326 = vector.shape_cast %get3A_325 : vector<1x16xf32> to vector<16xf32>
      %mul3A_327 = arith.mulf %get3A_322, %get3A_326 : vector<16xf32>
      %add3A_328 = arith.addf %add3A_318, %mul3A_327 : vector<16xf32>
      %get3A_329 = arith.index_cast %add3A_306 : i32 to index
      %get3A_330 = arith.constant 32 : index
      %get3A_331 = tpu.vector_load %arg9[%get3A_329, %get3A_330] {strides = array<i32>} : memref<512x64xf32, #tpu.memory_space<vmem>>, vector<1x16xf32>,
      %get3A_332 = vector.shape_cast %get3A_331 : vector<1x16xf32> to vector<16xf32>
      %get3A_333 = arith.index_cast %add3A_306 : i32 to index
      %get3A_334 = arith.constant 32 : index
      %get3A_335 = tpu.vector_load %arg8[%get3A_333, %get3A_334] {strides = array<i32>} : memref<512x64xf32, #tpu.memory_space<vmem>>, vector<1x16xf32>,
      %get3A_336 = vector.shape_cast %get3A_335 : vector<1x16xf32> to vector<16xf32>
      %mul3A_337 = arith.mulf %get3A_332, %get3A_336 : vector<16xf32>
      %add3A_338 = arith.addf %add3A_328, %mul3A_337 : vector<16xf32>
      %get3A_339 = arith.index_cast %add3A_306 : i32 to index
      %get3A_340 = arith.constant 48 : index
      %get3A_341 = tpu.vector_load %arg9[%get3A_339, %get3A_340] {strides = array<i32>} : memref<512x64xf32, #tpu.memory_space<vmem>>, vector<1x16xf32>,
      %get3A_342 = vector.shape_cast %get3A_341 : vector<1x16xf32> to vector<16xf32>
      %get3A_343 = arith.index_cast %add3A_306 : i32 to index
      %get3A_344 = arith.constant 48 : index
      %get3A_345 = tpu.vector_load %arg8[%get3A_343, %get3A_344] {strides = array<i32>} : memref<512x64xf32, #tpu.memory_space<vmem>>, vector<1x16xf32>,
      %get3A_346 = vector.shape_cast %get3A_345 : vector<1x16xf32> to vector<16xf32>
      %mul3A_347 = arith.mulf %get3A_342, %get3A_346 : vector<16xf32>
      %add3A_348 = arith.addf %add3A_338, %mul3A_347 : vector<16xf32>
      %gather3A_349 = vector.shape_cast %broadcast_in_dim3A : vector<16x1xi32> to vector<16xi32>
      %gather3A_350 = tpu.dynamic_gather %add3A_348[%gather3A_349] in [0] : vector<16xf32>, vector<16xi32> -> vector<16xf32>
      %add3A_351 = arith.addf %add3A_348, %gather3A_350 : vector<16xf32>
      %gather3A_352 = vector.shape_cast %broadcast_in_dim3A_8 : vector<16x1xi32> to vector<16xi32>
      %gather3A_353 = tpu.dynamic_gather %add3A_351[%gather3A_352] in [0] : vector<16xf32>, vector<16xi32> -> vector<16xf32>
      %add3A_354 = arith.addf %add3A_351, %gather3A_353 : vector<16xf32>
      %gather3A_355 = vector.shape_cast %broadcast_in_dim3A_12 : vector<16x1xi32> to vector<16xi32>
      %gather3A_356 = tpu.dynamic_gather %add3A_354[%gather3A_355] in [0] : vector<16xf32>, vector<16xi32> -> vector<16xf32>
      %add3A_357 = arith.addf %add3A_354, %gather3A_356 : vector<16xf32>
      %gather3A_358 = vector.shape_cast %broadcast_in_dim3A_16 : vector<16x1xi32> to vector<16xi32>
      %gather3A_359 = tpu.dynamic_gather %add3A_357[%gather3A_358] in [0] : vector<16xf32>, vector<16xi32> -> vector<16xf32>
      %add3A_360 = arith.addf %add3A_357, %gather3A_359 : vector<16xf32>
      %eq3A_361 = arith.constant 2 : i32
      %eq3A_362 = vector.broadcast %eq3A_361 : i32 to vector<16xi32>
      %eq3A_363 = arith.cmpi eq, %iota3A, %eq3A_362 : vector<16xi32>
      %select_n3A_364 = arith.select %eq3A_363, %add3A_360, %select_n3A_302 : vector<16xi1>, vector<16xf32>
      %mul3A_365 = arith.constant 16 : i32
      %mul3A_366 = arith.muli %add3A_180, %mul3A_365 : i32
      %add3A_367 = arith.constant 3 : i32
      %add3A_368 = arith.addi %mul3A_366, %add3A_367 : i32
      %broadcast_in_dim3A_369 = arith.constant 0.000000e+00 : f32
      %broadcast_in_dim3A_370 = vector.broadcast %broadcast_in_dim3A_369 : f32 to vector<16xf32>
      %get3A_371 = arith.index_cast %add3A_368 : i32 to index
      %get3A_372 = arith.constant 0 : index
      %get3A_373 = tpu.vector_load %arg9[%get3A_371, %get3A_372] {strides = array<i32>} : memref<512x64xf32, #tpu.memory_space<vmem>>, vector<1x16xf32>,
      %get3A_374 = vector.shape_cast %get3A_373 : vector<1x16xf32> to vector<16xf32>
      %get3A_375 = arith.index_cast %add3A_368 : i32 to index
      %get3A_376 = arith.constant 0 : index
      %get3A_377 = tpu.vector_load %arg8[%get3A_375, %get3A_376] {strides = array<i32>} : memref<512x64xf32, #tpu.memory_space<vmem>>, vector<1x16xf32>,
      %get3A_378 = vector.shape_cast %get3A_377 : vector<1x16xf32> to vector<16xf32>
      %mul3A_379 = arith.mulf %get3A_374, %get3A_378 : vector<16xf32>
      %add3A_380 = arith.addf %broadcast_in_dim3A_370, %mul3A_379 : vector<16xf32>
      %get3A_381 = arith.index_cast %add3A_368 : i32 to index
      %get3A_382 = arith.constant 16 : index
      %get3A_383 = tpu.vector_load %arg9[%get3A_381, %get3A_382] {strides = array<i32>} : memref<512x64xf32, #tpu.memory_space<vmem>>, vector<1x16xf32>,
      %get3A_384 = vector.shape_cast %get3A_383 : vector<1x16xf32> to vector<16xf32>
      %get3A_385 = arith.index_cast %add3A_368 : i32 to index
      %get3A_386 = arith.constant 16 : index
      %get3A_387 = tpu.vector_load %arg8[%get3A_385, %get3A_386] {strides = array<i32>} : memref<512x64xf32, #tpu.memory_space<vmem>>, vector<1x16xf32>,
      %get3A_388 = vector.shape_cast %get3A_387 : vector<1x16xf32> to vector<16xf32>
      %mul3A_389 = arith.mulf %get3A_384, %get3A_388 : vector<16xf32>
      %add3A_390 = arith.addf %add3A_380, %mul3A_389 : vector<16xf32>
      %get3A_391 = arith.index_cast %add3A_368 : i32 to index
      %get3A_392 = arith.constant 32 : index
      %get3A_393 = tpu.vector_load %arg9[%get3A_391, %get3A_392] {strides = array<i32>} : memref<512x64xf32, #tpu.memory_space<vmem>>, vector<1x16xf32>,
      %get3A_394 = vector.shape_cast %get3A_393 : vector<1x16xf32> to vector<16xf32>
      %get3A_395 = arith.index_cast %add3A_368 : i32 to index
      %get3A_396 = arith.constant 32 : index
      %get3A_397 = tpu.vector_load %arg8[%get3A_395, %get3A_396] {strides = array<i32>} : memref<512x64xf32, #tpu.memory_space<vmem>>, vector<1x16xf32>,
      %get3A_398 = vector.shape_cast %get3A_397 : vector<1x16xf32> to vector<16xf32>
      %mul3A_399 = arith.mulf %get3A_394, %get3A_398 : vector<16xf32>
      %add3A_400 = arith.addf %add3A_390, %mul3A_399 : vector<16xf32>
      %get3A_401 = arith.index_cast %add3A_368 : i32 to index
      %get3A_402 = arith.constant 48 : index
      %get3A_403 = tpu.vector_load %arg9[%get3A_401, %get3A_402] {strides = array<i32>} : memref<512x64xf32, #tpu.memory_space<vmem>>, vector<1x16xf32>,
      %get3A_404 = vector.shape_cast %get3A_403 : vector<1x16xf32> to vector<16xf32>
      %get3A_405 = arith.index_cast %add3A_368 : i32 to index
      %get3A_406 = arith.constant 48 : index
      %get3A_407 = tpu.vector_load %arg8[%get3A_405, %get3A_406] {strides = array<i32>} : memref<512x64xf32, #tpu.memory_space<vmem>>, vector<1x16xf32>,
      %get3A_408 = vector.shape_cast %get3A_407 : vector<1x16xf32> to vector<16xf32>
      %mul3A_409 = arith.mulf %get3A_404, %get3A_408 : vector<16xf32>
      %add3A_410 = arith.addf %add3A_400, %mul3A_409 : vector<16xf32>
      %gather3A_411 = vector.shape_cast %broadcast_in_dim3A : vector<16x1xi32> to vector<16xi32>
      %gather3A_412 = tpu.dynamic_gather %add3A_410[%gather3A_411] in [0] : vector<16xf32>, vector<16xi32> -> vector<16xf32>
      %add3A_413 = arith.addf %add3A_410, %gather3A_412 : vector<16xf32>
      %gather3A_414 = vector.shape_cast %broadcast_in_dim3A_8 : vector<16x1xi32> to vector<16xi32>
      %gather3A_415 = tpu.dynamic_gather %add3A_413[%gather3A_414] in [0] : vector<16xf32>, vector<16xi32> -> vector<16xf32>
      %add3A_416 = arith.addf %add3A_413, %gather3A_415 : vector<16xf32>
      %gather3A_417 = vector.shape_cast %broadcast_in_dim3A_12 : vector<16x1xi32> to vector<16xi32>
      %gather3A_418 = tpu.dynamic_gather %add3A_416[%gather3A_417] in [0] : vector<16xf32>, vector<16xi32> -> vector<16xf32>
      %add3A_419 = arith.addf %add3A_416, %gather3A_418 : vector<16xf32>
      %gather3A_420 = vector.shape_cast %broadcast_in_dim3A_16 : vector<16x1xi32> to vector<16xi32>
      %gather3A_421 = tpu.dynamic_gather %add3A_419[%gather3A_420] in [0] : vector<16xf32>, vector<16xi32> -> vector<16xf32>
      %add3A_422 = arith.addf %add3A_419, %gather3A_421 : vector<16xf32>
      %eq3A_423 = arith.constant 3 : i32
      %eq3A_424 = vector.broadcast %eq3A_423 : i32 to vector<16xi32>
      %eq3A_425 = arith.cmpi eq, %iota3A, %eq3A_424 : vector<16xi32>
      %select_n3A_426 = arith.select %eq3A_425, %add3A_422, %select_n3A_364 : vector<16xi1>, vector<16xf32>
      %mul3A_427 = arith.constant 16 : i32
      %mul3A_428 = arith.muli %add3A_180, %mul3A_427 : i32
      %add3A_429 = arith.constant 4 : i32
      %add3A_430 = arith.addi %mul3A_428, %add3A_429 : i32
      %broadcast_in_dim3A_431 = arith.constant 0.000000e+00 : f32
      %broadcast_in_dim3A_432 = vector.broadcast %broadcast_in_dim3A_431 : f32 to vector<16xf32>
      %get3A_433 = arith.index_cast %add3A_430 : i32 to index
      %get3A_434 = arith.constant 0 : index
      %get3A_435 = tpu.vector_load %arg9[%get3A_433, %get3A_434] {strides = array<i32>} : memref<512x64xf32, #tpu.memory_space<vmem>>, vector<1x16xf32>,
      %get3A_436 = vector.shape_cast %get3A_435 : vector<1x16xf32> to vector<16xf32>
      %get3A_437 = arith.index_cast %add3A_430 : i32 to index
      %get3A_438 = arith.constant 0 : index
      %get3A_439 = tpu.vector_load %arg8[%get3A_437, %get3A_438] {strides = array<i32>} : memref<512x64xf32, #tpu.memory_space<vmem>>, vector<1x16xf32>,
      %get3A_440 = vector.shape_cast %get3A_439 : vector<1x16xf32> to vector<16xf32>
      %mul3A_441 = arith.mulf %get3A_436, %get3A_440 : vector<16xf32>
      %add3A_442 = arith.addf %broadcast_in_dim3A_432, %mul3A_441 : vector<16xf32>
      %get3A_443 = arith.index_cast %add3A_430 : i32 to index
      %get3A_444 = arith.constant 16 : index
      %get3A_445 = tpu.vector_load %arg9[%get3A_443, %get3A_444] {strides = array<i32>} : memref<512x64xf32, #tpu.memory_space<vmem>>, vector<1x16xf32>,
      %get3A_446 = vector.shape_cast %get3A_445 : vector<1x16xf32> to vector<16xf32>
      %get3A_447 = arith.index_cast %add3A_430 : i32 to index
      %get3A_448 = arith.constant 16 : index
      %get3A_449 = tpu.vector_load %arg8[%get3A_447, %get3A_448] {strides = array<i32>} : memref<512x64xf32, #tpu.memory_space<vmem>>, vector<1x16xf32>,
      %get3A_450 = vector.shape_cast %get3A_449 : vector<1x16xf32> to vector<16xf32>
      %mul3A_451 = arith.mulf %get3A_446, %get3A_450 : vector<16xf32>
      %add3A_452 = arith.addf %add3A_442, %mul3A_451 : vector<16xf32>
      %get3A_453 = arith.index_cast %add3A_430 : i32 to index
      %get3A_454 = arith.constant 32 : index
      %get3A_455 = tpu.vector_load %arg9[%get3A_453, %get3A_454] {strides = array<i32>} : memref<512x64xf32, #tpu.memory_space<vmem>>, vector<1x16xf32>,
      %get3A_456 = vector.shape_cast %get3A_455 : vector<1x16xf32> to vector<16xf32>
      %get3A_457 = arith.index_cast %add3A_430 : i32 to index
      %get3A_458 = arith.constant 32 : index
      %get3A_459 = tpu.vector_load %arg8[%get3A_457, %get3A_458] {strides = array<i32>} : memref<512x64xf32, #tpu.memory_space<vmem>>, vector<1x16xf32>,
      %get3A_460 = vector.shape_cast %get3A_459 : vector<1x16xf32> to vector<16xf32>
      %mul3A_461 = arith.mulf %get3A_456, %get3A_460 : vector<16xf32>
      %add3A_462 = arith.addf %add3A_452, %mul3A_461 : vector<16xf32>
      %get3A_463 = arith.index_cast %add3A_430 : i32 to index
      %get3A_464 = arith.constant 48 : index
      %get3A_465 = tpu.vector_load %arg9[%get3A_463, %get3A_464] {strides = array<i32>} : memref<512x64xf32, #tpu.memory_space<vmem>>, vector<1x16xf32>,
      %get3A_466 = vector.shape_cast %get3A_465 : vector<1x16xf32> to vector<16xf32>
      %get3A_467 = arith.index_cast %add3A_430 : i32 to index
      %get3A_468 = arith.constant 48 : index
      %get3A_469 = tpu.vector_load %arg8[%get3A_467, %get3A_468] {strides = array<i32>} : memref<512x64xf32, #tpu.memory_space<vmem>>, vector<1x16xf32>,
      %get3A_470 = vector.shape_cast %get3A_469 : vector<1x16xf32> to vector<16xf32>
      %mul3A_471 = arith.mulf %get3A_466, %get3A_470 : vector<16xf32>
      %add3A_472 = arith.addf %add3A_462, %mul3A_471 : vector<16xf32>
      %gather3A_473 = vector.shape_cast %broadcast_in_dim3A : vector<16x1xi32> to vector<16xi32>
      %gather3A_474 = tpu.dynamic_gather %add3A_472[%gather3A_473] in [0] : vector<16xf32>, vector<16xi32> -> vector<16xf32>
      %add3A_475 = arith.addf %add3A_472, %gather3A_474 : vector<16xf32>
      %gather3A_476 = vector.shape_cast %broadcast_in_dim3A_8 : vector<16x1xi32> to vector<16xi32>
      %gather3A_477 = tpu.dynamic_gather %add3A_475[%gather3A_476] in [0] : vector<16xf32>, vector<16xi32> -> vector<16xf32>
      %add3A_478 = arith.addf %add3A_475, %gather3A_477 : vector<16xf32>
      %gather3A_479 = vector.shape_cast %broadcast_in_dim3A_12 : vector<16x1xi32> to vector<16xi32>
      %gather3A_480 = tpu.dynamic_gather %add3A_478[%gather3A_479] in [0] : vector<16xf32>, vector<16xi32> -> vector<16xf32>
      %add3A_481 = arith.addf %add3A_478, %gather3A_480 : vector<16xf32>
      %gather3A_482 = vector.shape_cast %broadcast_in_dim3A_16 : vector<16x1xi32> to vector<16xi32>
      %gather3A_483 = tpu.dynamic_gather %add3A_481[%gather3A_482] in [0] : vector<16xf32>, vector<16xi32> -> vector<16xf32>
      %add3A_484 = arith.addf %add3A_481, %gather3A_483 : vector<16xf32>
      %eq3A_485 = arith.constant 4 : i32
      %eq3A_486 = vector.broadcast %eq3A_485 : i32 to vector<16xi32>
      %eq3A_487 = arith.cmpi eq, %iota3A, %eq3A_486 : vector<16xi32>
      %select_n3A_488 = arith.select %eq3A_487, %add3A_484, %select_n3A_426 : vector<16xi1>, vector<16xf32>
      %mul3A_489 = arith.constant 16 : i32
      %mul3A_490 = arith.muli %add3A_180, %mul3A_489 : i32
      %add3A_491 = arith.constant 5 : i32
      %add3A_492 = arith.addi %mul3A_490, %add3A_491 : i32
      %broadcast_in_dim3A_493 = arith.constant 0.000000e+00 : f32
      %broadcast_in_dim3A_494 = vector.broadcast %broadcast_in_dim3A_493 : f32 to vector<16xf32>
      %get3A_495 = arith.index_cast %add3A_492 : i32 to index
      %get3A_496 = arith.constant 0 : index
      %get3A_497 = tpu.vector_load %arg9[%get3A_495, %get3A_496] {strides = array<i32>} : memref<512x64xf32, #tpu.memory_space<vmem>>, vector<1x16xf32>,
      %get3A_498 = vector.shape_cast %get3A_497 : vector<1x16xf32> to vector<16xf32>
      %get3A_499 = arith.index_cast %add3A_492 : i32 to index
      %get3A_500 = arith.constant 0 : index
      %get3A_501 = tpu.vector_load %arg8[%get3A_499, %get3A_500] {strides = array<i32>} : memref<512x64xf32, #tpu.memory_space<vmem>>, vector<1x16xf32>,
      %get3A_502 = vector.shape_cast %get3A_501 : vector<1x16xf32> to vector<16xf32>
      %mul3A_503 = arith.mulf %get3A_498, %get3A_502 : vector<16xf32>
      %add3A_504 = arith.addf %broadcast_in_dim3A_494, %mul3A_503 : vector<16xf32>
      %get3A_505 = arith.index_cast %add3A_492 : i32 to index
      %get3A_506 = arith.constant 16 : index
      %get3A_507 = tpu.vector_load %arg9[%get3A_505, %get3A_506] {strides = array<i32>} : memref<512x64xf32, #tpu.memory_space<vmem>>, vector<1x16xf32>,
      %get3A_508 = vector.shape_cast %get3A_507 : vector<1x16xf32> to vector<16xf32>
      %get3A_509 = arith.index_cast %add3A_492 : i32 to index
      %get3A_510 = arith.constant 16 : index
      %get3A_511 = tpu.vector_load %arg8[%get3A_509, %get3A_510] {strides = array<i32>} : memref<512x64xf32, #tpu.memory_space<vmem>>, vector<1x16xf32>,
      %get3A_512 = vector.shape_cast %get3A_511 : vector<1x16xf32> to vector<16xf32>
      %mul3A_513 = arith.mulf %get3A_508, %get3A_512 : vector<16xf32>
      %add3A_514 = arith.addf %add3A_504, %mul3A_513 : vector<16xf32>
      %get3A_515 = arith.index_cast %add3A_492 : i32 to index
      %get3A_516 = arith.constant 32 : index
      %get3A_517 = tpu.vector_load %arg9[%get3A_515, %get3A_516] {strides = array<i32>} : memref<512x64xf32, #tpu.memory_space<vmem>>, vector<1x16xf32>,
      %get3A_518 = vector.shape_cast %get3A_517 : vector<1x16xf32> to vector<16xf32>
      %get3A_519 = arith.index_cast %add3A_492 : i32 to index
      %get3A_520 = arith.constant 32 : index
      %get3A_521 = tpu.vector_load %arg8[%get3A_519, %get3A_520] {strides = array<i32>} : memref<512x64xf32, #tpu.memory_space<vmem>>, vector<1x16xf32>,
      %get3A_522 = vector.shape_cast %get3A_521 : vector<1x16xf32> to vector<16xf32>
      %mul3A_523 = arith.mulf %get3A_518, %get3A_522 : vector<16xf32>
      %add3A_524 = arith.addf %add3A_514, %mul3A_523 : vector<16xf32>
      %get3A_525 = arith.index_cast %add3A_492 : i32 to index
      %get3A_526 = arith.constant 48 : index
      %get3A_527 = tpu.vector_load %arg9[%get3A_525, %get3A_526] {strides = array<i32>} : memref<512x64xf32, #tpu.memory_space<vmem>>, vector<1x16xf32>,
      %get3A_528 = vector.shape_cast %get3A_527 : vector<1x16xf32> to vector<16xf32>
      %get3A_529 = arith.index_cast %add3A_492 : i32 to index
      %get3A_530 = arith.constant 48 : index
      %get3A_531 = tpu.vector_load %arg8[%get3A_529, %get3A_530] {strides = array<i32>} : memref<512x64xf32, #tpu.memory_space<vmem>>, vector<1x16xf32>,
      %get3A_532 = vector.shape_cast %get3A_531 : vector<1x16xf32> to vector<16xf32>
      %mul3A_533 = arith.mulf %get3A_528, %get3A_532 : vector<16xf32>
      %add3A_534 = arith.addf %add3A_524, %mul3A_533 : vector<16xf32>
      %gather3A_535 = vector.shape_cast %broadcast_in_dim3A : vector<16x1xi32> to vector<16xi32>
      %gather3A_536 = tpu.dynamic_gather %add3A_534[%gather3A_535] in [0] : vector<16xf32>, vector<16xi32> -> vector<16xf32>
      %add3A_537 = arith.addf %add3A_534, %gather3A_536 : vector<16xf32>
      %gather3A_538 = vector.shape_cast %broadcast_in_dim3A_8 : vector<16x1xi32> to vector<16xi32>
      %gather3A_539 = tpu.dynamic_gather %add3A_537[%gather3A_538] in [0] : vector<16xf32>, vector<16xi32> -> vector<16xf32>
      %add3A_540 = arith.addf %add3A_537, %gather3A_539 : vector<16xf32>
      %gather3A_541 = vector.shape_cast %broadcast_in_dim3A_12 : vector<16x1xi32> to vector<16xi32>
      %gather3A_542 = tpu.dynamic_gather %add3A_540[%gather3A_541] in [0] : vector<16xf32>, vector<16xi32> -> vector<16xf32>
      %add3A_543 = arith.addf %add3A_540, %gather3A_542 : vector<16xf32>
      %gather3A_544 = vector.shape_cast %broadcast_in_dim3A_16 : vector<16x1xi32> to vector<16xi32>
      %gather3A_545 = tpu.dynamic_gather %add3A_543[%gather3A_544] in [0] : vector<16xf32>, vector<16xi32> -> vector<16xf32>
      %add3A_546 = arith.addf %add3A_543, %gather3A_545 : vector<16xf32>
      %eq3A_547 = arith.constant 5 : i32
      %eq3A_548 = vector.broadcast %eq3A_547 : i32 to vector<16xi32>
      %eq3A_549 = arith.cmpi eq, %iota3A, %eq3A_548 : vector<16xi32>
      %select_n3A_550 = arith.select %eq3A_549, %add3A_546, %select_n3A_488 : vector<16xi1>, vector<16xf32>
      %mul3A_551 = arith.constant 16 : i32
      %mul3A_552 = arith.muli %add3A_180, %mul3A_551 : i32
      %add3A_553 = arith.constant 6 : i32
      %add3A_554 = arith.addi %mul3A_552, %add3A_553 : i32
      %broadcast_in_dim3A_555 = arith.constant 0.000000e+00 : f32
      %broadcast_in_dim3A_556 = vector.broadcast %broadcast_in_dim3A_555 : f32 to vector<16xf32>
      %get3A_557 = arith.index_cast %add3A_554 : i32 to index
      %get3A_558 = arith.constant 0 : index
      %get3A_559 = tpu.vector_load %arg9[%get3A_557, %get3A_558] {strides = array<i32>} : memref<512x64xf32, #tpu.memory_space<vmem>>, vector<1x16xf32>,
      %get3A_560 = vector.shape_cast %get3A_559 : vector<1x16xf32> to vector<16xf32>
      %get3A_561 = arith.index_cast %add3A_554 : i32 to index
      %get3A_562 = arith.constant 0 : index
      %get3A_563 = tpu.vector_load %arg8[%get3A_561, %get3A_562] {strides = array<i32>} : memref<512x64xf32, #tpu.memory_space<vmem>>, vector<1x16xf32>,
      %get3A_564 = vector.shape_cast %get3A_563 : vector<1x16xf32> to vector<16xf32>
      %mul3A_565 = arith.mulf %get3A_560, %get3A_564 : vector<16xf32>
      %add3A_566 = arith.addf %broadcast_in_dim3A_556, %mul3A_565 : vector<16xf32>
      %get3A_567 = arith.index_cast %add3A_554 : i32 to index
      %get3A_568 = arith.constant 16 : index
      %get3A_569 = tpu.vector_load %arg9[%get3A_567, %get3A_568] {strides = array<i32>} : memref<512x64xf32, #tpu.memory_space<vmem>>, vector<1x16xf32>,
      %get3A_570 = vector.shape_cast %get3A_569 : vector<1x16xf32> to vector<16xf32>
      %get3A_571 = arith.index_cast %add3A_554 : i32 to index
      %get3A_572 = arith.constant 16 : index
      %get3A_573 = tpu.vector_load %arg8[%get3A_571, %get3A_572] {strides = array<i32>} : memref<512x64xf32, #tpu.memory_space<vmem>>, vector<1x16xf32>,
      %get3A_574 = vector.shape_cast %get3A_573 : vector<1x16xf32> to vector<16xf32>
      %mul3A_575 = arith.mulf %get3A_570, %get3A_574 : vector<16xf32>
      %add3A_576 = arith.addf %add3A_566, %mul3A_575 : vector<16xf32>
      %get3A_577 = arith.index_cast %add3A_554 : i32 to index
      %get3A_578 = arith.constant 32 : index
      %get3A_579 = tpu.vector_load %arg9[%get3A_577, %get3A_578] {strides = array<i32>} : memref<512x64xf32, #tpu.memory_space<vmem>>, vector<1x16xf32>,
      %get3A_580 = vector.shape_cast %get3A_579 : vector<1x16xf32> to vector<16xf32>
      %get3A_581 = arith.index_cast %add3A_554 : i32 to index
      %get3A_582 = arith.constant 32 : index
      %get3A_583 = tpu.vector_load %arg8[%get3A_581, %get3A_582] {strides = array<i32>} : memref<512x64xf32, #tpu.memory_space<vmem>>, vector<1x16xf32>,
      %get3A_584 = vector.shape_cast %get3A_583 : vector<1x16xf32> to vector<16xf32>
      %mul3A_585 = arith.mulf %get3A_580, %get3A_584 : vector<16xf32>
      %add3A_586 = arith.addf %add3A_576, %mul3A_585 : vector<16xf32>
      %get3A_587 = arith.index_cast %add3A_554 : i32 to index
      %get3A_588 = arith.constant 48 : index
      %get3A_589 = tpu.vector_load %arg9[%get3A_587, %get3A_588] {strides = array<i32>} : memref<512x64xf32, #tpu.memory_space<vmem>>, vector<1x16xf32>,
      %get3A_590 = vector.shape_cast %get3A_589 : vector<1x16xf32> to vector<16xf32>
      %get3A_591 = arith.index_cast %add3A_554 : i32 to index
      %get3A_592 = arith.constant 48 : index
      %get3A_593 = tpu.vector_load %arg8[%get3A_591, %get3A_592] {strides = array<i32>} : memref<512x64xf32, #tpu.memory_space<vmem>>, vector<1x16xf32>,
      %get3A_594 = vector.shape_cast %get3A_593 : vector<1x16xf32> to vector<16xf32>
      %mul3A_595 = arith.mulf %get3A_590, %get3A_594 : vector<16xf32>
      %add3A_596 = arith.addf %add3A_586, %mul3A_595 : vector<16xf32>
      %gather3A_597 = vector.shape_cast %broadcast_in_dim3A : vector<16x1xi32> to vector<16xi32>
      %gather3A_598 = tpu.dynamic_gather %add3A_596[%gather3A_597] in [0] : vector<16xf32>, vector<16xi32> -> vector<16xf32>
      %add3A_599 = arith.addf %add3A_596, %gather3A_598 : vector<16xf32>
      %gather3A_600 = vector.shape_cast %broadcast_in_dim3A_8 : vector<16x1xi32> to vector<16xi32>
      %gather3A_601 = tpu.dynamic_gather %add3A_599[%gather3A_600] in [0] : vector<16xf32>, vector<16xi32> -> vector<16xf32>
      %add3A_602 = arith.addf %add3A_599, %gather3A_601 : vector<16xf32>
      %gather3A_603 = vector.shape_cast %broadcast_in_dim3A_12 : vector<16x1xi32> to vector<16xi32>
      %gather3A_604 = tpu.dynamic_gather %add3A_602[%gather3A_603] in [0] : vector<16xf32>, vector<16xi32> -> vector<16xf32>
      %add3A_605 = arith.addf %add3A_602, %gather3A_604 : vector<16xf32>
      %gather3A_606 = vector.shape_cast %broadcast_in_dim3A_16 : vector<16x1xi32> to vector<16xi32>
      %gather3A_607 = tpu.dynamic_gather %add3A_605[%gather3A_606] in [0] : vector<16xf32>, vector<16xi32> -> vector<16xf32>
      %add3A_608 = arith.addf %add3A_605, %gather3A_607 : vector<16xf32>
      %eq3A_609 = arith.constant 6 : i32
      %eq3A_610 = vector.broadcast %eq3A_609 : i32 to vector<16xi32>
      %eq3A_611 = arith.cmpi eq, %iota3A, %eq3A_610 : vector<16xi32>
      %select_n3A_612 = arith.select %eq3A_611, %add3A_608, %select_n3A_550 : vector<16xi1>, vector<16xf32>
      %mul3A_613 = arith.constant 16 : i32
      %mul3A_614 = arith.muli %add3A_180, %mul3A_613 : i32
      %add3A_615 = arith.constant 7 : i32
      %add3A_616 = arith.addi %mul3A_614, %add3A_615 : i32
      %broadcast_in_dim3A_617 = arith.constant 0.000000e+00 : f32
      %broadcast_in_dim3A_618 = vector.broadcast %broadcast_in_dim3A_617 : f32 to vector<16xf32>
      %get3A_619 = arith.index_cast %add3A_616 : i32 to index
      %get3A_620 = arith.constant 0 : index
      %get3A_621 = tpu.vector_load %arg9[%get3A_619, %get3A_620] {strides = array<i32>} : memref<512x64xf32, #tpu.memory_space<vmem>>, vector<1x16xf32>,
      %get3A_622 = vector.shape_cast %get3A_621 : vector<1x16xf32> to vector<16xf32>
      %get3A_623 = arith.index_cast %add3A_616 : i32 to index
      %get3A_624 = arith.constant 0 : index
      %get3A_625 = tpu.vector_load %arg8[%get3A_623, %get3A_624] {strides = array<i32>} : memref<512x64xf32, #tpu.memory_space<vmem>>, vector<1x16xf32>,
      %get3A_626 = vector.shape_cast %get3A_625 : vector<1x16xf32> to vector<16xf32>
      %mul3A_627 = arith.mulf %get3A_622, %get3A_626 : vector<16xf32>
      %add3A_628 = arith.addf %broadcast_in_dim3A_618, %mul3A_627 : vector<16xf32>
      %get3A_629 = arith.index_cast %add3A_616 : i32 to index
      %get3A_630 = arith.constant 16 : index
      %get3A_631 = tpu.vector_load %arg9[%get3A_629, %get3A_630] {strides = array<i32>} : memref<512x64xf32, #tpu.memory_space<vmem>>, vector<1x16xf32>,
      %get3A_632 = vector.shape_cast %get3A_631 : vector<1x16xf32> to vector<16xf32>
      %get3A_633 = arith.index_cast %add3A_616 : i32 to index
      %get3A_634 = arith.constant 16 : index
      %get3A_635 = tpu.vector_load %arg8[%get3A_633, %get3A_634] {strides = array<i32>} : memref<512x64xf32, #tpu.memory_space<vmem>>, vector<1x16xf32>,
      %get3A_636 = vector.shape_cast %get3A_635 : vector<1x16xf32> to vector<16xf32>
      %mul3A_637 = arith.mulf %get3A_632, %get3A_636 : vector<16xf32>
      %add3A_638 = arith.addf %add3A_628, %mul3A_637 : vector<16xf32>
      %get3A_639 = arith.index_cast %add3A_616 : i32 to index
      %get3A_640 = arith.constant 32 : index
      %get3A_641 = tpu.vector_load %arg9[%get3A_639, %get3A_640] {strides = array<i32>} : memref<512x64xf32, #tpu.memory_space<vmem>>, vector<1x16xf32>,
      %get3A_642 = vector.shape_cast %get3A_641 : vector<1x16xf32> to vector<16xf32>
      %get3A_643 = arith.index_cast %add3A_616 : i32 to index
      %get3A_644 = arith.constant 32 : index
      %get3A_645 = tpu.vector_load %arg8[%get3A_643, %get3A_644] {strides = array<i32>} : memref<512x64xf32, #tpu.memory_space<vmem>>, vector<1x16xf32>,
      %get3A_646 = vector.shape_cast %get3A_645 : vector<1x16xf32> to vector<16xf32>
      %mul3A_647 = arith.mulf %get3A_642, %get3A_646 : vector<16xf32>
      %add3A_648 = arith.addf %add3A_638, %mul3A_647 : vector<16xf32>
      %get3A_649 = arith.index_cast %add3A_616 : i32 to index
      %get3A_650 = arith.constant 48 : index
      %get3A_651 = tpu.vector_load %arg9[%get3A_649, %get3A_650] {strides = array<i32>} : memref<512x64xf32, #tpu.memory_space<vmem>>, vector<1x16xf32>,
      %get3A_652 = vector.shape_cast %get3A_651 : vector<1x16xf32> to vector<16xf32>
      %get3A_653 = arith.index_cast %add3A_616 : i32 to index
      %get3A_654 = arith.constant 48 : index
      %get3A_655 = tpu.vector_load %arg8[%get3A_653, %get3A_654] {strides = array<i32>} : memref<512x64xf32, #tpu.memory_space<vmem>>, vector<1x16xf32>,
      %get3A_656 = vector.shape_cast %get3A_655 : vector<1x16xf32> to vector<16xf32>
      %mul3A_657 = arith.mulf %get3A_652, %get3A_656 : vector<16xf32>
      %add3A_658 = arith.addf %add3A_648, %mul3A_657 : vector<16xf32>
      %gather3A_659 = vector.shape_cast %broadcast_in_dim3A : vector<16x1xi32> to vector<16xi32>
      %gather3A_660 = tpu.dynamic_gather %add3A_658[%gather3A_659] in [0] : vector<16xf32>, vector<16xi32> -> vector<16xf32>
      %add3A_661 = arith.addf %add3A_658, %gather3A_660 : vector<16xf32>
      %gather3A_662 = vector.shape_cast %broadcast_in_dim3A_8 : vector<16x1xi32> to vector<16xi32>
      %gather3A_663 = tpu.dynamic_gather %add3A_661[%gather3A_662] in [0] : vector<16xf32>, vector<16xi32> -> vector<16xf32>
      %add3A_664 = arith.addf %add3A_661, %gather3A_663 : vector<16xf32>
      %gather3A_665 = vector.shape_cast %broadcast_in_dim3A_12 : vector<16x1xi32> to vector<16xi32>
      %gather3A_666 = tpu.dynamic_gather %add3A_664[%gather3A_665] in [0] : vector<16xf32>, vector<16xi32> -> vector<16xf32>
      %add3A_667 = arith.addf %add3A_664, %gather3A_666 : vector<16xf32>
      %gather3A_668 = vector.shape_cast %broadcast_in_dim3A_16 : vector<16x1xi32> to vector<16xi32>
      %gather3A_669 = tpu.dynamic_gather %add3A_667[%gather3A_668] in [0] : vector<16xf32>, vector<16xi32> -> vector<16xf32>
      %add3A_670 = arith.addf %add3A_667, %gather3A_669 : vector<16xf32>
      %eq3A_671 = arith.constant 7 : i32
      %eq3A_672 = vector.broadcast %eq3A_671 : i32 to vector<16xi32>
      %eq3A_673 = arith.cmpi eq, %iota3A, %eq3A_672 : vector<16xi32>
      %select_n3A_674 = arith.select %eq3A_673, %add3A_670, %select_n3A_612 : vector<16xi1>, vector<16xf32>
      %mul3A_675 = arith.constant 16 : i32
      %mul3A_676 = arith.muli %add3A_180, %mul3A_675 : i32
      %add3A_677 = arith.constant 8 : i32
      %add3A_678 = arith.addi %mul3A_676, %add3A_677 : i32
      %broadcast_in_dim3A_679 = arith.constant 0.000000e+00 : f32
      %broadcast_in_dim3A_680 = vector.broadcast %broadcast_in_dim3A_679 : f32 to vector<16xf32>
      %get3A_681 = arith.index_cast %add3A_678 : i32 to index
      %get3A_682 = arith.constant 0 : index
      %get3A_683 = tpu.vector_load %arg9[%get3A_681, %get3A_682] {strides = array<i32>} : memref<512x64xf32, #tpu.memory_space<vmem>>, vector<1x16xf32>,
      %get3A_684 = vector.shape_cast %get3A_683 : vector<1x16xf32> to vector<16xf32>
      %get3A_685 = arith.index_cast %add3A_678 : i32 to index
      %get3A_686 = arith.constant 0 : index
      %get3A_687 = tpu.vector_load %arg8[%get3A_685, %get3A_686] {strides = array<i32>} : memref<512x64xf32, #tpu.memory_space<vmem>>, vector<1x16xf32>,
      %get3A_688 = vector.shape_cast %get3A_687 : vector<1x16xf32> to vector<16xf32>
      %mul3A_689 = arith.mulf %get3A_684, %get3A_688 : vector<16xf32>
      %add3A_690 = arith.addf %broadcast_in_dim3A_680, %mul3A_689 : vector<16xf32>
      %get3A_691 = arith.index_cast %add3A_678 : i32 to index
      %get3A_692 = arith.constant 16 : index
      %get3A_693 = tpu.vector_load %arg9[%get3A_691, %get3A_692] {strides = array<i32>} : memref<512x64xf32, #tpu.memory_space<vmem>>, vector<1x16xf32>,
      %get3A_694 = vector.shape_cast %get3A_693 : vector<1x16xf32> to vector<16xf32>
      %get3A_695 = arith.index_cast %add3A_678 : i32 to index
      %get3A_696 = arith.constant 16 : index
      %get3A_697 = tpu.vector_load %arg8[%get3A_695, %get3A_696] {strides = array<i32>} : memref<512x64xf32, #tpu.memory_space<vmem>>, vector<1x16xf32>,
      %get3A_698 = vector.shape_cast %get3A_697 : vector<1x16xf32> to vector<16xf32>
      %mul3A_699 = arith.mulf %get3A_694, %get3A_698 : vector<16xf32>
      %add3A_700 = arith.addf %add3A_690, %mul3A_699 : vector<16xf32>
      %get3A_701 = arith.index_cast %add3A_678 : i32 to index
      %get3A_702 = arith.constant 32 : index
      %get3A_703 = tpu.vector_load %arg9[%get3A_701, %get3A_702] {strides = array<i32>} : memref<512x64xf32, #tpu.memory_space<vmem>>, vector<1x16xf32>,
      %get3A_704 = vector.shape_cast %get3A_703 : vector<1x16xf32> to vector<16xf32>
      %get3A_705 = arith.index_cast %add3A_678 : i32 to index
      %get3A_706 = arith.constant 32 : index
      %get3A_707 = tpu.vector_load %arg8[%get3A_705, %get3A_706] {strides = array<i32>} : memref<512x64xf32, #tpu.memory_space<vmem>>, vector<1x16xf32>,
      %get3A_708 = vector.shape_cast %get3A_707 : vector<1x16xf32> to vector<16xf32>
      %mul3A_709 = arith.mulf %get3A_704, %get3A_708 : vector<16xf32>
      %add3A_710 = arith.addf %add3A_700, %mul3A_709 : vector<16xf32>
      %get3A_711 = arith.index_cast %add3A_678 : i32 to index
      %get3A_712 = arith.constant 48 : index
      %get3A_713 = tpu.vector_load %arg9[%get3A_711, %get3A_712] {strides = array<i32>} : memref<512x64xf32, #tpu.memory_space<vmem>>, vector<1x16xf32>,
      %get3A_714 = vector.shape_cast %get3A_713 : vector<1x16xf32> to vector<16xf32>
      %get3A_715 = arith.index_cast %add3A_678 : i32 to index
      %get3A_716 = arith.constant 48 : index
      %get3A_717 = tpu.vector_load %arg8[%get3A_715, %get3A_716] {strides = array<i32>} : memref<512x64xf32, #tpu.memory_space<vmem>>, vector<1x16xf32>,
      %get3A_718 = vector.shape_cast %get3A_717 : vector<1x16xf32> to vector<16xf32>
      %mul3A_719 = arith.mulf %get3A_714, %get3A_718 : vector<16xf32>
      %add3A_720 = arith.addf %add3A_710, %mul3A_719 : vector<16xf32>
      %gather3A_721 = vector.shape_cast %broadcast_in_dim3A : vector<16x1xi32> to vector<16xi32>
      %gather3A_722 = tpu.dynamic_gather %add3A_720[%gather3A_721] in [0] : vector<16xf32>, vector<16xi32> -> vector<16xf32>
      %add3A_723 = arith.addf %add3A_720, %gather3A_722 : vector<16xf32>
      %gather3A_724 = vector.shape_cast %broadcast_in_dim3A_8 : vector<16x1xi32> to vector<16xi32>
      %gather3A_725 = tpu.dynamic_gather %add3A_723[%gather3A_724] in [0] : vector<16xf32>, vector<16xi32> -> vector<16xf32>
      %add3A_726 = arith.addf %add3A_723, %gather3A_725 : vector<16xf32>
      %gather3A_727 = vector.shape_cast %broadcast_in_dim3A_12 : vector<16x1xi32> to vector<16xi32>
      %gather3A_728 = tpu.dynamic_gather %add3A_726[%gather3A_727] in [0] : vector<16xf32>, vector<16xi32> -> vector<16xf32>
      %add3A_729 = arith.addf %add3A_726, %gather3A_728 : vector<16xf32>
      %gather3A_730 = vector.shape_cast %broadcast_in_dim3A_16 : vector<16x1xi32> to vector<16xi32>
      %gather3A_731 = tpu.dynamic_gather %add3A_729[%gather3A_730] in [0] : vector<16xf32>, vector<16xi32> -> vector<16xf32>
      %add3A_732 = arith.addf %add3A_729, %gather3A_731 : vector<16xf32>
      %eq3A_733 = arith.constant 8 : i32
      %eq3A_734 = vector.broadcast %eq3A_733 : i32 to vector<16xi32>
      %eq3A_735 = arith.cmpi eq, %iota3A, %eq3A_734 : vector<16xi32>
      %select_n3A_736 = arith.select %eq3A_735, %add3A_732, %select_n3A_674 : vector<16xi1>, vector<16xf32>
      %mul3A_737 = arith.constant 16 : i32
      %mul3A_738 = arith.muli %add3A_180, %mul3A_737 : i32
      %add3A_739 = arith.constant 9 : i32
      %add3A_740 = arith.addi %mul3A_738, %add3A_739 : i32
      %broadcast_in_dim3A_741 = arith.constant 0.000000e+00 : f32
      %broadcast_in_dim3A_742 = vector.broadcast %broadcast_in_dim3A_741 : f32 to vector<16xf32>
      %get3A_743 = arith.index_cast %add3A_740 : i32 to index
      %get3A_744 = arith.constant 0 : index
      %get3A_745 = tpu.vector_load %arg9[%get3A_743, %get3A_744] {strides = array<i32>} : memref<512x64xf32, #tpu.memory_space<vmem>>, vector<1x16xf32>,
      %get3A_746 = vector.shape_cast %get3A_745 : vector<1x16xf32> to vector<16xf32>
      %get3A_747 = arith.index_cast %add3A_740 : i32 to index
      %get3A_748 = arith.constant 0 : index
      %get3A_749 = tpu.vector_load %arg8[%get3A_747, %get3A_748] {strides = array<i32>} : memref<512x64xf32, #tpu.memory_space<vmem>>, vector<1x16xf32>,
      %get3A_750 = vector.shape_cast %get3A_749 : vector<1x16xf32> to vector<16xf32>
      %mul3A_751 = arith.mulf %get3A_746, %get3A_750 : vector<16xf32>
      %add3A_752 = arith.addf %broadcast_in_dim3A_742, %mul3A_751 : vector<16xf32>
      %get3A_753 = arith.index_cast %add3A_740 : i32 to index
      %get3A_754 = arith.constant 16 : index
      %get3A_755 = tpu.vector_load %arg9[%get3A_753, %get3A_754] {strides = array<i32>} : memref<512x64xf32, #tpu.memory_space<vmem>>, vector<1x16xf32>,
      %get3A_756 = vector.shape_cast %get3A_755 : vector<1x16xf32> to vector<16xf32>
      %get3A_757 = arith.index_cast %add3A_740 : i32 to index
      %get3A_758 = arith.constant 16 : index
      %get3A_759 = tpu.vector_load %arg8[%get3A_757, %get3A_758] {strides = array<i32>} : memref<512x64xf32, #tpu.memory_space<vmem>>, vector<1x16xf32>,
      %get3A_760 = vector.shape_cast %get3A_759 : vector<1x16xf32> to vector<16xf32>
      %mul3A_761 = arith.mulf %get3A_756, %get3A_760 : vector<16xf32>
      %add3A_762 = arith.addf %add3A_752, %mul3A_761 : vector<16xf32>
      %get3A_763 = arith.index_cast %add3A_740 : i32 to index
      %get3A_764 = arith.constant 32 : index
      %get3A_765 = tpu.vector_load %arg9[%get3A_763, %get3A_764] {strides = array<i32>} : memref<512x64xf32, #tpu.memory_space<vmem>>, vector<1x16xf32>,
      %get3A_766 = vector.shape_cast %get3A_765 : vector<1x16xf32> to vector<16xf32>
      %get3A_767 = arith.index_cast %add3A_740 : i32 to index
      %get3A_768 = arith.constant 32 : index
      %get3A_769 = tpu.vector_load %arg8[%get3A_767, %get3A_768] {strides = array<i32>} : memref<512x64xf32, #tpu.memory_space<vmem>>, vector<1x16xf32>,
      %get3A_770 = vector.shape_cast %get3A_769 : vector<1x16xf32> to vector<16xf32>
      %mul3A_771 = arith.mulf %get3A_766, %get3A_770 : vector<16xf32>
      %add3A_772 = arith.addf %add3A_762, %mul3A_771 : vector<16xf32>
      %get3A_773 = arith.index_cast %add3A_740 : i32 to index
      %get3A_774 = arith.constant 48 : index
      %get3A_775 = tpu.vector_load %arg9[%get3A_773, %get3A_774] {strides = array<i32>} : memref<512x64xf32, #tpu.memory_space<vmem>>, vector<1x16xf32>,
      %get3A_776 = vector.shape_cast %get3A_775 : vector<1x16xf32> to vector<16xf32>
      %get3A_777 = arith.index_cast %add3A_740 : i32 to index
      %get3A_778 = arith.constant 48 : index
      %get3A_779 = tpu.vector_load %arg8[%get3A_777, %get3A_778] {strides = array<i32>} : memref<512x64xf32, #tpu.memory_space<vmem>>, vector<1x16xf32>,
      %get3A_780 = vector.shape_cast %get3A_779 : vector<1x16xf32> to vector<16xf32>
      %mul3A_781 = arith.mulf %get3A_776, %get3A_780 : vector<16xf32>
      %add3A_782 = arith.addf %add3A_772, %mul3A_781 : vector<16xf32>
      %gather3A_783 = vector.shape_cast %broadcast_in_dim3A : vector<16x1xi32> to vector<16xi32>
      %gather3A_784 = tpu.dynamic_gather %add3A_782[%gather3A_783] in [0] : vector<16xf32>, vector<16xi32> -> vector<16xf32>
      %add3A_785 = arith.addf %add3A_782, %gather3A_784 : vector<16xf32>
      %gather3A_786 = vector.shape_cast %broadcast_in_dim3A_8 : vector<16x1xi32> to vector<16xi32>
      %gather3A_787 = tpu.dynamic_gather %add3A_785[%gather3A_786] in [0] : vector<16xf32>, vector<16xi32> -> vector<16xf32>
      %add3A_788 = arith.addf %add3A_785, %gather3A_787 : vector<16xf32>
      %gather3A_789 = vector.shape_cast %broadcast_in_dim3A_12 : vector<16x1xi32> to vector<16xi32>
      %gather3A_790 = tpu.dynamic_gather %add3A_788[%gather3A_789] in [0] : vector<16xf32>, vector<16xi32> -> vector<16xf32>
      %add3A_791 = arith.addf %add3A_788, %gather3A_790 : vector<16xf32>
      %gather3A_792 = vector.shape_cast %broadcast_in_dim3A_16 : vector<16x1xi32> to vector<16xi32>
      %gather3A_793 = tpu.dynamic_gather %add3A_791[%gather3A_792] in [0] : vector<16xf32>, vector<16xi32> -> vector<16xf32>
      %add3A_794 = arith.addf %add3A_791, %gather3A_793 : vector<16xf32>
      %eq3A_795 = arith.constant 9 : i32
      %eq3A_796 = vector.broadcast %eq3A_795 : i32 to vector<16xi32>
      %eq3A_797 = arith.cmpi eq, %iota3A, %eq3A_796 : vector<16xi32>
      %select_n3A_798 = arith.select %eq3A_797, %add3A_794, %select_n3A_736 : vector<16xi1>, vector<16xf32>
      %mul3A_799 = arith.constant 16 : i32
      %mul3A_800 = arith.muli %add3A_180, %mul3A_799 : i32
      %add3A_801 = arith.constant 10 : i32
      %add3A_802 = arith.addi %mul3A_800, %add3A_801 : i32
      %broadcast_in_dim3A_803 = arith.constant 0.000000e+00 : f32
      %broadcast_in_dim3A_804 = vector.broadcast %broadcast_in_dim3A_803 : f32 to vector<16xf32>
      %get3A_805 = arith.index_cast %add3A_802 : i32 to index
      %get3A_806 = arith.constant 0 : index
      %get3A_807 = tpu.vector_load %arg9[%get3A_805, %get3A_806] {strides = array<i32>} : memref<512x64xf32, #tpu.memory_space<vmem>>, vector<1x16xf32>,
      %get3A_808 = vector.shape_cast %get3A_807 : vector<1x16xf32> to vector<16xf32>
      %get3A_809 = arith.index_cast %add3A_802 : i32 to index
      %get3A_810 = arith.constant 0 : index
      %get3A_811 = tpu.vector_load %arg8[%get3A_809, %get3A_810] {strides = array<i32>} : memref<512x64xf32, #tpu.memory_space<vmem>>, vector<1x16xf32>,
      %get3A_812 = vector.shape_cast %get3A_811 : vector<1x16xf32> to vector<16xf32>
      %mul3A_813 = arith.mulf %get3A_808, %get3A_812 : vector<16xf32>
      %add3A_814 = arith.addf %broadcast_in_dim3A_804, %mul3A_813 : vector<16xf32>
      %get3A_815 = arith.index_cast %add3A_802 : i32 to index
      %get3A_816 = arith.constant 16 : index
      %get3A_817 = tpu.vector_load %arg9[%get3A_815, %get3A_816] {strides = array<i32>} : memref<512x64xf32, #tpu.memory_space<vmem>>, vector<1x16xf32>,
      %get3A_818 = vector.shape_cast %get3A_817 : vector<1x16xf32> to vector<16xf32>
      %get3A_819 = arith.index_cast %add3A_802 : i32 to index
      %get3A_820 = arith.constant 16 : index
      %get3A_821 = tpu.vector_load %arg8[%get3A_819, %get3A_820] {strides = array<i32>} : memref<512x64xf32, #tpu.memory_space<vmem>>, vector<1x16xf32>,
      %get3A_822 = vector.shape_cast %get3A_821 : vector<1x16xf32> to vector<16xf32>
      %mul3A_823 = arith.mulf %get3A_818, %get3A_822 : vector<16xf32>
      %add3A_824 = arith.addf %add3A_814, %mul3A_823 : vector<16xf32>
      %get3A_825 = arith.index_cast %add3A_802 : i32 to index
      %get3A_826 = arith.constant 32 : index
      %get3A_827 = tpu.vector_load %arg9[%get3A_825, %get3A_826] {strides = array<i32>} : memref<512x64xf32, #tpu.memory_space<vmem>>, vector<1x16xf32>,
      %get3A_828 = vector.shape_cast %get3A_827 : vector<1x16xf32> to vector<16xf32>
      %get3A_829 = arith.index_cast %add3A_802 : i32 to index
      %get3A_830 = arith.constant 32 : index
      %get3A_831 = tpu.vector_load %arg8[%get3A_829, %get3A_830] {strides = array<i32>} : memref<512x64xf32, #tpu.memory_space<vmem>>, vector<1x16xf32>,
      %get3A_832 = vector.shape_cast %get3A_831 : vector<1x16xf32> to vector<16xf32>
      %mul3A_833 = arith.mulf %get3A_828, %get3A_832 : vector<16xf32>
      %add3A_834 = arith.addf %add3A_824, %mul3A_833 : vector<16xf32>
      %get3A_835 = arith.index_cast %add3A_802 : i32 to index
      %get3A_836 = arith.constant 48 : index
      %get3A_837 = tpu.vector_load %arg9[%get3A_835, %get3A_836] {strides = array<i32>} : memref<512x64xf32, #tpu.memory_space<vmem>>, vector<1x16xf32>,
      %get3A_838 = vector.shape_cast %get3A_837 : vector<1x16xf32> to vector<16xf32>
      %get3A_839 = arith.index_cast %add3A_802 : i32 to index
      %get3A_840 = arith.constant 48 : index
      %get3A_841 = tpu.vector_load %arg8[%get3A_839, %get3A_840] {strides = array<i32>} : memref<512x64xf32, #tpu.memory_space<vmem>>, vector<1x16xf32>,
      %get3A_842 = vector.shape_cast %get3A_841 : vector<1x16xf32> to vector<16xf32>
      %mul3A_843 = arith.mulf %get3A_838, %get3A_842 : vector<16xf32>
      %add3A_844 = arith.addf %add3A_834, %mul3A_843 : vector<16xf32>
      %gather3A_845 = vector.shape_cast %broadcast_in_dim3A : vector<16x1xi32> to vector<16xi32>
      %gather3A_846 = tpu.dynamic_gather %add3A_844[%gather3A_845] in [0] : vector<16xf32>, vector<16xi32> -> vector<16xf32>
      %add3A_847 = arith.addf %add3A_844, %gather3A_846 : vector<16xf32>
      %gather3A_848 = vector.shape_cast %broadcast_in_dim3A_8 : vector<16x1xi32> to vector<16xi32>
      %gather3A_849 = tpu.dynamic_gather %add3A_847[%gather3A_848] in [0] : vector<16xf32>, vector<16xi32> -> vector<16xf32>
      %add3A_850 = arith.addf %add3A_847, %gather3A_849 : vector<16xf32>
      %gather3A_851 = vector.shape_cast %broadcast_in_dim3A_12 : vector<16x1xi32> to vector<16xi32>
      %gather3A_852 = tpu.dynamic_gather %add3A_850[%gather3A_851] in [0] : vector<16xf32>, vector<16xi32> -> vector<16xf32>
      %add3A_853 = arith.addf %add3A_850, %gather3A_852 : vector<16xf32>
      %gather3A_854 = vector.shape_cast %broadcast_in_dim3A_16 : vector<16x1xi32> to vector<16xi32>
      %gather3A_855 = tpu.dynamic_gather %add3A_853[%gather3A_854] in [0] : vector<16xf32>, vector<16xi32> -> vector<16xf32>
      %add3A_856 = arith.addf %add3A_853, %gather3A_855 : vector<16xf32>
      %eq3A_857 = arith.constant 10 : i32
      %eq3A_858 = vector.broadcast %eq3A_857 : i32 to vector<16xi32>
      %eq3A_859 = arith.cmpi eq, %iota3A, %eq3A_858 : vector<16xi32>
      %select_n3A_860 = arith.select %eq3A_859, %add3A_856, %select_n3A_798 : vector<16xi1>, vector<16xf32>
      %mul3A_861 = arith.constant 16 : i32
      %mul3A_862 = arith.muli %add3A_180, %mul3A_861 : i32
      %add3A_863 = arith.constant 11 : i32
      %add3A_864 = arith.addi %mul3A_862, %add3A_863 : i32
      %broadcast_in_dim3A_865 = arith.constant 0.000000e+00 : f32
      %broadcast_in_dim3A_866 = vector.broadcast %broadcast_in_dim3A_865 : f32 to vector<16xf32>
      %get3A_867 = arith.index_cast %add3A_864 : i32 to index
      %get3A_868 = arith.constant 0 : index
      %get3A_869 = tpu.vector_load %arg9[%get3A_867, %get3A_868] {strides = array<i32>} : memref<512x64xf32, #tpu.memory_space<vmem>>, vector<1x16xf32>,
      %get3A_870 = vector.shape_cast %get3A_869 : vector<1x16xf32> to vector<16xf32>
      %get3A_871 = arith.index_cast %add3A_864 : i32 to index
      %get3A_872 = arith.constant 0 : index
      %get3A_873 = tpu.vector_load %arg8[%get3A_871, %get3A_872] {strides = array<i32>} : memref<512x64xf32, #tpu.memory_space<vmem>>, vector<1x16xf32>,
      %get3A_874 = vector.shape_cast %get3A_873 : vector<1x16xf32> to vector<16xf32>
      %mul3A_875 = arith.mulf %get3A_870, %get3A_874 : vector<16xf32>
      %add3A_876 = arith.addf %broadcast_in_dim3A_866, %mul3A_875 : vector<16xf32>
      %get3A_877 = arith.index_cast %add3A_864 : i32 to index
      %get3A_878 = arith.constant 16 : index
      %get3A_879 = tpu.vector_load %arg9[%get3A_877, %get3A_878] {strides = array<i32>} : memref<512x64xf32, #tpu.memory_space<vmem>>, vector<1x16xf32>,
      %get3A_880 = vector.shape_cast %get3A_879 : vector<1x16xf32> to vector<16xf32>
      %get3A_881 = arith.index_cast %add3A_864 : i32 to index
      %get3A_882 = arith.constant 16 : index
      %get3A_883 = tpu.vector_load %arg8[%get3A_881, %get3A_882] {strides = array<i32>} : memref<512x64xf32, #tpu.memory_space<vmem>>, vector<1x16xf32>,
      %get3A_884 = vector.shape_cast %get3A_883 : vector<1x16xf32> to vector<16xf32>
      %mul3A_885 = arith.mulf %get3A_880, %get3A_884 : vector<16xf32>
      %add3A_886 = arith.addf %add3A_876, %mul3A_885 : vector<16xf32>
      %get3A_887 = arith.index_cast %add3A_864 : i32 to index
      %get3A_888 = arith.constant 32 : index
      %get3A_889 = tpu.vector_load %arg9[%get3A_887, %get3A_888] {strides = array<i32>} : memref<512x64xf32, #tpu.memory_space<vmem>>, vector<1x16xf32>,
      %get3A_890 = vector.shape_cast %get3A_889 : vector<1x16xf32> to vector<16xf32>
      %get3A_891 = arith.index_cast %add3A_864 : i32 to index
      %get3A_892 = arith.constant 32 : index
      %get3A_893 = tpu.vector_load %arg8[%get3A_891, %get3A_892] {strides = array<i32>} : memref<512x64xf32, #tpu.memory_space<vmem>>, vector<1x16xf32>,
      %get3A_894 = vector.shape_cast %get3A_893 : vector<1x16xf32> to vector<16xf32>
      %mul3A_895 = arith.mulf %get3A_890, %get3A_894 : vector<16xf32>
      %add3A_896 = arith.addf %add3A_886, %mul3A_895 : vector<16xf32>
      %get3A_897 = arith.index_cast %add3A_864 : i32 to index
      %get3A_898 = arith.constant 48 : index
      %get3A_899 = tpu.vector_load %arg9[%get3A_897, %get3A_898] {strides = array<i32>} : memref<512x64xf32, #tpu.memory_space<vmem>>, vector<1x16xf32>,
      %get3A_900 = vector.shape_cast %get3A_899 : vector<1x16xf32> to vector<16xf32>
      %get3A_901 = arith.index_cast %add3A_864 : i32 to index
      %get3A_902 = arith.constant 48 : index
      %get3A_903 = tpu.vector_load %arg8[%get3A_901, %get3A_902] {strides = array<i32>} : memref<512x64xf32, #tpu.memory_space<vmem>>, vector<1x16xf32>,
      %get3A_904 = vector.shape_cast %get3A_903 : vector<1x16xf32> to vector<16xf32>
      %mul3A_905 = arith.mulf %get3A_900, %get3A_904 : vector<16xf32>
      %add3A_906 = arith.addf %add3A_896, %mul3A_905 : vector<16xf32>
      %gather3A_907 = vector.shape_cast %broadcast_in_dim3A : vector<16x1xi32> to vector<16xi32>
      %gather3A_908 = tpu.dynamic_gather %add3A_906[%gather3A_907] in [0] : vector<16xf32>, vector<16xi32> -> vector<16xf32>
      %add3A_909 = arith.addf %add3A_906, %gather3A_908 : vector<16xf32>
      %gather3A_910 = vector.shape_cast %broadcast_in_dim3A_8 : vector<16x1xi32> to vector<16xi32>
      %gather3A_911 = tpu.dynamic_gather %add3A_909[%gather3A_910] in [0] : vector<16xf32>, vector<16xi32> -> vector<16xf32>
      %add3A_912 = arith.addf %add3A_909, %gather3A_911 : vector<16xf32>
      %gather3A_913 = vector.shape_cast %broadcast_in_dim3A_12 : vector<16x1xi32> to vector<16xi32>
      %gather3A_914 = tpu.dynamic_gather %add3A_912[%gather3A_913] in [0] : vector<16xf32>, vector<16xi32> -> vector<16xf32>
      %add3A_915 = arith.addf %add3A_912, %gather3A_914 : vector<16xf32>
      %gather3A_916 = vector.shape_cast %broadcast_in_dim3A_16 : vector<16x1xi32> to vector<16xi32>
      %gather3A_917 = tpu.dynamic_gather %add3A_915[%gather3A_916] in [0] : vector<16xf32>, vector<16xi32> -> vector<16xf32>
      %add3A_918 = arith.addf %add3A_915, %gather3A_917 : vector<16xf32>
      %eq3A_919 = arith.constant 11 : i32
      %eq3A_920 = vector.broadcast %eq3A_919 : i32 to vector<16xi32>
      %eq3A_921 = arith.cmpi eq, %iota3A, %eq3A_920 : vector<16xi32>
      %select_n3A_922 = arith.select %eq3A_921, %add3A_918, %select_n3A_860 : vector<16xi1>, vector<16xf32>
      %mul3A_923 = arith.constant 16 : i32
      %mul3A_924 = arith.muli %add3A_180, %mul3A_923 : i32
      %add3A_925 = arith.constant 12 : i32
      %add3A_926 = arith.addi %mul3A_924, %add3A_925 : i32
      %broadcast_in_dim3A_927 = arith.constant 0.000000e+00 : f32
      %broadcast_in_dim3A_928 = vector.broadcast %broadcast_in_dim3A_927 : f32 to vector<16xf32>
      %get3A_929 = arith.index_cast %add3A_926 : i32 to index
      %get3A_930 = arith.constant 0 : index
      %get3A_931 = tpu.vector_load %arg9[%get3A_929, %get3A_930] {strides = array<i32>} : memref<512x64xf32, #tpu.memory_space<vmem>>, vector<1x16xf32>,
      %get3A_932 = vector.shape_cast %get3A_931 : vector<1x16xf32> to vector<16xf32>
      %get3A_933 = arith.index_cast %add3A_926 : i32 to index
      %get3A_934 = arith.constant 0 : index
      %get3A_935 = tpu.vector_load %arg8[%get3A_933, %get3A_934] {strides = array<i32>} : memref<512x64xf32, #tpu.memory_space<vmem>>, vector<1x16xf32>,
      %get3A_936 = vector.shape_cast %get3A_935 : vector<1x16xf32> to vector<16xf32>
      %mul3A_937 = arith.mulf %get3A_932, %get3A_936 : vector<16xf32>
      %add3A_938 = arith.addf %broadcast_in_dim3A_928, %mul3A_937 : vector<16xf32>
      %get3A_939 = arith.index_cast %add3A_926 : i32 to index
      %get3A_940 = arith.constant 16 : index
      %get3A_941 = tpu.vector_load %arg9[%get3A_939, %get3A_940] {strides = array<i32>} : memref<512x64xf32, #tpu.memory_space<vmem>>, vector<1x16xf32>,
      %get3A_942 = vector.shape_cast %get3A_941 : vector<1x16xf32> to vector<16xf32>
      %get3A_943 = arith.index_cast %add3A_926 : i32 to index
      %get3A_944 = arith.constant 16 : index
      %get3A_945 = tpu.vector_load %arg8[%get3A_943, %get3A_944] {strides = array<i32>} : memref<512x64xf32, #tpu.memory_space<vmem>>, vector<1x16xf32>,
      %get3A_946 = vector.shape_cast %get3A_945 : vector<1x16xf32> to vector<16xf32>
      %mul3A_947 = arith.mulf %get3A_942, %get3A_946 : vector<16xf32>
      %add3A_948 = arith.addf %add3A_938, %mul3A_947 : vector<16xf32>
      %get3A_949 = arith.index_cast %add3A_926 : i32 to index
      %get3A_950 = arith.constant 32 : index
      %get3A_951 = tpu.vector_load %arg9[%get3A_949, %get3A_950] {strides = array<i32>} : memref<512x64xf32, #tpu.memory_space<vmem>>, vector<1x16xf32>,
      %get3A_952 = vector.shape_cast %get3A_951 : vector<1x16xf32> to vector<16xf32>
      %get3A_953 = arith.index_cast %add3A_926 : i32 to index
      %get3A_954 = arith.constant 32 : index
      %get3A_955 = tpu.vector_load %arg8[%get3A_953, %get3A_954] {strides = array<i32>} : memref<512x64xf32, #tpu.memory_space<vmem>>, vector<1x16xf32>,
      %get3A_956 = vector.shape_cast %get3A_955 : vector<1x16xf32> to vector<16xf32>
      %mul3A_957 = arith.mulf %get3A_952, %get3A_956 : vector<16xf32>
      %add3A_958 = arith.addf %add3A_948, %mul3A_957 : vector<16xf32>
      %get3A_959 = arith.index_cast %add3A_926 : i32 to index
      %get3A_960 = arith.constant 48 : index
      %get3A_961 = tpu.vector_load %arg9[%get3A_959, %get3A_960] {strides = array<i32>} : memref<512x64xf32, #tpu.memory_space<vmem>>, vector<1x16xf32>,
      %get3A_962 = vector.shape_cast %get3A_961 : vector<1x16xf32> to vector<16xf32>
      %get3A_963 = arith.index_cast %add3A_926 : i32 to index
      %get3A_964 = arith.constant 48 : index
      %get3A_965 = tpu.vector_load %arg8[%get3A_963, %get3A_964] {strides = array<i32>} : memref<512x64xf32, #tpu.memory_space<vmem>>, vector<1x16xf32>,
      %get3A_966 = vector.shape_cast %get3A_965 : vector<1x16xf32> to vector<16xf32>
      %mul3A_967 = arith.mulf %get3A_962, %get3A_966 : vector<16xf32>
      %add3A_968 = arith.addf %add3A_958, %mul3A_967 : vector<16xf32>
      %gather3A_969 = vector.shape_cast %broadcast_in_dim3A : vector<16x1xi32> to vector<16xi32>
      %gather3A_970 = tpu.dynamic_gather %add3A_968[%gather3A_969] in [0] : vector<16xf32>, vector<16xi32> -> vector<16xf32>
      %add3A_971 = arith.addf %add3A_968, %gather3A_970 : vector<16xf32>
      %gather3A_972 = vector.shape_cast %broadcast_in_dim3A_8 : vector<16x1xi32> to vector<16xi32>
      %gather3A_973 = tpu.dynamic_gather %add3A_971[%gather3A_972] in [0] : vector<16xf32>, vector<16xi32> -> vector<16xf32>
      %add3A_974 = arith.addf %add3A_971, %gather3A_973 : vector<16xf32>
      %gather3A_975 = vector.shape_cast %broadcast_in_dim3A_12 : vector<16x1xi32> to vector<16xi32>
      %gather3A_976 = tpu.dynamic_gather %add3A_974[%gather3A_975] in [0] : vector<16xf32>, vector<16xi32> -> vector<16xf32>
      %add3A_977 = arith.addf %add3A_974, %gather3A_976 : vector<16xf32>
      %gather3A_978 = vector.shape_cast %broadcast_in_dim3A_16 : vector<16x1xi32> to vector<16xi32>
      %gather3A_979 = tpu.dynamic_gather %add3A_977[%gather3A_978] in [0] : vector<16xf32>, vector<16xi32> -> vector<16xf32>
      %add3A_980 = arith.addf %add3A_977, %gather3A_979 : vector<16xf32>
      %eq3A_981 = arith.constant 12 : i32
      %eq3A_982 = vector.broadcast %eq3A_981 : i32 to vector<16xi32>
      %eq3A_983 = arith.cmpi eq, %iota3A, %eq3A_982 : vector<16xi32>
      %select_n3A_984 = arith.select %eq3A_983, %add3A_980, %select_n3A_922 : vector<16xi1>, vector<16xf32>
      %mul3A_985 = arith.constant 16 : i32
      %mul3A_986 = arith.muli %add3A_180, %mul3A_985 : i32
      %add3A_987 = arith.constant 13 : i32
      %add3A_988 = arith.addi %mul3A_986, %add3A_987 : i32
      %broadcast_in_dim3A_989 = arith.constant 0.000000e+00 : f32
      %broadcast_in_dim3A_990 = vector.broadcast %broadcast_in_dim3A_989 : f32 to vector<16xf32>
      %get3A_991 = arith.index_cast %add3A_988 : i32 to index
      %get3A_992 = arith.constant 0 : index
      %get3A_993 = tpu.vector_load %arg9[%get3A_991, %get3A_992] {strides = array<i32>} : memref<512x64xf32, #tpu.memory_space<vmem>>, vector<1x16xf32>,
      %get3A_994 = vector.shape_cast %get3A_993 : vector<1x16xf32> to vector<16xf32>
      %get3A_995 = arith.index_cast %add3A_988 : i32 to index
      %get3A_996 = arith.constant 0 : index
      %get3A_997 = tpu.vector_load %arg8[%get3A_995, %get3A_996] {strides = array<i32>} : memref<512x64xf32, #tpu.memory_space<vmem>>, vector<1x16xf32>,
      %get3A_998 = vector.shape_cast %get3A_997 : vector<1x16xf32> to vector<16xf32>
      %mul3A_999 = arith.mulf %get3A_994, %get3A_998 : vector<16xf32>
      %add3A_1000 = arith.addf %broadcast_in_dim3A_990, %mul3A_999 : vector<16xf32>
      %get3A_1001 = arith.index_cast %add3A_988 : i32 to index
      %get3A_1002 = arith.constant 16 : index
      %get3A_1003 = tpu.vector_load %arg9[%get3A_1001, %get3A_1002] {strides = array<i32>} : memref<512x64xf32, #tpu.memory_space<vmem>>, vector<1x16xf32>,
      %get3A_1004 = vector.shape_cast %get3A_1003 : vector<1x16xf32> to vector<16xf32>
      %get3A_1005 = arith.index_cast %add3A_988 : i32 to index
      %get3A_1006 = arith.constant 16 : index
      %get3A_1007 = tpu.vector_load %arg8[%get3A_1005, %get3A_1006] {strides = array<i32>} : memref<512x64xf32, #tpu.memory_space<vmem>>, vector<1x16xf32>,
      %get3A_1008 = vector.shape_cast %get3A_1007 : vector<1x16xf32> to vector<16xf32>
      %mul3A_1009 = arith.mulf %get3A_1004, %get3A_1008 : vector<16xf32>
      %add3A_1010 = arith.addf %add3A_1000, %mul3A_1009 : vector<16xf32>
      %get3A_1011 = arith.index_cast %add3A_988 : i32 to index
      %get3A_1012 = arith.constant 32 : index
      %get3A_1013 = tpu.vector_load %arg9[%get3A_1011, %get3A_1012] {strides = array<i32>} : memref<512x64xf32, #tpu.memory_space<vmem>>, vector<1x16xf32>,
      %get3A_1014 = vector.shape_cast %get3A_1013 : vector<1x16xf32> to vector<16xf32>
      %get3A_1015 = arith.index_cast %add3A_988 : i32 to index
      %get3A_1016 = arith.constant 32 : index
      %get3A_1017 = tpu.vector_load %arg8[%get3A_1015, %get3A_1016] {strides = array<i32>} : memref<512x64xf32, #tpu.memory_space<vmem>>, vector<1x16xf32>,
      %get3A_1018 = vector.shape_cast %get3A_1017 : vector<1x16xf32> to vector<16xf32>
      %mul3A_1019 = arith.mulf %get3A_1014, %get3A_1018 : vector<16xf32>
      %add3A_1020 = arith.addf %add3A_1010, %mul3A_1019 : vector<16xf32>
      %get3A_1021 = arith.index_cast %add3A_988 : i32 to index
      %get3A_1022 = arith.constant 48 : index
      %get3A_1023 = tpu.vector_load %arg9[%get3A_1021, %get3A_1022] {strides = array<i32>} : memref<512x64xf32, #tpu.memory_space<vmem>>, vector<1x16xf32>,
      %get3A_1024 = vector.shape_cast %get3A_1023 : vector<1x16xf32> to vector<16xf32>
      %get3A_1025 = arith.index_cast %add3A_988 : i32 to index
      %get3A_1026 = arith.constant 48 : index
      %get3A_1027 = tpu.vector_load %arg8[%get3A_1025, %get3A_1026] {strides = array<i32>} : memref<512x64xf32, #tpu.memory_space<vmem>>, vector<1x16xf32>,
      %get3A_1028 = vector.shape_cast %get3A_1027 : vector<1x16xf32> to vector<16xf32>
      %mul3A_1029 = arith.mulf %get3A_1024, %get3A_1028 : vector<16xf32>
      %add3A_1030 = arith.addf %add3A_1020, %mul3A_1029 : vector<16xf32>
      %gather3A_1031 = vector.shape_cast %broadcast_in_dim3A : vector<16x1xi32> to vector<16xi32>
      %gather3A_1032 = tpu.dynamic_gather %add3A_1030[%gather3A_1031] in [0] : vector<16xf32>, vector<16xi32> -> vector<16xf32>
      %add3A_1033 = arith.addf %add3A_1030, %gather3A_1032 : vector<16xf32>
      %gather3A_1034 = vector.shape_cast %broadcast_in_dim3A_8 : vector<16x1xi32> to vector<16xi32>
      %gather3A_1035 = tpu.dynamic_gather %add3A_1033[%gather3A_1034] in [0] : vector<16xf32>, vector<16xi32> -> vector<16xf32>
      %add3A_1036 = arith.addf %add3A_1033, %gather3A_1035 : vector<16xf32>
      %gather3A_1037 = vector.shape_cast %broadcast_in_dim3A_12 : vector<16x1xi32> to vector<16xi32>
      %gather3A_1038 = tpu.dynamic_gather %add3A_1036[%gather3A_1037] in [0] : vector<16xf32>, vector<16xi32> -> vector<16xf32>
      %add3A_1039 = arith.addf %add3A_1036, %gather3A_1038 : vector<16xf32>
      %gather3A_1040 = vector.shape_cast %broadcast_in_dim3A_16 : vector<16x1xi32> to vector<16xi32>
      %gather3A_1041 = tpu.dynamic_gather %add3A_1039[%gather3A_1040] in [0] : vector<16xf32>, vector<16xi32> -> vector<16xf32>
      %add3A_1042 = arith.addf %add3A_1039, %gather3A_1041 : vector<16xf32>
      %eq3A_1043 = arith.constant 13 : i32
      %eq3A_1044 = vector.broadcast %eq3A_1043 : i32 to vector<16xi32>
      %eq3A_1045 = arith.cmpi eq, %iota3A, %eq3A_1044 : vector<16xi32>
      %select_n3A_1046 = arith.select %eq3A_1045, %add3A_1042, %select_n3A_984 : vector<16xi1>, vector<16xf32>
      %mul3A_1047 = arith.constant 16 : i32
      %mul3A_1048 = arith.muli %add3A_180, %mul3A_1047 : i32
      %add3A_1049 = arith.constant 14 : i32
      %add3A_1050 = arith.addi %mul3A_1048, %add3A_1049 : i32
      %broadcast_in_dim3A_1051 = arith.constant 0.000000e+00 : f32
      %broadcast_in_dim3A_1052 = vector.broadcast %broadcast_in_dim3A_1051 : f32 to vector<16xf32>
      %get3A_1053 = arith.index_cast %add3A_1050 : i32 to index
      %get3A_1054 = arith.constant 0 : index
      %get3A_1055 = tpu.vector_load %arg9[%get3A_1053, %get3A_1054] {strides = array<i32>} : memref<512x64xf32, #tpu.memory_space<vmem>>, vector<1x16xf32>,
      %get3A_1056 = vector.shape_cast %get3A_1055 : vector<1x16xf32> to vector<16xf32>
      %get3A_1057 = arith.index_cast %add3A_1050 : i32 to index
      %get3A_1058 = arith.constant 0 : index
      %get3A_1059 = tpu.vector_load %arg8[%get3A_1057, %get3A_1058] {strides = array<i32>} : memref<512x64xf32, #tpu.memory_space<vmem>>, vector<1x16xf32>,
      %get3A_1060 = vector.shape_cast %get3A_1059 : vector<1x16xf32> to vector<16xf32>
      %mul3A_1061 = arith.mulf %get3A_1056, %get3A_1060 : vector<16xf32>
      %add3A_1062 = arith.addf %broadcast_in_dim3A_1052, %mul3A_1061 : vector<16xf32>
      %get3A_1063 = arith.index_cast %add3A_1050 : i32 to index
      %get3A_1064 = arith.constant 16 : index
      %get3A_1065 = tpu.vector_load %arg9[%get3A_1063, %get3A_1064] {strides = array<i32>} : memref<512x64xf32, #tpu.memory_space<vmem>>, vector<1x16xf32>,
      %get3A_1066 = vector.shape_cast %get3A_1065 : vector<1x16xf32> to vector<16xf32>
      %get3A_1067 = arith.index_cast %add3A_1050 : i32 to index
      %get3A_1068 = arith.constant 16 : index
      %get3A_1069 = tpu.vector_load %arg8[%get3A_1067, %get3A_1068] {strides = array<i32>} : memref<512x64xf32, #tpu.memory_space<vmem>>, vector<1x16xf32>,
      %get3A_1070 = vector.shape_cast %get3A_1069 : vector<1x16xf32> to vector<16xf32>
      %mul3A_1071 = arith.mulf %get3A_1066, %get3A_1070 : vector<16xf32>
      %add3A_1072 = arith.addf %add3A_1062, %mul3A_1071 : vector<16xf32>
      %get3A_1073 = arith.index_cast %add3A_1050 : i32 to index
      %get3A_1074 = arith.constant 32 : index
      %get3A_1075 = tpu.vector_load %arg9[%get3A_1073, %get3A_1074] {strides = array<i32>} : memref<512x64xf32, #tpu.memory_space<vmem>>, vector<1x16xf32>,
      %get3A_1076 = vector.shape_cast %get3A_1075 : vector<1x16xf32> to vector<16xf32>
      %get3A_1077 = arith.index_cast %add3A_1050 : i32 to index
      %get3A_1078 = arith.constant 32 : index
      %get3A_1079 = tpu.vector_load %arg8[%get3A_1077, %get3A_1078] {strides = array<i32>} : memref<512x64xf32, #tpu.memory_space<vmem>>, vector<1x16xf32>,
      %get3A_1080 = vector.shape_cast %get3A_1079 : vector<1x16xf32> to vector<16xf32>
      %mul3A_1081 = arith.mulf %get3A_1076, %get3A_1080 : vector<16xf32>
      %add3A_1082 = arith.addf %add3A_1072, %mul3A_1081 : vector<16xf32>
      %get3A_1083 = arith.index_cast %add3A_1050 : i32 to index
      %get3A_1084 = arith.constant 48 : index
      %get3A_1085 = tpu.vector_load %arg9[%get3A_1083, %get3A_1084] {strides = array<i32>} : memref<512x64xf32, #tpu.memory_space<vmem>>, vector<1x16xf32>,
      %get3A_1086 = vector.shape_cast %get3A_1085 : vector<1x16xf32> to vector<16xf32>
      %get3A_1087 = arith.index_cast %add3A_1050 : i32 to index
      %get3A_1088 = arith.constant 48 : index
      %get3A_1089 = tpu.vector_load %arg8[%get3A_1087, %get3A_1088] {strides = array<i32>} : memref<512x64xf32, #tpu.memory_space<vmem>>, vector<1x16xf32>,
      %get3A_1090 = vector.shape_cast %get3A_1089 : vector<1x16xf32> to vector<16xf32>
      %mul3A_1091 = arith.mulf %get3A_1086, %get3A_1090 : vector<16xf32>
      %add3A_1092 = arith.addf %add3A_1082, %mul3A_1091 : vector<16xf32>
      %gather3A_1093 = vector.shape_cast %broadcast_in_dim3A : vector<16x1xi32> to vector<16xi32>
      %gather3A_1094 = tpu.dynamic_gather %add3A_1092[%gather3A_1093] in [0] : vector<16xf32>, vector<16xi32> -> vector<16xf32>
      %add3A_1095 = arith.addf %add3A_1092, %gather3A_1094 : vector<16xf32>
      %gather3A_1096 = vector.shape_cast %broadcast_in_dim3A_8 : vector<16x1xi32> to vector<16xi32>
      %gather3A_1097 = tpu.dynamic_gather %add3A_1095[%gather3A_1096] in [0] : vector<16xf32>, vector<16xi32> -> vector<16xf32>
      %add3A_1098 = arith.addf %add3A_1095, %gather3A_1097 : vector<16xf32>
      %gather3A_1099 = vector.shape_cast %broadcast_in_dim3A_12 : vector<16x1xi32> to vector<16xi32>
      %gather3A_1100 = tpu.dynamic_gather %add3A_1098[%gather3A_1099] in [0] : vector<16xf32>, vector<16xi32> -> vector<16xf32>
      %add3A_1101 = arith.addf %add3A_1098, %gather3A_1100 : vector<16xf32>
      %gather3A_1102 = vector.shape_cast %broadcast_in_dim3A_16 : vector<16x1xi32> to vector<16xi32>
      %gather3A_1103 = tpu.dynamic_gather %add3A_1101[%gather3A_1102] in [0] : vector<16xf32>, vector<16xi32> -> vector<16xf32>
      %add3A_1104 = arith.addf %add3A_1101, %gather3A_1103 : vector<16xf32>
      %eq3A_1105 = arith.constant 14 : i32
      %eq3A_1106 = vector.broadcast %eq3A_1105 : i32 to vector<16xi32>
      %eq3A_1107 = arith.cmpi eq, %iota3A, %eq3A_1106 : vector<16xi32>
      %select_n3A_1108 = arith.select %eq3A_1107, %add3A_1104, %select_n3A_1046 : vector<16xi1>, vector<16xf32>
      %mul3A_1109 = arith.constant 16 : i32
      %mul3A_1110 = arith.muli %add3A_180, %mul3A_1109 : i32
      %add3A_1111 = arith.constant 15 : i32
      %add3A_1112 = arith.addi %mul3A_1110, %add3A_1111 : i32
      %broadcast_in_dim3A_1113 = arith.constant 0.000000e+00 : f32
      %broadcast_in_dim3A_1114 = vector.broadcast %broadcast_in_dim3A_1113 : f32 to vector<16xf32>
      %get3A_1115 = arith.index_cast %add3A_1112 : i32 to index
      %get3A_1116 = arith.constant 0 : index
      %get3A_1117 = tpu.vector_load %arg9[%get3A_1115, %get3A_1116] {strides = array<i32>} : memref<512x64xf32, #tpu.memory_space<vmem>>, vector<1x16xf32>,
      %get3A_1118 = vector.shape_cast %get3A_1117 : vector<1x16xf32> to vector<16xf32>
      %get3A_1119 = arith.index_cast %add3A_1112 : i32 to index
      %get3A_1120 = arith.constant 0 : index
      %get3A_1121 = tpu.vector_load %arg8[%get3A_1119, %get3A_1120] {strides = array<i32>} : memref<512x64xf32, #tpu.memory_space<vmem>>, vector<1x16xf32>,
      %get3A_1122 = vector.shape_cast %get3A_1121 : vector<1x16xf32> to vector<16xf32>
      %mul3A_1123 = arith.mulf %get3A_1118, %get3A_1122 : vector<16xf32>
      %add3A_1124 = arith.addf %broadcast_in_dim3A_1114, %mul3A_1123 : vector<16xf32>
      %get3A_1125 = arith.index_cast %add3A_1112 : i32 to index
      %get3A_1126 = arith.constant 16 : index
      %get3A_1127 = tpu.vector_load %arg9[%get3A_1125, %get3A_1126] {strides = array<i32>} : memref<512x64xf32, #tpu.memory_space<vmem>>, vector<1x16xf32>,
      %get3A_1128 = vector.shape_cast %get3A_1127 : vector<1x16xf32> to vector<16xf32>
      %get3A_1129 = arith.index_cast %add3A_1112 : i32 to index
      %get3A_1130 = arith.constant 16 : index
      %get3A_1131 = tpu.vector_load %arg8[%get3A_1129, %get3A_1130] {strides = array<i32>} : memref<512x64xf32, #tpu.memory_space<vmem>>, vector<1x16xf32>,
      %get3A_1132 = vector.shape_cast %get3A_1131 : vector<1x16xf32> to vector<16xf32>
      %mul3A_1133 = arith.mulf %get3A_1128, %get3A_1132 : vector<16xf32>
      %add3A_1134 = arith.addf %add3A_1124, %mul3A_1133 : vector<16xf32>
      %get3A_1135 = arith.index_cast %add3A_1112 : i32 to index
      %get3A_1136 = arith.constant 32 : index
      %get3A_1137 = tpu.vector_load %arg9[%get3A_1135, %get3A_1136] {strides = array<i32>} : memref<512x64xf32, #tpu.memory_space<vmem>>, vector<1x16xf32>,
      %get3A_1138 = vector.shape_cast %get3A_1137 : vector<1x16xf32> to vector<16xf32>
      %get3A_1139 = arith.index_cast %add3A_1112 : i32 to index
      %get3A_1140 = arith.constant 32 : index
      %get3A_1141 = tpu.vector_load %arg8[%get3A_1139, %get3A_1140] {strides = array<i32>} : memref<512x64xf32, #tpu.memory_space<vmem>>, vector<1x16xf32>,
      %get3A_1142 = vector.shape_cast %get3A_1141 : vector<1x16xf32> to vector<16xf32>
      %mul3A_1143 = arith.mulf %get3A_1138, %get3A_1142 : vector<16xf32>
      %add3A_1144 = arith.addf %add3A_1134, %mul3A_1143 : vector<16xf32>
      %get3A_1145 = arith.index_cast %add3A_1112 : i32 to index
      %get3A_1146 = arith.constant 48 : index
      %get3A_1147 = tpu.vector_load %arg9[%get3A_1145, %get3A_1146] {strides = array<i32>} : memref<512x64xf32, #tpu.memory_space<vmem>>, vector<1x16xf32>,
      %get3A_1148 = vector.shape_cast %get3A_1147 : vector<1x16xf32> to vector<16xf32>
      %get3A_1149 = arith.index_cast %add3A_1112 : i32 to index
      %get3A_1150 = arith.constant 48 : index
      %get3A_1151 = tpu.vector_load %arg8[%get3A_1149, %get3A_1150] {strides = array<i32>} : memref<512x64xf32, #tpu.memory_space<vmem>>, vector<1x16xf32>,
      %get3A_1152 = vector.shape_cast %get3A_1151 : vector<1x16xf32> to vector<16xf32>
      %mul3A_1153 = arith.mulf %get3A_1148, %get3A_1152 : vector<16xf32>
      %add3A_1154 = arith.addf %add3A_1144, %mul3A_1153 : vector<16xf32>
      %gather3A_1155 = vector.shape_cast %broadcast_in_dim3A : vector<16x1xi32> to vector<16xi32>
      %gather3A_1156 = tpu.dynamic_gather %add3A_1154[%gather3A_1155] in [0] : vector<16xf32>, vector<16xi32> -> vector<16xf32>
      %add3A_1157 = arith.addf %add3A_1154, %gather3A_1156 : vector<16xf32>
      %gather3A_1158 = vector.shape_cast %broadcast_in_dim3A_8 : vector<16x1xi32> to vector<16xi32>
      %gather3A_1159 = tpu.dynamic_gather %add3A_1157[%gather3A_1158] in [0] : vector<16xf32>, vector<16xi32> -> vector<16xf32>
      %add3A_1160 = arith.addf %add3A_1157, %gather3A_1159 : vector<16xf32>
      %gather3A_1161 = vector.shape_cast %broadcast_in_dim3A_12 : vector<16x1xi32> to vector<16xi32>
      %gather3A_1162 = tpu.dynamic_gather %add3A_1160[%gather3A_1161] in [0] : vector<16xf32>, vector<16xi32> -> vector<16xf32>
      %add3A_1163 = arith.addf %add3A_1160, %gather3A_1162 : vector<16xf32>
      %gather3A_1164 = vector.shape_cast %broadcast_in_dim3A_16 : vector<16x1xi32> to vector<16xi32>
      %gather3A_1165 = tpu.dynamic_gather %add3A_1163[%gather3A_1164] in [0] : vector<16xf32>, vector<16xi32> -> vector<16xf32>
      %add3A_1166 = arith.addf %add3A_1163, %gather3A_1165 : vector<16xf32>
      %eq3A_1167 = arith.constant 15 : i32
      %eq3A_1168 = vector.broadcast %eq3A_1167 : i32 to vector<16xi32>
      %eq3A_1169 = arith.cmpi eq, %iota3A, %eq3A_1168 : vector<16xi32>
      %select_n3A_1170 = arith.select %eq3A_1169, %add3A_1166, %select_n3A_1108 : vector<16xi1>, vector<16xf32>
      %mul3A_1171 = arith.constant 16 : i32
      %mul3A_1172 = arith.muli %add3A_180, %mul3A_1171 : i32
      %swap3A = arith.index_cast %mul3A_1172 : i32 to index
      %swap3A_1173 = tpu.vector_load %arg10[%swap3A] {strides = array<i32>} : memref<512xf32, #tpu.memory_space<vmem>>, vector<16xf32>,
      %swap3A_1174 = vector.shape_cast %swap3A_1173 : vector<16xf32> to vector<16xf32>
      %swap3A_1175 = vector.shape_cast %select_n3A_1170 : vector<16xf32> to vector<16xf32>
      tpu.vector_store %arg10[%swap3A], %swap3A_1175 {strides = array<i32>} : memref<512xf32, #tpu.memory_space<vmem>>, vector<16xf32>,
    }
    %scan3A_92 = arith.constant 32 : i32
    %add3A_93 = arith.constant 0 : i32
    %add3A_94 = arith.addi %add3A_93, %mul3A_2 : i32
    "tpu.region"() ({
      %run_scoped3A = tpu.sem_alloc : memref<!tpu.dma_semaphore, #tpu.memory_space<semaphore_mem>>
      %dma_start3A_176 = tpu.memref_slice %arg6[%add3A_94] : memref<32768xf32, #tpu.memory_space<hbm>> -> memref<512xf32, #tpu.memory_space<hbm>>
      %dma_start3A_177 = tpu.memref_slice %arg6[%add3A_94] : memref<32768xf32, #tpu.memory_space<hbm>> -> memref<512xf32, #tpu.memory_space<hbm>>
      tpu.enqueue_dma source(%arg10 : memref<512xf32, #tpu.memory_space<vmem>>) target(%dma_start3A_177 : memref<512xf32, #tpu.memory_space<hbm>>) target_semaphore(%run_scoped3A : memref<!tpu.dma_semaphore, #tpu.memory_space<semaphore_mem>>)
      %dma_wait3A_178 = tpu.memref_slice %arg6[%add3A_94] : memref<32768xf32, #tpu.memory_space<hbm>> -> memref<512xf32, #tpu.memory_space<hbm>>
      %dma_wait3A_179 = tpu.memref_slice %arg6[%add3A_94] : memref<32768xf32, #tpu.memory_space<hbm>> -> memref<512xf32, #tpu.memory_space<hbm>>
      tpu.wait_dma2 semaphore(%run_scoped3A : memref<!tpu.dma_semaphore, #tpu.memory_space<semaphore_mem>>) src(%arg10 : memref<512xf32, #tpu.memory_space<vmem>>) dst(%dma_wait3A_179 : memref<512xf32, #tpu.memory_space<hbm>>)
      tpu.yield
    }) : () -> ()
    "tpu.region"() ({
      %run_scoped3A = tpu.sem_alloc : memref<!tpu.dma_semaphore, #tpu.memory_space<semaphore_mem>>
      %dma_start3A_176 = tpu.memref_slice %arg3[%mul3A_2] : memref<16384xi32, #tpu.memory_space<hbm>> -> memref<512xi32, #tpu.memory_space<hbm>>
      %dma_start3A_177 = tpu.memref_slice %arg3[%mul3A_2] : memref<16384xi32, #tpu.memory_space<hbm>> -> memref<512xi32, #tpu.memory_space<hbm>>
      tpu.enqueue_dma source(%dma_start3A_177 : memref<512xi32, #tpu.memory_space<hbm>>) target(%arg7 : memref<512xi32, #tpu.memory_space<vmem>>) target_semaphore(%run_scoped3A : memref<!tpu.dma_semaphore, #tpu.memory_space<semaphore_mem>>)
      %dma_wait3A_178 = tpu.memref_slice %arg3[%mul3A_2] : memref<16384xi32, #tpu.memory_space<hbm>> -> memref<512xi32, #tpu.memory_space<hbm>>
      %dma_wait3A_179 = tpu.memref_slice %arg3[%mul3A_2] : memref<16384xi32, #tpu.memory_space<hbm>> -> memref<512xi32, #tpu.memory_space<hbm>>
      tpu.wait_dma2 semaphore(%run_scoped3A : memref<!tpu.dma_semaphore, #tpu.memory_space<semaphore_mem>>) src(%dma_wait3A_179 : memref<512xi32, #tpu.memory_space<hbm>>) dst(%arg7 : memref<512xi32, #tpu.memory_space<vmem>>)
      tpu.yield
    }) : () -> ()
    %add3A_95 = arith.constant 16384 : i32
    %add3A_96 = arith.addi %add3A_95, %mul3A_2 : i32
    %dma_start3A_97 = arith.constant 0 : i32
    %dma_start3A_98 = tpu.memref_slice %arg5[%add3A_96, %dma_start3A_97] : memref<32768x64xf32, #tpu.memory_space<hbm>> -> memref<512x64xf32, #tpu.memory_space<hbm>>
    %dma_start3A_99 = arith.constant 0 : i32
    %dma_start3A_100 = tpu.memref_slice %arg5[%add3A_96, %dma_start3A_99] : memref<32768x64xf32, #tpu.memory_space<hbm>> -> memref<512x64xf32, #tpu.memory_space<hbm>>
    tpu.enqueue_dma source(%dma_start3A_100 : memref<512x64xf32, #tpu.memory_space<hbm>>) target(%arg9 : memref<512x64xf32, #tpu.memory_space<vmem>>) target_semaphore(%arg12 : memref<!tpu.dma_semaphore, #tpu.memory_space<semaphore_mem>>)
    %dma_start3A_101 = arith.constant 0 : i32
    %dma_start3A_102 = arith.constant 0 : i32
    %dma_start3A_103 = tpu.memref_slice %arg8[%dma_start3A_101, %dma_start3A_102] : memref<512x64xf32, #tpu.memory_space<vmem>> -> memref<128x64xf32, #tpu.memory_space<vmem>>
    %dma_start3A_104 = arith.constant 0 : i32
    %dma_start3A_105 = tpu.memref_slice %arg7[%dma_start3A_104] : memref<512xi32, #tpu.memory_space<vmem>> -> memref<128xi32, #tpu.memory_space<vmem>>
    %dma_start3A_106 = arith.constant 0 : i32
    %dma_start3A_107 = arith.constant 0 : i32
    %dma_start3A_108 = tpu.memref_slice %arg4[%dma_start3A_106, %dma_start3A_107] : memref<199999x64xf32, #tpu.memory_space<hbm>> -> memref<199999x64xf32, #tpu.memory_space<hbm>>
    tpu.enqueue_indirect_dma source(%dma_start3A_108 : memref<199999x64xf32, #tpu.memory_space<hbm>>) target(%dma_start3A_103 : memref<128x64xf32, #tpu.memory_space<vmem>>) offsets(%dma_start3A_105 : memref<128xi32, #tpu.memory_space<vmem>>) semaphore(%arg11 : memref<!tpu.dma_semaphore, #tpu.memory_space<semaphore_mem>>)
    %dma_start3A_109 = arith.constant 128 : i32
    %dma_start3A_110 = arith.constant 0 : i32
    %dma_start3A_111 = tpu.memref_slice %arg8[%dma_start3A_109, %dma_start3A_110] : memref<512x64xf32, #tpu.memory_space<vmem>> -> memref<128x64xf32, #tpu.memory_space<vmem>>
    %dma_start3A_112 = arith.constant 128 : i32
    %dma_start3A_113 = tpu.memref_slice %arg7[%dma_start3A_112] : memref<512xi32, #tpu.memory_space<vmem>> -> memref<128xi32, #tpu.memory_space<vmem>>
    %dma_start3A_114 = arith.constant 0 : i32
    %dma_start3A_115 = arith.constant 0 : i32
    %dma_start3A_116 = tpu.memref_slice %arg4[%dma_start3A_114, %dma_start3A_115] : memref<199999x64xf32, #tpu.memory_space<hbm>> -> memref<199999x64xf32, #tpu.memory_space<hbm>>
    tpu.enqueue_indirect_dma source(%dma_start3A_116 : memref<199999x64xf32, #tpu.memory_space<hbm>>) target(%dma_start3A_111 : memref<128x64xf32, #tpu.memory_space<vmem>>) offsets(%dma_start3A_113 : memref<128xi32, #tpu.memory_space<vmem>>) semaphore(%arg11 : memref<!tpu.dma_semaphore, #tpu.memory_space<semaphore_mem>>)
    %dma_start3A_117 = arith.constant 256 : i32
    %dma_start3A_118 = arith.constant 0 : i32
    %dma_start3A_119 = tpu.memref_slice %arg8[%dma_start3A_117, %dma_start3A_118] : memref<512x64xf32, #tpu.memory_space<vmem>> -> memref<128x64xf32, #tpu.memory_space<vmem>>
    %dma_start3A_120 = arith.constant 256 : i32
    %dma_start3A_121 = tpu.memref_slice %arg7[%dma_start3A_120] : memref<512xi32, #tpu.memory_space<vmem>> -> memref<128xi32, #tpu.memory_space<vmem>>
    %dma_start3A_122 = arith.constant 0 : i32
    %dma_start3A_123 = arith.constant 0 : i32
    %dma_start3A_124 = tpu.memref_slice %arg4[%dma_start3A_122, %dma_start3A_123] : memref<199999x64xf32, #tpu.memory_space<hbm>> -> memref<199999x64xf32, #tpu.memory_space<hbm>>
    tpu.enqueue_indirect_dma source(%dma_start3A_124 : memref<199999x64xf32, #tpu.memory_space<hbm>>) target(%dma_start3A_119 : memref<128x64xf32, #tpu.memory_space<vmem>>) offsets(%dma_start3A_121 : memref<128xi32, #tpu.memory_space<vmem>>) semaphore(%arg11 : memref<!tpu.dma_semaphore, #tpu.memory_space<semaphore_mem>>)
    %dma_start3A_125 = arith.constant 384 : i32
    %dma_start3A_126 = arith.constant 0 : i32
    %dma_start3A_127 = tpu.memref_slice %arg8[%dma_start3A_125, %dma_start3A_126] : memref<512x64xf32, #tpu.memory_space<vmem>> -> memref<128x64xf32, #tpu.memory_space<vmem>>
    %dma_start3A_128 = arith.constant 384 : i32
    %dma_start3A_129 = tpu.memref_slice %arg7[%dma_start3A_128] : memref<512xi32, #tpu.memory_space<vmem>> -> memref<128xi32, #tpu.memory_space<vmem>>
    %dma_start3A_130 = arith.constant 0 : i32
    %dma_start3A_131 = arith.constant 0 : i32
    %dma_start3A_132 = tpu.memref_slice %arg4[%dma_start3A_130, %dma_start3A_131] : memref<199999x64xf32, #tpu.memory_space<hbm>> -> memref<199999x64xf32, #tpu.memory_space<hbm>>
    tpu.enqueue_indirect_dma source(%dma_start3A_132 : memref<199999x64xf32, #tpu.memory_space<hbm>>) target(%dma_start3A_127 : memref<128x64xf32, #tpu.memory_space<vmem>>) offsets(%dma_start3A_129 : memref<128xi32, #tpu.memory_space<vmem>>) semaphore(%arg11 : memref<!tpu.dma_semaphore, #tpu.memory_space<semaphore_mem>>)
    %dma_wait3A_133 = arith.constant 0 : i32
    %dma_wait3A_134 = tpu.memref_slice %arg5[%add3A_96, %dma_wait3A_133] : memref<32768x64xf32, #tpu.memory_space<hbm>> -> memref<512x64xf32, #tpu.memory_space<hbm>>
    %dma_wait3A_135 = arith.constant 0 : i32
    %dma_wait3A_136 = tpu.memref_slice %arg5[%add3A_96, %dma_wait3A_135] : memref<32768x64xf32, #tpu.memory_space<hbm>> -> memref<512x64xf32, #tpu.memory_space<hbm>>
    tpu.wait_dma2 semaphore(%arg12 : memref<!tpu.dma_semaphore, #tpu.memory_space<semaphore_mem>>) src(%dma_wait3A_136 : memref<512x64xf32, #tpu.memory_space<hbm>>) dst(%arg9 : memref<512x64xf32, #tpu.memory_space<vmem>>)
    %dma_wait3A_137 = arith.constant 0 : i32
    %dma_wait3A_138 = arith.constant 0 : i32
    %dma_wait3A_139 = tpu.memref_slice %arg8[%dma_wait3A_137, %dma_wait3A_138] : memref<512x64xf32, #tpu.memory_space<vmem>> -> memref<128x64xf32, #tpu.memory_space<vmem>>
    %dma_wait3A_140 = arith.constant 0 : i32
    %dma_wait3A_141 = tpu.memref_slice %arg7[%dma_wait3A_140] : memref<512xi32, #tpu.memory_space<vmem>> -> memref<128xi32, #tpu.memory_space<vmem>>
    %dma_wait3A_142 = arith.constant 0 : i32
    %dma_wait3A_143 = arith.constant 0 : i32
    %dma_wait3A_144 = tpu.memref_slice %arg4[%dma_wait3A_142, %dma_wait3A_143] : memref<199999x64xf32, #tpu.memory_space<hbm>> -> memref<199999x64xf32, #tpu.memory_space<hbm>>
    tpu.wait_indirect_dma semaphore(%arg11 : memref<!tpu.dma_semaphore, #tpu.memory_space<semaphore_mem>>) src(%dma_wait3A_144 : memref<199999x64xf32, #tpu.memory_space<hbm>>) dst(%dma_wait3A_139 : memref<128x64xf32, #tpu.memory_space<vmem>>)
    %dma_wait3A_145 = arith.constant 128 : i32
    %dma_wait3A_146 = arith.constant 0 : i32
    %dma_wait3A_147 = tpu.memref_slice %arg8[%dma_wait3A_145, %dma_wait3A_146] : memref<512x64xf32, #tpu.memory_space<vmem>> -> memref<128x64xf32, #tpu.memory_space<vmem>>
    %dma_wait3A_148 = arith.constant 128 : i32
    %dma_wait3A_149 = tpu.memref_slice %arg7[%dma_wait3A_148] : memref<512xi32, #tpu.memory_space<vmem>> -> memref<128xi32, #tpu.memory_space<vmem>>
    %dma_wait3A_150 = arith.constant 0 : i32
    %dma_wait3A_151 = arith.constant 0 : i32
    %dma_wait3A_152 = tpu.memref_slice %arg4[%dma_wait3A_150, %dma_wait3A_151] : memref<199999x64xf32, #tpu.memory_space<hbm>> -> memref<199999x64xf32, #tpu.memory_space<hbm>>
    tpu.wait_indirect_dma semaphore(%arg11 : memref<!tpu.dma_semaphore, #tpu.memory_space<semaphore_mem>>) src(%dma_wait3A_152 : memref<199999x64xf32, #tpu.memory_space<hbm>>) dst(%dma_wait3A_147 : memref<128x64xf32, #tpu.memory_space<vmem>>)
    %dma_wait3A_153 = arith.constant 256 : i32
    %dma_wait3A_154 = arith.constant 0 : i32
    %dma_wait3A_155 = tpu.memref_slice %arg8[%dma_wait3A_153, %dma_wait3A_154] : memref<512x64xf32, #tpu.memory_space<vmem>> -> memref<128x64xf32, #tpu.memory_space<vmem>>
    %dma_wait3A_156 = arith.constant 256 : i32
    %dma_wait3A_157 = tpu.memref_slice %arg7[%dma_wait3A_156] : memref<512xi32, #tpu.memory_space<vmem>> -> memref<128xi32, #tpu.memory_space<vmem>>
    %dma_wait3A_158 = arith.constant 0 : i32
    %dma_wait3A_159 = arith.constant 0 : i32
    %dma_wait3A_160 = tpu.memref_slice %arg4[%dma_wait3A_158, %dma_wait3A_159] : memref<199999x64xf32, #tpu.memory_space<hbm>> -> memref<199999x64xf32, #tpu.memory_space<hbm>>
    tpu.wait_indirect_dma semaphore(%arg11 : memref<!tpu.dma_semaphore, #tpu.memory_space<semaphore_mem>>) src(%dma_wait3A_160 : memref<199999x64xf32, #tpu.memory_space<hbm>>) dst(%dma_wait3A_155 : memref<128x64xf32, #tpu.memory_space<vmem>>)
    %dma_wait3A_161 = arith.constant 384 : i32
    %dma_wait3A_162 = arith.constant 0 : i32
    %dma_wait3A_163 = tpu.memref_slice %arg8[%dma_wait3A_161, %dma_wait3A_162] : memref<512x64xf32, #tpu.memory_space<vmem>> -> memref<128x64xf32, #tpu.memory_space<vmem>>
    %dma_wait3A_164 = arith.constant 384 : i32
    %dma_wait3A_165 = tpu.memref_slice %arg7[%dma_wait3A_164] : memref<512xi32, #tpu.memory_space<vmem>> -> memref<128xi32, #tpu.memory_space<vmem>>
    %dma_wait3A_166 = arith.constant 0 : i32
    %dma_wait3A_167 = arith.constant 0 : i32
    %dma_wait3A_168 = tpu.memref_slice %arg4[%dma_wait3A_166, %dma_wait3A_167] : memref<199999x64xf32, #tpu.memory_space<hbm>> -> memref<199999x64xf32, #tpu.memory_space<hbm>>
    tpu.wait_indirect_dma semaphore(%arg11 : memref<!tpu.dma_semaphore, #tpu.memory_space<semaphore_mem>>) src(%dma_wait3A_168 : memref<199999x64xf32, #tpu.memory_space<hbm>>) dst(%dma_wait3A_163 : memref<128x64xf32, #tpu.memory_space<vmem>>)
    %scan3A_169 = arith.constant 0 : i32
    %scan3A_170 = arith.constant 32 : i32
    %scan3A_171 = arith.addi %scan3A_169, %scan3A_170 : i32
    %scan3A_172 = arith.constant 1 : i32
    scf.for %scan3A_176 = %scan3A_169 to %scan3A_171 step %scan3A_172  : i32 {
      %mul3A_177 = arith.constant 1 : i32
      %mul3A_178 = arith.muli %scan3A_176, %mul3A_177 : i32
      %add3A_179 = arith.constant 0 : i32
      %add3A_180 = arith.addi %add3A_179, %mul3A_178 : i32
      %broadcast_in_dim3A_181 = arith.constant 0.000000e+00 : f32
      %broadcast_in_dim3A_182 = vector.broadcast %broadcast_in_dim3A_181 : f32 to vector<16xf32>
      %mul3A_183 = arith.constant 16 : i32
      %mul3A_184 = arith.muli %add3A_180, %mul3A_183 : i32
      %add3A_185 = arith.constant 0 : i32
      %add3A_186 = arith.addi %mul3A_184, %add3A_185 : i32
      %broadcast_in_dim3A_187 = arith.constant 0.000000e+00 : f32
      %broadcast_in_dim3A_188 = vector.broadcast %broadcast_in_dim3A_187 : f32 to vector<16xf32>
      %get3A = arith.index_cast %add3A_186 : i32 to index
      %get3A_189 = arith.constant 0 : index
      %get3A_190 = tpu.vector_load %arg9[%get3A, %get3A_189] {strides = array<i32>} : memref<512x64xf32, #tpu.memory_space<vmem>>, vector<1x16xf32>,
      %get3A_191 = vector.shape_cast %get3A_190 : vector<1x16xf32> to vector<16xf32>
      %get3A_192 = arith.index_cast %add3A_186 : i32 to index
      %get3A_193 = arith.constant 0 : index
      %get3A_194 = tpu.vector_load %arg8[%get3A_192, %get3A_193] {strides = array<i32>} : memref<512x64xf32, #tpu.memory_space<vmem>>, vector<1x16xf32>,
      %get3A_195 = vector.shape_cast %get3A_194 : vector<1x16xf32> to vector<16xf32>
      %mul3A_196 = arith.mulf %get3A_191, %get3A_195 : vector<16xf32>
      %add3A_197 = arith.addf %broadcast_in_dim3A_188, %mul3A_196 : vector<16xf32>
      %get3A_198 = arith.index_cast %add3A_186 : i32 to index
      %get3A_199 = arith.constant 16 : index
      %get3A_200 = tpu.vector_load %arg9[%get3A_198, %get3A_199] {strides = array<i32>} : memref<512x64xf32, #tpu.memory_space<vmem>>, vector<1x16xf32>,
      %get3A_201 = vector.shape_cast %get3A_200 : vector<1x16xf32> to vector<16xf32>
      %get3A_202 = arith.index_cast %add3A_186 : i32 to index
      %get3A_203 = arith.constant 16 : index
      %get3A_204 = tpu.vector_load %arg8[%get3A_202, %get3A_203] {strides = array<i32>} : memref<512x64xf32, #tpu.memory_space<vmem>>, vector<1x16xf32>,
      %get3A_205 = vector.shape_cast %get3A_204 : vector<1x16xf32> to vector<16xf32>
      %mul3A_206 = arith.mulf %get3A_201, %get3A_205 : vector<16xf32>
      %add3A_207 = arith.addf %add3A_197, %mul3A_206 : vector<16xf32>
      %get3A_208 = arith.index_cast %add3A_186 : i32 to index
      %get3A_209 = arith.constant 32 : index
      %get3A_210 = tpu.vector_load %arg9[%get3A_208, %get3A_209] {strides = array<i32>} : memref<512x64xf32, #tpu.memory_space<vmem>>, vector<1x16xf32>,
      %get3A_211 = vector.shape_cast %get3A_210 : vector<1x16xf32> to vector<16xf32>
      %get3A_212 = arith.index_cast %add3A_186 : i32 to index
      %get3A_213 = arith.constant 32 : index
      %get3A_214 = tpu.vector_load %arg8[%get3A_212, %get3A_213] {strides = array<i32>} : memref<512x64xf32, #tpu.memory_space<vmem>>, vector<1x16xf32>,
      %get3A_215 = vector.shape_cast %get3A_214 : vector<1x16xf32> to vector<16xf32>
      %mul3A_216 = arith.mulf %get3A_211, %get3A_215 : vector<16xf32>
      %add3A_217 = arith.addf %add3A_207, %mul3A_216 : vector<16xf32>
      %get3A_218 = arith.index_cast %add3A_186 : i32 to index
      %get3A_219 = arith.constant 48 : index
      %get3A_220 = tpu.vector_load %arg9[%get3A_218, %get3A_219] {strides = array<i32>} : memref<512x64xf32, #tpu.memory_space<vmem>>, vector<1x16xf32>,
      %get3A_221 = vector.shape_cast %get3A_220 : vector<1x16xf32> to vector<16xf32>
      %get3A_222 = arith.index_cast %add3A_186 : i32 to index
      %get3A_223 = arith.constant 48 : index
      %get3A_224 = tpu.vector_load %arg8[%get3A_222, %get3A_223] {strides = array<i32>} : memref<512x64xf32, #tpu.memory_space<vmem>>, vector<1x16xf32>,
      %get3A_225 = vector.shape_cast %get3A_224 : vector<1x16xf32> to vector<16xf32>
      %mul3A_226 = arith.mulf %get3A_221, %get3A_225 : vector<16xf32>
      %add3A_227 = arith.addf %add3A_217, %mul3A_226 : vector<16xf32>
      %gather3A = vector.shape_cast %broadcast_in_dim3A : vector<16x1xi32> to vector<16xi32>
      %gather3A_228 = tpu.dynamic_gather %add3A_227[%gather3A] in [0] : vector<16xf32>, vector<16xi32> -> vector<16xf32>
      %add3A_229 = arith.addf %add3A_227, %gather3A_228 : vector<16xf32>
      %gather3A_230 = vector.shape_cast %broadcast_in_dim3A_8 : vector<16x1xi32> to vector<16xi32>
      %gather3A_231 = tpu.dynamic_gather %add3A_229[%gather3A_230] in [0] : vector<16xf32>, vector<16xi32> -> vector<16xf32>
      %add3A_232 = arith.addf %add3A_229, %gather3A_231 : vector<16xf32>
      %gather3A_233 = vector.shape_cast %broadcast_in_dim3A_12 : vector<16x1xi32> to vector<16xi32>
      %gather3A_234 = tpu.dynamic_gather %add3A_232[%gather3A_233] in [0] : vector<16xf32>, vector<16xi32> -> vector<16xf32>
      %add3A_235 = arith.addf %add3A_232, %gather3A_234 : vector<16xf32>
      %gather3A_236 = vector.shape_cast %broadcast_in_dim3A_16 : vector<16x1xi32> to vector<16xi32>
      %gather3A_237 = tpu.dynamic_gather %add3A_235[%gather3A_236] in [0] : vector<16xf32>, vector<16xi32> -> vector<16xf32>
      %add3A_238 = arith.addf %add3A_235, %gather3A_237 : vector<16xf32>
      %eq3A = arith.constant 0 : i32
      %eq3A_239 = vector.broadcast %eq3A : i32 to vector<16xi32>
      %eq3A_240 = arith.cmpi eq, %iota3A, %eq3A_239 : vector<16xi32>
      %select_n3A = arith.select %eq3A_240, %add3A_238, %broadcast_in_dim3A_182 : vector<16xi1>, vector<16xf32>
      %mul3A_241 = arith.constant 16 : i32
      %mul3A_242 = arith.muli %add3A_180, %mul3A_241 : i32
      %add3A_243 = arith.constant 1 : i32
      %add3A_244 = arith.addi %mul3A_242, %add3A_243 : i32
      %broadcast_in_dim3A_245 = arith.constant 0.000000e+00 : f32
      %broadcast_in_dim3A_246 = vector.broadcast %broadcast_in_dim3A_245 : f32 to vector<16xf32>
      %get3A_247 = arith.index_cast %add3A_244 : i32 to index
      %get3A_248 = arith.constant 0 : index
      %get3A_249 = tpu.vector_load %arg9[%get3A_247, %get3A_248] {strides = array<i32>} : memref<512x64xf32, #tpu.memory_space<vmem>>, vector<1x16xf32>,
      %get3A_250 = vector.shape_cast %get3A_249 : vector<1x16xf32> to vector<16xf32>
      %get3A_251 = arith.index_cast %add3A_244 : i32 to index
      %get3A_252 = arith.constant 0 : index
      %get3A_253 = tpu.vector_load %arg8[%get3A_251, %get3A_252] {strides = array<i32>} : memref<512x64xf32, #tpu.memory_space<vmem>>, vector<1x16xf32>,
      %get3A_254 = vector.shape_cast %get3A_253 : vector<1x16xf32> to vector<16xf32>
      %mul3A_255 = arith.mulf %get3A_250, %get3A_254 : vector<16xf32>
      %add3A_256 = arith.addf %broadcast_in_dim3A_246, %mul3A_255 : vector<16xf32>
      %get3A_257 = arith.index_cast %add3A_244 : i32 to index
      %get3A_258 = arith.constant 16 : index
      %get3A_259 = tpu.vector_load %arg9[%get3A_257, %get3A_258] {strides = array<i32>} : memref<512x64xf32, #tpu.memory_space<vmem>>, vector<1x16xf32>,
      %get3A_260 = vector.shape_cast %get3A_259 : vector<1x16xf32> to vector<16xf32>
      %get3A_261 = arith.index_cast %add3A_244 : i32 to index
      %get3A_262 = arith.constant 16 : index
      %get3A_263 = tpu.vector_load %arg8[%get3A_261, %get3A_262] {strides = array<i32>} : memref<512x64xf32, #tpu.memory_space<vmem>>, vector<1x16xf32>,
      %get3A_264 = vector.shape_cast %get3A_263 : vector<1x16xf32> to vector<16xf32>
      %mul3A_265 = arith.mulf %get3A_260, %get3A_264 : vector<16xf32>
      %add3A_266 = arith.addf %add3A_256, %mul3A_265 : vector<16xf32>
      %get3A_267 = arith.index_cast %add3A_244 : i32 to index
      %get3A_268 = arith.constant 32 : index
      %get3A_269 = tpu.vector_load %arg9[%get3A_267, %get3A_268] {strides = array<i32>} : memref<512x64xf32, #tpu.memory_space<vmem>>, vector<1x16xf32>,
      %get3A_270 = vector.shape_cast %get3A_269 : vector<1x16xf32> to vector<16xf32>
      %get3A_271 = arith.index_cast %add3A_244 : i32 to index
      %get3A_272 = arith.constant 32 : index
      %get3A_273 = tpu.vector_load %arg8[%get3A_271, %get3A_272] {strides = array<i32>} : memref<512x64xf32, #tpu.memory_space<vmem>>, vector<1x16xf32>,
      %get3A_274 = vector.shape_cast %get3A_273 : vector<1x16xf32> to vector<16xf32>
      %mul3A_275 = arith.mulf %get3A_270, %get3A_274 : vector<16xf32>
      %add3A_276 = arith.addf %add3A_266, %mul3A_275 : vector<16xf32>
      %get3A_277 = arith.index_cast %add3A_244 : i32 to index
      %get3A_278 = arith.constant 48 : index
      %get3A_279 = tpu.vector_load %arg9[%get3A_277, %get3A_278] {strides = array<i32>} : memref<512x64xf32, #tpu.memory_space<vmem>>, vector<1x16xf32>,
      %get3A_280 = vector.shape_cast %get3A_279 : vector<1x16xf32> to vector<16xf32>
      %get3A_281 = arith.index_cast %add3A_244 : i32 to index
      %get3A_282 = arith.constant 48 : index
      %get3A_283 = tpu.vector_load %arg8[%get3A_281, %get3A_282] {strides = array<i32>} : memref<512x64xf32, #tpu.memory_space<vmem>>, vector<1x16xf32>,
      %get3A_284 = vector.shape_cast %get3A_283 : vector<1x16xf32> to vector<16xf32>
      %mul3A_285 = arith.mulf %get3A_280, %get3A_284 : vector<16xf32>
      %add3A_286 = arith.addf %add3A_276, %mul3A_285 : vector<16xf32>
      %gather3A_287 = vector.shape_cast %broadcast_in_dim3A : vector<16x1xi32> to vector<16xi32>
      %gather3A_288 = tpu.dynamic_gather %add3A_286[%gather3A_287] in [0] : vector<16xf32>, vector<16xi32> -> vector<16xf32>
      %add3A_289 = arith.addf %add3A_286, %gather3A_288 : vector<16xf32>
      %gather3A_290 = vector.shape_cast %broadcast_in_dim3A_8 : vector<16x1xi32> to vector<16xi32>
      %gather3A_291 = tpu.dynamic_gather %add3A_289[%gather3A_290] in [0] : vector<16xf32>, vector<16xi32> -> vector<16xf32>
      %add3A_292 = arith.addf %add3A_289, %gather3A_291 : vector<16xf32>
      %gather3A_293 = vector.shape_cast %broadcast_in_dim3A_12 : vector<16x1xi32> to vector<16xi32>
      %gather3A_294 = tpu.dynamic_gather %add3A_292[%gather3A_293] in [0] : vector<16xf32>, vector<16xi32> -> vector<16xf32>
      %add3A_295 = arith.addf %add3A_292, %gather3A_294 : vector<16xf32>
      %gather3A_296 = vector.shape_cast %broadcast_in_dim3A_16 : vector<16x1xi32> to vector<16xi32>
      %gather3A_297 = tpu.dynamic_gather %add3A_295[%gather3A_296] in [0] : vector<16xf32>, vector<16xi32> -> vector<16xf32>
      %add3A_298 = arith.addf %add3A_295, %gather3A_297 : vector<16xf32>
      %eq3A_299 = arith.constant 1 : i32
      %eq3A_300 = vector.broadcast %eq3A_299 : i32 to vector<16xi32>
      %eq3A_301 = arith.cmpi eq, %iota3A, %eq3A_300 : vector<16xi32>
      %select_n3A_302 = arith.select %eq3A_301, %add3A_298, %select_n3A : vector<16xi1>, vector<16xf32>
      %mul3A_303 = arith.constant 16 : i32
      %mul3A_304 = arith.muli %add3A_180, %mul3A_303 : i32
      %add3A_305 = arith.constant 2 : i32
      %add3A_306 = arith.addi %mul3A_304, %add3A_305 : i32
      %broadcast_in_dim3A_307 = arith.constant 0.000000e+00 : f32
      %broadcast_in_dim3A_308 = vector.broadcast %broadcast_in_dim3A_307 : f32 to vector<16xf32>
      %get3A_309 = arith.index_cast %add3A_306 : i32 to index
      %get3A_310 = arith.constant 0 : index
      %get3A_311 = tpu.vector_load %arg9[%get3A_309, %get3A_310] {strides = array<i32>} : memref<512x64xf32, #tpu.memory_space<vmem>>, vector<1x16xf32>,
      %get3A_312 = vector.shape_cast %get3A_311 : vector<1x16xf32> to vector<16xf32>
      %get3A_313 = arith.index_cast %add3A_306 : i32 to index
      %get3A_314 = arith.constant 0 : index
      %get3A_315 = tpu.vector_load %arg8[%get3A_313, %get3A_314] {strides = array<i32>} : memref<512x64xf32, #tpu.memory_space<vmem>>, vector<1x16xf32>,
      %get3A_316 = vector.shape_cast %get3A_315 : vector<1x16xf32> to vector<16xf32>
      %mul3A_317 = arith.mulf %get3A_312, %get3A_316 : vector<16xf32>
      %add3A_318 = arith.addf %broadcast_in_dim3A_308, %mul3A_317 : vector<16xf32>
      %get3A_319 = arith.index_cast %add3A_306 : i32 to index
      %get3A_320 = arith.constant 16 : index
      %get3A_321 = tpu.vector_load %arg9[%get3A_319, %get3A_320] {strides = array<i32>} : memref<512x64xf32, #tpu.memory_space<vmem>>, vector<1x16xf32>,
      %get3A_322 = vector.shape_cast %get3A_321 : vector<1x16xf32> to vector<16xf32>
      %get3A_323 = arith.index_cast %add3A_306 : i32 to index
      %get3A_324 = arith.constant 16 : index
      %get3A_325 = tpu.vector_load %arg8[%get3A_323, %get3A_324] {strides = array<i32>} : memref<512x64xf32, #tpu.memory_space<vmem>>, vector<1x16xf32>,
      %get3A_326 = vector.shape_cast %get3A_325 : vector<1x16xf32> to vector<16xf32>
      %mul3A_327 = arith.mulf %get3A_322, %get3A_326 : vector<16xf32>
      %add3A_328 = arith.addf %add3A_318, %mul3A_327 : vector<16xf32>
      %get3A_329 = arith.index_cast %add3A_306 : i32 to index
      %get3A_330 = arith.constant 32 : index
      %get3A_331 = tpu.vector_load %arg9[%get3A_329, %get3A_330] {strides = array<i32>} : memref<512x64xf32, #tpu.memory_space<vmem>>, vector<1x16xf32>,
      %get3A_332 = vector.shape_cast %get3A_331 : vector<1x16xf32> to vector<16xf32>
      %get3A_333 = arith.index_cast %add3A_306 : i32 to index
      %get3A_334 = arith.constant 32 : index
      %get3A_335 = tpu.vector_load %arg8[%get3A_333, %get3A_334] {strides = array<i32>} : memref<512x64xf32, #tpu.memory_space<vmem>>, vector<1x16xf32>,
      %get3A_336 = vector.shape_cast %get3A_335 : vector<1x16xf32> to vector<16xf32>
      %mul3A_337 = arith.mulf %get3A_332, %get3A_336 : vector<16xf32>
      %add3A_338 = arith.addf %add3A_328, %mul3A_337 : vector<16xf32>
      %get3A_339 = arith.index_cast %add3A_306 : i32 to index
      %get3A_340 = arith.constant 48 : index
      %get3A_341 = tpu.vector_load %arg9[%get3A_339, %get3A_340] {strides = array<i32>} : memref<512x64xf32, #tpu.memory_space<vmem>>, vector<1x16xf32>,
      %get3A_342 = vector.shape_cast %get3A_341 : vector<1x16xf32> to vector<16xf32>
      %get3A_343 = arith.index_cast %add3A_306 : i32 to index
      %get3A_344 = arith.constant 48 : index
      %get3A_345 = tpu.vector_load %arg8[%get3A_343, %get3A_344] {strides = array<i32>} : memref<512x64xf32, #tpu.memory_space<vmem>>, vector<1x16xf32>,
      %get3A_346 = vector.shape_cast %get3A_345 : vector<1x16xf32> to vector<16xf32>
      %mul3A_347 = arith.mulf %get3A_342, %get3A_346 : vector<16xf32>
      %add3A_348 = arith.addf %add3A_338, %mul3A_347 : vector<16xf32>
      %gather3A_349 = vector.shape_cast %broadcast_in_dim3A : vector<16x1xi32> to vector<16xi32>
      %gather3A_350 = tpu.dynamic_gather %add3A_348[%gather3A_349] in [0] : vector<16xf32>, vector<16xi32> -> vector<16xf32>
      %add3A_351 = arith.addf %add3A_348, %gather3A_350 : vector<16xf32>
      %gather3A_352 = vector.shape_cast %broadcast_in_dim3A_8 : vector<16x1xi32> to vector<16xi32>
      %gather3A_353 = tpu.dynamic_gather %add3A_351[%gather3A_352] in [0] : vector<16xf32>, vector<16xi32> -> vector<16xf32>
      %add3A_354 = arith.addf %add3A_351, %gather3A_353 : vector<16xf32>
      %gather3A_355 = vector.shape_cast %broadcast_in_dim3A_12 : vector<16x1xi32> to vector<16xi32>
      %gather3A_356 = tpu.dynamic_gather %add3A_354[%gather3A_355] in [0] : vector<16xf32>, vector<16xi32> -> vector<16xf32>
      %add3A_357 = arith.addf %add3A_354, %gather3A_356 : vector<16xf32>
      %gather3A_358 = vector.shape_cast %broadcast_in_dim3A_16 : vector<16x1xi32> to vector<16xi32>
      %gather3A_359 = tpu.dynamic_gather %add3A_357[%gather3A_358] in [0] : vector<16xf32>, vector<16xi32> -> vector<16xf32>
      %add3A_360 = arith.addf %add3A_357, %gather3A_359 : vector<16xf32>
      %eq3A_361 = arith.constant 2 : i32
      %eq3A_362 = vector.broadcast %eq3A_361 : i32 to vector<16xi32>
      %eq3A_363 = arith.cmpi eq, %iota3A, %eq3A_362 : vector<16xi32>
      %select_n3A_364 = arith.select %eq3A_363, %add3A_360, %select_n3A_302 : vector<16xi1>, vector<16xf32>
      %mul3A_365 = arith.constant 16 : i32
      %mul3A_366 = arith.muli %add3A_180, %mul3A_365 : i32
      %add3A_367 = arith.constant 3 : i32
      %add3A_368 = arith.addi %mul3A_366, %add3A_367 : i32
      %broadcast_in_dim3A_369 = arith.constant 0.000000e+00 : f32
      %broadcast_in_dim3A_370 = vector.broadcast %broadcast_in_dim3A_369 : f32 to vector<16xf32>
      %get3A_371 = arith.index_cast %add3A_368 : i32 to index
      %get3A_372 = arith.constant 0 : index
      %get3A_373 = tpu.vector_load %arg9[%get3A_371, %get3A_372] {strides = array<i32>} : memref<512x64xf32, #tpu.memory_space<vmem>>, vector<1x16xf32>,
      %get3A_374 = vector.shape_cast %get3A_373 : vector<1x16xf32> to vector<16xf32>
      %get3A_375 = arith.index_cast %add3A_368 : i32 to index
      %get3A_376 = arith.constant 0 : index
      %get3A_377 = tpu.vector_load %arg8[%get3A_375, %get3A_376] {strides = array<i32>} : memref<512x64xf32, #tpu.memory_space<vmem>>, vector<1x16xf32>,
      %get3A_378 = vector.shape_cast %get3A_377 : vector<1x16xf32> to vector<16xf32>
      %mul3A_379 = arith.mulf %get3A_374, %get3A_378 : vector<16xf32>
      %add3A_380 = arith.addf %broadcast_in_dim3A_370, %mul3A_379 : vector<16xf32>
      %get3A_381 = arith.index_cast %add3A_368 : i32 to index
      %get3A_382 = arith.constant 16 : index
      %get3A_383 = tpu.vector_load %arg9[%get3A_381, %get3A_382] {strides = array<i32>} : memref<512x64xf32, #tpu.memory_space<vmem>>, vector<1x16xf32>,
      %get3A_384 = vector.shape_cast %get3A_383 : vector<1x16xf32> to vector<16xf32>
      %get3A_385 = arith.index_cast %add3A_368 : i32 to index
      %get3A_386 = arith.constant 16 : index
      %get3A_387 = tpu.vector_load %arg8[%get3A_385, %get3A_386] {strides = array<i32>} : memref<512x64xf32, #tpu.memory_space<vmem>>, vector<1x16xf32>,
      %get3A_388 = vector.shape_cast %get3A_387 : vector<1x16xf32> to vector<16xf32>
      %mul3A_389 = arith.mulf %get3A_384, %get3A_388 : vector<16xf32>
      %add3A_390 = arith.addf %add3A_380, %mul3A_389 : vector<16xf32>
      %get3A_391 = arith.index_cast %add3A_368 : i32 to index
      %get3A_392 = arith.constant 32 : index
      %get3A_393 = tpu.vector_load %arg9[%get3A_391, %get3A_392] {strides = array<i32>} : memref<512x64xf32, #tpu.memory_space<vmem>>, vector<1x16xf32>,
      %get3A_394 = vector.shape_cast %get3A_393 : vector<1x16xf32> to vector<16xf32>
      %get3A_395 = arith.index_cast %add3A_368 : i32 to index
      %get3A_396 = arith.constant 32 : index
      %get3A_397 = tpu.vector_load %arg8[%get3A_395, %get3A_396] {strides = array<i32>} : memref<512x64xf32, #tpu.memory_space<vmem>>, vector<1x16xf32>,
      %get3A_398 = vector.shape_cast %get3A_397 : vector<1x16xf32> to vector<16xf32>
      %mul3A_399 = arith.mulf %get3A_394, %get3A_398 : vector<16xf32>
      %add3A_400 = arith.addf %add3A_390, %mul3A_399 : vector<16xf32>
      %get3A_401 = arith.index_cast %add3A_368 : i32 to index
      %get3A_402 = arith.constant 48 : index
      %get3A_403 = tpu.vector_load %arg9[%get3A_401, %get3A_402] {strides = array<i32>} : memref<512x64xf32, #tpu.memory_space<vmem>>, vector<1x16xf32>,
      %get3A_404 = vector.shape_cast %get3A_403 : vector<1x16xf32> to vector<16xf32>
      %get3A_405 = arith.index_cast %add3A_368 : i32 to index
      %get3A_406 = arith.constant 48 : index
      %get3A_407 = tpu.vector_load %arg8[%get3A_405, %get3A_406] {strides = array<i32>} : memref<512x64xf32, #tpu.memory_space<vmem>>, vector<1x16xf32>,
      %get3A_408 = vector.shape_cast %get3A_407 : vector<1x16xf32> to vector<16xf32>
      %mul3A_409 = arith.mulf %get3A_404, %get3A_408 : vector<16xf32>
      %add3A_410 = arith.addf %add3A_400, %mul3A_409 : vector<16xf32>
      %gather3A_411 = vector.shape_cast %broadcast_in_dim3A : vector<16x1xi32> to vector<16xi32>
      %gather3A_412 = tpu.dynamic_gather %add3A_410[%gather3A_411] in [0] : vector<16xf32>, vector<16xi32> -> vector<16xf32>
      %add3A_413 = arith.addf %add3A_410, %gather3A_412 : vector<16xf32>
      %gather3A_414 = vector.shape_cast %broadcast_in_dim3A_8 : vector<16x1xi32> to vector<16xi32>
      %gather3A_415 = tpu.dynamic_gather %add3A_413[%gather3A_414] in [0] : vector<16xf32>, vector<16xi32> -> vector<16xf32>
      %add3A_416 = arith.addf %add3A_413, %gather3A_415 : vector<16xf32>
      %gather3A_417 = vector.shape_cast %broadcast_in_dim3A_12 : vector<16x1xi32> to vector<16xi32>
      %gather3A_418 = tpu.dynamic_gather %add3A_416[%gather3A_417] in [0] : vector<16xf32>, vector<16xi32> -> vector<16xf32>
      %add3A_419 = arith.addf %add3A_416, %gather3A_418 : vector<16xf32>
      %gather3A_420 = vector.shape_cast %broadcast_in_dim3A_16 : vector<16x1xi32> to vector<16xi32>
      %gather3A_421 = tpu.dynamic_gather %add3A_419[%gather3A_420] in [0] : vector<16xf32>, vector<16xi32> -> vector<16xf32>
      %add3A_422 = arith.addf %add3A_419, %gather3A_421 : vector<16xf32>
      %eq3A_423 = arith.constant 3 : i32
      %eq3A_424 = vector.broadcast %eq3A_423 : i32 to vector<16xi32>
      %eq3A_425 = arith.cmpi eq, %iota3A, %eq3A_424 : vector<16xi32>
      %select_n3A_426 = arith.select %eq3A_425, %add3A_422, %select_n3A_364 : vector<16xi1>, vector<16xf32>
      %mul3A_427 = arith.constant 16 : i32
      %mul3A_428 = arith.muli %add3A_180, %mul3A_427 : i32
      %add3A_429 = arith.constant 4 : i32
      %add3A_430 = arith.addi %mul3A_428, %add3A_429 : i32
      %broadcast_in_dim3A_431 = arith.constant 0.000000e+00 : f32
      %broadcast_in_dim3A_432 = vector.broadcast %broadcast_in_dim3A_431 : f32 to vector<16xf32>
      %get3A_433 = arith.index_cast %add3A_430 : i32 to index
      %get3A_434 = arith.constant 0 : index
      %get3A_435 = tpu.vector_load %arg9[%get3A_433, %get3A_434] {strides = array<i32>} : memref<512x64xf32, #tpu.memory_space<vmem>>, vector<1x16xf32>,
      %get3A_436 = vector.shape_cast %get3A_435 : vector<1x16xf32> to vector<16xf32>
      %get3A_437 = arith.index_cast %add3A_430 : i32 to index
      %get3A_438 = arith.constant 0 : index
      %get3A_439 = tpu.vector_load %arg8[%get3A_437, %get3A_438] {strides = array<i32>} : memref<512x64xf32, #tpu.memory_space<vmem>>, vector<1x16xf32>,
      %get3A_440 = vector.shape_cast %get3A_439 : vector<1x16xf32> to vector<16xf32>
      %mul3A_441 = arith.mulf %get3A_436, %get3A_440 : vector<16xf32>
      %add3A_442 = arith.addf %broadcast_in_dim3A_432, %mul3A_441 : vector<16xf32>
      %get3A_443 = arith.index_cast %add3A_430 : i32 to index
      %get3A_444 = arith.constant 16 : index
      %get3A_445 = tpu.vector_load %arg9[%get3A_443, %get3A_444] {strides = array<i32>} : memref<512x64xf32, #tpu.memory_space<vmem>>, vector<1x16xf32>,
      %get3A_446 = vector.shape_cast %get3A_445 : vector<1x16xf32> to vector<16xf32>
      %get3A_447 = arith.index_cast %add3A_430 : i32 to index
      %get3A_448 = arith.constant 16 : index
      %get3A_449 = tpu.vector_load %arg8[%get3A_447, %get3A_448] {strides = array<i32>} : memref<512x64xf32, #tpu.memory_space<vmem>>, vector<1x16xf32>,
      %get3A_450 = vector.shape_cast %get3A_449 : vector<1x16xf32> to vector<16xf32>
      %mul3A_451 = arith.mulf %get3A_446, %get3A_450 : vector<16xf32>
      %add3A_452 = arith.addf %add3A_442, %mul3A_451 : vector<16xf32>
      %get3A_453 = arith.index_cast %add3A_430 : i32 to index
      %get3A_454 = arith.constant 32 : index
      %get3A_455 = tpu.vector_load %arg9[%get3A_453, %get3A_454] {strides = array<i32>} : memref<512x64xf32, #tpu.memory_space<vmem>>, vector<1x16xf32>,
      %get3A_456 = vector.shape_cast %get3A_455 : vector<1x16xf32> to vector<16xf32>
      %get3A_457 = arith.index_cast %add3A_430 : i32 to index
      %get3A_458 = arith.constant 32 : index
      %get3A_459 = tpu.vector_load %arg8[%get3A_457, %get3A_458] {strides = array<i32>} : memref<512x64xf32, #tpu.memory_space<vmem>>, vector<1x16xf32>,
      %get3A_460 = vector.shape_cast %get3A_459 : vector<1x16xf32> to vector<16xf32>
      %mul3A_461 = arith.mulf %get3A_456, %get3A_460 : vector<16xf32>
      %add3A_462 = arith.addf %add3A_452, %mul3A_461 : vector<16xf32>
      %get3A_463 = arith.index_cast %add3A_430 : i32 to index
      %get3A_464 = arith.constant 48 : index
      %get3A_465 = tpu.vector_load %arg9[%get3A_463, %get3A_464] {strides = array<i32>} : memref<512x64xf32, #tpu.memory_space<vmem>>, vector<1x16xf32>,
      %get3A_466 = vector.shape_cast %get3A_465 : vector<1x16xf32> to vector<16xf32>
      %get3A_467 = arith.index_cast %add3A_430 : i32 to index
      %get3A_468 = arith.constant 48 : index
      %get3A_469 = tpu.vector_load %arg8[%get3A_467, %get3A_468] {strides = array<i32>} : memref<512x64xf32, #tpu.memory_space<vmem>>, vector<1x16xf32>,
      %get3A_470 = vector.shape_cast %get3A_469 : vector<1x16xf32> to vector<16xf32>
      %mul3A_471 = arith.mulf %get3A_466, %get3A_470 : vector<16xf32>
      %add3A_472 = arith.addf %add3A_462, %mul3A_471 : vector<16xf32>
      %gather3A_473 = vector.shape_cast %broadcast_in_dim3A : vector<16x1xi32> to vector<16xi32>
      %gather3A_474 = tpu.dynamic_gather %add3A_472[%gather3A_473] in [0] : vector<16xf32>, vector<16xi32> -> vector<16xf32>
      %add3A_475 = arith.addf %add3A_472, %gather3A_474 : vector<16xf32>
      %gather3A_476 = vector.shape_cast %broadcast_in_dim3A_8 : vector<16x1xi32> to vector<16xi32>
      %gather3A_477 = tpu.dynamic_gather %add3A_475[%gather3A_476] in [0] : vector<16xf32>, vector<16xi32> -> vector<16xf32>
      %add3A_478 = arith.addf %add3A_475, %gather3A_477 : vector<16xf32>
      %gather3A_479 = vector.shape_cast %broadcast_in_dim3A_12 : vector<16x1xi32> to vector<16xi32>
      %gather3A_480 = tpu.dynamic_gather %add3A_478[%gather3A_479] in [0] : vector<16xf32>, vector<16xi32> -> vector<16xf32>
      %add3A_481 = arith.addf %add3A_478, %gather3A_480 : vector<16xf32>
      %gather3A_482 = vector.shape_cast %broadcast_in_dim3A_16 : vector<16x1xi32> to vector<16xi32>
      %gather3A_483 = tpu.dynamic_gather %add3A_481[%gather3A_482] in [0] : vector<16xf32>, vector<16xi32> -> vector<16xf32>
      %add3A_484 = arith.addf %add3A_481, %gather3A_483 : vector<16xf32>
      %eq3A_485 = arith.constant 4 : i32
      %eq3A_486 = vector.broadcast %eq3A_485 : i32 to vector<16xi32>
      %eq3A_487 = arith.cmpi eq, %iota3A, %eq3A_486 : vector<16xi32>
      %select_n3A_488 = arith.select %eq3A_487, %add3A_484, %select_n3A_426 : vector<16xi1>, vector<16xf32>
      %mul3A_489 = arith.constant 16 : i32
      %mul3A_490 = arith.muli %add3A_180, %mul3A_489 : i32
      %add3A_491 = arith.constant 5 : i32
      %add3A_492 = arith.addi %mul3A_490, %add3A_491 : i32
      %broadcast_in_dim3A_493 = arith.constant 0.000000e+00 : f32
      %broadcast_in_dim3A_494 = vector.broadcast %broadcast_in_dim3A_493 : f32 to vector<16xf32>
      %get3A_495 = arith.index_cast %add3A_492 : i32 to index
      %get3A_496 = arith.constant 0 : index
      %get3A_497 = tpu.vector_load %arg9[%get3A_495, %get3A_496] {strides = array<i32>} : memref<512x64xf32, #tpu.memory_space<vmem>>, vector<1x16xf32>,
      %get3A_498 = vector.shape_cast %get3A_497 : vector<1x16xf32> to vector<16xf32>
      %get3A_499 = arith.index_cast %add3A_492 : i32 to index
      %get3A_500 = arith.constant 0 : index
      %get3A_501 = tpu.vector_load %arg8[%get3A_499, %get3A_500] {strides = array<i32>} : memref<512x64xf32, #tpu.memory_space<vmem>>, vector<1x16xf32>,
      %get3A_502 = vector.shape_cast %get3A_501 : vector<1x16xf32> to vector<16xf32>
      %mul3A_503 = arith.mulf %get3A_498, %get3A_502 : vector<16xf32>
      %add3A_504 = arith.addf %broadcast_in_dim3A_494, %mul3A_503 : vector<16xf32>
      %get3A_505 = arith.index_cast %add3A_492 : i32 to index
      %get3A_506 = arith.constant 16 : index
      %get3A_507 = tpu.vector_load %arg9[%get3A_505, %get3A_506] {strides = array<i32>} : memref<512x64xf32, #tpu.memory_space<vmem>>, vector<1x16xf32>,
      %get3A_508 = vector.shape_cast %get3A_507 : vector<1x16xf32> to vector<16xf32>
      %get3A_509 = arith.index_cast %add3A_492 : i32 to index
      %get3A_510 = arith.constant 16 : index
      %get3A_511 = tpu.vector_load %arg8[%get3A_509, %get3A_510] {strides = array<i32>} : memref<512x64xf32, #tpu.memory_space<vmem>>, vector<1x16xf32>,
      %get3A_512 = vector.shape_cast %get3A_511 : vector<1x16xf32> to vector<16xf32>
      %mul3A_513 = arith.mulf %get3A_508, %get3A_512 : vector<16xf32>
      %add3A_514 = arith.addf %add3A_504, %mul3A_513 : vector<16xf32>
      %get3A_515 = arith.index_cast %add3A_492 : i32 to index
      %get3A_516 = arith.constant 32 : index
      %get3A_517 = tpu.vector_load %arg9[%get3A_515, %get3A_516] {strides = array<i32>} : memref<512x64xf32, #tpu.memory_space<vmem>>, vector<1x16xf32>,
      %get3A_518 = vector.shape_cast %get3A_517 : vector<1x16xf32> to vector<16xf32>
      %get3A_519 = arith.index_cast %add3A_492 : i32 to index
      %get3A_520 = arith.constant 32 : index
      %get3A_521 = tpu.vector_load %arg8[%get3A_519, %get3A_520] {strides = array<i32>} : memref<512x64xf32, #tpu.memory_space<vmem>>, vector<1x16xf32>,
      %get3A_522 = vector.shape_cast %get3A_521 : vector<1x16xf32> to vector<16xf32>
      %mul3A_523 = arith.mulf %get3A_518, %get3A_522 : vector<16xf32>
      %add3A_524 = arith.addf %add3A_514, %mul3A_523 : vector<16xf32>
      %get3A_525 = arith.index_cast %add3A_492 : i32 to index
      %get3A_526 = arith.constant 48 : index
      %get3A_527 = tpu.vector_load %arg9[%get3A_525, %get3A_526] {strides = array<i32>} : memref<512x64xf32, #tpu.memory_space<vmem>>, vector<1x16xf32>,
      %get3A_528 = vector.shape_cast %get3A_527 : vector<1x16xf32> to vector<16xf32>
      %get3A_529 = arith.index_cast %add3A_492 : i32 to index
      %get3A_530 = arith.constant 48 : index
      %get3A_531 = tpu.vector_load %arg8[%get3A_529, %get3A_530] {strides = array<i32>} : memref<512x64xf32, #tpu.memory_space<vmem>>, vector<1x16xf32>,
      %get3A_532 = vector.shape_cast %get3A_531 : vector<1x16xf32> to vector<16xf32>
      %mul3A_533 = arith.mulf %get3A_528, %get3A_532 : vector<16xf32>
      %add3A_534 = arith.addf %add3A_524, %mul3A_533 : vector<16xf32>
      %gather3A_535 = vector.shape_cast %broadcast_in_dim3A : vector<16x1xi32> to vector<16xi32>
      %gather3A_536 = tpu.dynamic_gather %add3A_534[%gather3A_535] in [0] : vector<16xf32>, vector<16xi32> -> vector<16xf32>
      %add3A_537 = arith.addf %add3A_534, %gather3A_536 : vector<16xf32>
      %gather3A_538 = vector.shape_cast %broadcast_in_dim3A_8 : vector<16x1xi32> to vector<16xi32>
      %gather3A_539 = tpu.dynamic_gather %add3A_537[%gather3A_538] in [0] : vector<16xf32>, vector<16xi32> -> vector<16xf32>
      %add3A_540 = arith.addf %add3A_537, %gather3A_539 : vector<16xf32>
      %gather3A_541 = vector.shape_cast %broadcast_in_dim3A_12 : vector<16x1xi32> to vector<16xi32>
      %gather3A_542 = tpu.dynamic_gather %add3A_540[%gather3A_541] in [0] : vector<16xf32>, vector<16xi32> -> vector<16xf32>
      %add3A_543 = arith.addf %add3A_540, %gather3A_542 : vector<16xf32>
      %gather3A_544 = vector.shape_cast %broadcast_in_dim3A_16 : vector<16x1xi32> to vector<16xi32>
      %gather3A_545 = tpu.dynamic_gather %add3A_543[%gather3A_544] in [0] : vector<16xf32>, vector<16xi32> -> vector<16xf32>
      %add3A_546 = arith.addf %add3A_543, %gather3A_545 : vector<16xf32>
      %eq3A_547 = arith.constant 5 : i32
      %eq3A_548 = vector.broadcast %eq3A_547 : i32 to vector<16xi32>
      %eq3A_549 = arith.cmpi eq, %iota3A, %eq3A_548 : vector<16xi32>
      %select_n3A_550 = arith.select %eq3A_549, %add3A_546, %select_n3A_488 : vector<16xi1>, vector<16xf32>
      %mul3A_551 = arith.constant 16 : i32
      %mul3A_552 = arith.muli %add3A_180, %mul3A_551 : i32
      %add3A_553 = arith.constant 6 : i32
      %add3A_554 = arith.addi %mul3A_552, %add3A_553 : i32
      %broadcast_in_dim3A_555 = arith.constant 0.000000e+00 : f32
      %broadcast_in_dim3A_556 = vector.broadcast %broadcast_in_dim3A_555 : f32 to vector<16xf32>
      %get3A_557 = arith.index_cast %add3A_554 : i32 to index
      %get3A_558 = arith.constant 0 : index
      %get3A_559 = tpu.vector_load %arg9[%get3A_557, %get3A_558] {strides = array<i32>} : memref<512x64xf32, #tpu.memory_space<vmem>>, vector<1x16xf32>,
      %get3A_560 = vector.shape_cast %get3A_559 : vector<1x16xf32> to vector<16xf32>
      %get3A_561 = arith.index_cast %add3A_554 : i32 to index
      %get3A_562 = arith.constant 0 : index
      %get3A_563 = tpu.vector_load %arg8[%get3A_561, %get3A_562] {strides = array<i32>} : memref<512x64xf32, #tpu.memory_space<vmem>>, vector<1x16xf32>,
      %get3A_564 = vector.shape_cast %get3A_563 : vector<1x16xf32> to vector<16xf32>
      %mul3A_565 = arith.mulf %get3A_560, %get3A_564 : vector<16xf32>
      %add3A_566 = arith.addf %broadcast_in_dim3A_556, %mul3A_565 : vector<16xf32>
      %get3A_567 = arith.index_cast %add3A_554 : i32 to index
      %get3A_568 = arith.constant 16 : index
      %get3A_569 = tpu.vector_load %arg9[%get3A_567, %get3A_568] {strides = array<i32>} : memref<512x64xf32, #tpu.memory_space<vmem>>, vector<1x16xf32>,
      %get3A_570 = vector.shape_cast %get3A_569 : vector<1x16xf32> to vector<16xf32>
      %get3A_571 = arith.index_cast %add3A_554 : i32 to index
      %get3A_572 = arith.constant 16 : index
      %get3A_573 = tpu.vector_load %arg8[%get3A_571, %get3A_572] {strides = array<i32>} : memref<512x64xf32, #tpu.memory_space<vmem>>, vector<1x16xf32>,
      %get3A_574 = vector.shape_cast %get3A_573 : vector<1x16xf32> to vector<16xf32>
      %mul3A_575 = arith.mulf %get3A_570, %get3A_574 : vector<16xf32>
      %add3A_576 = arith.addf %add3A_566, %mul3A_575 : vector<16xf32>
      %get3A_577 = arith.index_cast %add3A_554 : i32 to index
      %get3A_578 = arith.constant 32 : index
      %get3A_579 = tpu.vector_load %arg9[%get3A_577, %get3A_578] {strides = array<i32>} : memref<512x64xf32, #tpu.memory_space<vmem>>, vector<1x16xf32>,
      %get3A_580 = vector.shape_cast %get3A_579 : vector<1x16xf32> to vector<16xf32>
      %get3A_581 = arith.index_cast %add3A_554 : i32 to index
      %get3A_582 = arith.constant 32 : index
      %get3A_583 = tpu.vector_load %arg8[%get3A_581, %get3A_582] {strides = array<i32>} : memref<512x64xf32, #tpu.memory_space<vmem>>, vector<1x16xf32>,
      %get3A_584 = vector.shape_cast %get3A_583 : vector<1x16xf32> to vector<16xf32>
      %mul3A_585 = arith.mulf %get3A_580, %get3A_584 : vector<16xf32>
      %add3A_586 = arith.addf %add3A_576, %mul3A_585 : vector<16xf32>
      %get3A_587 = arith.index_cast %add3A_554 : i32 to index
      %get3A_588 = arith.constant 48 : index
      %get3A_589 = tpu.vector_load %arg9[%get3A_587, %get3A_588] {strides = array<i32>} : memref<512x64xf32, #tpu.memory_space<vmem>>, vector<1x16xf32>,
      %get3A_590 = vector.shape_cast %get3A_589 : vector<1x16xf32> to vector<16xf32>
      %get3A_591 = arith.index_cast %add3A_554 : i32 to index
      %get3A_592 = arith.constant 48 : index
      %get3A_593 = tpu.vector_load %arg8[%get3A_591, %get3A_592] {strides = array<i32>} : memref<512x64xf32, #tpu.memory_space<vmem>>, vector<1x16xf32>,
      %get3A_594 = vector.shape_cast %get3A_593 : vector<1x16xf32> to vector<16xf32>
      %mul3A_595 = arith.mulf %get3A_590, %get3A_594 : vector<16xf32>
      %add3A_596 = arith.addf %add3A_586, %mul3A_595 : vector<16xf32>
      %gather3A_597 = vector.shape_cast %broadcast_in_dim3A : vector<16x1xi32> to vector<16xi32>
      %gather3A_598 = tpu.dynamic_gather %add3A_596[%gather3A_597] in [0] : vector<16xf32>, vector<16xi32> -> vector<16xf32>
      %add3A_599 = arith.addf %add3A_596, %gather3A_598 : vector<16xf32>
      %gather3A_600 = vector.shape_cast %broadcast_in_dim3A_8 : vector<16x1xi32> to vector<16xi32>
      %gather3A_601 = tpu.dynamic_gather %add3A_599[%gather3A_600] in [0] : vector<16xf32>, vector<16xi32> -> vector<16xf32>
      %add3A_602 = arith.addf %add3A_599, %gather3A_601 : vector<16xf32>
      %gather3A_603 = vector.shape_cast %broadcast_in_dim3A_12 : vector<16x1xi32> to vector<16xi32>
      %gather3A_604 = tpu.dynamic_gather %add3A_602[%gather3A_603] in [0] : vector<16xf32>, vector<16xi32> -> vector<16xf32>
      %add3A_605 = arith.addf %add3A_602, %gather3A_604 : vector<16xf32>
      %gather3A_606 = vector.shape_cast %broadcast_in_dim3A_16 : vector<16x1xi32> to vector<16xi32>
      %gather3A_607 = tpu.dynamic_gather %add3A_605[%gather3A_606] in [0] : vector<16xf32>, vector<16xi32> -> vector<16xf32>
      %add3A_608 = arith.addf %add3A_605, %gather3A_607 : vector<16xf32>
      %eq3A_609 = arith.constant 6 : i32
      %eq3A_610 = vector.broadcast %eq3A_609 : i32 to vector<16xi32>
      %eq3A_611 = arith.cmpi eq, %iota3A, %eq3A_610 : vector<16xi32>
      %select_n3A_612 = arith.select %eq3A_611, %add3A_608, %select_n3A_550 : vector<16xi1>, vector<16xf32>
      %mul3A_613 = arith.constant 16 : i32
      %mul3A_614 = arith.muli %add3A_180, %mul3A_613 : i32
      %add3A_615 = arith.constant 7 : i32
      %add3A_616 = arith.addi %mul3A_614, %add3A_615 : i32
      %broadcast_in_dim3A_617 = arith.constant 0.000000e+00 : f32
      %broadcast_in_dim3A_618 = vector.broadcast %broadcast_in_dim3A_617 : f32 to vector<16xf32>
      %get3A_619 = arith.index_cast %add3A_616 : i32 to index
      %get3A_620 = arith.constant 0 : index
      %get3A_621 = tpu.vector_load %arg9[%get3A_619, %get3A_620] {strides = array<i32>} : memref<512x64xf32, #tpu.memory_space<vmem>>, vector<1x16xf32>,
      %get3A_622 = vector.shape_cast %get3A_621 : vector<1x16xf32> to vector<16xf32>
      %get3A_623 = arith.index_cast %add3A_616 : i32 to index
      %get3A_624 = arith.constant 0 : index
      %get3A_625 = tpu.vector_load %arg8[%get3A_623, %get3A_624] {strides = array<i32>} : memref<512x64xf32, #tpu.memory_space<vmem>>, vector<1x16xf32>,
      %get3A_626 = vector.shape_cast %get3A_625 : vector<1x16xf32> to vector<16xf32>
      %mul3A_627 = arith.mulf %get3A_622, %get3A_626 : vector<16xf32>
      %add3A_628 = arith.addf %broadcast_in_dim3A_618, %mul3A_627 : vector<16xf32>
      %get3A_629 = arith.index_cast %add3A_616 : i32 to index
      %get3A_630 = arith.constant 16 : index
      %get3A_631 = tpu.vector_load %arg9[%get3A_629, %get3A_630] {strides = array<i32>} : memref<512x64xf32, #tpu.memory_space<vmem>>, vector<1x16xf32>,
      %get3A_632 = vector.shape_cast %get3A_631 : vector<1x16xf32> to vector<16xf32>
      %get3A_633 = arith.index_cast %add3A_616 : i32 to index
      %get3A_634 = arith.constant 16 : index
      %get3A_635 = tpu.vector_load %arg8[%get3A_633, %get3A_634] {strides = array<i32>} : memref<512x64xf32, #tpu.memory_space<vmem>>, vector<1x16xf32>,
      %get3A_636 = vector.shape_cast %get3A_635 : vector<1x16xf32> to vector<16xf32>
      %mul3A_637 = arith.mulf %get3A_632, %get3A_636 : vector<16xf32>
      %add3A_638 = arith.addf %add3A_628, %mul3A_637 : vector<16xf32>
      %get3A_639 = arith.index_cast %add3A_616 : i32 to index
      %get3A_640 = arith.constant 32 : index
      %get3A_641 = tpu.vector_load %arg9[%get3A_639, %get3A_640] {strides = array<i32>} : memref<512x64xf32, #tpu.memory_space<vmem>>, vector<1x16xf32>,
      %get3A_642 = vector.shape_cast %get3A_641 : vector<1x16xf32> to vector<16xf32>
      %get3A_643 = arith.index_cast %add3A_616 : i32 to index
      %get3A_644 = arith.constant 32 : index
      %get3A_645 = tpu.vector_load %arg8[%get3A_643, %get3A_644] {strides = array<i32>} : memref<512x64xf32, #tpu.memory_space<vmem>>, vector<1x16xf32>,
      %get3A_646 = vector.shape_cast %get3A_645 : vector<1x16xf32> to vector<16xf32>
      %mul3A_647 = arith.mulf %get3A_642, %get3A_646 : vector<16xf32>
      %add3A_648 = arith.addf %add3A_638, %mul3A_647 : vector<16xf32>
      %get3A_649 = arith.index_cast %add3A_616 : i32 to index
      %get3A_650 = arith.constant 48 : index
      %get3A_651 = tpu.vector_load %arg9[%get3A_649, %get3A_650] {strides = array<i32>} : memref<512x64xf32, #tpu.memory_space<vmem>>, vector<1x16xf32>,
      %get3A_652 = vector.shape_cast %get3A_651 : vector<1x16xf32> to vector<16xf32>
      %get3A_653 = arith.index_cast %add3A_616 : i32 to index
      %get3A_654 = arith.constant 48 : index
      %get3A_655 = tpu.vector_load %arg8[%get3A_653, %get3A_654] {strides = array<i32>} : memref<512x64xf32, #tpu.memory_space<vmem>>, vector<1x16xf32>,
      %get3A_656 = vector.shape_cast %get3A_655 : vector<1x16xf32> to vector<16xf32>
      %mul3A_657 = arith.mulf %get3A_652, %get3A_656 : vector<16xf32>
      %add3A_658 = arith.addf %add3A_648, %mul3A_657 : vector<16xf32>
      %gather3A_659 = vector.shape_cast %broadcast_in_dim3A : vector<16x1xi32> to vector<16xi32>
      %gather3A_660 = tpu.dynamic_gather %add3A_658[%gather3A_659] in [0] : vector<16xf32>, vector<16xi32> -> vector<16xf32>
      %add3A_661 = arith.addf %add3A_658, %gather3A_660 : vector<16xf32>
      %gather3A_662 = vector.shape_cast %broadcast_in_dim3A_8 : vector<16x1xi32> to vector<16xi32>
      %gather3A_663 = tpu.dynamic_gather %add3A_661[%gather3A_662] in [0] : vector<16xf32>, vector<16xi32> -> vector<16xf32>
      %add3A_664 = arith.addf %add3A_661, %gather3A_663 : vector<16xf32>
      %gather3A_665 = vector.shape_cast %broadcast_in_dim3A_12 : vector<16x1xi32> to vector<16xi32>
      %gather3A_666 = tpu.dynamic_gather %add3A_664[%gather3A_665] in [0] : vector<16xf32>, vector<16xi32> -> vector<16xf32>
      %add3A_667 = arith.addf %add3A_664, %gather3A_666 : vector<16xf32>
      %gather3A_668 = vector.shape_cast %broadcast_in_dim3A_16 : vector<16x1xi32> to vector<16xi32>
      %gather3A_669 = tpu.dynamic_gather %add3A_667[%gather3A_668] in [0] : vector<16xf32>, vector<16xi32> -> vector<16xf32>
      %add3A_670 = arith.addf %add3A_667, %gather3A_669 : vector<16xf32>
      %eq3A_671 = arith.constant 7 : i32
      %eq3A_672 = vector.broadcast %eq3A_671 : i32 to vector<16xi32>
      %eq3A_673 = arith.cmpi eq, %iota3A, %eq3A_672 : vector<16xi32>
      %select_n3A_674 = arith.select %eq3A_673, %add3A_670, %select_n3A_612 : vector<16xi1>, vector<16xf32>
      %mul3A_675 = arith.constant 16 : i32
      %mul3A_676 = arith.muli %add3A_180, %mul3A_675 : i32
      %add3A_677 = arith.constant 8 : i32
      %add3A_678 = arith.addi %mul3A_676, %add3A_677 : i32
      %broadcast_in_dim3A_679 = arith.constant 0.000000e+00 : f32
      %broadcast_in_dim3A_680 = vector.broadcast %broadcast_in_dim3A_679 : f32 to vector<16xf32>
      %get3A_681 = arith.index_cast %add3A_678 : i32 to index
      %get3A_682 = arith.constant 0 : index
      %get3A_683 = tpu.vector_load %arg9[%get3A_681, %get3A_682] {strides = array<i32>} : memref<512x64xf32, #tpu.memory_space<vmem>>, vector<1x16xf32>,
      %get3A_684 = vector.shape_cast %get3A_683 : vector<1x16xf32> to vector<16xf32>
      %get3A_685 = arith.index_cast %add3A_678 : i32 to index
      %get3A_686 = arith.constant 0 : index
      %get3A_687 = tpu.vector_load %arg8[%get3A_685, %get3A_686] {strides = array<i32>} : memref<512x64xf32, #tpu.memory_space<vmem>>, vector<1x16xf32>,
      %get3A_688 = vector.shape_cast %get3A_687 : vector<1x16xf32> to vector<16xf32>
      %mul3A_689 = arith.mulf %get3A_684, %get3A_688 : vector<16xf32>
      %add3A_690 = arith.addf %broadcast_in_dim3A_680, %mul3A_689 : vector<16xf32>
      %get3A_691 = arith.index_cast %add3A_678 : i32 to index
      %get3A_692 = arith.constant 16 : index
      %get3A_693 = tpu.vector_load %arg9[%get3A_691, %get3A_692] {strides = array<i32>} : memref<512x64xf32, #tpu.memory_space<vmem>>, vector<1x16xf32>,
      %get3A_694 = vector.shape_cast %get3A_693 : vector<1x16xf32> to vector<16xf32>
      %get3A_695 = arith.index_cast %add3A_678 : i32 to index
      %get3A_696 = arith.constant 16 : index
      %get3A_697 = tpu.vector_load %arg8[%get3A_695, %get3A_696] {strides = array<i32>} : memref<512x64xf32, #tpu.memory_space<vmem>>, vector<1x16xf32>,
      %get3A_698 = vector.shape_cast %get3A_697 : vector<1x16xf32> to vector<16xf32>
      %mul3A_699 = arith.mulf %get3A_694, %get3A_698 : vector<16xf32>
      %add3A_700 = arith.addf %add3A_690, %mul3A_699 : vector<16xf32>
      %get3A_701 = arith.index_cast %add3A_678 : i32 to index
      %get3A_702 = arith.constant 32 : index
      %get3A_703 = tpu.vector_load %arg9[%get3A_701, %get3A_702] {strides = array<i32>} : memref<512x64xf32, #tpu.memory_space<vmem>>, vector<1x16xf32>,
      %get3A_704 = vector.shape_cast %get3A_703 : vector<1x16xf32> to vector<16xf32>
      %get3A_705 = arith.index_cast %add3A_678 : i32 to index
      %get3A_706 = arith.constant 32 : index
      %get3A_707 = tpu.vector_load %arg8[%get3A_705, %get3A_706] {strides = array<i32>} : memref<512x64xf32, #tpu.memory_space<vmem>>, vector<1x16xf32>,
      %get3A_708 = vector.shape_cast %get3A_707 : vector<1x16xf32> to vector<16xf32>
      %mul3A_709 = arith.mulf %get3A_704, %get3A_708 : vector<16xf32>
      %add3A_710 = arith.addf %add3A_700, %mul3A_709 : vector<16xf32>
      %get3A_711 = arith.index_cast %add3A_678 : i32 to index
      %get3A_712 = arith.constant 48 : index
      %get3A_713 = tpu.vector_load %arg9[%get3A_711, %get3A_712] {strides = array<i32>} : memref<512x64xf32, #tpu.memory_space<vmem>>, vector<1x16xf32>,
      %get3A_714 = vector.shape_cast %get3A_713 : vector<1x16xf32> to vector<16xf32>
      %get3A_715 = arith.index_cast %add3A_678 : i32 to index
      %get3A_716 = arith.constant 48 : index
      %get3A_717 = tpu.vector_load %arg8[%get3A_715, %get3A_716] {strides = array<i32>} : memref<512x64xf32, #tpu.memory_space<vmem>>, vector<1x16xf32>,
      %get3A_718 = vector.shape_cast %get3A_717 : vector<1x16xf32> to vector<16xf32>
      %mul3A_719 = arith.mulf %get3A_714, %get3A_718 : vector<16xf32>
      %add3A_720 = arith.addf %add3A_710, %mul3A_719 : vector<16xf32>
      %gather3A_721 = vector.shape_cast %broadcast_in_dim3A : vector<16x1xi32> to vector<16xi32>
      %gather3A_722 = tpu.dynamic_gather %add3A_720[%gather3A_721] in [0] : vector<16xf32>, vector<16xi32> -> vector<16xf32>
      %add3A_723 = arith.addf %add3A_720, %gather3A_722 : vector<16xf32>
      %gather3A_724 = vector.shape_cast %broadcast_in_dim3A_8 : vector<16x1xi32> to vector<16xi32>
      %gather3A_725 = tpu.dynamic_gather %add3A_723[%gather3A_724] in [0] : vector<16xf32>, vector<16xi32> -> vector<16xf32>
      %add3A_726 = arith.addf %add3A_723, %gather3A_725 : vector<16xf32>
      %gather3A_727 = vector.shape_cast %broadcast_in_dim3A_12 : vector<16x1xi32> to vector<16xi32>
      %gather3A_728 = tpu.dynamic_gather %add3A_726[%gather3A_727] in [0] : vector<16xf32>, vector<16xi32> -> vector<16xf32>
      %add3A_729 = arith.addf %add3A_726, %gather3A_728 : vector<16xf32>
      %gather3A_730 = vector.shape_cast %broadcast_in_dim3A_16 : vector<16x1xi32> to vector<16xi32>
      %gather3A_731 = tpu.dynamic_gather %add3A_729[%gather3A_730] in [0] : vector<16xf32>, vector<16xi32> -> vector<16xf32>
      %add3A_732 = arith.addf %add3A_729, %gather3A_731 : vector<16xf32>
      %eq3A_733 = arith.constant 8 : i32
      %eq3A_734 = vector.broadcast %eq3A_733 : i32 to vector<16xi32>
      %eq3A_735 = arith.cmpi eq, %iota3A, %eq3A_734 : vector<16xi32>
      %select_n3A_736 = arith.select %eq3A_735, %add3A_732, %select_n3A_674 : vector<16xi1>, vector<16xf32>
      %mul3A_737 = arith.constant 16 : i32
      %mul3A_738 = arith.muli %add3A_180, %mul3A_737 : i32
      %add3A_739 = arith.constant 9 : i32
      %add3A_740 = arith.addi %mul3A_738, %add3A_739 : i32
      %broadcast_in_dim3A_741 = arith.constant 0.000000e+00 : f32
      %broadcast_in_dim3A_742 = vector.broadcast %broadcast_in_dim3A_741 : f32 to vector<16xf32>
      %get3A_743 = arith.index_cast %add3A_740 : i32 to index
      %get3A_744 = arith.constant 0 : index
      %get3A_745 = tpu.vector_load %arg9[%get3A_743, %get3A_744] {strides = array<i32>} : memref<512x64xf32, #tpu.memory_space<vmem>>, vector<1x16xf32>,
      %get3A_746 = vector.shape_cast %get3A_745 : vector<1x16xf32> to vector<16xf32>
      %get3A_747 = arith.index_cast %add3A_740 : i32 to index
      %get3A_748 = arith.constant 0 : index
      %get3A_749 = tpu.vector_load %arg8[%get3A_747, %get3A_748] {strides = array<i32>} : memref<512x64xf32, #tpu.memory_space<vmem>>, vector<1x16xf32>,
      %get3A_750 = vector.shape_cast %get3A_749 : vector<1x16xf32> to vector<16xf32>
      %mul3A_751 = arith.mulf %get3A_746, %get3A_750 : vector<16xf32>
      %add3A_752 = arith.addf %broadcast_in_dim3A_742, %mul3A_751 : vector<16xf32>
      %get3A_753 = arith.index_cast %add3A_740 : i32 to index
      %get3A_754 = arith.constant 16 : index
      %get3A_755 = tpu.vector_load %arg9[%get3A_753, %get3A_754] {strides = array<i32>} : memref<512x64xf32, #tpu.memory_space<vmem>>, vector<1x16xf32>,
      %get3A_756 = vector.shape_cast %get3A_755 : vector<1x16xf32> to vector<16xf32>
      %get3A_757 = arith.index_cast %add3A_740 : i32 to index
      %get3A_758 = arith.constant 16 : index
      %get3A_759 = tpu.vector_load %arg8[%get3A_757, %get3A_758] {strides = array<i32>} : memref<512x64xf32, #tpu.memory_space<vmem>>, vector<1x16xf32>,
      %get3A_760 = vector.shape_cast %get3A_759 : vector<1x16xf32> to vector<16xf32>
      %mul3A_761 = arith.mulf %get3A_756, %get3A_760 : vector<16xf32>
      %add3A_762 = arith.addf %add3A_752, %mul3A_761 : vector<16xf32>
      %get3A_763 = arith.index_cast %add3A_740 : i32 to index
      %get3A_764 = arith.constant 32 : index
      %get3A_765 = tpu.vector_load %arg9[%get3A_763, %get3A_764] {strides = array<i32>} : memref<512x64xf32, #tpu.memory_space<vmem>>, vector<1x16xf32>,
      %get3A_766 = vector.shape_cast %get3A_765 : vector<1x16xf32> to vector<16xf32>
      %get3A_767 = arith.index_cast %add3A_740 : i32 to index
      %get3A_768 = arith.constant 32 : index
      %get3A_769 = tpu.vector_load %arg8[%get3A_767, %get3A_768] {strides = array<i32>} : memref<512x64xf32, #tpu.memory_space<vmem>>, vector<1x16xf32>,
      %get3A_770 = vector.shape_cast %get3A_769 : vector<1x16xf32> to vector<16xf32>
      %mul3A_771 = arith.mulf %get3A_766, %get3A_770 : vector<16xf32>
      %add3A_772 = arith.addf %add3A_762, %mul3A_771 : vector<16xf32>
      %get3A_773 = arith.index_cast %add3A_740 : i32 to index
      %get3A_774 = arith.constant 48 : index
      %get3A_775 = tpu.vector_load %arg9[%get3A_773, %get3A_774] {strides = array<i32>} : memref<512x64xf32, #tpu.memory_space<vmem>>, vector<1x16xf32>,
      %get3A_776 = vector.shape_cast %get3A_775 : vector<1x16xf32> to vector<16xf32>
      %get3A_777 = arith.index_cast %add3A_740 : i32 to index
      %get3A_778 = arith.constant 48 : index
      %get3A_779 = tpu.vector_load %arg8[%get3A_777, %get3A_778] {strides = array<i32>} : memref<512x64xf32, #tpu.memory_space<vmem>>, vector<1x16xf32>,
      %get3A_780 = vector.shape_cast %get3A_779 : vector<1x16xf32> to vector<16xf32>
      %mul3A_781 = arith.mulf %get3A_776, %get3A_780 : vector<16xf32>
      %add3A_782 = arith.addf %add3A_772, %mul3A_781 : vector<16xf32>
      %gather3A_783 = vector.shape_cast %broadcast_in_dim3A : vector<16x1xi32> to vector<16xi32>
      %gather3A_784 = tpu.dynamic_gather %add3A_782[%gather3A_783] in [0] : vector<16xf32>, vector<16xi32> -> vector<16xf32>
      %add3A_785 = arith.addf %add3A_782, %gather3A_784 : vector<16xf32>
      %gather3A_786 = vector.shape_cast %broadcast_in_dim3A_8 : vector<16x1xi32> to vector<16xi32>
      %gather3A_787 = tpu.dynamic_gather %add3A_785[%gather3A_786] in [0] : vector<16xf32>, vector<16xi32> -> vector<16xf32>
      %add3A_788 = arith.addf %add3A_785, %gather3A_787 : vector<16xf32>
      %gather3A_789 = vector.shape_cast %broadcast_in_dim3A_12 : vector<16x1xi32> to vector<16xi32>
      %gather3A_790 = tpu.dynamic_gather %add3A_788[%gather3A_789] in [0] : vector<16xf32>, vector<16xi32> -> vector<16xf32>
      %add3A_791 = arith.addf %add3A_788, %gather3A_790 : vector<16xf32>
      %gather3A_792 = vector.shape_cast %broadcast_in_dim3A_16 : vector<16x1xi32> to vector<16xi32>
      %gather3A_793 = tpu.dynamic_gather %add3A_791[%gather3A_792] in [0] : vector<16xf32>, vector<16xi32> -> vector<16xf32>
      %add3A_794 = arith.addf %add3A_791, %gather3A_793 : vector<16xf32>
      %eq3A_795 = arith.constant 9 : i32
      %eq3A_796 = vector.broadcast %eq3A_795 : i32 to vector<16xi32>
      %eq3A_797 = arith.cmpi eq, %iota3A, %eq3A_796 : vector<16xi32>
      %select_n3A_798 = arith.select %eq3A_797, %add3A_794, %select_n3A_736 : vector<16xi1>, vector<16xf32>
      %mul3A_799 = arith.constant 16 : i32
      %mul3A_800 = arith.muli %add3A_180, %mul3A_799 : i32
      %add3A_801 = arith.constant 10 : i32
      %add3A_802 = arith.addi %mul3A_800, %add3A_801 : i32
      %broadcast_in_dim3A_803 = arith.constant 0.000000e+00 : f32
      %broadcast_in_dim3A_804 = vector.broadcast %broadcast_in_dim3A_803 : f32 to vector<16xf32>
      %get3A_805 = arith.index_cast %add3A_802 : i32 to index
      %get3A_806 = arith.constant 0 : index
      %get3A_807 = tpu.vector_load %arg9[%get3A_805, %get3A_806] {strides = array<i32>} : memref<512x64xf32, #tpu.memory_space<vmem>>, vector<1x16xf32>,
      %get3A_808 = vector.shape_cast %get3A_807 : vector<1x16xf32> to vector<16xf32>
      %get3A_809 = arith.index_cast %add3A_802 : i32 to index
      %get3A_810 = arith.constant 0 : index
      %get3A_811 = tpu.vector_load %arg8[%get3A_809, %get3A_810] {strides = array<i32>} : memref<512x64xf32, #tpu.memory_space<vmem>>, vector<1x16xf32>,
      %get3A_812 = vector.shape_cast %get3A_811 : vector<1x16xf32> to vector<16xf32>
      %mul3A_813 = arith.mulf %get3A_808, %get3A_812 : vector<16xf32>
      %add3A_814 = arith.addf %broadcast_in_dim3A_804, %mul3A_813 : vector<16xf32>
      %get3A_815 = arith.index_cast %add3A_802 : i32 to index
      %get3A_816 = arith.constant 16 : index
      %get3A_817 = tpu.vector_load %arg9[%get3A_815, %get3A_816] {strides = array<i32>} : memref<512x64xf32, #tpu.memory_space<vmem>>, vector<1x16xf32>,
      %get3A_818 = vector.shape_cast %get3A_817 : vector<1x16xf32> to vector<16xf32>
      %get3A_819 = arith.index_cast %add3A_802 : i32 to index
      %get3A_820 = arith.constant 16 : index
      %get3A_821 = tpu.vector_load %arg8[%get3A_819, %get3A_820] {strides = array<i32>} : memref<512x64xf32, #tpu.memory_space<vmem>>, vector<1x16xf32>,
      %get3A_822 = vector.shape_cast %get3A_821 : vector<1x16xf32> to vector<16xf32>
      %mul3A_823 = arith.mulf %get3A_818, %get3A_822 : vector<16xf32>
      %add3A_824 = arith.addf %add3A_814, %mul3A_823 : vector<16xf32>
      %get3A_825 = arith.index_cast %add3A_802 : i32 to index
      %get3A_826 = arith.constant 32 : index
      %get3A_827 = tpu.vector_load %arg9[%get3A_825, %get3A_826] {strides = array<i32>} : memref<512x64xf32, #tpu.memory_space<vmem>>, vector<1x16xf32>,
      %get3A_828 = vector.shape_cast %get3A_827 : vector<1x16xf32> to vector<16xf32>
      %get3A_829 = arith.index_cast %add3A_802 : i32 to index
      %get3A_830 = arith.constant 32 : index
      %get3A_831 = tpu.vector_load %arg8[%get3A_829, %get3A_830] {strides = array<i32>} : memref<512x64xf32, #tpu.memory_space<vmem>>, vector<1x16xf32>,
      %get3A_832 = vector.shape_cast %get3A_831 : vector<1x16xf32> to vector<16xf32>
      %mul3A_833 = arith.mulf %get3A_828, %get3A_832 : vector<16xf32>
      %add3A_834 = arith.addf %add3A_824, %mul3A_833 : vector<16xf32>
      %get3A_835 = arith.index_cast %add3A_802 : i32 to index
      %get3A_836 = arith.constant 48 : index
      %get3A_837 = tpu.vector_load %arg9[%get3A_835, %get3A_836] {strides = array<i32>} : memref<512x64xf32, #tpu.memory_space<vmem>>, vector<1x16xf32>,
      %get3A_838 = vector.shape_cast %get3A_837 : vector<1x16xf32> to vector<16xf32>
      %get3A_839 = arith.index_cast %add3A_802 : i32 to index
      %get3A_840 = arith.constant 48 : index
      %get3A_841 = tpu.vector_load %arg8[%get3A_839, %get3A_840] {strides = array<i32>} : memref<512x64xf32, #tpu.memory_space<vmem>>, vector<1x16xf32>,
      %get3A_842 = vector.shape_cast %get3A_841 : vector<1x16xf32> to vector<16xf32>
      %mul3A_843 = arith.mulf %get3A_838, %get3A_842 : vector<16xf32>
      %add3A_844 = arith.addf %add3A_834, %mul3A_843 : vector<16xf32>
      %gather3A_845 = vector.shape_cast %broadcast_in_dim3A : vector<16x1xi32> to vector<16xi32>
      %gather3A_846 = tpu.dynamic_gather %add3A_844[%gather3A_845] in [0] : vector<16xf32>, vector<16xi32> -> vector<16xf32>
      %add3A_847 = arith.addf %add3A_844, %gather3A_846 : vector<16xf32>
      %gather3A_848 = vector.shape_cast %broadcast_in_dim3A_8 : vector<16x1xi32> to vector<16xi32>
      %gather3A_849 = tpu.dynamic_gather %add3A_847[%gather3A_848] in [0] : vector<16xf32>, vector<16xi32> -> vector<16xf32>
      %add3A_850 = arith.addf %add3A_847, %gather3A_849 : vector<16xf32>
      %gather3A_851 = vector.shape_cast %broadcast_in_dim3A_12 : vector<16x1xi32> to vector<16xi32>
      %gather3A_852 = tpu.dynamic_gather %add3A_850[%gather3A_851] in [0] : vector<16xf32>, vector<16xi32> -> vector<16xf32>
      %add3A_853 = arith.addf %add3A_850, %gather3A_852 : vector<16xf32>
      %gather3A_854 = vector.shape_cast %broadcast_in_dim3A_16 : vector<16x1xi32> to vector<16xi32>
      %gather3A_855 = tpu.dynamic_gather %add3A_853[%gather3A_854] in [0] : vector<16xf32>, vector<16xi32> -> vector<16xf32>
      %add3A_856 = arith.addf %add3A_853, %gather3A_855 : vector<16xf32>
      %eq3A_857 = arith.constant 10 : i32
      %eq3A_858 = vector.broadcast %eq3A_857 : i32 to vector<16xi32>
      %eq3A_859 = arith.cmpi eq, %iota3A, %eq3A_858 : vector<16xi32>
      %select_n3A_860 = arith.select %eq3A_859, %add3A_856, %select_n3A_798 : vector<16xi1>, vector<16xf32>
      %mul3A_861 = arith.constant 16 : i32
      %mul3A_862 = arith.muli %add3A_180, %mul3A_861 : i32
      %add3A_863 = arith.constant 11 : i32
      %add3A_864 = arith.addi %mul3A_862, %add3A_863 : i32
      %broadcast_in_dim3A_865 = arith.constant 0.000000e+00 : f32
      %broadcast_in_dim3A_866 = vector.broadcast %broadcast_in_dim3A_865 : f32 to vector<16xf32>
      %get3A_867 = arith.index_cast %add3A_864 : i32 to index
      %get3A_868 = arith.constant 0 : index
      %get3A_869 = tpu.vector_load %arg9[%get3A_867, %get3A_868] {strides = array<i32>} : memref<512x64xf32, #tpu.memory_space<vmem>>, vector<1x16xf32>,
      %get3A_870 = vector.shape_cast %get3A_869 : vector<1x16xf32> to vector<16xf32>
      %get3A_871 = arith.index_cast %add3A_864 : i32 to index
      %get3A_872 = arith.constant 0 : index
      %get3A_873 = tpu.vector_load %arg8[%get3A_871, %get3A_872] {strides = array<i32>} : memref<512x64xf32, #tpu.memory_space<vmem>>, vector<1x16xf32>,
      %get3A_874 = vector.shape_cast %get3A_873 : vector<1x16xf32> to vector<16xf32>
      %mul3A_875 = arith.mulf %get3A_870, %get3A_874 : vector<16xf32>
      %add3A_876 = arith.addf %broadcast_in_dim3A_866, %mul3A_875 : vector<16xf32>
      %get3A_877 = arith.index_cast %add3A_864 : i32 to index
      %get3A_878 = arith.constant 16 : index
      %get3A_879 = tpu.vector_load %arg9[%get3A_877, %get3A_878] {strides = array<i32>} : memref<512x64xf32, #tpu.memory_space<vmem>>, vector<1x16xf32>,
      %get3A_880 = vector.shape_cast %get3A_879 : vector<1x16xf32> to vector<16xf32>
      %get3A_881 = arith.index_cast %add3A_864 : i32 to index
      %get3A_882 = arith.constant 16 : index
      %get3A_883 = tpu.vector_load %arg8[%get3A_881, %get3A_882] {strides = array<i32>} : memref<512x64xf32, #tpu.memory_space<vmem>>, vector<1x16xf32>,
      %get3A_884 = vector.shape_cast %get3A_883 : vector<1x16xf32> to vector<16xf32>
      %mul3A_885 = arith.mulf %get3A_880, %get3A_884 : vector<16xf32>
      %add3A_886 = arith.addf %add3A_876, %mul3A_885 : vector<16xf32>
      %get3A_887 = arith.index_cast %add3A_864 : i32 to index
      %get3A_888 = arith.constant 32 : index
      %get3A_889 = tpu.vector_load %arg9[%get3A_887, %get3A_888] {strides = array<i32>} : memref<512x64xf32, #tpu.memory_space<vmem>>, vector<1x16xf32>,
      %get3A_890 = vector.shape_cast %get3A_889 : vector<1x16xf32> to vector<16xf32>
      %get3A_891 = arith.index_cast %add3A_864 : i32 to index
      %get3A_892 = arith.constant 32 : index
      %get3A_893 = tpu.vector_load %arg8[%get3A_891, %get3A_892] {strides = array<i32>} : memref<512x64xf32, #tpu.memory_space<vmem>>, vector<1x16xf32>,
      %get3A_894 = vector.shape_cast %get3A_893 : vector<1x16xf32> to vector<16xf32>
      %mul3A_895 = arith.mulf %get3A_890, %get3A_894 : vector<16xf32>
      %add3A_896 = arith.addf %add3A_886, %mul3A_895 : vector<16xf32>
      %get3A_897 = arith.index_cast %add3A_864 : i32 to index
      %get3A_898 = arith.constant 48 : index
      %get3A_899 = tpu.vector_load %arg9[%get3A_897, %get3A_898] {strides = array<i32>} : memref<512x64xf32, #tpu.memory_space<vmem>>, vector<1x16xf32>,
      %get3A_900 = vector.shape_cast %get3A_899 : vector<1x16xf32> to vector<16xf32>
      %get3A_901 = arith.index_cast %add3A_864 : i32 to index
      %get3A_902 = arith.constant 48 : index
      %get3A_903 = tpu.vector_load %arg8[%get3A_901, %get3A_902] {strides = array<i32>} : memref<512x64xf32, #tpu.memory_space<vmem>>, vector<1x16xf32>,
      %get3A_904 = vector.shape_cast %get3A_903 : vector<1x16xf32> to vector<16xf32>
      %mul3A_905 = arith.mulf %get3A_900, %get3A_904 : vector<16xf32>
      %add3A_906 = arith.addf %add3A_896, %mul3A_905 : vector<16xf32>
      %gather3A_907 = vector.shape_cast %broadcast_in_dim3A : vector<16x1xi32> to vector<16xi32>
      %gather3A_908 = tpu.dynamic_gather %add3A_906[%gather3A_907] in [0] : vector<16xf32>, vector<16xi32> -> vector<16xf32>
      %add3A_909 = arith.addf %add3A_906, %gather3A_908 : vector<16xf32>
      %gather3A_910 = vector.shape_cast %broadcast_in_dim3A_8 : vector<16x1xi32> to vector<16xi32>
      %gather3A_911 = tpu.dynamic_gather %add3A_909[%gather3A_910] in [0] : vector<16xf32>, vector<16xi32> -> vector<16xf32>
      %add3A_912 = arith.addf %add3A_909, %gather3A_911 : vector<16xf32>
      %gather3A_913 = vector.shape_cast %broadcast_in_dim3A_12 : vector<16x1xi32> to vector<16xi32>
      %gather3A_914 = tpu.dynamic_gather %add3A_912[%gather3A_913] in [0] : vector<16xf32>, vector<16xi32> -> vector<16xf32>
      %add3A_915 = arith.addf %add3A_912, %gather3A_914 : vector<16xf32>
      %gather3A_916 = vector.shape_cast %broadcast_in_dim3A_16 : vector<16x1xi32> to vector<16xi32>
      %gather3A_917 = tpu.dynamic_gather %add3A_915[%gather3A_916] in [0] : vector<16xf32>, vector<16xi32> -> vector<16xf32>
      %add3A_918 = arith.addf %add3A_915, %gather3A_917 : vector<16xf32>
      %eq3A_919 = arith.constant 11 : i32
      %eq3A_920 = vector.broadcast %eq3A_919 : i32 to vector<16xi32>
      %eq3A_921 = arith.cmpi eq, %iota3A, %eq3A_920 : vector<16xi32>
      %select_n3A_922 = arith.select %eq3A_921, %add3A_918, %select_n3A_860 : vector<16xi1>, vector<16xf32>
      %mul3A_923 = arith.constant 16 : i32
      %mul3A_924 = arith.muli %add3A_180, %mul3A_923 : i32
      %add3A_925 = arith.constant 12 : i32
      %add3A_926 = arith.addi %mul3A_924, %add3A_925 : i32
      %broadcast_in_dim3A_927 = arith.constant 0.000000e+00 : f32
      %broadcast_in_dim3A_928 = vector.broadcast %broadcast_in_dim3A_927 : f32 to vector<16xf32>
      %get3A_929 = arith.index_cast %add3A_926 : i32 to index
      %get3A_930 = arith.constant 0 : index
      %get3A_931 = tpu.vector_load %arg9[%get3A_929, %get3A_930] {strides = array<i32>} : memref<512x64xf32, #tpu.memory_space<vmem>>, vector<1x16xf32>,
      %get3A_932 = vector.shape_cast %get3A_931 : vector<1x16xf32> to vector<16xf32>
      %get3A_933 = arith.index_cast %add3A_926 : i32 to index
      %get3A_934 = arith.constant 0 : index
      %get3A_935 = tpu.vector_load %arg8[%get3A_933, %get3A_934] {strides = array<i32>} : memref<512x64xf32, #tpu.memory_space<vmem>>, vector<1x16xf32>,
      %get3A_936 = vector.shape_cast %get3A_935 : vector<1x16xf32> to vector<16xf32>
      %mul3A_937 = arith.mulf %get3A_932, %get3A_936 : vector<16xf32>
      %add3A_938 = arith.addf %broadcast_in_dim3A_928, %mul3A_937 : vector<16xf32>
      %get3A_939 = arith.index_cast %add3A_926 : i32 to index
      %get3A_940 = arith.constant 16 : index
      %get3A_941 = tpu.vector_load %arg9[%get3A_939, %get3A_940] {strides = array<i32>} : memref<512x64xf32, #tpu.memory_space<vmem>>, vector<1x16xf32>,
      %get3A_942 = vector.shape_cast %get3A_941 : vector<1x16xf32> to vector<16xf32>
      %get3A_943 = arith.index_cast %add3A_926 : i32 to index
      %get3A_944 = arith.constant 16 : index
      %get3A_945 = tpu.vector_load %arg8[%get3A_943, %get3A_944] {strides = array<i32>} : memref<512x64xf32, #tpu.memory_space<vmem>>, vector<1x16xf32>,
      %get3A_946 = vector.shape_cast %get3A_945 : vector<1x16xf32> to vector<16xf32>
      %mul3A_947 = arith.mulf %get3A_942, %get3A_946 : vector<16xf32>
      %add3A_948 = arith.addf %add3A_938, %mul3A_947 : vector<16xf32>
      %get3A_949 = arith.index_cast %add3A_926 : i32 to index
      %get3A_950 = arith.constant 32 : index
      %get3A_951 = tpu.vector_load %arg9[%get3A_949, %get3A_950] {strides = array<i32>} : memref<512x64xf32, #tpu.memory_space<vmem>>, vector<1x16xf32>,
      %get3A_952 = vector.shape_cast %get3A_951 : vector<1x16xf32> to vector<16xf32>
      %get3A_953 = arith.index_cast %add3A_926 : i32 to index
      %get3A_954 = arith.constant 32 : index
      %get3A_955 = tpu.vector_load %arg8[%get3A_953, %get3A_954] {strides = array<i32>} : memref<512x64xf32, #tpu.memory_space<vmem>>, vector<1x16xf32>,
      %get3A_956 = vector.shape_cast %get3A_955 : vector<1x16xf32> to vector<16xf32>
      %mul3A_957 = arith.mulf %get3A_952, %get3A_956 : vector<16xf32>
      %add3A_958 = arith.addf %add3A_948, %mul3A_957 : vector<16xf32>
      %get3A_959 = arith.index_cast %add3A_926 : i32 to index
      %get3A_960 = arith.constant 48 : index
      %get3A_961 = tpu.vector_load %arg9[%get3A_959, %get3A_960] {strides = array<i32>} : memref<512x64xf32, #tpu.memory_space<vmem>>, vector<1x16xf32>,
      %get3A_962 = vector.shape_cast %get3A_961 : vector<1x16xf32> to vector<16xf32>
      %get3A_963 = arith.index_cast %add3A_926 : i32 to index
      %get3A_964 = arith.constant 48 : index
      %get3A_965 = tpu.vector_load %arg8[%get3A_963, %get3A_964] {strides = array<i32>} : memref<512x64xf32, #tpu.memory_space<vmem>>, vector<1x16xf32>,
      %get3A_966 = vector.shape_cast %get3A_965 : vector<1x16xf32> to vector<16xf32>
      %mul3A_967 = arith.mulf %get3A_962, %get3A_966 : vector<16xf32>
      %add3A_968 = arith.addf %add3A_958, %mul3A_967 : vector<16xf32>
      %gather3A_969 = vector.shape_cast %broadcast_in_dim3A : vector<16x1xi32> to vector<16xi32>
      %gather3A_970 = tpu.dynamic_gather %add3A_968[%gather3A_969] in [0] : vector<16xf32>, vector<16xi32> -> vector<16xf32>
      %add3A_971 = arith.addf %add3A_968, %gather3A_970 : vector<16xf32>
      %gather3A_972 = vector.shape_cast %broadcast_in_dim3A_8 : vector<16x1xi32> to vector<16xi32>
      %gather3A_973 = tpu.dynamic_gather %add3A_971[%gather3A_972] in [0] : vector<16xf32>, vector<16xi32> -> vector<16xf32>
      %add3A_974 = arith.addf %add3A_971, %gather3A_973 : vector<16xf32>
      %gather3A_975 = vector.shape_cast %broadcast_in_dim3A_12 : vector<16x1xi32> to vector<16xi32>
      %gather3A_976 = tpu.dynamic_gather %add3A_974[%gather3A_975] in [0] : vector<16xf32>, vector<16xi32> -> vector<16xf32>
      %add3A_977 = arith.addf %add3A_974, %gather3A_976 : vector<16xf32>
      %gather3A_978 = vector.shape_cast %broadcast_in_dim3A_16 : vector<16x1xi32> to vector<16xi32>
      %gather3A_979 = tpu.dynamic_gather %add3A_977[%gather3A_978] in [0] : vector<16xf32>, vector<16xi32> -> vector<16xf32>
      %add3A_980 = arith.addf %add3A_977, %gather3A_979 : vector<16xf32>
      %eq3A_981 = arith.constant 12 : i32
      %eq3A_982 = vector.broadcast %eq3A_981 : i32 to vector<16xi32>
      %eq3A_983 = arith.cmpi eq, %iota3A, %eq3A_982 : vector<16xi32>
      %select_n3A_984 = arith.select %eq3A_983, %add3A_980, %select_n3A_922 : vector<16xi1>, vector<16xf32>
      %mul3A_985 = arith.constant 16 : i32
      %mul3A_986 = arith.muli %add3A_180, %mul3A_985 : i32
      %add3A_987 = arith.constant 13 : i32
      %add3A_988 = arith.addi %mul3A_986, %add3A_987 : i32
      %broadcast_in_dim3A_989 = arith.constant 0.000000e+00 : f32
      %broadcast_in_dim3A_990 = vector.broadcast %broadcast_in_dim3A_989 : f32 to vector<16xf32>
      %get3A_991 = arith.index_cast %add3A_988 : i32 to index
      %get3A_992 = arith.constant 0 : index
      %get3A_993 = tpu.vector_load %arg9[%get3A_991, %get3A_992] {strides = array<i32>} : memref<512x64xf32, #tpu.memory_space<vmem>>, vector<1x16xf32>,
      %get3A_994 = vector.shape_cast %get3A_993 : vector<1x16xf32> to vector<16xf32>
      %get3A_995 = arith.index_cast %add3A_988 : i32 to index
      %get3A_996 = arith.constant 0 : index
      %get3A_997 = tpu.vector_load %arg8[%get3A_995, %get3A_996] {strides = array<i32>} : memref<512x64xf32, #tpu.memory_space<vmem>>, vector<1x16xf32>,
      %get3A_998 = vector.shape_cast %get3A_997 : vector<1x16xf32> to vector<16xf32>
      %mul3A_999 = arith.mulf %get3A_994, %get3A_998 : vector<16xf32>
      %add3A_1000 = arith.addf %broadcast_in_dim3A_990, %mul3A_999 : vector<16xf32>
      %get3A_1001 = arith.index_cast %add3A_988 : i32 to index
      %get3A_1002 = arith.constant 16 : index
      %get3A_1003 = tpu.vector_load %arg9[%get3A_1001, %get3A_1002] {strides = array<i32>} : memref<512x64xf32, #tpu.memory_space<vmem>>, vector<1x16xf32>,
      %get3A_1004 = vector.shape_cast %get3A_1003 : vector<1x16xf32> to vector<16xf32>
      %get3A_1005 = arith.index_cast %add3A_988 : i32 to index
      %get3A_1006 = arith.constant 16 : index
      %get3A_1007 = tpu.vector_load %arg8[%get3A_1005, %get3A_1006] {strides = array<i32>} : memref<512x64xf32, #tpu.memory_space<vmem>>, vector<1x16xf32>,
      %get3A_1008 = vector.shape_cast %get3A_1007 : vector<1x16xf32> to vector<16xf32>
      %mul3A_1009 = arith.mulf %get3A_1004, %get3A_1008 : vector<16xf32>
      %add3A_1010 = arith.addf %add3A_1000, %mul3A_1009 : vector<16xf32>
      %get3A_1011 = arith.index_cast %add3A_988 : i32 to index
      %get3A_1012 = arith.constant 32 : index
      %get3A_1013 = tpu.vector_load %arg9[%get3A_1011, %get3A_1012] {strides = array<i32>} : memref<512x64xf32, #tpu.memory_space<vmem>>, vector<1x16xf32>,
      %get3A_1014 = vector.shape_cast %get3A_1013 : vector<1x16xf32> to vector<16xf32>
      %get3A_1015 = arith.index_cast %add3A_988 : i32 to index
      %get3A_1016 = arith.constant 32 : index
      %get3A_1017 = tpu.vector_load %arg8[%get3A_1015, %get3A_1016] {strides = array<i32>} : memref<512x64xf32, #tpu.memory_space<vmem>>, vector<1x16xf32>,
      %get3A_1018 = vector.shape_cast %get3A_1017 : vector<1x16xf32> to vector<16xf32>
      %mul3A_1019 = arith.mulf %get3A_1014, %get3A_1018 : vector<16xf32>
      %add3A_1020 = arith.addf %add3A_1010, %mul3A_1019 : vector<16xf32>
      %get3A_1021 = arith.index_cast %add3A_988 : i32 to index
      %get3A_1022 = arith.constant 48 : index
      %get3A_1023 = tpu.vector_load %arg9[%get3A_1021, %get3A_1022] {strides = array<i32>} : memref<512x64xf32, #tpu.memory_space<vmem>>, vector<1x16xf32>,
      %get3A_1024 = vector.shape_cast %get3A_1023 : vector<1x16xf32> to vector<16xf32>
      %get3A_1025 = arith.index_cast %add3A_988 : i32 to index
      %get3A_1026 = arith.constant 48 : index
      %get3A_1027 = tpu.vector_load %arg8[%get3A_1025, %get3A_1026] {strides = array<i32>} : memref<512x64xf32, #tpu.memory_space<vmem>>, vector<1x16xf32>,
      %get3A_1028 = vector.shape_cast %get3A_1027 : vector<1x16xf32> to vector<16xf32>
      %mul3A_1029 = arith.mulf %get3A_1024, %get3A_1028 : vector<16xf32>
      %add3A_1030 = arith.addf %add3A_1020, %mul3A_1029 : vector<16xf32>
      %gather3A_1031 = vector.shape_cast %broadcast_in_dim3A : vector<16x1xi32> to vector<16xi32>
      %gather3A_1032 = tpu.dynamic_gather %add3A_1030[%gather3A_1031] in [0] : vector<16xf32>, vector<16xi32> -> vector<16xf32>
      %add3A_1033 = arith.addf %add3A_1030, %gather3A_1032 : vector<16xf32>
      %gather3A_1034 = vector.shape_cast %broadcast_in_dim3A_8 : vector<16x1xi32> to vector<16xi32>
      %gather3A_1035 = tpu.dynamic_gather %add3A_1033[%gather3A_1034] in [0] : vector<16xf32>, vector<16xi32> -> vector<16xf32>
      %add3A_1036 = arith.addf %add3A_1033, %gather3A_1035 : vector<16xf32>
      %gather3A_1037 = vector.shape_cast %broadcast_in_dim3A_12 : vector<16x1xi32> to vector<16xi32>
      %gather3A_1038 = tpu.dynamic_gather %add3A_1036[%gather3A_1037] in [0] : vector<16xf32>, vector<16xi32> -> vector<16xf32>
      %add3A_1039 = arith.addf %add3A_1036, %gather3A_1038 : vector<16xf32>
      %gather3A_1040 = vector.shape_cast %broadcast_in_dim3A_16 : vector<16x1xi32> to vector<16xi32>
      %gather3A_1041 = tpu.dynamic_gather %add3A_1039[%gather3A_1040] in [0] : vector<16xf32>, vector<16xi32> -> vector<16xf32>
      %add3A_1042 = arith.addf %add3A_1039, %gather3A_1041 : vector<16xf32>
      %eq3A_1043 = arith.constant 13 : i32
      %eq3A_1044 = vector.broadcast %eq3A_1043 : i32 to vector<16xi32>
      %eq3A_1045 = arith.cmpi eq, %iota3A, %eq3A_1044 : vector<16xi32>
      %select_n3A_1046 = arith.select %eq3A_1045, %add3A_1042, %select_n3A_984 : vector<16xi1>, vector<16xf32>
      %mul3A_1047 = arith.constant 16 : i32
      %mul3A_1048 = arith.muli %add3A_180, %mul3A_1047 : i32
      %add3A_1049 = arith.constant 14 : i32
      %add3A_1050 = arith.addi %mul3A_1048, %add3A_1049 : i32
      %broadcast_in_dim3A_1051 = arith.constant 0.000000e+00 : f32
      %broadcast_in_dim3A_1052 = vector.broadcast %broadcast_in_dim3A_1051 : f32 to vector<16xf32>
      %get3A_1053 = arith.index_cast %add3A_1050 : i32 to index
      %get3A_1054 = arith.constant 0 : index
      %get3A_1055 = tpu.vector_load %arg9[%get3A_1053, %get3A_1054] {strides = array<i32>} : memref<512x64xf32, #tpu.memory_space<vmem>>, vector<1x16xf32>,
      %get3A_1056 = vector.shape_cast %get3A_1055 : vector<1x16xf32> to vector<16xf32>
      %get3A_1057 = arith.index_cast %add3A_1050 : i32 to index
      %get3A_1058 = arith.constant 0 : index
      %get3A_1059 = tpu.vector_load %arg8[%get3A_1057, %get3A_1058] {strides = array<i32>} : memref<512x64xf32, #tpu.memory_space<vmem>>, vector<1x16xf32>,
      %get3A_1060 = vector.shape_cast %get3A_1059 : vector<1x16xf32> to vector<16xf32>
      %mul3A_1061 = arith.mulf %get3A_1056, %get3A_1060 : vector<16xf32>
      %add3A_1062 = arith.addf %broadcast_in_dim3A_1052, %mul3A_1061 : vector<16xf32>
      %get3A_1063 = arith.index_cast %add3A_1050 : i32 to index
      %get3A_1064 = arith.constant 16 : index
      %get3A_1065 = tpu.vector_load %arg9[%get3A_1063, %get3A_1064] {strides = array<i32>} : memref<512x64xf32, #tpu.memory_space<vmem>>, vector<1x16xf32>,
      %get3A_1066 = vector.shape_cast %get3A_1065 : vector<1x16xf32> to vector<16xf32>
      %get3A_1067 = arith.index_cast %add3A_1050 : i32 to index
      %get3A_1068 = arith.constant 16 : index
      %get3A_1069 = tpu.vector_load %arg8[%get3A_1067, %get3A_1068] {strides = array<i32>} : memref<512x64xf32, #tpu.memory_space<vmem>>, vector<1x16xf32>,
      %get3A_1070 = vector.shape_cast %get3A_1069 : vector<1x16xf32> to vector<16xf32>
      %mul3A_1071 = arith.mulf %get3A_1066, %get3A_1070 : vector<16xf32>
      %add3A_1072 = arith.addf %add3A_1062, %mul3A_1071 : vector<16xf32>
      %get3A_1073 = arith.index_cast %add3A_1050 : i32 to index
      %get3A_1074 = arith.constant 32 : index
      %get3A_1075 = tpu.vector_load %arg9[%get3A_1073, %get3A_1074] {strides = array<i32>} : memref<512x64xf32, #tpu.memory_space<vmem>>, vector<1x16xf32>,
      %get3A_1076 = vector.shape_cast %get3A_1075 : vector<1x16xf32> to vector<16xf32>
      %get3A_1077 = arith.index_cast %add3A_1050 : i32 to index
      %get3A_1078 = arith.constant 32 : index
      %get3A_1079 = tpu.vector_load %arg8[%get3A_1077, %get3A_1078] {strides = array<i32>} : memref<512x64xf32, #tpu.memory_space<vmem>>, vector<1x16xf32>,
      %get3A_1080 = vector.shape_cast %get3A_1079 : vector<1x16xf32> to vector<16xf32>
      %mul3A_1081 = arith.mulf %get3A_1076, %get3A_1080 : vector<16xf32>
      %add3A_1082 = arith.addf %add3A_1072, %mul3A_1081 : vector<16xf32>
      %get3A_1083 = arith.index_cast %add3A_1050 : i32 to index
      %get3A_1084 = arith.constant 48 : index
      %get3A_1085 = tpu.vector_load %arg9[%get3A_1083, %get3A_1084] {strides = array<i32>} : memref<512x64xf32, #tpu.memory_space<vmem>>, vector<1x16xf32>,
      %get3A_1086 = vector.shape_cast %get3A_1085 : vector<1x16xf32> to vector<16xf32>
      %get3A_1087 = arith.index_cast %add3A_1050 : i32 to index
      %get3A_1088 = arith.constant 48 : index
      %get3A_1089 = tpu.vector_load %arg8[%get3A_1087, %get3A_1088] {strides = array<i32>} : memref<512x64xf32, #tpu.memory_space<vmem>>, vector<1x16xf32>,
      %get3A_1090 = vector.shape_cast %get3A_1089 : vector<1x16xf32> to vector<16xf32>
      %mul3A_1091 = arith.mulf %get3A_1086, %get3A_1090 : vector<16xf32>
      %add3A_1092 = arith.addf %add3A_1082, %mul3A_1091 : vector<16xf32>
      %gather3A_1093 = vector.shape_cast %broadcast_in_dim3A : vector<16x1xi32> to vector<16xi32>
      %gather3A_1094 = tpu.dynamic_gather %add3A_1092[%gather3A_1093] in [0] : vector<16xf32>, vector<16xi32> -> vector<16xf32>
      %add3A_1095 = arith.addf %add3A_1092, %gather3A_1094 : vector<16xf32>
      %gather3A_1096 = vector.shape_cast %broadcast_in_dim3A_8 : vector<16x1xi32> to vector<16xi32>
      %gather3A_1097 = tpu.dynamic_gather %add3A_1095[%gather3A_1096] in [0] : vector<16xf32>, vector<16xi32> -> vector<16xf32>
      %add3A_1098 = arith.addf %add3A_1095, %gather3A_1097 : vector<16xf32>
      %gather3A_1099 = vector.shape_cast %broadcast_in_dim3A_12 : vector<16x1xi32> to vector<16xi32>
      %gather3A_1100 = tpu.dynamic_gather %add3A_1098[%gather3A_1099] in [0] : vector<16xf32>, vector<16xi32> -> vector<16xf32>
      %add3A_1101 = arith.addf %add3A_1098, %gather3A_1100 : vector<16xf32>
      %gather3A_1102 = vector.shape_cast %broadcast_in_dim3A_16 : vector<16x1xi32> to vector<16xi32>
      %gather3A_1103 = tpu.dynamic_gather %add3A_1101[%gather3A_1102] in [0] : vector<16xf32>, vector<16xi32> -> vector<16xf32>
      %add3A_1104 = arith.addf %add3A_1101, %gather3A_1103 : vector<16xf32>
      %eq3A_1105 = arith.constant 14 : i32
      %eq3A_1106 = vector.broadcast %eq3A_1105 : i32 to vector<16xi32>
      %eq3A_1107 = arith.cmpi eq, %iota3A, %eq3A_1106 : vector<16xi32>
      %select_n3A_1108 = arith.select %eq3A_1107, %add3A_1104, %select_n3A_1046 : vector<16xi1>, vector<16xf32>
      %mul3A_1109 = arith.constant 16 : i32
      %mul3A_1110 = arith.muli %add3A_180, %mul3A_1109 : i32
      %add3A_1111 = arith.constant 15 : i32
      %add3A_1112 = arith.addi %mul3A_1110, %add3A_1111 : i32
      %broadcast_in_dim3A_1113 = arith.constant 0.000000e+00 : f32
      %broadcast_in_dim3A_1114 = vector.broadcast %broadcast_in_dim3A_1113 : f32 to vector<16xf32>
      %get3A_1115 = arith.index_cast %add3A_1112 : i32 to index
      %get3A_1116 = arith.constant 0 : index
      %get3A_1117 = tpu.vector_load %arg9[%get3A_1115, %get3A_1116] {strides = array<i32>} : memref<512x64xf32, #tpu.memory_space<vmem>>, vector<1x16xf32>,
      %get3A_1118 = vector.shape_cast %get3A_1117 : vector<1x16xf32> to vector<16xf32>
      %get3A_1119 = arith.index_cast %add3A_1112 : i32 to index
      %get3A_1120 = arith.constant 0 : index
      %get3A_1121 = tpu.vector_load %arg8[%get3A_1119, %get3A_1120] {strides = array<i32>} : memref<512x64xf32, #tpu.memory_space<vmem>>, vector<1x16xf32>,
      %get3A_1122 = vector.shape_cast %get3A_1121 : vector<1x16xf32> to vector<16xf32>
      %mul3A_1123 = arith.mulf %get3A_1118, %get3A_1122 : vector<16xf32>
      %add3A_1124 = arith.addf %broadcast_in_dim3A_1114, %mul3A_1123 : vector<16xf32>
      %get3A_1125 = arith.index_cast %add3A_1112 : i32 to index
      %get3A_1126 = arith.constant 16 : index
      %get3A_1127 = tpu.vector_load %arg9[%get3A_1125, %get3A_1126] {strides = array<i32>} : memref<512x64xf32, #tpu.memory_space<vmem>>, vector<1x16xf32>,
      %get3A_1128 = vector.shape_cast %get3A_1127 : vector<1x16xf32> to vector<16xf32>
      %get3A_1129 = arith.index_cast %add3A_1112 : i32 to index
      %get3A_1130 = arith.constant 16 : index
      %get3A_1131 = tpu.vector_load %arg8[%get3A_1129, %get3A_1130] {strides = array<i32>} : memref<512x64xf32, #tpu.memory_space<vmem>>, vector<1x16xf32>,
      %get3A_1132 = vector.shape_cast %get3A_1131 : vector<1x16xf32> to vector<16xf32>
      %mul3A_1133 = arith.mulf %get3A_1128, %get3A_1132 : vector<16xf32>
      %add3A_1134 = arith.addf %add3A_1124, %mul3A_1133 : vector<16xf32>
      %get3A_1135 = arith.index_cast %add3A_1112 : i32 to index
      %get3A_1136 = arith.constant 32 : index
      %get3A_1137 = tpu.vector_load %arg9[%get3A_1135, %get3A_1136] {strides = array<i32>} : memref<512x64xf32, #tpu.memory_space<vmem>>, vector<1x16xf32>,
      %get3A_1138 = vector.shape_cast %get3A_1137 : vector<1x16xf32> to vector<16xf32>
      %get3A_1139 = arith.index_cast %add3A_1112 : i32 to index
      %get3A_1140 = arith.constant 32 : index
      %get3A_1141 = tpu.vector_load %arg8[%get3A_1139, %get3A_1140] {strides = array<i32>} : memref<512x64xf32, #tpu.memory_space<vmem>>, vector<1x16xf32>,
      %get3A_1142 = vector.shape_cast %get3A_1141 : vector<1x16xf32> to vector<16xf32>
      %mul3A_1143 = arith.mulf %get3A_1138, %get3A_1142 : vector<16xf32>
      %add3A_1144 = arith.addf %add3A_1134, %mul3A_1143 : vector<16xf32>
      %get3A_1145 = arith.index_cast %add3A_1112 : i32 to index
      %get3A_1146 = arith.constant 48 : index
      %get3A_1147 = tpu.vector_load %arg9[%get3A_1145, %get3A_1146] {strides = array<i32>} : memref<512x64xf32, #tpu.memory_space<vmem>>, vector<1x16xf32>,
      %get3A_1148 = vector.shape_cast %get3A_1147 : vector<1x16xf32> to vector<16xf32>
      %get3A_1149 = arith.index_cast %add3A_1112 : i32 to index
      %get3A_1150 = arith.constant 48 : index
      %get3A_1151 = tpu.vector_load %arg8[%get3A_1149, %get3A_1150] {strides = array<i32>} : memref<512x64xf32, #tpu.memory_space<vmem>>, vector<1x16xf32>,
      %get3A_1152 = vector.shape_cast %get3A_1151 : vector<1x16xf32> to vector<16xf32>
      %mul3A_1153 = arith.mulf %get3A_1148, %get3A_1152 : vector<16xf32>
      %add3A_1154 = arith.addf %add3A_1144, %mul3A_1153 : vector<16xf32>
      %gather3A_1155 = vector.shape_cast %broadcast_in_dim3A : vector<16x1xi32> to vector<16xi32>
      %gather3A_1156 = tpu.dynamic_gather %add3A_1154[%gather3A_1155] in [0] : vector<16xf32>, vector<16xi32> -> vector<16xf32>
      %add3A_1157 = arith.addf %add3A_1154, %gather3A_1156 : vector<16xf32>
      %gather3A_1158 = vector.shape_cast %broadcast_in_dim3A_8 : vector<16x1xi32> to vector<16xi32>
      %gather3A_1159 = tpu.dynamic_gather %add3A_1157[%gather3A_1158] in [0] : vector<16xf32>, vector<16xi32> -> vector<16xf32>
      %add3A_1160 = arith.addf %add3A_1157, %gather3A_1159 : vector<16xf32>
      %gather3A_1161 = vector.shape_cast %broadcast_in_dim3A_12 : vector<16x1xi32> to vector<16xi32>
      %gather3A_1162 = tpu.dynamic_gather %add3A_1160[%gather3A_1161] in [0] : vector<16xf32>, vector<16xi32> -> vector<16xf32>
      %add3A_1163 = arith.addf %add3A_1160, %gather3A_1162 : vector<16xf32>
      %gather3A_1164 = vector.shape_cast %broadcast_in_dim3A_16 : vector<16x1xi32> to vector<16xi32>
      %gather3A_1165 = tpu.dynamic_gather %add3A_1163[%gather3A_1164] in [0] : vector<16xf32>, vector<16xi32> -> vector<16xf32>
      %add3A_1166 = arith.addf %add3A_1163, %gather3A_1165 : vector<16xf32>
      %eq3A_1167 = arith.constant 15 : i32
      %eq3A_1168 = vector.broadcast %eq3A_1167 : i32 to vector<16xi32>
      %eq3A_1169 = arith.cmpi eq, %iota3A, %eq3A_1168 : vector<16xi32>
      %select_n3A_1170 = arith.select %eq3A_1169, %add3A_1166, %select_n3A_1108 : vector<16xi1>, vector<16xf32>
      %mul3A_1171 = arith.constant 16 : i32
      %mul3A_1172 = arith.muli %add3A_180, %mul3A_1171 : i32
      %swap3A = arith.index_cast %mul3A_1172 : i32 to index
      %swap3A_1173 = tpu.vector_load %arg10[%swap3A] {strides = array<i32>} : memref<512xf32, #tpu.memory_space<vmem>>, vector<16xf32>,
      %swap3A_1174 = vector.shape_cast %swap3A_1173 : vector<16xf32> to vector<16xf32>
      %swap3A_1175 = vector.shape_cast %select_n3A_1170 : vector<16xf32> to vector<16xf32>
      tpu.vector_store %arg10[%swap3A], %swap3A_1175 {strides = array<i32>} : memref<512xf32, #tpu.memory_space<vmem>>, vector<16xf32>,
    }
    %scan3A_173 = arith.constant 32 : i32
    %add3A_174 = arith.constant 16384 : i32
    %add3A_175 = arith.addi %add3A_174, %mul3A_2 : i32
    "tpu.region"() ({
      %run_scoped3A = tpu.sem_alloc : memref<!tpu.dma_semaphore, #tpu.memory_space<semaphore_mem>>
      %dma_start3A_176 = tpu.memref_slice %arg6[%add3A_175] : memref<32768xf32, #tpu.memory_space<hbm>> -> memref<512xf32, #tpu.memory_space<hbm>>
      %dma_start3A_177 = tpu.memref_slice %arg6[%add3A_175] : memref<32768xf32, #tpu.memory_space<hbm>> -> memref<512xf32, #tpu.memory_space<hbm>>
      tpu.enqueue_dma source(%arg10 : memref<512xf32, #tpu.memory_space<vmem>>) target(%dma_start3A_177 : memref<512xf32, #tpu.memory_space<hbm>>) target_semaphore(%run_scoped3A : memref<!tpu.dma_semaphore, #tpu.memory_space<semaphore_mem>>)
      %dma_wait3A_178 = tpu.memref_slice %arg6[%add3A_175] : memref<32768xf32, #tpu.memory_space<hbm>> -> memref<512xf32, #tpu.memory_space<hbm>>
      %dma_wait3A_179 = tpu.memref_slice %arg6[%add3A_175] : memref<32768xf32, #tpu.memory_space<hbm>> -> memref<512xf32, #tpu.memory_space<hbm>>
      tpu.wait_dma2 semaphore(%run_scoped3A : memref<!tpu.dma_semaphore, #tpu.memory_space<semaphore_mem>>) src(%arg10 : memref<512xf32, #tpu.memory_space<vmem>>) dst(%dma_wait3A_179 : memref<512xf32, #tpu.memory_space<hbm>>)
      tpu.yield
    }) : () -> ()
    return
  }
}

#map = affine_map<(d0, d1) -> (0)>
#map1 = affine_map<(d0, d1) -> (0, 0)>
module attributes {stable_mosaic.version = 14 : i64} {
  func.func @_pool_body(%arg0: i32, %arg1: i32, %arg2: memref<327680xi32, #tpu.memory_space<hbm>>, %arg3: memref<327680xi32, #tpu.memory_space<hbm>>, %arg4: memref<199999x64xf32, #tpu.memory_space<hbm>>, %arg5: memref<32768x64xf32, #tpu.memory_space<hbm>>, %arg6: memref<20480xi32, #tpu.memory_space<vmem>>, %arg7: memref<320x64xf32, #tpu.memory_space<vmem>>, %arg8: memref<320x64xf32, #tpu.memory_space<vmem>>, %arg9: memref<1024x64xf32, #tpu.memory_space<vmem>>, %arg10: memref<!tpu.dma_semaphore, #tpu.memory_space<semaphore_mem>>, %arg11: memref<!tpu.dma_semaphore, #tpu.memory_space<semaphore_mem>>) attributes {dimension_semantics = [#tpu.dimension_semantics<core_parallel>, #tpu.dimension_semantics<subcore_parallel>], iteration_bounds = array<i64: 2, 16>, scalar_prefetch = 0 : i64, scratch_operands = 6 : i64, tpu.core_type = #tpu.core_type<sc_vector_subcore>, window_params = [{transform_indices = #map}, {transform_indices = #map}, {transform_indices = #map1}, {transform_indices = #map1}]} {
    %mul3A = arith.constant 2 : i32
    %mul3A_0 = arith.muli %arg1, %mul3A : i32
    %add3A = arith.addi %mul3A_0, %arg0 : i32
    %mul3A_1 = arith.constant 512 : i32
    %mul3A_2 = arith.muli %add3A, %mul3A_1 : i32
    %mul3A_3 = arith.constant 20 : i32
    %mul3A_4 = arith.muli %mul3A_2, %mul3A_3 : i32
    "tpu.region"() ({
      %run_scoped3A = tpu.sem_alloc : memref<!tpu.dma_semaphore, #tpu.memory_space<semaphore_mem>>
      %dma_start3A_36 = arith.constant 0 : i32
      %dma_start3A_37 = tpu.memref_slice %arg6[%dma_start3A_36] : memref<20480xi32, #tpu.memory_space<vmem>> -> memref<10240xi32, #tpu.memory_space<vmem>>
      %dma_start3A_38 = tpu.memref_slice %arg2[%mul3A_4] : memref<327680xi32, #tpu.memory_space<hbm>> -> memref<10240xi32, #tpu.memory_space<hbm>>
      %dma_start3A_39 = arith.constant 0 : i32
      %dma_start3A_40 = tpu.memref_slice %arg6[%dma_start3A_39] : memref<20480xi32, #tpu.memory_space<vmem>> -> memref<10240xi32, #tpu.memory_space<vmem>>
      %dma_start3A_41 = tpu.memref_slice %arg2[%mul3A_4] : memref<327680xi32, #tpu.memory_space<hbm>> -> memref<10240xi32, #tpu.memory_space<hbm>>
      tpu.enqueue_dma source(%dma_start3A_41 : memref<10240xi32, #tpu.memory_space<hbm>>) target(%dma_start3A_40 : memref<10240xi32, #tpu.memory_space<vmem>>) target_semaphore(%run_scoped3A : memref<!tpu.dma_semaphore, #tpu.memory_space<semaphore_mem>>)
      %dma_wait3A = arith.constant 0 : i32
      %dma_wait3A_42 = tpu.memref_slice %arg6[%dma_wait3A] : memref<20480xi32, #tpu.memory_space<vmem>> -> memref<10240xi32, #tpu.memory_space<vmem>>
      %dma_wait3A_43 = tpu.memref_slice %arg2[%mul3A_4] : memref<327680xi32, #tpu.memory_space<hbm>> -> memref<10240xi32, #tpu.memory_space<hbm>>
      %dma_wait3A_44 = arith.constant 0 : i32
      %dma_wait3A_45 = tpu.memref_slice %arg6[%dma_wait3A_44] : memref<20480xi32, #tpu.memory_space<vmem>> -> memref<10240xi32, #tpu.memory_space<vmem>>
      %dma_wait3A_46 = tpu.memref_slice %arg2[%mul3A_4] : memref<327680xi32, #tpu.memory_space<hbm>> -> memref<10240xi32, #tpu.memory_space<hbm>>
      tpu.wait_dma2 semaphore(%run_scoped3A : memref<!tpu.dma_semaphore, #tpu.memory_space<semaphore_mem>>) src(%dma_wait3A_46 : memref<10240xi32, #tpu.memory_space<hbm>>) dst(%dma_wait3A_45 : memref<10240xi32, #tpu.memory_space<vmem>>)
      tpu.yield
    }) : () -> ()
    %mul3A_5 = arith.constant 20 : i32
    %mul3A_6 = arith.muli %mul3A_2, %mul3A_5 : i32
    "tpu.region"() ({
      %run_scoped3A = tpu.sem_alloc : memref<!tpu.dma_semaphore, #tpu.memory_space<semaphore_mem>>
      %dma_start3A_36 = arith.constant 10240 : i32
      %dma_start3A_37 = tpu.memref_slice %arg6[%dma_start3A_36] : memref<20480xi32, #tpu.memory_space<vmem>> -> memref<10240xi32, #tpu.memory_space<vmem>>
      %dma_start3A_38 = tpu.memref_slice %arg3[%mul3A_6] : memref<327680xi32, #tpu.memory_space<hbm>> -> memref<10240xi32, #tpu.memory_space<hbm>>
      %dma_start3A_39 = arith.constant 10240 : i32
      %dma_start3A_40 = tpu.memref_slice %arg6[%dma_start3A_39] : memref<20480xi32, #tpu.memory_space<vmem>> -> memref<10240xi32, #tpu.memory_space<vmem>>
      %dma_start3A_41 = tpu.memref_slice %arg3[%mul3A_6] : memref<327680xi32, #tpu.memory_space<hbm>> -> memref<10240xi32, #tpu.memory_space<hbm>>
      tpu.enqueue_dma source(%dma_start3A_41 : memref<10240xi32, #tpu.memory_space<hbm>>) target(%dma_start3A_40 : memref<10240xi32, #tpu.memory_space<vmem>>) target_semaphore(%run_scoped3A : memref<!tpu.dma_semaphore, #tpu.memory_space<semaphore_mem>>)
      %dma_wait3A = arith.constant 10240 : i32
      %dma_wait3A_42 = tpu.memref_slice %arg6[%dma_wait3A] : memref<20480xi32, #tpu.memory_space<vmem>> -> memref<10240xi32, #tpu.memory_space<vmem>>
      %dma_wait3A_43 = tpu.memref_slice %arg3[%mul3A_6] : memref<327680xi32, #tpu.memory_space<hbm>> -> memref<10240xi32, #tpu.memory_space<hbm>>
      %dma_wait3A_44 = arith.constant 10240 : i32
      %dma_wait3A_45 = tpu.memref_slice %arg6[%dma_wait3A_44] : memref<20480xi32, #tpu.memory_space<vmem>> -> memref<10240xi32, #tpu.memory_space<vmem>>
      %dma_wait3A_46 = tpu.memref_slice %arg3[%mul3A_6] : memref<327680xi32, #tpu.memory_space<hbm>> -> memref<10240xi32, #tpu.memory_space<hbm>>
      tpu.wait_dma2 semaphore(%run_scoped3A : memref<!tpu.dma_semaphore, #tpu.memory_space<semaphore_mem>>) src(%dma_wait3A_46 : memref<10240xi32, #tpu.memory_space<hbm>>) dst(%dma_wait3A_45 : memref<10240xi32, #tpu.memory_space<vmem>>)
      tpu.yield
    }) : () -> ()
    %dma_start3A = arith.constant 0 : i32
    %dma_start3A_7 = arith.constant 0 : i32
    %dma_start3A_8 = tpu.memref_slice %arg7[%dma_start3A, %dma_start3A_7] : memref<320x64xf32, #tpu.memory_space<vmem>> -> memref<128x64xf32, #tpu.memory_space<vmem>>
    %dma_start3A_9 = arith.constant 0 : i32
    %dma_start3A_10 = tpu.memref_slice %arg6[%dma_start3A_9] : memref<20480xi32, #tpu.memory_space<vmem>> -> memref<128xi32, #tpu.memory_space<vmem>>
    %dma_start3A_11 = arith.constant 0 : i32
    %dma_start3A_12 = arith.constant 0 : i32
    %dma_start3A_13 = tpu.memref_slice %arg4[%dma_start3A_11, %dma_start3A_12] : memref<199999x64xf32, #tpu.memory_space<hbm>> -> memref<199999x64xf32, #tpu.memory_space<hbm>>
    tpu.enqueue_indirect_dma source(%dma_start3A_13 : memref<199999x64xf32, #tpu.memory_space<hbm>>) target(%dma_start3A_8 : memref<128x64xf32, #tpu.memory_space<vmem>>) offsets(%dma_start3A_10 : memref<128xi32, #tpu.memory_space<vmem>>) semaphore(%arg10 : memref<!tpu.dma_semaphore, #tpu.memory_space<semaphore_mem>>)
    %dma_start3A_14 = arith.constant 128 : i32
    %dma_start3A_15 = arith.constant 0 : i32
    %dma_start3A_16 = tpu.memref_slice %arg7[%dma_start3A_14, %dma_start3A_15] : memref<320x64xf32, #tpu.memory_space<vmem>> -> memref<128x64xf32, #tpu.memory_space<vmem>>
    %dma_start3A_17 = arith.constant 128 : i32
    %dma_start3A_18 = tpu.memref_slice %arg6[%dma_start3A_17] : memref<20480xi32, #tpu.memory_space<vmem>> -> memref<128xi32, #tpu.memory_space<vmem>>
    %dma_start3A_19 = arith.constant 0 : i32
    %dma_start3A_20 = arith.constant 0 : i32
    %dma_start3A_21 = tpu.memref_slice %arg4[%dma_start3A_19, %dma_start3A_20] : memref<199999x64xf32, #tpu.memory_space<hbm>> -> memref<199999x64xf32, #tpu.memory_space<hbm>>
    tpu.enqueue_indirect_dma source(%dma_start3A_21 : memref<199999x64xf32, #tpu.memory_space<hbm>>) target(%dma_start3A_16 : memref<128x64xf32, #tpu.memory_space<vmem>>) offsets(%dma_start3A_18 : memref<128xi32, #tpu.memory_space<vmem>>) semaphore(%arg10 : memref<!tpu.dma_semaphore, #tpu.memory_space<semaphore_mem>>)
    %dma_start3A_22 = arith.constant 256 : i32
    %dma_start3A_23 = arith.constant 0 : i32
    %dma_start3A_24 = tpu.memref_slice %arg7[%dma_start3A_22, %dma_start3A_23] : memref<320x64xf32, #tpu.memory_space<vmem>> -> memref<64x64xf32, #tpu.memory_space<vmem>>
    %dma_start3A_25 = arith.constant 256 : i32
    %dma_start3A_26 = tpu.memref_slice %arg6[%dma_start3A_25] : memref<20480xi32, #tpu.memory_space<vmem>> -> memref<64xi32, #tpu.memory_space<vmem>>
    %dma_start3A_27 = arith.constant 0 : i32
    %dma_start3A_28 = arith.constant 0 : i32
    %dma_start3A_29 = tpu.memref_slice %arg4[%dma_start3A_27, %dma_start3A_28] : memref<199999x64xf32, #tpu.memory_space<hbm>> -> memref<199999x64xf32, #tpu.memory_space<hbm>>
    tpu.enqueue_indirect_dma source(%dma_start3A_29 : memref<199999x64xf32, #tpu.memory_space<hbm>>) target(%dma_start3A_24 : memref<64x64xf32, #tpu.memory_space<vmem>>) offsets(%dma_start3A_26 : memref<64xi32, #tpu.memory_space<vmem>>) semaphore(%arg10 : memref<!tpu.dma_semaphore, #tpu.memory_space<semaphore_mem>>)
    %scan3A = arith.constant 0 : i32
    %scan3A_30 = arith.constant 32 : i32
    %scan3A_31 = arith.addi %scan3A, %scan3A_30 : i32
    %scan3A_32 = arith.constant 1 : i32
    scf.for %scan3A_36 = %scan3A to %scan3A_31 step %scan3A_32  : i32 {
      %mul3A_37 = arith.constant 1 : i32
      %mul3A_38 = arith.muli %scan3A_36, %mul3A_37 : i32
      %add3A_39 = arith.constant 0 : i32
      %add3A_40 = arith.addi %add3A_39, %mul3A_38 : i32
      %mul3A_41 = arith.constant 2 : i32
      %mul3A_42 = arith.muli %mul3A_41, %add3A_40 : i32
      %add3A_43 = arith.constant 1 : i32
      %add3A_44 = arith.addi %mul3A_42, %add3A_43 : i32
      %mul3A_45 = arith.constant 320 : i32
      %mul3A_46 = arith.muli %add3A_44, %mul3A_45 : i32
      %add3A_47 = arith.constant 0 : i32
      %add3A_48 = arith.addi %mul3A_46, %add3A_47 : i32
      %dma_start3A_49 = arith.constant 0 : i32
      %dma_start3A_50 = arith.constant 0 : i32
      %dma_start3A_51 = tpu.memref_slice %arg8[%dma_start3A_49, %dma_start3A_50] : memref<320x64xf32, #tpu.memory_space<vmem>> -> memref<128x64xf32, #tpu.memory_space<vmem>>
      %dma_start3A_52 = tpu.memref_slice %arg6[%add3A_48] : memref<20480xi32, #tpu.memory_space<vmem>> -> memref<128xi32, #tpu.memory_space<vmem>>
      %dma_start3A_53 = arith.constant 0 : i32
      %dma_start3A_54 = arith.constant 0 : i32
      %dma_start3A_55 = tpu.memref_slice %arg4[%dma_start3A_53, %dma_start3A_54] : memref<199999x64xf32, #tpu.memory_space<hbm>> -> memref<199999x64xf32, #tpu.memory_space<hbm>>
      tpu.enqueue_indirect_dma source(%dma_start3A_55 : memref<199999x64xf32, #tpu.memory_space<hbm>>) target(%dma_start3A_51 : memref<128x64xf32, #tpu.memory_space<vmem>>) offsets(%dma_start3A_52 : memref<128xi32, #tpu.memory_space<vmem>>) semaphore(%arg11 : memref<!tpu.dma_semaphore, #tpu.memory_space<semaphore_mem>>)
      %mul3A_56 = arith.constant 320 : i32
      %mul3A_57 = arith.muli %add3A_44, %mul3A_56 : i32
      %add3A_58 = arith.constant 128 : i32
      %add3A_59 = arith.addi %mul3A_57, %add3A_58 : i32
      %dma_start3A_60 = arith.constant 128 : i32
      %dma_start3A_61 = arith.constant 0 : i32
      %dma_start3A_62 = tpu.memref_slice %arg8[%dma_start3A_60, %dma_start3A_61] : memref<320x64xf32, #tpu.memory_space<vmem>> -> memref<128x64xf32, #tpu.memory_space<vmem>>
      %dma_start3A_63 = tpu.memref_slice %arg6[%add3A_59] : memref<20480xi32, #tpu.memory_space<vmem>> -> memref<128xi32, #tpu.memory_space<vmem>>
      %dma_start3A_64 = arith.constant 0 : i32
      %dma_start3A_65 = arith.constant 0 : i32
      %dma_start3A_66 = tpu.memref_slice %arg4[%dma_start3A_64, %dma_start3A_65] : memref<199999x64xf32, #tpu.memory_space<hbm>> -> memref<199999x64xf32, #tpu.memory_space<hbm>>
      tpu.enqueue_indirect_dma source(%dma_start3A_66 : memref<199999x64xf32, #tpu.memory_space<hbm>>) target(%dma_start3A_62 : memref<128x64xf32, #tpu.memory_space<vmem>>) offsets(%dma_start3A_63 : memref<128xi32, #tpu.memory_space<vmem>>) semaphore(%arg11 : memref<!tpu.dma_semaphore, #tpu.memory_space<semaphore_mem>>)
      %mul3A_67 = arith.constant 320 : i32
      %mul3A_68 = arith.muli %add3A_44, %mul3A_67 : i32
      %add3A_69 = arith.constant 256 : i32
      %add3A_70 = arith.addi %mul3A_68, %add3A_69 : i32
      %dma_start3A_71 = arith.constant 256 : i32
      %dma_start3A_72 = arith.constant 0 : i32
      %dma_start3A_73 = tpu.memref_slice %arg8[%dma_start3A_71, %dma_start3A_72] : memref<320x64xf32, #tpu.memory_space<vmem>> -> memref<64x64xf32, #tpu.memory_space<vmem>>
      %dma_start3A_74 = tpu.memref_slice %arg6[%add3A_70] : memref<20480xi32, #tpu.memory_space<vmem>> -> memref<64xi32, #tpu.memory_space<vmem>>
      %dma_start3A_75 = arith.constant 0 : i32
      %dma_start3A_76 = arith.constant 0 : i32
      %dma_start3A_77 = tpu.memref_slice %arg4[%dma_start3A_75, %dma_start3A_76] : memref<199999x64xf32, #tpu.memory_space<hbm>> -> memref<199999x64xf32, #tpu.memory_space<hbm>>
      tpu.enqueue_indirect_dma source(%dma_start3A_77 : memref<199999x64xf32, #tpu.memory_space<hbm>>) target(%dma_start3A_73 : memref<64x64xf32, #tpu.memory_space<vmem>>) offsets(%dma_start3A_74 : memref<64xi32, #tpu.memory_space<vmem>>) semaphore(%arg11 : memref<!tpu.dma_semaphore, #tpu.memory_space<semaphore_mem>>)
      %mul3A_78 = arith.constant 320 : i32
      %mul3A_79 = arith.muli %mul3A_42, %mul3A_78 : i32
      %add3A_80 = arith.constant 0 : i32
      %add3A_81 = arith.addi %mul3A_79, %add3A_80 : i32
      %dma_wait3A = arith.constant 0 : i32
      %dma_wait3A_82 = arith.constant 0 : i32
      %dma_wait3A_83 = tpu.memref_slice %arg7[%dma_wait3A, %dma_wait3A_82] : memref<320x64xf32, #tpu.memory_space<vmem>> -> memref<128x64xf32, #tpu.memory_space<vmem>>
      %dma_wait3A_84 = tpu.memref_slice %arg6[%add3A_81] : memref<20480xi32, #tpu.memory_space<vmem>> -> memref<128xi32, #tpu.memory_space<vmem>>
      %dma_wait3A_85 = arith.constant 0 : i32
      %dma_wait3A_86 = arith.constant 0 : i32
      %dma_wait3A_87 = tpu.memref_slice %arg4[%dma_wait3A_85, %dma_wait3A_86] : memref<199999x64xf32, #tpu.memory_space<hbm>> -> memref<199999x64xf32, #tpu.memory_space<hbm>>
      tpu.wait_indirect_dma semaphore(%arg10 : memref<!tpu.dma_semaphore, #tpu.memory_space<semaphore_mem>>) src(%dma_wait3A_87 : memref<199999x64xf32, #tpu.memory_space<hbm>>) dst(%dma_wait3A_83 : memref<128x64xf32, #tpu.memory_space<vmem>>)
      %mul3A_88 = arith.constant 320 : i32
      %mul3A_89 = arith.muli %mul3A_42, %mul3A_88 : i32
      %add3A_90 = arith.constant 128 : i32
      %add3A_91 = arith.addi %mul3A_89, %add3A_90 : i32
      %dma_wait3A_92 = arith.constant 128 : i32
      %dma_wait3A_93 = arith.constant 0 : i32
      %dma_wait3A_94 = tpu.memref_slice %arg7[%dma_wait3A_92, %dma_wait3A_93] : memref<320x64xf32, #tpu.memory_space<vmem>> -> memref<128x64xf32, #tpu.memory_space<vmem>>
      %dma_wait3A_95 = tpu.memref_slice %arg6[%add3A_91] : memref<20480xi32, #tpu.memory_space<vmem>> -> memref<128xi32, #tpu.memory_space<vmem>>
      %dma_wait3A_96 = arith.constant 0 : i32
      %dma_wait3A_97 = arith.constant 0 : i32
      %dma_wait3A_98 = tpu.memref_slice %arg4[%dma_wait3A_96, %dma_wait3A_97] : memref<199999x64xf32, #tpu.memory_space<hbm>> -> memref<199999x64xf32, #tpu.memory_space<hbm>>
      tpu.wait_indirect_dma semaphore(%arg10 : memref<!tpu.dma_semaphore, #tpu.memory_space<semaphore_mem>>) src(%dma_wait3A_98 : memref<199999x64xf32, #tpu.memory_space<hbm>>) dst(%dma_wait3A_94 : memref<128x64xf32, #tpu.memory_space<vmem>>)
      %mul3A_99 = arith.constant 320 : i32
      %mul3A_100 = arith.muli %mul3A_42, %mul3A_99 : i32
      %add3A_101 = arith.constant 256 : i32
      %add3A_102 = arith.addi %mul3A_100, %add3A_101 : i32
      %dma_wait3A_103 = arith.constant 256 : i32
      %dma_wait3A_104 = arith.constant 0 : i32
      %dma_wait3A_105 = tpu.memref_slice %arg7[%dma_wait3A_103, %dma_wait3A_104] : memref<320x64xf32, #tpu.memory_space<vmem>> -> memref<64x64xf32, #tpu.memory_space<vmem>>
      %dma_wait3A_106 = tpu.memref_slice %arg6[%add3A_102] : memref<20480xi32, #tpu.memory_space<vmem>> -> memref<64xi32, #tpu.memory_space<vmem>>
      %dma_wait3A_107 = arith.constant 0 : i32
      %dma_wait3A_108 = arith.constant 0 : i32
      %dma_wait3A_109 = tpu.memref_slice %arg4[%dma_wait3A_107, %dma_wait3A_108] : memref<199999x64xf32, #tpu.memory_space<hbm>> -> memref<199999x64xf32, #tpu.memory_space<hbm>>
      tpu.wait_indirect_dma semaphore(%arg10 : memref<!tpu.dma_semaphore, #tpu.memory_space<semaphore_mem>>) src(%dma_wait3A_109 : memref<199999x64xf32, #tpu.memory_space<hbm>>) dst(%dma_wait3A_105 : memref<64x64xf32, #tpu.memory_space<vmem>>)
      %scan3A_110 = arith.constant 0 : i32
      %scan3A_111 = arith.constant 16 : i32
      %scan3A_112 = arith.addi %scan3A_110, %scan3A_111 : i32
      %scan3A_113 = arith.constant 1 : i32
      scf.for %scan3A_155 = %scan3A_110 to %scan3A_112 step %scan3A_113  : i32 {
        %mul3A_156 = arith.constant 1 : i32
        %mul3A_157 = arith.muli %scan3A_155, %mul3A_156 : i32
        %add3A_158 = arith.constant 0 : i32
        %add3A_159 = arith.addi %add3A_158, %mul3A_157 : i32
        %mul3A_160 = arith.constant 20 : i32
        %mul3A_161 = arith.muli %add3A_159, %mul3A_160 : i32
        %broadcast_in_dim3A = arith.constant 0.000000e+00 : f32
        %broadcast_in_dim3A_162 = vector.broadcast %broadcast_in_dim3A : f32 to vector<16xf32>
        %broadcast_in_dim3A_163 = arith.constant 0.000000e+00 : f32
        %broadcast_in_dim3A_164 = vector.broadcast %broadcast_in_dim3A_163 : f32 to vector<16xf32>
        %broadcast_in_dim3A_165 = arith.constant 0.000000e+00 : f32
        %broadcast_in_dim3A_166 = vector.broadcast %broadcast_in_dim3A_165 : f32 to vector<16xf32>
        %broadcast_in_dim3A_167 = arith.constant 0.000000e+00 : f32
        %broadcast_in_dim3A_168 = vector.broadcast %broadcast_in_dim3A_167 : f32 to vector<16xf32>
        %add3A_169 = arith.constant 0 : i32
        %add3A_170 = arith.addi %mul3A_161, %add3A_169 : i32
        %get3A = arith.index_cast %add3A_170 : i32 to index
        %get3A_171 = arith.constant 0 : index
        %get3A_172 = tpu.vector_load %arg7[%get3A, %get3A_171] {strides = array<i32>} : memref<320x64xf32, #tpu.memory_space<vmem>>, vector<1x16xf32>,
        %get3A_173 = vector.shape_cast %get3A_172 : vector<1x16xf32> to vector<16xf32>
        %add3A_174 = arith.addf %broadcast_in_dim3A_162, %get3A_173 : vector<16xf32>
        %add3A_175 = arith.constant 0 : i32
        %add3A_176 = arith.addi %mul3A_161, %add3A_175 : i32
        %get3A_177 = arith.index_cast %add3A_176 : i32 to index
        %get3A_178 = arith.constant 16 : index
        %get3A_179 = tpu.vector_load %arg7[%get3A_177, %get3A_178] {strides = array<i32>} : memref<320x64xf32, #tpu.memory_space<vmem>>, vector<1x16xf32>,
        %get3A_180 = vector.shape_cast %get3A_179 : vector<1x16xf32> to vector<16xf32>
        %add3A_181 = arith.addf %broadcast_in_dim3A_164, %get3A_180 : vector<16xf32>
        %add3A_182 = arith.constant 0 : i32
        %add3A_183 = arith.addi %mul3A_161, %add3A_182 : i32
        %get3A_184 = arith.index_cast %add3A_183 : i32 to index
        %get3A_185 = arith.constant 32 : index
        %get3A_186 = tpu.vector_load %arg7[%get3A_184, %get3A_185] {strides = array<i32>} : memref<320x64xf32, #tpu.memory_space<vmem>>, vector<1x16xf32>,
        %get3A_187 = vector.shape_cast %get3A_186 : vector<1x16xf32> to vector<16xf32>
        %add3A_188 = arith.addf %broadcast_in_dim3A_166, %get3A_187 : vector<16xf32>
        %add3A_189 = arith.constant 0 : i32
        %add3A_190 = arith.addi %mul3A_161, %add3A_189 : i32
        %get3A_191 = arith.index_cast %add3A_190 : i32 to index
        %get3A_192 = arith.constant 48 : index
        %get3A_193 = tpu.vector_load %arg7[%get3A_191, %get3A_192] {strides = array<i32>} : memref<320x64xf32, #tpu.memory_space<vmem>>, vector<1x16xf32>,
        %get3A_194 = vector.shape_cast %get3A_193 : vector<1x16xf32> to vector<16xf32>
        %add3A_195 = arith.addf %broadcast_in_dim3A_168, %get3A_194 : vector<16xf32>
        %add3A_196 = arith.constant 1 : i32
        %add3A_197 = arith.addi %mul3A_161, %add3A_196 : i32
        %get3A_198 = arith.index_cast %add3A_197 : i32 to index
        %get3A_199 = arith.constant 0 : index
        %get3A_200 = tpu.vector_load %arg7[%get3A_198, %get3A_199] {strides = array<i32>} : memref<320x64xf32, #tpu.memory_space<vmem>>, vector<1x16xf32>,
        %get3A_201 = vector.shape_cast %get3A_200 : vector<1x16xf32> to vector<16xf32>
        %add3A_202 = arith.addf %add3A_174, %get3A_201 : vector<16xf32>
        %add3A_203 = arith.constant 1 : i32
        %add3A_204 = arith.addi %mul3A_161, %add3A_203 : i32
        %get3A_205 = arith.index_cast %add3A_204 : i32 to index
        %get3A_206 = arith.constant 16 : index
        %get3A_207 = tpu.vector_load %arg7[%get3A_205, %get3A_206] {strides = array<i32>} : memref<320x64xf32, #tpu.memory_space<vmem>>, vector<1x16xf32>,
        %get3A_208 = vector.shape_cast %get3A_207 : vector<1x16xf32> to vector<16xf32>
        %add3A_209 = arith.addf %add3A_181, %get3A_208 : vector<16xf32>
        %add3A_210 = arith.constant 1 : i32
        %add3A_211 = arith.addi %mul3A_161, %add3A_210 : i32
        %get3A_212 = arith.index_cast %add3A_211 : i32 to index
        %get3A_213 = arith.constant 32 : index
        %get3A_214 = tpu.vector_load %arg7[%get3A_212, %get3A_213] {strides = array<i32>} : memref<320x64xf32, #tpu.memory_space<vmem>>, vector<1x16xf32>,
        %get3A_215 = vector.shape_cast %get3A_214 : vector<1x16xf32> to vector<16xf32>
        %add3A_216 = arith.addf %add3A_188, %get3A_215 : vector<16xf32>
        %add3A_217 = arith.constant 1 : i32
        %add3A_218 = arith.addi %mul3A_161, %add3A_217 : i32
        %get3A_219 = arith.index_cast %add3A_218 : i32 to index
        %get3A_220 = arith.constant 48 : index
        %get3A_221 = tpu.vector_load %arg7[%get3A_219, %get3A_220] {strides = array<i32>} : memref<320x64xf32, #tpu.memory_space<vmem>>, vector<1x16xf32>,
        %get3A_222 = vector.shape_cast %get3A_221 : vector<1x16xf32> to vector<16xf32>
        %add3A_223 = arith.addf %add3A_195, %get3A_222 : vector<16xf32>
        %add3A_224 = arith.constant 2 : i32
        %add3A_225 = arith.addi %mul3A_161, %add3A_224 : i32
        %get3A_226 = arith.index_cast %add3A_225 : i32 to index
        %get3A_227 = arith.constant 0 : index
        %get3A_228 = tpu.vector_load %arg7[%get3A_226, %get3A_227] {strides = array<i32>} : memref<320x64xf32, #tpu.memory_space<vmem>>, vector<1x16xf32>,
        %get3A_229 = vector.shape_cast %get3A_228 : vector<1x16xf32> to vector<16xf32>
        %add3A_230 = arith.addf %add3A_202, %get3A_229 : vector<16xf32>
        %add3A_231 = arith.constant 2 : i32
        %add3A_232 = arith.addi %mul3A_161, %add3A_231 : i32
        %get3A_233 = arith.index_cast %add3A_232 : i32 to index
        %get3A_234 = arith.constant 16 : index
        %get3A_235 = tpu.vector_load %arg7[%get3A_233, %get3A_234] {strides = array<i32>} : memref<320x64xf32, #tpu.memory_space<vmem>>, vector<1x16xf32>,
        %get3A_236 = vector.shape_cast %get3A_235 : vector<1x16xf32> to vector<16xf32>
        %add3A_237 = arith.addf %add3A_209, %get3A_236 : vector<16xf32>
        %add3A_238 = arith.constant 2 : i32
        %add3A_239 = arith.addi %mul3A_161, %add3A_238 : i32
        %get3A_240 = arith.index_cast %add3A_239 : i32 to index
        %get3A_241 = arith.constant 32 : index
        %get3A_242 = tpu.vector_load %arg7[%get3A_240, %get3A_241] {strides = array<i32>} : memref<320x64xf32, #tpu.memory_space<vmem>>, vector<1x16xf32>,
        %get3A_243 = vector.shape_cast %get3A_242 : vector<1x16xf32> to vector<16xf32>
        %add3A_244 = arith.addf %add3A_216, %get3A_243 : vector<16xf32>
        %add3A_245 = arith.constant 2 : i32
        %add3A_246 = arith.addi %mul3A_161, %add3A_245 : i32
        %get3A_247 = arith.index_cast %add3A_246 : i32 to index
        %get3A_248 = arith.constant 48 : index
        %get3A_249 = tpu.vector_load %arg7[%get3A_247, %get3A_248] {strides = array<i32>} : memref<320x64xf32, #tpu.memory_space<vmem>>, vector<1x16xf32>,
        %get3A_250 = vector.shape_cast %get3A_249 : vector<1x16xf32> to vector<16xf32>
        %add3A_251 = arith.addf %add3A_223, %get3A_250 : vector<16xf32>
        %add3A_252 = arith.constant 3 : i32
        %add3A_253 = arith.addi %mul3A_161, %add3A_252 : i32
        %get3A_254 = arith.index_cast %add3A_253 : i32 to index
        %get3A_255 = arith.constant 0 : index
        %get3A_256 = tpu.vector_load %arg7[%get3A_254, %get3A_255] {strides = array<i32>} : memref<320x64xf32, #tpu.memory_space<vmem>>, vector<1x16xf32>,
        %get3A_257 = vector.shape_cast %get3A_256 : vector<1x16xf32> to vector<16xf32>
        %add3A_258 = arith.addf %add3A_230, %get3A_257 : vector<16xf32>
        %add3A_259 = arith.constant 3 : i32
        %add3A_260 = arith.addi %mul3A_161, %add3A_259 : i32
        %get3A_261 = arith.index_cast %add3A_260 : i32 to index
        %get3A_262 = arith.constant 16 : index
        %get3A_263 = tpu.vector_load %arg7[%get3A_261, %get3A_262] {strides = array<i32>} : memref<320x64xf32, #tpu.memory_space<vmem>>, vector<1x16xf32>,
        %get3A_264 = vector.shape_cast %get3A_263 : vector<1x16xf32> to vector<16xf32>
        %add3A_265 = arith.addf %add3A_237, %get3A_264 : vector<16xf32>
        %add3A_266 = arith.constant 3 : i32
        %add3A_267 = arith.addi %mul3A_161, %add3A_266 : i32
        %get3A_268 = arith.index_cast %add3A_267 : i32 to index
        %get3A_269 = arith.constant 32 : index
        %get3A_270 = tpu.vector_load %arg7[%get3A_268, %get3A_269] {strides = array<i32>} : memref<320x64xf32, #tpu.memory_space<vmem>>, vector<1x16xf32>,
        %get3A_271 = vector.shape_cast %get3A_270 : vector<1x16xf32> to vector<16xf32>
        %add3A_272 = arith.addf %add3A_244, %get3A_271 : vector<16xf32>
        %add3A_273 = arith.constant 3 : i32
        %add3A_274 = arith.addi %mul3A_161, %add3A_273 : i32
        %get3A_275 = arith.index_cast %add3A_274 : i32 to index
        %get3A_276 = arith.constant 48 : index
        %get3A_277 = tpu.vector_load %arg7[%get3A_275, %get3A_276] {strides = array<i32>} : memref<320x64xf32, #tpu.memory_space<vmem>>, vector<1x16xf32>,
        %get3A_278 = vector.shape_cast %get3A_277 : vector<1x16xf32> to vector<16xf32>
        %add3A_279 = arith.addf %add3A_251, %get3A_278 : vector<16xf32>
        %add3A_280 = arith.constant 4 : i32
        %add3A_281 = arith.addi %mul3A_161, %add3A_280 : i32
        %get3A_282 = arith.index_cast %add3A_281 : i32 to index
        %get3A_283 = arith.constant 0 : index
        %get3A_284 = tpu.vector_load %arg7[%get3A_282, %get3A_283] {strides = array<i32>} : memref<320x64xf32, #tpu.memory_space<vmem>>, vector<1x16xf32>,
        %get3A_285 = vector.shape_cast %get3A_284 : vector<1x16xf32> to vector<16xf32>
        %add3A_286 = arith.addf %add3A_258, %get3A_285 : vector<16xf32>
        %add3A_287 = arith.constant 4 : i32
        %add3A_288 = arith.addi %mul3A_161, %add3A_287 : i32
        %get3A_289 = arith.index_cast %add3A_288 : i32 to index
        %get3A_290 = arith.constant 16 : index
        %get3A_291 = tpu.vector_load %arg7[%get3A_289, %get3A_290] {strides = array<i32>} : memref<320x64xf32, #tpu.memory_space<vmem>>, vector<1x16xf32>,
        %get3A_292 = vector.shape_cast %get3A_291 : vector<1x16xf32> to vector<16xf32>
        %add3A_293 = arith.addf %add3A_265, %get3A_292 : vector<16xf32>
        %add3A_294 = arith.constant 4 : i32
        %add3A_295 = arith.addi %mul3A_161, %add3A_294 : i32
        %get3A_296 = arith.index_cast %add3A_295 : i32 to index
        %get3A_297 = arith.constant 32 : index
        %get3A_298 = tpu.vector_load %arg7[%get3A_296, %get3A_297] {strides = array<i32>} : memref<320x64xf32, #tpu.memory_space<vmem>>, vector<1x16xf32>,
        %get3A_299 = vector.shape_cast %get3A_298 : vector<1x16xf32> to vector<16xf32>
        %add3A_300 = arith.addf %add3A_272, %get3A_299 : vector<16xf32>
        %add3A_301 = arith.constant 4 : i32
        %add3A_302 = arith.addi %mul3A_161, %add3A_301 : i32
        %get3A_303 = arith.index_cast %add3A_302 : i32 to index
        %get3A_304 = arith.constant 48 : index
        %get3A_305 = tpu.vector_load %arg7[%get3A_303, %get3A_304] {strides = array<i32>} : memref<320x64xf32, #tpu.memory_space<vmem>>, vector<1x16xf32>,
        %get3A_306 = vector.shape_cast %get3A_305 : vector<1x16xf32> to vector<16xf32>
        %add3A_307 = arith.addf %add3A_279, %get3A_306 : vector<16xf32>
        %add3A_308 = arith.constant 5 : i32
        %add3A_309 = arith.addi %mul3A_161, %add3A_308 : i32
        %get3A_310 = arith.index_cast %add3A_309 : i32 to index
        %get3A_311 = arith.constant 0 : index
        %get3A_312 = tpu.vector_load %arg7[%get3A_310, %get3A_311] {strides = array<i32>} : memref<320x64xf32, #tpu.memory_space<vmem>>, vector<1x16xf32>,
        %get3A_313 = vector.shape_cast %get3A_312 : vector<1x16xf32> to vector<16xf32>
        %add3A_314 = arith.addf %add3A_286, %get3A_313 : vector<16xf32>
        %add3A_315 = arith.constant 5 : i32
        %add3A_316 = arith.addi %mul3A_161, %add3A_315 : i32
        %get3A_317 = arith.index_cast %add3A_316 : i32 to index
        %get3A_318 = arith.constant 16 : index
        %get3A_319 = tpu.vector_load %arg7[%get3A_317, %get3A_318] {strides = array<i32>} : memref<320x64xf32, #tpu.memory_space<vmem>>, vector<1x16xf32>,
        %get3A_320 = vector.shape_cast %get3A_319 : vector<1x16xf32> to vector<16xf32>
        %add3A_321 = arith.addf %add3A_293, %get3A_320 : vector<16xf32>
        %add3A_322 = arith.constant 5 : i32
        %add3A_323 = arith.addi %mul3A_161, %add3A_322 : i32
        %get3A_324 = arith.index_cast %add3A_323 : i32 to index
        %get3A_325 = arith.constant 32 : index
        %get3A_326 = tpu.vector_load %arg7[%get3A_324, %get3A_325] {strides = array<i32>} : memref<320x64xf32, #tpu.memory_space<vmem>>, vector<1x16xf32>,
        %get3A_327 = vector.shape_cast %get3A_326 : vector<1x16xf32> to vector<16xf32>
        %add3A_328 = arith.addf %add3A_300, %get3A_327 : vector<16xf32>
        %add3A_329 = arith.constant 5 : i32
        %add3A_330 = arith.addi %mul3A_161, %add3A_329 : i32
        %get3A_331 = arith.index_cast %add3A_330 : i32 to index
        %get3A_332 = arith.constant 48 : index
        %get3A_333 = tpu.vector_load %arg7[%get3A_331, %get3A_332] {strides = array<i32>} : memref<320x64xf32, #tpu.memory_space<vmem>>, vector<1x16xf32>,
        %get3A_334 = vector.shape_cast %get3A_333 : vector<1x16xf32> to vector<16xf32>
        %add3A_335 = arith.addf %add3A_307, %get3A_334 : vector<16xf32>
        %add3A_336 = arith.constant 6 : i32
        %add3A_337 = arith.addi %mul3A_161, %add3A_336 : i32
        %get3A_338 = arith.index_cast %add3A_337 : i32 to index
        %get3A_339 = arith.constant 0 : index
        %get3A_340 = tpu.vector_load %arg7[%get3A_338, %get3A_339] {strides = array<i32>} : memref<320x64xf32, #tpu.memory_space<vmem>>, vector<1x16xf32>,
        %get3A_341 = vector.shape_cast %get3A_340 : vector<1x16xf32> to vector<16xf32>
        %add3A_342 = arith.addf %add3A_314, %get3A_341 : vector<16xf32>
        %add3A_343 = arith.constant 6 : i32
        %add3A_344 = arith.addi %mul3A_161, %add3A_343 : i32
        %get3A_345 = arith.index_cast %add3A_344 : i32 to index
        %get3A_346 = arith.constant 16 : index
        %get3A_347 = tpu.vector_load %arg7[%get3A_345, %get3A_346] {strides = array<i32>} : memref<320x64xf32, #tpu.memory_space<vmem>>, vector<1x16xf32>,
        %get3A_348 = vector.shape_cast %get3A_347 : vector<1x16xf32> to vector<16xf32>
        %add3A_349 = arith.addf %add3A_321, %get3A_348 : vector<16xf32>
        %add3A_350 = arith.constant 6 : i32
        %add3A_351 = arith.addi %mul3A_161, %add3A_350 : i32
        %get3A_352 = arith.index_cast %add3A_351 : i32 to index
        %get3A_353 = arith.constant 32 : index
        %get3A_354 = tpu.vector_load %arg7[%get3A_352, %get3A_353] {strides = array<i32>} : memref<320x64xf32, #tpu.memory_space<vmem>>, vector<1x16xf32>,
        %get3A_355 = vector.shape_cast %get3A_354 : vector<1x16xf32> to vector<16xf32>
        %add3A_356 = arith.addf %add3A_328, %get3A_355 : vector<16xf32>
        %add3A_357 = arith.constant 6 : i32
        %add3A_358 = arith.addi %mul3A_161, %add3A_357 : i32
        %get3A_359 = arith.index_cast %add3A_358 : i32 to index
        %get3A_360 = arith.constant 48 : index
        %get3A_361 = tpu.vector_load %arg7[%get3A_359, %get3A_360] {strides = array<i32>} : memref<320x64xf32, #tpu.memory_space<vmem>>, vector<1x16xf32>,
        %get3A_362 = vector.shape_cast %get3A_361 : vector<1x16xf32> to vector<16xf32>
        %add3A_363 = arith.addf %add3A_335, %get3A_362 : vector<16xf32>
        %add3A_364 = arith.constant 7 : i32
        %add3A_365 = arith.addi %mul3A_161, %add3A_364 : i32
        %get3A_366 = arith.index_cast %add3A_365 : i32 to index
        %get3A_367 = arith.constant 0 : index
        %get3A_368 = tpu.vector_load %arg7[%get3A_366, %get3A_367] {strides = array<i32>} : memref<320x64xf32, #tpu.memory_space<vmem>>, vector<1x16xf32>,
        %get3A_369 = vector.shape_cast %get3A_368 : vector<1x16xf32> to vector<16xf32>
        %add3A_370 = arith.addf %add3A_342, %get3A_369 : vector<16xf32>
        %add3A_371 = arith.constant 7 : i32
        %add3A_372 = arith.addi %mul3A_161, %add3A_371 : i32
        %get3A_373 = arith.index_cast %add3A_372 : i32 to index
        %get3A_374 = arith.constant 16 : index
        %get3A_375 = tpu.vector_load %arg7[%get3A_373, %get3A_374] {strides = array<i32>} : memref<320x64xf32, #tpu.memory_space<vmem>>, vector<1x16xf32>,
        %get3A_376 = vector.shape_cast %get3A_375 : vector<1x16xf32> to vector<16xf32>
        %add3A_377 = arith.addf %add3A_349, %get3A_376 : vector<16xf32>
        %add3A_378 = arith.constant 7 : i32
        %add3A_379 = arith.addi %mul3A_161, %add3A_378 : i32
        %get3A_380 = arith.index_cast %add3A_379 : i32 to index
        %get3A_381 = arith.constant 32 : index
        %get3A_382 = tpu.vector_load %arg7[%get3A_380, %get3A_381] {strides = array<i32>} : memref<320x64xf32, #tpu.memory_space<vmem>>, vector<1x16xf32>,
        %get3A_383 = vector.shape_cast %get3A_382 : vector<1x16xf32> to vector<16xf32>
        %add3A_384 = arith.addf %add3A_356, %get3A_383 : vector<16xf32>
        %add3A_385 = arith.constant 7 : i32
        %add3A_386 = arith.addi %mul3A_161, %add3A_385 : i32
        %get3A_387 = arith.index_cast %add3A_386 : i32 to index
        %get3A_388 = arith.constant 48 : index
        %get3A_389 = tpu.vector_load %arg7[%get3A_387, %get3A_388] {strides = array<i32>} : memref<320x64xf32, #tpu.memory_space<vmem>>, vector<1x16xf32>,
        %get3A_390 = vector.shape_cast %get3A_389 : vector<1x16xf32> to vector<16xf32>
        %add3A_391 = arith.addf %add3A_363, %get3A_390 : vector<16xf32>
        %add3A_392 = arith.constant 8 : i32
        %add3A_393 = arith.addi %mul3A_161, %add3A_392 : i32
        %get3A_394 = arith.index_cast %add3A_393 : i32 to index
        %get3A_395 = arith.constant 0 : index
        %get3A_396 = tpu.vector_load %arg7[%get3A_394, %get3A_395] {strides = array<i32>} : memref<320x64xf32, #tpu.memory_space<vmem>>, vector<1x16xf32>,
        %get3A_397 = vector.shape_cast %get3A_396 : vector<1x16xf32> to vector<16xf32>
        %add3A_398 = arith.addf %add3A_370, %get3A_397 : vector<16xf32>
        %add3A_399 = arith.constant 8 : i32
        %add3A_400 = arith.addi %mul3A_161, %add3A_399 : i32
        %get3A_401 = arith.index_cast %add3A_400 : i32 to index
        %get3A_402 = arith.constant 16 : index
        %get3A_403 = tpu.vector_load %arg7[%get3A_401, %get3A_402] {strides = array<i32>} : memref<320x64xf32, #tpu.memory_space<vmem>>, vector<1x16xf32>,
        %get3A_404 = vector.shape_cast %get3A_403 : vector<1x16xf32> to vector<16xf32>
        %add3A_405 = arith.addf %add3A_377, %get3A_404 : vector<16xf32>
        %add3A_406 = arith.constant 8 : i32
        %add3A_407 = arith.addi %mul3A_161, %add3A_406 : i32
        %get3A_408 = arith.index_cast %add3A_407 : i32 to index
        %get3A_409 = arith.constant 32 : index
        %get3A_410 = tpu.vector_load %arg7[%get3A_408, %get3A_409] {strides = array<i32>} : memref<320x64xf32, #tpu.memory_space<vmem>>, vector<1x16xf32>,
        %get3A_411 = vector.shape_cast %get3A_410 : vector<1x16xf32> to vector<16xf32>
        %add3A_412 = arith.addf %add3A_384, %get3A_411 : vector<16xf32>
        %add3A_413 = arith.constant 8 : i32
        %add3A_414 = arith.addi %mul3A_161, %add3A_413 : i32
        %get3A_415 = arith.index_cast %add3A_414 : i32 to index
        %get3A_416 = arith.constant 48 : index
        %get3A_417 = tpu.vector_load %arg7[%get3A_415, %get3A_416] {strides = array<i32>} : memref<320x64xf32, #tpu.memory_space<vmem>>, vector<1x16xf32>,
        %get3A_418 = vector.shape_cast %get3A_417 : vector<1x16xf32> to vector<16xf32>
        %add3A_419 = arith.addf %add3A_391, %get3A_418 : vector<16xf32>
        %add3A_420 = arith.constant 9 : i32
        %add3A_421 = arith.addi %mul3A_161, %add3A_420 : i32
        %get3A_422 = arith.index_cast %add3A_421 : i32 to index
        %get3A_423 = arith.constant 0 : index
        %get3A_424 = tpu.vector_load %arg7[%get3A_422, %get3A_423] {strides = array<i32>} : memref<320x64xf32, #tpu.memory_space<vmem>>, vector<1x16xf32>,
        %get3A_425 = vector.shape_cast %get3A_424 : vector<1x16xf32> to vector<16xf32>
        %add3A_426 = arith.addf %add3A_398, %get3A_425 : vector<16xf32>
        %add3A_427 = arith.constant 9 : i32
        %add3A_428 = arith.addi %mul3A_161, %add3A_427 : i32
        %get3A_429 = arith.index_cast %add3A_428 : i32 to index
        %get3A_430 = arith.constant 16 : index
        %get3A_431 = tpu.vector_load %arg7[%get3A_429, %get3A_430] {strides = array<i32>} : memref<320x64xf32, #tpu.memory_space<vmem>>, vector<1x16xf32>,
        %get3A_432 = vector.shape_cast %get3A_431 : vector<1x16xf32> to vector<16xf32>
        %add3A_433 = arith.addf %add3A_405, %get3A_432 : vector<16xf32>
        %add3A_434 = arith.constant 9 : i32
        %add3A_435 = arith.addi %mul3A_161, %add3A_434 : i32
        %get3A_436 = arith.index_cast %add3A_435 : i32 to index
        %get3A_437 = arith.constant 32 : index
        %get3A_438 = tpu.vector_load %arg7[%get3A_436, %get3A_437] {strides = array<i32>} : memref<320x64xf32, #tpu.memory_space<vmem>>, vector<1x16xf32>,
        %get3A_439 = vector.shape_cast %get3A_438 : vector<1x16xf32> to vector<16xf32>
        %add3A_440 = arith.addf %add3A_412, %get3A_439 : vector<16xf32>
        %add3A_441 = arith.constant 9 : i32
        %add3A_442 = arith.addi %mul3A_161, %add3A_441 : i32
        %get3A_443 = arith.index_cast %add3A_442 : i32 to index
        %get3A_444 = arith.constant 48 : index
        %get3A_445 = tpu.vector_load %arg7[%get3A_443, %get3A_444] {strides = array<i32>} : memref<320x64xf32, #tpu.memory_space<vmem>>, vector<1x16xf32>,
        %get3A_446 = vector.shape_cast %get3A_445 : vector<1x16xf32> to vector<16xf32>
        %add3A_447 = arith.addf %add3A_419, %get3A_446 : vector<16xf32>
        %add3A_448 = arith.constant 10 : i32
        %add3A_449 = arith.addi %mul3A_161, %add3A_448 : i32
        %get3A_450 = arith.index_cast %add3A_449 : i32 to index
        %get3A_451 = arith.constant 0 : index
        %get3A_452 = tpu.vector_load %arg7[%get3A_450, %get3A_451] {strides = array<i32>} : memref<320x64xf32, #tpu.memory_space<vmem>>, vector<1x16xf32>,
        %get3A_453 = vector.shape_cast %get3A_452 : vector<1x16xf32> to vector<16xf32>
        %add3A_454 = arith.addf %add3A_426, %get3A_453 : vector<16xf32>
        %add3A_455 = arith.constant 10 : i32
        %add3A_456 = arith.addi %mul3A_161, %add3A_455 : i32
        %get3A_457 = arith.index_cast %add3A_456 : i32 to index
        %get3A_458 = arith.constant 16 : index
        %get3A_459 = tpu.vector_load %arg7[%get3A_457, %get3A_458] {strides = array<i32>} : memref<320x64xf32, #tpu.memory_space<vmem>>, vector<1x16xf32>,
        %get3A_460 = vector.shape_cast %get3A_459 : vector<1x16xf32> to vector<16xf32>
        %add3A_461 = arith.addf %add3A_433, %get3A_460 : vector<16xf32>
        %add3A_462 = arith.constant 10 : i32
        %add3A_463 = arith.addi %mul3A_161, %add3A_462 : i32
        %get3A_464 = arith.index_cast %add3A_463 : i32 to index
        %get3A_465 = arith.constant 32 : index
        %get3A_466 = tpu.vector_load %arg7[%get3A_464, %get3A_465] {strides = array<i32>} : memref<320x64xf32, #tpu.memory_space<vmem>>, vector<1x16xf32>,
        %get3A_467 = vector.shape_cast %get3A_466 : vector<1x16xf32> to vector<16xf32>
        %add3A_468 = arith.addf %add3A_440, %get3A_467 : vector<16xf32>
        %add3A_469 = arith.constant 10 : i32
        %add3A_470 = arith.addi %mul3A_161, %add3A_469 : i32
        %get3A_471 = arith.index_cast %add3A_470 : i32 to index
        %get3A_472 = arith.constant 48 : index
        %get3A_473 = tpu.vector_load %arg7[%get3A_471, %get3A_472] {strides = array<i32>} : memref<320x64xf32, #tpu.memory_space<vmem>>, vector<1x16xf32>,
        %get3A_474 = vector.shape_cast %get3A_473 : vector<1x16xf32> to vector<16xf32>
        %add3A_475 = arith.addf %add3A_447, %get3A_474 : vector<16xf32>
        %add3A_476 = arith.constant 11 : i32
        %add3A_477 = arith.addi %mul3A_161, %add3A_476 : i32
        %get3A_478 = arith.index_cast %add3A_477 : i32 to index
        %get3A_479 = arith.constant 0 : index
        %get3A_480 = tpu.vector_load %arg7[%get3A_478, %get3A_479] {strides = array<i32>} : memref<320x64xf32, #tpu.memory_space<vmem>>, vector<1x16xf32>,
        %get3A_481 = vector.shape_cast %get3A_480 : vector<1x16xf32> to vector<16xf32>
        %add3A_482 = arith.addf %add3A_454, %get3A_481 : vector<16xf32>
        %add3A_483 = arith.constant 11 : i32
        %add3A_484 = arith.addi %mul3A_161, %add3A_483 : i32
        %get3A_485 = arith.index_cast %add3A_484 : i32 to index
        %get3A_486 = arith.constant 16 : index
        %get3A_487 = tpu.vector_load %arg7[%get3A_485, %get3A_486] {strides = array<i32>} : memref<320x64xf32, #tpu.memory_space<vmem>>, vector<1x16xf32>,
        %get3A_488 = vector.shape_cast %get3A_487 : vector<1x16xf32> to vector<16xf32>
        %add3A_489 = arith.addf %add3A_461, %get3A_488 : vector<16xf32>
        %add3A_490 = arith.constant 11 : i32
        %add3A_491 = arith.addi %mul3A_161, %add3A_490 : i32
        %get3A_492 = arith.index_cast %add3A_491 : i32 to index
        %get3A_493 = arith.constant 32 : index
        %get3A_494 = tpu.vector_load %arg7[%get3A_492, %get3A_493] {strides = array<i32>} : memref<320x64xf32, #tpu.memory_space<vmem>>, vector<1x16xf32>,
        %get3A_495 = vector.shape_cast %get3A_494 : vector<1x16xf32> to vector<16xf32>
        %add3A_496 = arith.addf %add3A_468, %get3A_495 : vector<16xf32>
        %add3A_497 = arith.constant 11 : i32
        %add3A_498 = arith.addi %mul3A_161, %add3A_497 : i32
        %get3A_499 = arith.index_cast %add3A_498 : i32 to index
        %get3A_500 = arith.constant 48 : index
        %get3A_501 = tpu.vector_load %arg7[%get3A_499, %get3A_500] {strides = array<i32>} : memref<320x64xf32, #tpu.memory_space<vmem>>, vector<1x16xf32>,
        %get3A_502 = vector.shape_cast %get3A_501 : vector<1x16xf32> to vector<16xf32>
        %add3A_503 = arith.addf %add3A_475, %get3A_502 : vector<16xf32>
        %add3A_504 = arith.constant 12 : i32
        %add3A_505 = arith.addi %mul3A_161, %add3A_504 : i32
        %get3A_506 = arith.index_cast %add3A_505 : i32 to index
        %get3A_507 = arith.constant 0 : index
        %get3A_508 = tpu.vector_load %arg7[%get3A_506, %get3A_507] {strides = array<i32>} : memref<320x64xf32, #tpu.memory_space<vmem>>, vector<1x16xf32>,
        %get3A_509 = vector.shape_cast %get3A_508 : vector<1x16xf32> to vector<16xf32>
        %add3A_510 = arith.addf %add3A_482, %get3A_509 : vector<16xf32>
        %add3A_511 = arith.constant 12 : i32
        %add3A_512 = arith.addi %mul3A_161, %add3A_511 : i32
        %get3A_513 = arith.index_cast %add3A_512 : i32 to index
        %get3A_514 = arith.constant 16 : index
        %get3A_515 = tpu.vector_load %arg7[%get3A_513, %get3A_514] {strides = array<i32>} : memref<320x64xf32, #tpu.memory_space<vmem>>, vector<1x16xf32>,
        %get3A_516 = vector.shape_cast %get3A_515 : vector<1x16xf32> to vector<16xf32>
        %add3A_517 = arith.addf %add3A_489, %get3A_516 : vector<16xf32>
        %add3A_518 = arith.constant 12 : i32
        %add3A_519 = arith.addi %mul3A_161, %add3A_518 : i32
        %get3A_520 = arith.index_cast %add3A_519 : i32 to index
        %get3A_521 = arith.constant 32 : index
        %get3A_522 = tpu.vector_load %arg7[%get3A_520, %get3A_521] {strides = array<i32>} : memref<320x64xf32, #tpu.memory_space<vmem>>, vector<1x16xf32>,
        %get3A_523 = vector.shape_cast %get3A_522 : vector<1x16xf32> to vector<16xf32>
        %add3A_524 = arith.addf %add3A_496, %get3A_523 : vector<16xf32>
        %add3A_525 = arith.constant 12 : i32
        %add3A_526 = arith.addi %mul3A_161, %add3A_525 : i32
        %get3A_527 = arith.index_cast %add3A_526 : i32 to index
        %get3A_528 = arith.constant 48 : index
        %get3A_529 = tpu.vector_load %arg7[%get3A_527, %get3A_528] {strides = array<i32>} : memref<320x64xf32, #tpu.memory_space<vmem>>, vector<1x16xf32>,
        %get3A_530 = vector.shape_cast %get3A_529 : vector<1x16xf32> to vector<16xf32>
        %add3A_531 = arith.addf %add3A_503, %get3A_530 : vector<16xf32>
        %add3A_532 = arith.constant 13 : i32
        %add3A_533 = arith.addi %mul3A_161, %add3A_532 : i32
        %get3A_534 = arith.index_cast %add3A_533 : i32 to index
        %get3A_535 = arith.constant 0 : index
        %get3A_536 = tpu.vector_load %arg7[%get3A_534, %get3A_535] {strides = array<i32>} : memref<320x64xf32, #tpu.memory_space<vmem>>, vector<1x16xf32>,
        %get3A_537 = vector.shape_cast %get3A_536 : vector<1x16xf32> to vector<16xf32>
        %add3A_538 = arith.addf %add3A_510, %get3A_537 : vector<16xf32>
        %add3A_539 = arith.constant 13 : i32
        %add3A_540 = arith.addi %mul3A_161, %add3A_539 : i32
        %get3A_541 = arith.index_cast %add3A_540 : i32 to index
        %get3A_542 = arith.constant 16 : index
        %get3A_543 = tpu.vector_load %arg7[%get3A_541, %get3A_542] {strides = array<i32>} : memref<320x64xf32, #tpu.memory_space<vmem>>, vector<1x16xf32>,
        %get3A_544 = vector.shape_cast %get3A_543 : vector<1x16xf32> to vector<16xf32>
        %add3A_545 = arith.addf %add3A_517, %get3A_544 : vector<16xf32>
        %add3A_546 = arith.constant 13 : i32
        %add3A_547 = arith.addi %mul3A_161, %add3A_546 : i32
        %get3A_548 = arith.index_cast %add3A_547 : i32 to index
        %get3A_549 = arith.constant 32 : index
        %get3A_550 = tpu.vector_load %arg7[%get3A_548, %get3A_549] {strides = array<i32>} : memref<320x64xf32, #tpu.memory_space<vmem>>, vector<1x16xf32>,
        %get3A_551 = vector.shape_cast %get3A_550 : vector<1x16xf32> to vector<16xf32>
        %add3A_552 = arith.addf %add3A_524, %get3A_551 : vector<16xf32>
        %add3A_553 = arith.constant 13 : i32
        %add3A_554 = arith.addi %mul3A_161, %add3A_553 : i32
        %get3A_555 = arith.index_cast %add3A_554 : i32 to index
        %get3A_556 = arith.constant 48 : index
        %get3A_557 = tpu.vector_load %arg7[%get3A_555, %get3A_556] {strides = array<i32>} : memref<320x64xf32, #tpu.memory_space<vmem>>, vector<1x16xf32>,
        %get3A_558 = vector.shape_cast %get3A_557 : vector<1x16xf32> to vector<16xf32>
        %add3A_559 = arith.addf %add3A_531, %get3A_558 : vector<16xf32>
        %add3A_560 = arith.constant 14 : i32
        %add3A_561 = arith.addi %mul3A_161, %add3A_560 : i32
        %get3A_562 = arith.index_cast %add3A_561 : i32 to index
        %get3A_563 = arith.constant 0 : index
        %get3A_564 = tpu.vector_load %arg7[%get3A_562, %get3A_563] {strides = array<i32>} : memref<320x64xf32, #tpu.memory_space<vmem>>, vector<1x16xf32>,
        %get3A_565 = vector.shape_cast %get3A_564 : vector<1x16xf32> to vector<16xf32>
        %add3A_566 = arith.addf %add3A_538, %get3A_565 : vector<16xf32>
        %add3A_567 = arith.constant 14 : i32
        %add3A_568 = arith.addi %mul3A_161, %add3A_567 : i32
        %get3A_569 = arith.index_cast %add3A_568 : i32 to index
        %get3A_570 = arith.constant 16 : index
        %get3A_571 = tpu.vector_load %arg7[%get3A_569, %get3A_570] {strides = array<i32>} : memref<320x64xf32, #tpu.memory_space<vmem>>, vector<1x16xf32>,
        %get3A_572 = vector.shape_cast %get3A_571 : vector<1x16xf32> to vector<16xf32>
        %add3A_573 = arith.addf %add3A_545, %get3A_572 : vector<16xf32>
        %add3A_574 = arith.constant 14 : i32
        %add3A_575 = arith.addi %mul3A_161, %add3A_574 : i32
        %get3A_576 = arith.index_cast %add3A_575 : i32 to index
        %get3A_577 = arith.constant 32 : index
        %get3A_578 = tpu.vector_load %arg7[%get3A_576, %get3A_577] {strides = array<i32>} : memref<320x64xf32, #tpu.memory_space<vmem>>, vector<1x16xf32>,
        %get3A_579 = vector.shape_cast %get3A_578 : vector<1x16xf32> to vector<16xf32>
        %add3A_580 = arith.addf %add3A_552, %get3A_579 : vector<16xf32>
        %add3A_581 = arith.constant 14 : i32
        %add3A_582 = arith.addi %mul3A_161, %add3A_581 : i32
        %get3A_583 = arith.index_cast %add3A_582 : i32 to index
        %get3A_584 = arith.constant 48 : index
        %get3A_585 = tpu.vector_load %arg7[%get3A_583, %get3A_584] {strides = array<i32>} : memref<320x64xf32, #tpu.memory_space<vmem>>, vector<1x16xf32>,
        %get3A_586 = vector.shape_cast %get3A_585 : vector<1x16xf32> to vector<16xf32>
        %add3A_587 = arith.addf %add3A_559, %get3A_586 : vector<16xf32>
        %add3A_588 = arith.constant 15 : i32
        %add3A_589 = arith.addi %mul3A_161, %add3A_588 : i32
        %get3A_590 = arith.index_cast %add3A_589 : i32 to index
        %get3A_591 = arith.constant 0 : index
        %get3A_592 = tpu.vector_load %arg7[%get3A_590, %get3A_591] {strides = array<i32>} : memref<320x64xf32, #tpu.memory_space<vmem>>, vector<1x16xf32>,
        %get3A_593 = vector.shape_cast %get3A_592 : vector<1x16xf32> to vector<16xf32>
        %add3A_594 = arith.addf %add3A_566, %get3A_593 : vector<16xf32>
        %add3A_595 = arith.constant 15 : i32
        %add3A_596 = arith.addi %mul3A_161, %add3A_595 : i32
        %get3A_597 = arith.index_cast %add3A_596 : i32 to index
        %get3A_598 = arith.constant 16 : index
        %get3A_599 = tpu.vector_load %arg7[%get3A_597, %get3A_598] {strides = array<i32>} : memref<320x64xf32, #tpu.memory_space<vmem>>, vector<1x16xf32>,
        %get3A_600 = vector.shape_cast %get3A_599 : vector<1x16xf32> to vector<16xf32>
        %add3A_601 = arith.addf %add3A_573, %get3A_600 : vector<16xf32>
        %add3A_602 = arith.constant 15 : i32
        %add3A_603 = arith.addi %mul3A_161, %add3A_602 : i32
        %get3A_604 = arith.index_cast %add3A_603 : i32 to index
        %get3A_605 = arith.constant 32 : index
        %get3A_606 = tpu.vector_load %arg7[%get3A_604, %get3A_605] {strides = array<i32>} : memref<320x64xf32, #tpu.memory_space<vmem>>, vector<1x16xf32>,
        %get3A_607 = vector.shape_cast %get3A_606 : vector<1x16xf32> to vector<16xf32>
        %add3A_608 = arith.addf %add3A_580, %get3A_607 : vector<16xf32>
        %add3A_609 = arith.constant 15 : i32
        %add3A_610 = arith.addi %mul3A_161, %add3A_609 : i32
        %get3A_611 = arith.index_cast %add3A_610 : i32 to index
        %get3A_612 = arith.constant 48 : index
        %get3A_613 = tpu.vector_load %arg7[%get3A_611, %get3A_612] {strides = array<i32>} : memref<320x64xf32, #tpu.memory_space<vmem>>, vector<1x16xf32>,
        %get3A_614 = vector.shape_cast %get3A_613 : vector<1x16xf32> to vector<16xf32>
        %add3A_615 = arith.addf %add3A_587, %get3A_614 : vector<16xf32>
        %add3A_616 = arith.constant 16 : i32
        %add3A_617 = arith.addi %mul3A_161, %add3A_616 : i32
        %get3A_618 = arith.index_cast %add3A_617 : i32 to index
        %get3A_619 = arith.constant 0 : index
        %get3A_620 = tpu.vector_load %arg7[%get3A_618, %get3A_619] {strides = array<i32>} : memref<320x64xf32, #tpu.memory_space<vmem>>, vector<1x16xf32>,
        %get3A_621 = vector.shape_cast %get3A_620 : vector<1x16xf32> to vector<16xf32>
        %add3A_622 = arith.addf %add3A_594, %get3A_621 : vector<16xf32>
        %add3A_623 = arith.constant 16 : i32
        %add3A_624 = arith.addi %mul3A_161, %add3A_623 : i32
        %get3A_625 = arith.index_cast %add3A_624 : i32 to index
        %get3A_626 = arith.constant 16 : index
        %get3A_627 = tpu.vector_load %arg7[%get3A_625, %get3A_626] {strides = array<i32>} : memref<320x64xf32, #tpu.memory_space<vmem>>, vector<1x16xf32>,
        %get3A_628 = vector.shape_cast %get3A_627 : vector<1x16xf32> to vector<16xf32>
        %add3A_629 = arith.addf %add3A_601, %get3A_628 : vector<16xf32>
        %add3A_630 = arith.constant 16 : i32
        %add3A_631 = arith.addi %mul3A_161, %add3A_630 : i32
        %get3A_632 = arith.index_cast %add3A_631 : i32 to index
        %get3A_633 = arith.constant 32 : index
        %get3A_634 = tpu.vector_load %arg7[%get3A_632, %get3A_633] {strides = array<i32>} : memref<320x64xf32, #tpu.memory_space<vmem>>, vector<1x16xf32>,
        %get3A_635 = vector.shape_cast %get3A_634 : vector<1x16xf32> to vector<16xf32>
        %add3A_636 = arith.addf %add3A_608, %get3A_635 : vector<16xf32>
        %add3A_637 = arith.constant 16 : i32
        %add3A_638 = arith.addi %mul3A_161, %add3A_637 : i32
        %get3A_639 = arith.index_cast %add3A_638 : i32 to index
        %get3A_640 = arith.constant 48 : index
        %get3A_641 = tpu.vector_load %arg7[%get3A_639, %get3A_640] {strides = array<i32>} : memref<320x64xf32, #tpu.memory_space<vmem>>, vector<1x16xf32>,
        %get3A_642 = vector.shape_cast %get3A_641 : vector<1x16xf32> to vector<16xf32>
        %add3A_643 = arith.addf %add3A_615, %get3A_642 : vector<16xf32>
        %add3A_644 = arith.constant 17 : i32
        %add3A_645 = arith.addi %mul3A_161, %add3A_644 : i32
        %get3A_646 = arith.index_cast %add3A_645 : i32 to index
        %get3A_647 = arith.constant 0 : index
        %get3A_648 = tpu.vector_load %arg7[%get3A_646, %get3A_647] {strides = array<i32>} : memref<320x64xf32, #tpu.memory_space<vmem>>, vector<1x16xf32>,
        %get3A_649 = vector.shape_cast %get3A_648 : vector<1x16xf32> to vector<16xf32>
        %add3A_650 = arith.addf %add3A_622, %get3A_649 : vector<16xf32>
        %add3A_651 = arith.constant 17 : i32
        %add3A_652 = arith.addi %mul3A_161, %add3A_651 : i32
        %get3A_653 = arith.index_cast %add3A_652 : i32 to index
        %get3A_654 = arith.constant 16 : index
        %get3A_655 = tpu.vector_load %arg7[%get3A_653, %get3A_654] {strides = array<i32>} : memref<320x64xf32, #tpu.memory_space<vmem>>, vector<1x16xf32>,
        %get3A_656 = vector.shape_cast %get3A_655 : vector<1x16xf32> to vector<16xf32>
        %add3A_657 = arith.addf %add3A_629, %get3A_656 : vector<16xf32>
        %add3A_658 = arith.constant 17 : i32
        %add3A_659 = arith.addi %mul3A_161, %add3A_658 : i32
        %get3A_660 = arith.index_cast %add3A_659 : i32 to index
        %get3A_661 = arith.constant 32 : index
        %get3A_662 = tpu.vector_load %arg7[%get3A_660, %get3A_661] {strides = array<i32>} : memref<320x64xf32, #tpu.memory_space<vmem>>, vector<1x16xf32>,
        %get3A_663 = vector.shape_cast %get3A_662 : vector<1x16xf32> to vector<16xf32>
        %add3A_664 = arith.addf %add3A_636, %get3A_663 : vector<16xf32>
        %add3A_665 = arith.constant 17 : i32
        %add3A_666 = arith.addi %mul3A_161, %add3A_665 : i32
        %get3A_667 = arith.index_cast %add3A_666 : i32 to index
        %get3A_668 = arith.constant 48 : index
        %get3A_669 = tpu.vector_load %arg7[%get3A_667, %get3A_668] {strides = array<i32>} : memref<320x64xf32, #tpu.memory_space<vmem>>, vector<1x16xf32>,
        %get3A_670 = vector.shape_cast %get3A_669 : vector<1x16xf32> to vector<16xf32>
        %add3A_671 = arith.addf %add3A_643, %get3A_670 : vector<16xf32>
        %add3A_672 = arith.constant 18 : i32
        %add3A_673 = arith.addi %mul3A_161, %add3A_672 : i32
        %get3A_674 = arith.index_cast %add3A_673 : i32 to index
        %get3A_675 = arith.constant 0 : index
        %get3A_676 = tpu.vector_load %arg7[%get3A_674, %get3A_675] {strides = array<i32>} : memref<320x64xf32, #tpu.memory_space<vmem>>, vector<1x16xf32>,
        %get3A_677 = vector.shape_cast %get3A_676 : vector<1x16xf32> to vector<16xf32>
        %add3A_678 = arith.addf %add3A_650, %get3A_677 : vector<16xf32>
        %add3A_679 = arith.constant 18 : i32
        %add3A_680 = arith.addi %mul3A_161, %add3A_679 : i32
        %get3A_681 = arith.index_cast %add3A_680 : i32 to index
        %get3A_682 = arith.constant 16 : index
        %get3A_683 = tpu.vector_load %arg7[%get3A_681, %get3A_682] {strides = array<i32>} : memref<320x64xf32, #tpu.memory_space<vmem>>, vector<1x16xf32>,
        %get3A_684 = vector.shape_cast %get3A_683 : vector<1x16xf32> to vector<16xf32>
        %add3A_685 = arith.addf %add3A_657, %get3A_684 : vector<16xf32>
        %add3A_686 = arith.constant 18 : i32
        %add3A_687 = arith.addi %mul3A_161, %add3A_686 : i32
        %get3A_688 = arith.index_cast %add3A_687 : i32 to index
        %get3A_689 = arith.constant 32 : index
        %get3A_690 = tpu.vector_load %arg7[%get3A_688, %get3A_689] {strides = array<i32>} : memref<320x64xf32, #tpu.memory_space<vmem>>, vector<1x16xf32>,
        %get3A_691 = vector.shape_cast %get3A_690 : vector<1x16xf32> to vector<16xf32>
        %add3A_692 = arith.addf %add3A_664, %get3A_691 : vector<16xf32>
        %add3A_693 = arith.constant 18 : i32
        %add3A_694 = arith.addi %mul3A_161, %add3A_693 : i32
        %get3A_695 = arith.index_cast %add3A_694 : i32 to index
        %get3A_696 = arith.constant 48 : index
        %get3A_697 = tpu.vector_load %arg7[%get3A_695, %get3A_696] {strides = array<i32>} : memref<320x64xf32, #tpu.memory_space<vmem>>, vector<1x16xf32>,
        %get3A_698 = vector.shape_cast %get3A_697 : vector<1x16xf32> to vector<16xf32>
        %add3A_699 = arith.addf %add3A_671, %get3A_698 : vector<16xf32>
        %add3A_700 = arith.constant 19 : i32
        %add3A_701 = arith.addi %mul3A_161, %add3A_700 : i32
        %get3A_702 = arith.index_cast %add3A_701 : i32 to index
        %get3A_703 = arith.constant 0 : index
        %get3A_704 = tpu.vector_load %arg7[%get3A_702, %get3A_703] {strides = array<i32>} : memref<320x64xf32, #tpu.memory_space<vmem>>, vector<1x16xf32>,
        %get3A_705 = vector.shape_cast %get3A_704 : vector<1x16xf32> to vector<16xf32>
        %add3A_706 = arith.addf %add3A_678, %get3A_705 : vector<16xf32>
        %add3A_707 = arith.constant 19 : i32
        %add3A_708 = arith.addi %mul3A_161, %add3A_707 : i32
        %get3A_709 = arith.index_cast %add3A_708 : i32 to index
        %get3A_710 = arith.constant 16 : index
        %get3A_711 = tpu.vector_load %arg7[%get3A_709, %get3A_710] {strides = array<i32>} : memref<320x64xf32, #tpu.memory_space<vmem>>, vector<1x16xf32>,
        %get3A_712 = vector.shape_cast %get3A_711 : vector<1x16xf32> to vector<16xf32>
        %add3A_713 = arith.addf %add3A_685, %get3A_712 : vector<16xf32>
        %add3A_714 = arith.constant 19 : i32
        %add3A_715 = arith.addi %mul3A_161, %add3A_714 : i32
        %get3A_716 = arith.index_cast %add3A_715 : i32 to index
        %get3A_717 = arith.constant 32 : index
        %get3A_718 = tpu.vector_load %arg7[%get3A_716, %get3A_717] {strides = array<i32>} : memref<320x64xf32, #tpu.memory_space<vmem>>, vector<1x16xf32>,
        %get3A_719 = vector.shape_cast %get3A_718 : vector<1x16xf32> to vector<16xf32>
        %add3A_720 = arith.addf %add3A_692, %get3A_719 : vector<16xf32>
        %add3A_721 = arith.constant 19 : i32
        %add3A_722 = arith.addi %mul3A_161, %add3A_721 : i32
        %get3A_723 = arith.index_cast %add3A_722 : i32 to index
        %get3A_724 = arith.constant 48 : index
        %get3A_725 = tpu.vector_load %arg7[%get3A_723, %get3A_724] {strides = array<i32>} : memref<320x64xf32, #tpu.memory_space<vmem>>, vector<1x16xf32>,
        %get3A_726 = vector.shape_cast %get3A_725 : vector<1x16xf32> to vector<16xf32>
        %add3A_727 = arith.addf %add3A_699, %get3A_726 : vector<16xf32>
        %mul3A_728 = arith.constant 16 : i32
        %mul3A_729 = arith.muli %mul3A_42, %mul3A_728 : i32
        %add3A_730 = arith.addi %mul3A_729, %add3A_159 : i32
        %swap3A = arith.index_cast %add3A_730 : i32 to index
        %swap3A_731 = arith.constant 0 : index
        %swap3A_732 = tpu.vector_load %arg9[%swap3A, %swap3A_731] {strides = array<i32>} : memref<1024x64xf32, #tpu.memory_space<vmem>>, vector<1x16xf32>,
        %swap3A_733 = vector.shape_cast %swap3A_732 : vector<1x16xf32> to vector<16xf32>
        %swap3A_734 = vector.shape_cast %add3A_706 : vector<16xf32> to vector<1x16xf32>
        tpu.vector_store %arg9[%swap3A, %swap3A_731], %swap3A_734 {strides = array<i32>} : memref<1024x64xf32, #tpu.memory_space<vmem>>, vector<1x16xf32>,
        %mul3A_735 = arith.constant 16 : i32
        %mul3A_736 = arith.muli %mul3A_42, %mul3A_735 : i32
        %add3A_737 = arith.addi %mul3A_736, %add3A_159 : i32
        %swap3A_738 = arith.index_cast %add3A_737 : i32 to index
        %swap3A_739 = arith.constant 16 : index
        %swap3A_740 = tpu.vector_load %arg9[%swap3A_738, %swap3A_739] {strides = array<i32>} : memref<1024x64xf32, #tpu.memory_space<vmem>>, vector<1x16xf32>,
        %swap3A_741 = vector.shape_cast %swap3A_740 : vector<1x16xf32> to vector<16xf32>
        %swap3A_742 = vector.shape_cast %add3A_713 : vector<16xf32> to vector<1x16xf32>
        tpu.vector_store %arg9[%swap3A_738, %swap3A_739], %swap3A_742 {strides = array<i32>} : memref<1024x64xf32, #tpu.memory_space<vmem>>, vector<1x16xf32>,
        %mul3A_743 = arith.constant 16 : i32
        %mul3A_744 = arith.muli %mul3A_42, %mul3A_743 : i32
        %add3A_745 = arith.addi %mul3A_744, %add3A_159 : i32
        %swap3A_746 = arith.index_cast %add3A_745 : i32 to index
        %swap3A_747 = arith.constant 32 : index
        %swap3A_748 = tpu.vector_load %arg9[%swap3A_746, %swap3A_747] {strides = array<i32>} : memref<1024x64xf32, #tpu.memory_space<vmem>>, vector<1x16xf32>,
        %swap3A_749 = vector.shape_cast %swap3A_748 : vector<1x16xf32> to vector<16xf32>
        %swap3A_750 = vector.shape_cast %add3A_720 : vector<16xf32> to vector<1x16xf32>
        tpu.vector_store %arg9[%swap3A_746, %swap3A_747], %swap3A_750 {strides = array<i32>} : memref<1024x64xf32, #tpu.memory_space<vmem>>, vector<1x16xf32>,
        %mul3A_751 = arith.constant 16 : i32
        %mul3A_752 = arith.muli %mul3A_42, %mul3A_751 : i32
        %add3A_753 = arith.addi %mul3A_752, %add3A_159 : i32
        %swap3A_754 = arith.index_cast %add3A_753 : i32 to index
        %swap3A_755 = arith.constant 48 : index
        %swap3A_756 = tpu.vector_load %arg9[%swap3A_754, %swap3A_755] {strides = array<i32>} : memref<1024x64xf32, #tpu.memory_space<vmem>>, vector<1x16xf32>,
        %swap3A_757 = vector.shape_cast %swap3A_756 : vector<1x16xf32> to vector<16xf32>
        %swap3A_758 = vector.shape_cast %add3A_727 : vector<16xf32> to vector<1x16xf32>
        tpu.vector_store %arg9[%swap3A_754, %swap3A_755], %swap3A_758 {strides = array<i32>} : memref<1024x64xf32, #tpu.memory_space<vmem>>, vector<1x16xf32>,
      }
      %scan3A_114 = arith.constant 16 : i32
      %lt3A = arith.constant 31 : i32
      %lt3A_115 = arith.cmpi slt, %add3A_40, %lt3A : i32
      %convert_element_type3A = arith.extui %lt3A_115 : i1 to i32
      %cond3A = arith.constant 0 : i32
      %cond3A_116 = arith.cmpi ne, %convert_element_type3A, %cond3A : i32
      scf.if %cond3A_116 {
        %add3A_155 = arith.constant 2 : i32
        %add3A_156 = arith.addi %mul3A_42, %add3A_155 : i32
        %mul3A_157 = arith.constant 320 : i32
        %mul3A_158 = arith.muli %add3A_156, %mul3A_157 : i32
        %add3A_159 = arith.constant 0 : i32
        %add3A_160 = arith.addi %mul3A_158, %add3A_159 : i32
        %dma_start3A_161 = arith.constant 0 : i32
        %dma_start3A_162 = arith.constant 0 : i32
        %dma_start3A_163 = tpu.memref_slice %arg7[%dma_start3A_161, %dma_start3A_162] : memref<320x64xf32, #tpu.memory_space<vmem>> -> memref<128x64xf32, #tpu.memory_space<vmem>>
        %dma_start3A_164 = tpu.memref_slice %arg6[%add3A_160] : memref<20480xi32, #tpu.memory_space<vmem>> -> memref<128xi32, #tpu.memory_space<vmem>>
        %dma_start3A_165 = arith.constant 0 : i32
        %dma_start3A_166 = arith.constant 0 : i32
        %dma_start3A_167 = tpu.memref_slice %arg4[%dma_start3A_165, %dma_start3A_166] : memref<199999x64xf32, #tpu.memory_space<hbm>> -> memref<199999x64xf32, #tpu.memory_space<hbm>>
        tpu.enqueue_indirect_dma source(%dma_start3A_167 : memref<199999x64xf32, #tpu.memory_space<hbm>>) target(%dma_start3A_163 : memref<128x64xf32, #tpu.memory_space<vmem>>) offsets(%dma_start3A_164 : memref<128xi32, #tpu.memory_space<vmem>>) semaphore(%arg10 : memref<!tpu.dma_semaphore, #tpu.memory_space<semaphore_mem>>)
        %mul3A_168 = arith.constant 320 : i32
        %mul3A_169 = arith.muli %add3A_156, %mul3A_168 : i32
        %add3A_170 = arith.constant 128 : i32
        %add3A_171 = arith.addi %mul3A_169, %add3A_170 : i32
        %dma_start3A_172 = arith.constant 128 : i32
        %dma_start3A_173 = arith.constant 0 : i32
        %dma_start3A_174 = tpu.memref_slice %arg7[%dma_start3A_172, %dma_start3A_173] : memref<320x64xf32, #tpu.memory_space<vmem>> -> memref<128x64xf32, #tpu.memory_space<vmem>>
        %dma_start3A_175 = tpu.memref_slice %arg6[%add3A_171] : memref<20480xi32, #tpu.memory_space<vmem>> -> memref<128xi32, #tpu.memory_space<vmem>>
        %dma_start3A_176 = arith.constant 0 : i32
        %dma_start3A_177 = arith.constant 0 : i32
        %dma_start3A_178 = tpu.memref_slice %arg4[%dma_start3A_176, %dma_start3A_177] : memref<199999x64xf32, #tpu.memory_space<hbm>> -> memref<199999x64xf32, #tpu.memory_space<hbm>>
        tpu.enqueue_indirect_dma source(%dma_start3A_178 : memref<199999x64xf32, #tpu.memory_space<hbm>>) target(%dma_start3A_174 : memref<128x64xf32, #tpu.memory_space<vmem>>) offsets(%dma_start3A_175 : memref<128xi32, #tpu.memory_space<vmem>>) semaphore(%arg10 : memref<!tpu.dma_semaphore, #tpu.memory_space<semaphore_mem>>)
        %mul3A_179 = arith.constant 320 : i32
        %mul3A_180 = arith.muli %add3A_156, %mul3A_179 : i32
        %add3A_181 = arith.constant 256 : i32
        %add3A_182 = arith.addi %mul3A_180, %add3A_181 : i32
        %dma_start3A_183 = arith.constant 256 : i32
        %dma_start3A_184 = arith.constant 0 : i32
        %dma_start3A_185 = tpu.memref_slice %arg7[%dma_start3A_183, %dma_start3A_184] : memref<320x64xf32, #tpu.memory_space<vmem>> -> memref<64x64xf32, #tpu.memory_space<vmem>>
        %dma_start3A_186 = tpu.memref_slice %arg6[%add3A_182] : memref<20480xi32, #tpu.memory_space<vmem>> -> memref<64xi32, #tpu.memory_space<vmem>>
        %dma_start3A_187 = arith.constant 0 : i32
        %dma_start3A_188 = arith.constant 0 : i32
        %dma_start3A_189 = tpu.memref_slice %arg4[%dma_start3A_187, %dma_start3A_188] : memref<199999x64xf32, #tpu.memory_space<hbm>> -> memref<199999x64xf32, #tpu.memory_space<hbm>>
        tpu.enqueue_indirect_dma source(%dma_start3A_189 : memref<199999x64xf32, #tpu.memory_space<hbm>>) target(%dma_start3A_185 : memref<64x64xf32, #tpu.memory_space<vmem>>) offsets(%dma_start3A_186 : memref<64xi32, #tpu.memory_space<vmem>>) semaphore(%arg10 : memref<!tpu.dma_semaphore, #tpu.memory_space<semaphore_mem>>)
      } else {
      }
      %mul3A_117 = arith.constant 320 : i32
      %mul3A_118 = arith.muli %add3A_44, %mul3A_117 : i32
      %add3A_119 = arith.constant 0 : i32
      %add3A_120 = arith.addi %mul3A_118, %add3A_119 : i32
      %dma_wait3A_121 = arith.constant 0 : i32
      %dma_wait3A_122 = arith.constant 0 : i32
      %dma_wait3A_123 = tpu.memref_slice %arg8[%dma_wait3A_121, %dma_wait3A_122] : memref<320x64xf32, #tpu.memory_space<vmem>> -> memref<128x64xf32, #tpu.memory_space<vmem>>
      %dma_wait3A_124 = tpu.memref_slice %arg6[%add3A_120] : memref<20480xi32, #tpu.memory_space<vmem>> -> memref<128xi32, #tpu.memory_space<vmem>>
      %dma_wait3A_125 = arith.constant 0 : i32
      %dma_wait3A_126 = arith.constant 0 : i32
      %dma_wait3A_127 = tpu.memref_slice %arg4[%dma_wait3A_125, %dma_wait3A_126] : memref<199999x64xf32, #tpu.memory_space<hbm>> -> memref<199999x64xf32, #tpu.memory_space<hbm>>
      tpu.wait_indirect_dma semaphore(%arg11 : memref<!tpu.dma_semaphore, #tpu.memory_space<semaphore_mem>>) src(%dma_wait3A_127 : memref<199999x64xf32, #tpu.memory_space<hbm>>) dst(%dma_wait3A_123 : memref<128x64xf32, #tpu.memory_space<vmem>>)
      %mul3A_128 = arith.constant 320 : i32
      %mul3A_129 = arith.muli %add3A_44, %mul3A_128 : i32
      %add3A_130 = arith.constant 128 : i32
      %add3A_131 = arith.addi %mul3A_129, %add3A_130 : i32
      %dma_wait3A_132 = arith.constant 128 : i32
      %dma_wait3A_133 = arith.constant 0 : i32
      %dma_wait3A_134 = tpu.memref_slice %arg8[%dma_wait3A_132, %dma_wait3A_133] : memref<320x64xf32, #tpu.memory_space<vmem>> -> memref<128x64xf32, #tpu.memory_space<vmem>>
      %dma_wait3A_135 = tpu.memref_slice %arg6[%add3A_131] : memref<20480xi32, #tpu.memory_space<vmem>> -> memref<128xi32, #tpu.memory_space<vmem>>
      %dma_wait3A_136 = arith.constant 0 : i32
      %dma_wait3A_137 = arith.constant 0 : i32
      %dma_wait3A_138 = tpu.memref_slice %arg4[%dma_wait3A_136, %dma_wait3A_137] : memref<199999x64xf32, #tpu.memory_space<hbm>> -> memref<199999x64xf32, #tpu.memory_space<hbm>>
      tpu.wait_indirect_dma semaphore(%arg11 : memref<!tpu.dma_semaphore, #tpu.memory_space<semaphore_mem>>) src(%dma_wait3A_138 : memref<199999x64xf32, #tpu.memory_space<hbm>>) dst(%dma_wait3A_134 : memref<128x64xf32, #tpu.memory_space<vmem>>)
      %mul3A_139 = arith.constant 320 : i32
      %mul3A_140 = arith.muli %add3A_44, %mul3A_139 : i32
      %add3A_141 = arith.constant 256 : i32
      %add3A_142 = arith.addi %mul3A_140, %add3A_141 : i32
      %dma_wait3A_143 = arith.constant 256 : i32
      %dma_wait3A_144 = arith.constant 0 : i32
      %dma_wait3A_145 = tpu.memref_slice %arg8[%dma_wait3A_143, %dma_wait3A_144] : memref<320x64xf32, #tpu.memory_space<vmem>> -> memref<64x64xf32, #tpu.memory_space<vmem>>
      %dma_wait3A_146 = tpu.memref_slice %arg6[%add3A_142] : memref<20480xi32, #tpu.memory_space<vmem>> -> memref<64xi32, #tpu.memory_space<vmem>>
      %dma_wait3A_147 = arith.constant 0 : i32
      %dma_wait3A_148 = arith.constant 0 : i32
      %dma_wait3A_149 = tpu.memref_slice %arg4[%dma_wait3A_147, %dma_wait3A_148] : memref<199999x64xf32, #tpu.memory_space<hbm>> -> memref<199999x64xf32, #tpu.memory_space<hbm>>
      tpu.wait_indirect_dma semaphore(%arg11 : memref<!tpu.dma_semaphore, #tpu.memory_space<semaphore_mem>>) src(%dma_wait3A_149 : memref<199999x64xf32, #tpu.memory_space<hbm>>) dst(%dma_wait3A_145 : memref<64x64xf32, #tpu.memory_space<vmem>>)
      %scan3A_150 = arith.constant 0 : i32
      %scan3A_151 = arith.constant 16 : i32
      %scan3A_152 = arith.addi %scan3A_150, %scan3A_151 : i32
      %scan3A_153 = arith.constant 1 : i32
      scf.for %scan3A_155 = %scan3A_150 to %scan3A_152 step %scan3A_153  : i32 {
        %mul3A_156 = arith.constant 1 : i32
        %mul3A_157 = arith.muli %scan3A_155, %mul3A_156 : i32
        %add3A_158 = arith.constant 0 : i32
        %add3A_159 = arith.addi %add3A_158, %mul3A_157 : i32
        %mul3A_160 = arith.constant 20 : i32
        %mul3A_161 = arith.muli %add3A_159, %mul3A_160 : i32
        %broadcast_in_dim3A = arith.constant 0.000000e+00 : f32
        %broadcast_in_dim3A_162 = vector.broadcast %broadcast_in_dim3A : f32 to vector<16xf32>
        %broadcast_in_dim3A_163 = arith.constant 0.000000e+00 : f32
        %broadcast_in_dim3A_164 = vector.broadcast %broadcast_in_dim3A_163 : f32 to vector<16xf32>
        %broadcast_in_dim3A_165 = arith.constant 0.000000e+00 : f32
        %broadcast_in_dim3A_166 = vector.broadcast %broadcast_in_dim3A_165 : f32 to vector<16xf32>
        %broadcast_in_dim3A_167 = arith.constant 0.000000e+00 : f32
        %broadcast_in_dim3A_168 = vector.broadcast %broadcast_in_dim3A_167 : f32 to vector<16xf32>
        %add3A_169 = arith.constant 0 : i32
        %add3A_170 = arith.addi %mul3A_161, %add3A_169 : i32
        %get3A = arith.index_cast %add3A_170 : i32 to index
        %get3A_171 = arith.constant 0 : index
        %get3A_172 = tpu.vector_load %arg8[%get3A, %get3A_171] {strides = array<i32>} : memref<320x64xf32, #tpu.memory_space<vmem>>, vector<1x16xf32>,
        %get3A_173 = vector.shape_cast %get3A_172 : vector<1x16xf32> to vector<16xf32>
        %add3A_174 = arith.addf %broadcast_in_dim3A_162, %get3A_173 : vector<16xf32>
        %add3A_175 = arith.constant 0 : i32
        %add3A_176 = arith.addi %mul3A_161, %add3A_175 : i32
        %get3A_177 = arith.index_cast %add3A_176 : i32 to index
        %get3A_178 = arith.constant 16 : index
        %get3A_179 = tpu.vector_load %arg8[%get3A_177, %get3A_178] {strides = array<i32>} : memref<320x64xf32, #tpu.memory_space<vmem>>, vector<1x16xf32>,
        %get3A_180 = vector.shape_cast %get3A_179 : vector<1x16xf32> to vector<16xf32>
        %add3A_181 = arith.addf %broadcast_in_dim3A_164, %get3A_180 : vector<16xf32>
        %add3A_182 = arith.constant 0 : i32
        %add3A_183 = arith.addi %mul3A_161, %add3A_182 : i32
        %get3A_184 = arith.index_cast %add3A_183 : i32 to index
        %get3A_185 = arith.constant 32 : index
        %get3A_186 = tpu.vector_load %arg8[%get3A_184, %get3A_185] {strides = array<i32>} : memref<320x64xf32, #tpu.memory_space<vmem>>, vector<1x16xf32>,
        %get3A_187 = vector.shape_cast %get3A_186 : vector<1x16xf32> to vector<16xf32>
        %add3A_188 = arith.addf %broadcast_in_dim3A_166, %get3A_187 : vector<16xf32>
        %add3A_189 = arith.constant 0 : i32
        %add3A_190 = arith.addi %mul3A_161, %add3A_189 : i32
        %get3A_191 = arith.index_cast %add3A_190 : i32 to index
        %get3A_192 = arith.constant 48 : index
        %get3A_193 = tpu.vector_load %arg8[%get3A_191, %get3A_192] {strides = array<i32>} : memref<320x64xf32, #tpu.memory_space<vmem>>, vector<1x16xf32>,
        %get3A_194 = vector.shape_cast %get3A_193 : vector<1x16xf32> to vector<16xf32>
        %add3A_195 = arith.addf %broadcast_in_dim3A_168, %get3A_194 : vector<16xf32>
        %add3A_196 = arith.constant 1 : i32
        %add3A_197 = arith.addi %mul3A_161, %add3A_196 : i32
        %get3A_198 = arith.index_cast %add3A_197 : i32 to index
        %get3A_199 = arith.constant 0 : index
        %get3A_200 = tpu.vector_load %arg8[%get3A_198, %get3A_199] {strides = array<i32>} : memref<320x64xf32, #tpu.memory_space<vmem>>, vector<1x16xf32>,
        %get3A_201 = vector.shape_cast %get3A_200 : vector<1x16xf32> to vector<16xf32>
        %add3A_202 = arith.addf %add3A_174, %get3A_201 : vector<16xf32>
        %add3A_203 = arith.constant 1 : i32
        %add3A_204 = arith.addi %mul3A_161, %add3A_203 : i32
        %get3A_205 = arith.index_cast %add3A_204 : i32 to index
        %get3A_206 = arith.constant 16 : index
        %get3A_207 = tpu.vector_load %arg8[%get3A_205, %get3A_206] {strides = array<i32>} : memref<320x64xf32, #tpu.memory_space<vmem>>, vector<1x16xf32>,
        %get3A_208 = vector.shape_cast %get3A_207 : vector<1x16xf32> to vector<16xf32>
        %add3A_209 = arith.addf %add3A_181, %get3A_208 : vector<16xf32>
        %add3A_210 = arith.constant 1 : i32
        %add3A_211 = arith.addi %mul3A_161, %add3A_210 : i32
        %get3A_212 = arith.index_cast %add3A_211 : i32 to index
        %get3A_213 = arith.constant 32 : index
        %get3A_214 = tpu.vector_load %arg8[%get3A_212, %get3A_213] {strides = array<i32>} : memref<320x64xf32, #tpu.memory_space<vmem>>, vector<1x16xf32>,
        %get3A_215 = vector.shape_cast %get3A_214 : vector<1x16xf32> to vector<16xf32>
        %add3A_216 = arith.addf %add3A_188, %get3A_215 : vector<16xf32>
        %add3A_217 = arith.constant 1 : i32
        %add3A_218 = arith.addi %mul3A_161, %add3A_217 : i32
        %get3A_219 = arith.index_cast %add3A_218 : i32 to index
        %get3A_220 = arith.constant 48 : index
        %get3A_221 = tpu.vector_load %arg8[%get3A_219, %get3A_220] {strides = array<i32>} : memref<320x64xf32, #tpu.memory_space<vmem>>, vector<1x16xf32>,
        %get3A_222 = vector.shape_cast %get3A_221 : vector<1x16xf32> to vector<16xf32>
        %add3A_223 = arith.addf %add3A_195, %get3A_222 : vector<16xf32>
        %add3A_224 = arith.constant 2 : i32
        %add3A_225 = arith.addi %mul3A_161, %add3A_224 : i32
        %get3A_226 = arith.index_cast %add3A_225 : i32 to index
        %get3A_227 = arith.constant 0 : index
        %get3A_228 = tpu.vector_load %arg8[%get3A_226, %get3A_227] {strides = array<i32>} : memref<320x64xf32, #tpu.memory_space<vmem>>, vector<1x16xf32>,
        %get3A_229 = vector.shape_cast %get3A_228 : vector<1x16xf32> to vector<16xf32>
        %add3A_230 = arith.addf %add3A_202, %get3A_229 : vector<16xf32>
        %add3A_231 = arith.constant 2 : i32
        %add3A_232 = arith.addi %mul3A_161, %add3A_231 : i32
        %get3A_233 = arith.index_cast %add3A_232 : i32 to index
        %get3A_234 = arith.constant 16 : index
        %get3A_235 = tpu.vector_load %arg8[%get3A_233, %get3A_234] {strides = array<i32>} : memref<320x64xf32, #tpu.memory_space<vmem>>, vector<1x16xf32>,
        %get3A_236 = vector.shape_cast %get3A_235 : vector<1x16xf32> to vector<16xf32>
        %add3A_237 = arith.addf %add3A_209, %get3A_236 : vector<16xf32>
        %add3A_238 = arith.constant 2 : i32
        %add3A_239 = arith.addi %mul3A_161, %add3A_238 : i32
        %get3A_240 = arith.index_cast %add3A_239 : i32 to index
        %get3A_241 = arith.constant 32 : index
        %get3A_242 = tpu.vector_load %arg8[%get3A_240, %get3A_241] {strides = array<i32>} : memref<320x64xf32, #tpu.memory_space<vmem>>, vector<1x16xf32>,
        %get3A_243 = vector.shape_cast %get3A_242 : vector<1x16xf32> to vector<16xf32>
        %add3A_244 = arith.addf %add3A_216, %get3A_243 : vector<16xf32>
        %add3A_245 = arith.constant 2 : i32
        %add3A_246 = arith.addi %mul3A_161, %add3A_245 : i32
        %get3A_247 = arith.index_cast %add3A_246 : i32 to index
        %get3A_248 = arith.constant 48 : index
        %get3A_249 = tpu.vector_load %arg8[%get3A_247, %get3A_248] {strides = array<i32>} : memref<320x64xf32, #tpu.memory_space<vmem>>, vector<1x16xf32>,
        %get3A_250 = vector.shape_cast %get3A_249 : vector<1x16xf32> to vector<16xf32>
        %add3A_251 = arith.addf %add3A_223, %get3A_250 : vector<16xf32>
        %add3A_252 = arith.constant 3 : i32
        %add3A_253 = arith.addi %mul3A_161, %add3A_252 : i32
        %get3A_254 = arith.index_cast %add3A_253 : i32 to index
        %get3A_255 = arith.constant 0 : index
        %get3A_256 = tpu.vector_load %arg8[%get3A_254, %get3A_255] {strides = array<i32>} : memref<320x64xf32, #tpu.memory_space<vmem>>, vector<1x16xf32>,
        %get3A_257 = vector.shape_cast %get3A_256 : vector<1x16xf32> to vector<16xf32>
        %add3A_258 = arith.addf %add3A_230, %get3A_257 : vector<16xf32>
        %add3A_259 = arith.constant 3 : i32
        %add3A_260 = arith.addi %mul3A_161, %add3A_259 : i32
        %get3A_261 = arith.index_cast %add3A_260 : i32 to index
        %get3A_262 = arith.constant 16 : index
        %get3A_263 = tpu.vector_load %arg8[%get3A_261, %get3A_262] {strides = array<i32>} : memref<320x64xf32, #tpu.memory_space<vmem>>, vector<1x16xf32>,
        %get3A_264 = vector.shape_cast %get3A_263 : vector<1x16xf32> to vector<16xf32>
        %add3A_265 = arith.addf %add3A_237, %get3A_264 : vector<16xf32>
        %add3A_266 = arith.constant 3 : i32
        %add3A_267 = arith.addi %mul3A_161, %add3A_266 : i32
        %get3A_268 = arith.index_cast %add3A_267 : i32 to index
        %get3A_269 = arith.constant 32 : index
        %get3A_270 = tpu.vector_load %arg8[%get3A_268, %get3A_269] {strides = array<i32>} : memref<320x64xf32, #tpu.memory_space<vmem>>, vector<1x16xf32>,
        %get3A_271 = vector.shape_cast %get3A_270 : vector<1x16xf32> to vector<16xf32>
        %add3A_272 = arith.addf %add3A_244, %get3A_271 : vector<16xf32>
        %add3A_273 = arith.constant 3 : i32
        %add3A_274 = arith.addi %mul3A_161, %add3A_273 : i32
        %get3A_275 = arith.index_cast %add3A_274 : i32 to index
        %get3A_276 = arith.constant 48 : index
        %get3A_277 = tpu.vector_load %arg8[%get3A_275, %get3A_276] {strides = array<i32>} : memref<320x64xf32, #tpu.memory_space<vmem>>, vector<1x16xf32>,
        %get3A_278 = vector.shape_cast %get3A_277 : vector<1x16xf32> to vector<16xf32>
        %add3A_279 = arith.addf %add3A_251, %get3A_278 : vector<16xf32>
        %add3A_280 = arith.constant 4 : i32
        %add3A_281 = arith.addi %mul3A_161, %add3A_280 : i32
        %get3A_282 = arith.index_cast %add3A_281 : i32 to index
        %get3A_283 = arith.constant 0 : index
        %get3A_284 = tpu.vector_load %arg8[%get3A_282, %get3A_283] {strides = array<i32>} : memref<320x64xf32, #tpu.memory_space<vmem>>, vector<1x16xf32>,
        %get3A_285 = vector.shape_cast %get3A_284 : vector<1x16xf32> to vector<16xf32>
        %add3A_286 = arith.addf %add3A_258, %get3A_285 : vector<16xf32>
        %add3A_287 = arith.constant 4 : i32
        %add3A_288 = arith.addi %mul3A_161, %add3A_287 : i32
        %get3A_289 = arith.index_cast %add3A_288 : i32 to index
        %get3A_290 = arith.constant 16 : index
        %get3A_291 = tpu.vector_load %arg8[%get3A_289, %get3A_290] {strides = array<i32>} : memref<320x64xf32, #tpu.memory_space<vmem>>, vector<1x16xf32>,
        %get3A_292 = vector.shape_cast %get3A_291 : vector<1x16xf32> to vector<16xf32>
        %add3A_293 = arith.addf %add3A_265, %get3A_292 : vector<16xf32>
        %add3A_294 = arith.constant 4 : i32
        %add3A_295 = arith.addi %mul3A_161, %add3A_294 : i32
        %get3A_296 = arith.index_cast %add3A_295 : i32 to index
        %get3A_297 = arith.constant 32 : index
        %get3A_298 = tpu.vector_load %arg8[%get3A_296, %get3A_297] {strides = array<i32>} : memref<320x64xf32, #tpu.memory_space<vmem>>, vector<1x16xf32>,
        %get3A_299 = vector.shape_cast %get3A_298 : vector<1x16xf32> to vector<16xf32>
        %add3A_300 = arith.addf %add3A_272, %get3A_299 : vector<16xf32>
        %add3A_301 = arith.constant 4 : i32
        %add3A_302 = arith.addi %mul3A_161, %add3A_301 : i32
        %get3A_303 = arith.index_cast %add3A_302 : i32 to index
        %get3A_304 = arith.constant 48 : index
        %get3A_305 = tpu.vector_load %arg8[%get3A_303, %get3A_304] {strides = array<i32>} : memref<320x64xf32, #tpu.memory_space<vmem>>, vector<1x16xf32>,
        %get3A_306 = vector.shape_cast %get3A_305 : vector<1x16xf32> to vector<16xf32>
        %add3A_307 = arith.addf %add3A_279, %get3A_306 : vector<16xf32>
        %add3A_308 = arith.constant 5 : i32
        %add3A_309 = arith.addi %mul3A_161, %add3A_308 : i32
        %get3A_310 = arith.index_cast %add3A_309 : i32 to index
        %get3A_311 = arith.constant 0 : index
        %get3A_312 = tpu.vector_load %arg8[%get3A_310, %get3A_311] {strides = array<i32>} : memref<320x64xf32, #tpu.memory_space<vmem>>, vector<1x16xf32>,
        %get3A_313 = vector.shape_cast %get3A_312 : vector<1x16xf32> to vector<16xf32>
        %add3A_314 = arith.addf %add3A_286, %get3A_313 : vector<16xf32>
        %add3A_315 = arith.constant 5 : i32
        %add3A_316 = arith.addi %mul3A_161, %add3A_315 : i32
        %get3A_317 = arith.index_cast %add3A_316 : i32 to index
        %get3A_318 = arith.constant 16 : index
        %get3A_319 = tpu.vector_load %arg8[%get3A_317, %get3A_318] {strides = array<i32>} : memref<320x64xf32, #tpu.memory_space<vmem>>, vector<1x16xf32>,
        %get3A_320 = vector.shape_cast %get3A_319 : vector<1x16xf32> to vector<16xf32>
        %add3A_321 = arith.addf %add3A_293, %get3A_320 : vector<16xf32>
        %add3A_322 = arith.constant 5 : i32
        %add3A_323 = arith.addi %mul3A_161, %add3A_322 : i32
        %get3A_324 = arith.index_cast %add3A_323 : i32 to index
        %get3A_325 = arith.constant 32 : index
        %get3A_326 = tpu.vector_load %arg8[%get3A_324, %get3A_325] {strides = array<i32>} : memref<320x64xf32, #tpu.memory_space<vmem>>, vector<1x16xf32>,
        %get3A_327 = vector.shape_cast %get3A_326 : vector<1x16xf32> to vector<16xf32>
        %add3A_328 = arith.addf %add3A_300, %get3A_327 : vector<16xf32>
        %add3A_329 = arith.constant 5 : i32
        %add3A_330 = arith.addi %mul3A_161, %add3A_329 : i32
        %get3A_331 = arith.index_cast %add3A_330 : i32 to index
        %get3A_332 = arith.constant 48 : index
        %get3A_333 = tpu.vector_load %arg8[%get3A_331, %get3A_332] {strides = array<i32>} : memref<320x64xf32, #tpu.memory_space<vmem>>, vector<1x16xf32>,
        %get3A_334 = vector.shape_cast %get3A_333 : vector<1x16xf32> to vector<16xf32>
        %add3A_335 = arith.addf %add3A_307, %get3A_334 : vector<16xf32>
        %add3A_336 = arith.constant 6 : i32
        %add3A_337 = arith.addi %mul3A_161, %add3A_336 : i32
        %get3A_338 = arith.index_cast %add3A_337 : i32 to index
        %get3A_339 = arith.constant 0 : index
        %get3A_340 = tpu.vector_load %arg8[%get3A_338, %get3A_339] {strides = array<i32>} : memref<320x64xf32, #tpu.memory_space<vmem>>, vector<1x16xf32>,
        %get3A_341 = vector.shape_cast %get3A_340 : vector<1x16xf32> to vector<16xf32>
        %add3A_342 = arith.addf %add3A_314, %get3A_341 : vector<16xf32>
        %add3A_343 = arith.constant 6 : i32
        %add3A_344 = arith.addi %mul3A_161, %add3A_343 : i32
        %get3A_345 = arith.index_cast %add3A_344 : i32 to index
        %get3A_346 = arith.constant 16 : index
        %get3A_347 = tpu.vector_load %arg8[%get3A_345, %get3A_346] {strides = array<i32>} : memref<320x64xf32, #tpu.memory_space<vmem>>, vector<1x16xf32>,
        %get3A_348 = vector.shape_cast %get3A_347 : vector<1x16xf32> to vector<16xf32>
        %add3A_349 = arith.addf %add3A_321, %get3A_348 : vector<16xf32>
        %add3A_350 = arith.constant 6 : i32
        %add3A_351 = arith.addi %mul3A_161, %add3A_350 : i32
        %get3A_352 = arith.index_cast %add3A_351 : i32 to index
        %get3A_353 = arith.constant 32 : index
        %get3A_354 = tpu.vector_load %arg8[%get3A_352, %get3A_353] {strides = array<i32>} : memref<320x64xf32, #tpu.memory_space<vmem>>, vector<1x16xf32>,
        %get3A_355 = vector.shape_cast %get3A_354 : vector<1x16xf32> to vector<16xf32>
        %add3A_356 = arith.addf %add3A_328, %get3A_355 : vector<16xf32>
        %add3A_357 = arith.constant 6 : i32
        %add3A_358 = arith.addi %mul3A_161, %add3A_357 : i32
        %get3A_359 = arith.index_cast %add3A_358 : i32 to index
        %get3A_360 = arith.constant 48 : index
        %get3A_361 = tpu.vector_load %arg8[%get3A_359, %get3A_360] {strides = array<i32>} : memref<320x64xf32, #tpu.memory_space<vmem>>, vector<1x16xf32>,
        %get3A_362 = vector.shape_cast %get3A_361 : vector<1x16xf32> to vector<16xf32>
        %add3A_363 = arith.addf %add3A_335, %get3A_362 : vector<16xf32>
        %add3A_364 = arith.constant 7 : i32
        %add3A_365 = arith.addi %mul3A_161, %add3A_364 : i32
        %get3A_366 = arith.index_cast %add3A_365 : i32 to index
        %get3A_367 = arith.constant 0 : index
        %get3A_368 = tpu.vector_load %arg8[%get3A_366, %get3A_367] {strides = array<i32>} : memref<320x64xf32, #tpu.memory_space<vmem>>, vector<1x16xf32>,
        %get3A_369 = vector.shape_cast %get3A_368 : vector<1x16xf32> to vector<16xf32>
        %add3A_370 = arith.addf %add3A_342, %get3A_369 : vector<16xf32>
        %add3A_371 = arith.constant 7 : i32
        %add3A_372 = arith.addi %mul3A_161, %add3A_371 : i32
        %get3A_373 = arith.index_cast %add3A_372 : i32 to index
        %get3A_374 = arith.constant 16 : index
        %get3A_375 = tpu.vector_load %arg8[%get3A_373, %get3A_374] {strides = array<i32>} : memref<320x64xf32, #tpu.memory_space<vmem>>, vector<1x16xf32>,
        %get3A_376 = vector.shape_cast %get3A_375 : vector<1x16xf32> to vector<16xf32>
        %add3A_377 = arith.addf %add3A_349, %get3A_376 : vector<16xf32>
        %add3A_378 = arith.constant 7 : i32
        %add3A_379 = arith.addi %mul3A_161, %add3A_378 : i32
        %get3A_380 = arith.index_cast %add3A_379 : i32 to index
        %get3A_381 = arith.constant 32 : index
        %get3A_382 = tpu.vector_load %arg8[%get3A_380, %get3A_381] {strides = array<i32>} : memref<320x64xf32, #tpu.memory_space<vmem>>, vector<1x16xf32>,
        %get3A_383 = vector.shape_cast %get3A_382 : vector<1x16xf32> to vector<16xf32>
        %add3A_384 = arith.addf %add3A_356, %get3A_383 : vector<16xf32>
        %add3A_385 = arith.constant 7 : i32
        %add3A_386 = arith.addi %mul3A_161, %add3A_385 : i32
        %get3A_387 = arith.index_cast %add3A_386 : i32 to index
        %get3A_388 = arith.constant 48 : index
        %get3A_389 = tpu.vector_load %arg8[%get3A_387, %get3A_388] {strides = array<i32>} : memref<320x64xf32, #tpu.memory_space<vmem>>, vector<1x16xf32>,
        %get3A_390 = vector.shape_cast %get3A_389 : vector<1x16xf32> to vector<16xf32>
        %add3A_391 = arith.addf %add3A_363, %get3A_390 : vector<16xf32>
        %add3A_392 = arith.constant 8 : i32
        %add3A_393 = arith.addi %mul3A_161, %add3A_392 : i32
        %get3A_394 = arith.index_cast %add3A_393 : i32 to index
        %get3A_395 = arith.constant 0 : index
        %get3A_396 = tpu.vector_load %arg8[%get3A_394, %get3A_395] {strides = array<i32>} : memref<320x64xf32, #tpu.memory_space<vmem>>, vector<1x16xf32>,
        %get3A_397 = vector.shape_cast %get3A_396 : vector<1x16xf32> to vector<16xf32>
        %add3A_398 = arith.addf %add3A_370, %get3A_397 : vector<16xf32>
        %add3A_399 = arith.constant 8 : i32
        %add3A_400 = arith.addi %mul3A_161, %add3A_399 : i32
        %get3A_401 = arith.index_cast %add3A_400 : i32 to index
        %get3A_402 = arith.constant 16 : index
        %get3A_403 = tpu.vector_load %arg8[%get3A_401, %get3A_402] {strides = array<i32>} : memref<320x64xf32, #tpu.memory_space<vmem>>, vector<1x16xf32>,
        %get3A_404 = vector.shape_cast %get3A_403 : vector<1x16xf32> to vector<16xf32>
        %add3A_405 = arith.addf %add3A_377, %get3A_404 : vector<16xf32>
        %add3A_406 = arith.constant 8 : i32
        %add3A_407 = arith.addi %mul3A_161, %add3A_406 : i32
        %get3A_408 = arith.index_cast %add3A_407 : i32 to index
        %get3A_409 = arith.constant 32 : index
        %get3A_410 = tpu.vector_load %arg8[%get3A_408, %get3A_409] {strides = array<i32>} : memref<320x64xf32, #tpu.memory_space<vmem>>, vector<1x16xf32>,
        %get3A_411 = vector.shape_cast %get3A_410 : vector<1x16xf32> to vector<16xf32>
        %add3A_412 = arith.addf %add3A_384, %get3A_411 : vector<16xf32>
        %add3A_413 = arith.constant 8 : i32
        %add3A_414 = arith.addi %mul3A_161, %add3A_413 : i32
        %get3A_415 = arith.index_cast %add3A_414 : i32 to index
        %get3A_416 = arith.constant 48 : index
        %get3A_417 = tpu.vector_load %arg8[%get3A_415, %get3A_416] {strides = array<i32>} : memref<320x64xf32, #tpu.memory_space<vmem>>, vector<1x16xf32>,
        %get3A_418 = vector.shape_cast %get3A_417 : vector<1x16xf32> to vector<16xf32>
        %add3A_419 = arith.addf %add3A_391, %get3A_418 : vector<16xf32>
        %add3A_420 = arith.constant 9 : i32
        %add3A_421 = arith.addi %mul3A_161, %add3A_420 : i32
        %get3A_422 = arith.index_cast %add3A_421 : i32 to index
        %get3A_423 = arith.constant 0 : index
        %get3A_424 = tpu.vector_load %arg8[%get3A_422, %get3A_423] {strides = array<i32>} : memref<320x64xf32, #tpu.memory_space<vmem>>, vector<1x16xf32>,
        %get3A_425 = vector.shape_cast %get3A_424 : vector<1x16xf32> to vector<16xf32>
        %add3A_426 = arith.addf %add3A_398, %get3A_425 : vector<16xf32>
        %add3A_427 = arith.constant 9 : i32
        %add3A_428 = arith.addi %mul3A_161, %add3A_427 : i32
        %get3A_429 = arith.index_cast %add3A_428 : i32 to index
        %get3A_430 = arith.constant 16 : index
        %get3A_431 = tpu.vector_load %arg8[%get3A_429, %get3A_430] {strides = array<i32>} : memref<320x64xf32, #tpu.memory_space<vmem>>, vector<1x16xf32>,
        %get3A_432 = vector.shape_cast %get3A_431 : vector<1x16xf32> to vector<16xf32>
        %add3A_433 = arith.addf %add3A_405, %get3A_432 : vector<16xf32>
        %add3A_434 = arith.constant 9 : i32
        %add3A_435 = arith.addi %mul3A_161, %add3A_434 : i32
        %get3A_436 = arith.index_cast %add3A_435 : i32 to index
        %get3A_437 = arith.constant 32 : index
        %get3A_438 = tpu.vector_load %arg8[%get3A_436, %get3A_437] {strides = array<i32>} : memref<320x64xf32, #tpu.memory_space<vmem>>, vector<1x16xf32>,
        %get3A_439 = vector.shape_cast %get3A_438 : vector<1x16xf32> to vector<16xf32>
        %add3A_440 = arith.addf %add3A_412, %get3A_439 : vector<16xf32>
        %add3A_441 = arith.constant 9 : i32
        %add3A_442 = arith.addi %mul3A_161, %add3A_441 : i32
        %get3A_443 = arith.index_cast %add3A_442 : i32 to index
        %get3A_444 = arith.constant 48 : index
        %get3A_445 = tpu.vector_load %arg8[%get3A_443, %get3A_444] {strides = array<i32>} : memref<320x64xf32, #tpu.memory_space<vmem>>, vector<1x16xf32>,
        %get3A_446 = vector.shape_cast %get3A_445 : vector<1x16xf32> to vector<16xf32>
        %add3A_447 = arith.addf %add3A_419, %get3A_446 : vector<16xf32>
        %add3A_448 = arith.constant 10 : i32
        %add3A_449 = arith.addi %mul3A_161, %add3A_448 : i32
        %get3A_450 = arith.index_cast %add3A_449 : i32 to index
        %get3A_451 = arith.constant 0 : index
        %get3A_452 = tpu.vector_load %arg8[%get3A_450, %get3A_451] {strides = array<i32>} : memref<320x64xf32, #tpu.memory_space<vmem>>, vector<1x16xf32>,
        %get3A_453 = vector.shape_cast %get3A_452 : vector<1x16xf32> to vector<16xf32>
        %add3A_454 = arith.addf %add3A_426, %get3A_453 : vector<16xf32>
        %add3A_455 = arith.constant 10 : i32
        %add3A_456 = arith.addi %mul3A_161, %add3A_455 : i32
        %get3A_457 = arith.index_cast %add3A_456 : i32 to index
        %get3A_458 = arith.constant 16 : index
        %get3A_459 = tpu.vector_load %arg8[%get3A_457, %get3A_458] {strides = array<i32>} : memref<320x64xf32, #tpu.memory_space<vmem>>, vector<1x16xf32>,
        %get3A_460 = vector.shape_cast %get3A_459 : vector<1x16xf32> to vector<16xf32>
        %add3A_461 = arith.addf %add3A_433, %get3A_460 : vector<16xf32>
        %add3A_462 = arith.constant 10 : i32
        %add3A_463 = arith.addi %mul3A_161, %add3A_462 : i32
        %get3A_464 = arith.index_cast %add3A_463 : i32 to index
        %get3A_465 = arith.constant 32 : index
        %get3A_466 = tpu.vector_load %arg8[%get3A_464, %get3A_465] {strides = array<i32>} : memref<320x64xf32, #tpu.memory_space<vmem>>, vector<1x16xf32>,
        %get3A_467 = vector.shape_cast %get3A_466 : vector<1x16xf32> to vector<16xf32>
        %add3A_468 = arith.addf %add3A_440, %get3A_467 : vector<16xf32>
        %add3A_469 = arith.constant 10 : i32
        %add3A_470 = arith.addi %mul3A_161, %add3A_469 : i32
        %get3A_471 = arith.index_cast %add3A_470 : i32 to index
        %get3A_472 = arith.constant 48 : index
        %get3A_473 = tpu.vector_load %arg8[%get3A_471, %get3A_472] {strides = array<i32>} : memref<320x64xf32, #tpu.memory_space<vmem>>, vector<1x16xf32>,
        %get3A_474 = vector.shape_cast %get3A_473 : vector<1x16xf32> to vector<16xf32>
        %add3A_475 = arith.addf %add3A_447, %get3A_474 : vector<16xf32>
        %add3A_476 = arith.constant 11 : i32
        %add3A_477 = arith.addi %mul3A_161, %add3A_476 : i32
        %get3A_478 = arith.index_cast %add3A_477 : i32 to index
        %get3A_479 = arith.constant 0 : index
        %get3A_480 = tpu.vector_load %arg8[%get3A_478, %get3A_479] {strides = array<i32>} : memref<320x64xf32, #tpu.memory_space<vmem>>, vector<1x16xf32>,
        %get3A_481 = vector.shape_cast %get3A_480 : vector<1x16xf32> to vector<16xf32>
        %add3A_482 = arith.addf %add3A_454, %get3A_481 : vector<16xf32>
        %add3A_483 = arith.constant 11 : i32
        %add3A_484 = arith.addi %mul3A_161, %add3A_483 : i32
        %get3A_485 = arith.index_cast %add3A_484 : i32 to index
        %get3A_486 = arith.constant 16 : index
        %get3A_487 = tpu.vector_load %arg8[%get3A_485, %get3A_486] {strides = array<i32>} : memref<320x64xf32, #tpu.memory_space<vmem>>, vector<1x16xf32>,
        %get3A_488 = vector.shape_cast %get3A_487 : vector<1x16xf32> to vector<16xf32>
        %add3A_489 = arith.addf %add3A_461, %get3A_488 : vector<16xf32>
        %add3A_490 = arith.constant 11 : i32
        %add3A_491 = arith.addi %mul3A_161, %add3A_490 : i32
        %get3A_492 = arith.index_cast %add3A_491 : i32 to index
        %get3A_493 = arith.constant 32 : index
        %get3A_494 = tpu.vector_load %arg8[%get3A_492, %get3A_493] {strides = array<i32>} : memref<320x64xf32, #tpu.memory_space<vmem>>, vector<1x16xf32>,
        %get3A_495 = vector.shape_cast %get3A_494 : vector<1x16xf32> to vector<16xf32>
        %add3A_496 = arith.addf %add3A_468, %get3A_495 : vector<16xf32>
        %add3A_497 = arith.constant 11 : i32
        %add3A_498 = arith.addi %mul3A_161, %add3A_497 : i32
        %get3A_499 = arith.index_cast %add3A_498 : i32 to index
        %get3A_500 = arith.constant 48 : index
        %get3A_501 = tpu.vector_load %arg8[%get3A_499, %get3A_500] {strides = array<i32>} : memref<320x64xf32, #tpu.memory_space<vmem>>, vector<1x16xf32>,
        %get3A_502 = vector.shape_cast %get3A_501 : vector<1x16xf32> to vector<16xf32>
        %add3A_503 = arith.addf %add3A_475, %get3A_502 : vector<16xf32>
        %add3A_504 = arith.constant 12 : i32
        %add3A_505 = arith.addi %mul3A_161, %add3A_504 : i32
        %get3A_506 = arith.index_cast %add3A_505 : i32 to index
        %get3A_507 = arith.constant 0 : index
        %get3A_508 = tpu.vector_load %arg8[%get3A_506, %get3A_507] {strides = array<i32>} : memref<320x64xf32, #tpu.memory_space<vmem>>, vector<1x16xf32>,
        %get3A_509 = vector.shape_cast %get3A_508 : vector<1x16xf32> to vector<16xf32>
        %add3A_510 = arith.addf %add3A_482, %get3A_509 : vector<16xf32>
        %add3A_511 = arith.constant 12 : i32
        %add3A_512 = arith.addi %mul3A_161, %add3A_511 : i32
        %get3A_513 = arith.index_cast %add3A_512 : i32 to index
        %get3A_514 = arith.constant 16 : index
        %get3A_515 = tpu.vector_load %arg8[%get3A_513, %get3A_514] {strides = array<i32>} : memref<320x64xf32, #tpu.memory_space<vmem>>, vector<1x16xf32>,
        %get3A_516 = vector.shape_cast %get3A_515 : vector<1x16xf32> to vector<16xf32>
        %add3A_517 = arith.addf %add3A_489, %get3A_516 : vector<16xf32>
        %add3A_518 = arith.constant 12 : i32
        %add3A_519 = arith.addi %mul3A_161, %add3A_518 : i32
        %get3A_520 = arith.index_cast %add3A_519 : i32 to index
        %get3A_521 = arith.constant 32 : index
        %get3A_522 = tpu.vector_load %arg8[%get3A_520, %get3A_521] {strides = array<i32>} : memref<320x64xf32, #tpu.memory_space<vmem>>, vector<1x16xf32>,
        %get3A_523 = vector.shape_cast %get3A_522 : vector<1x16xf32> to vector<16xf32>
        %add3A_524 = arith.addf %add3A_496, %get3A_523 : vector<16xf32>
        %add3A_525 = arith.constant 12 : i32
        %add3A_526 = arith.addi %mul3A_161, %add3A_525 : i32
        %get3A_527 = arith.index_cast %add3A_526 : i32 to index
        %get3A_528 = arith.constant 48 : index
        %get3A_529 = tpu.vector_load %arg8[%get3A_527, %get3A_528] {strides = array<i32>} : memref<320x64xf32, #tpu.memory_space<vmem>>, vector<1x16xf32>,
        %get3A_530 = vector.shape_cast %get3A_529 : vector<1x16xf32> to vector<16xf32>
        %add3A_531 = arith.addf %add3A_503, %get3A_530 : vector<16xf32>
        %add3A_532 = arith.constant 13 : i32
        %add3A_533 = arith.addi %mul3A_161, %add3A_532 : i32
        %get3A_534 = arith.index_cast %add3A_533 : i32 to index
        %get3A_535 = arith.constant 0 : index
        %get3A_536 = tpu.vector_load %arg8[%get3A_534, %get3A_535] {strides = array<i32>} : memref<320x64xf32, #tpu.memory_space<vmem>>, vector<1x16xf32>,
        %get3A_537 = vector.shape_cast %get3A_536 : vector<1x16xf32> to vector<16xf32>
        %add3A_538 = arith.addf %add3A_510, %get3A_537 : vector<16xf32>
        %add3A_539 = arith.constant 13 : i32
        %add3A_540 = arith.addi %mul3A_161, %add3A_539 : i32
        %get3A_541 = arith.index_cast %add3A_540 : i32 to index
        %get3A_542 = arith.constant 16 : index
        %get3A_543 = tpu.vector_load %arg8[%get3A_541, %get3A_542] {strides = array<i32>} : memref<320x64xf32, #tpu.memory_space<vmem>>, vector<1x16xf32>,
        %get3A_544 = vector.shape_cast %get3A_543 : vector<1x16xf32> to vector<16xf32>
        %add3A_545 = arith.addf %add3A_517, %get3A_544 : vector<16xf32>
        %add3A_546 = arith.constant 13 : i32
        %add3A_547 = arith.addi %mul3A_161, %add3A_546 : i32
        %get3A_548 = arith.index_cast %add3A_547 : i32 to index
        %get3A_549 = arith.constant 32 : index
        %get3A_550 = tpu.vector_load %arg8[%get3A_548, %get3A_549] {strides = array<i32>} : memref<320x64xf32, #tpu.memory_space<vmem>>, vector<1x16xf32>,
        %get3A_551 = vector.shape_cast %get3A_550 : vector<1x16xf32> to vector<16xf32>
        %add3A_552 = arith.addf %add3A_524, %get3A_551 : vector<16xf32>
        %add3A_553 = arith.constant 13 : i32
        %add3A_554 = arith.addi %mul3A_161, %add3A_553 : i32
        %get3A_555 = arith.index_cast %add3A_554 : i32 to index
        %get3A_556 = arith.constant 48 : index
        %get3A_557 = tpu.vector_load %arg8[%get3A_555, %get3A_556] {strides = array<i32>} : memref<320x64xf32, #tpu.memory_space<vmem>>, vector<1x16xf32>,
        %get3A_558 = vector.shape_cast %get3A_557 : vector<1x16xf32> to vector<16xf32>
        %add3A_559 = arith.addf %add3A_531, %get3A_558 : vector<16xf32>
        %add3A_560 = arith.constant 14 : i32
        %add3A_561 = arith.addi %mul3A_161, %add3A_560 : i32
        %get3A_562 = arith.index_cast %add3A_561 : i32 to index
        %get3A_563 = arith.constant 0 : index
        %get3A_564 = tpu.vector_load %arg8[%get3A_562, %get3A_563] {strides = array<i32>} : memref<320x64xf32, #tpu.memory_space<vmem>>, vector<1x16xf32>,
        %get3A_565 = vector.shape_cast %get3A_564 : vector<1x16xf32> to vector<16xf32>
        %add3A_566 = arith.addf %add3A_538, %get3A_565 : vector<16xf32>
        %add3A_567 = arith.constant 14 : i32
        %add3A_568 = arith.addi %mul3A_161, %add3A_567 : i32
        %get3A_569 = arith.index_cast %add3A_568 : i32 to index
        %get3A_570 = arith.constant 16 : index
        %get3A_571 = tpu.vector_load %arg8[%get3A_569, %get3A_570] {strides = array<i32>} : memref<320x64xf32, #tpu.memory_space<vmem>>, vector<1x16xf32>,
        %get3A_572 = vector.shape_cast %get3A_571 : vector<1x16xf32> to vector<16xf32>
        %add3A_573 = arith.addf %add3A_545, %get3A_572 : vector<16xf32>
        %add3A_574 = arith.constant 14 : i32
        %add3A_575 = arith.addi %mul3A_161, %add3A_574 : i32
        %get3A_576 = arith.index_cast %add3A_575 : i32 to index
        %get3A_577 = arith.constant 32 : index
        %get3A_578 = tpu.vector_load %arg8[%get3A_576, %get3A_577] {strides = array<i32>} : memref<320x64xf32, #tpu.memory_space<vmem>>, vector<1x16xf32>,
        %get3A_579 = vector.shape_cast %get3A_578 : vector<1x16xf32> to vector<16xf32>
        %add3A_580 = arith.addf %add3A_552, %get3A_579 : vector<16xf32>
        %add3A_581 = arith.constant 14 : i32
        %add3A_582 = arith.addi %mul3A_161, %add3A_581 : i32
        %get3A_583 = arith.index_cast %add3A_582 : i32 to index
        %get3A_584 = arith.constant 48 : index
        %get3A_585 = tpu.vector_load %arg8[%get3A_583, %get3A_584] {strides = array<i32>} : memref<320x64xf32, #tpu.memory_space<vmem>>, vector<1x16xf32>,
        %get3A_586 = vector.shape_cast %get3A_585 : vector<1x16xf32> to vector<16xf32>
        %add3A_587 = arith.addf %add3A_559, %get3A_586 : vector<16xf32>
        %add3A_588 = arith.constant 15 : i32
        %add3A_589 = arith.addi %mul3A_161, %add3A_588 : i32
        %get3A_590 = arith.index_cast %add3A_589 : i32 to index
        %get3A_591 = arith.constant 0 : index
        %get3A_592 = tpu.vector_load %arg8[%get3A_590, %get3A_591] {strides = array<i32>} : memref<320x64xf32, #tpu.memory_space<vmem>>, vector<1x16xf32>,
        %get3A_593 = vector.shape_cast %get3A_592 : vector<1x16xf32> to vector<16xf32>
        %add3A_594 = arith.addf %add3A_566, %get3A_593 : vector<16xf32>
        %add3A_595 = arith.constant 15 : i32
        %add3A_596 = arith.addi %mul3A_161, %add3A_595 : i32
        %get3A_597 = arith.index_cast %add3A_596 : i32 to index
        %get3A_598 = arith.constant 16 : index
        %get3A_599 = tpu.vector_load %arg8[%get3A_597, %get3A_598] {strides = array<i32>} : memref<320x64xf32, #tpu.memory_space<vmem>>, vector<1x16xf32>,
        %get3A_600 = vector.shape_cast %get3A_599 : vector<1x16xf32> to vector<16xf32>
        %add3A_601 = arith.addf %add3A_573, %get3A_600 : vector<16xf32>
        %add3A_602 = arith.constant 15 : i32
        %add3A_603 = arith.addi %mul3A_161, %add3A_602 : i32
        %get3A_604 = arith.index_cast %add3A_603 : i32 to index
        %get3A_605 = arith.constant 32 : index
        %get3A_606 = tpu.vector_load %arg8[%get3A_604, %get3A_605] {strides = array<i32>} : memref<320x64xf32, #tpu.memory_space<vmem>>, vector<1x16xf32>,
        %get3A_607 = vector.shape_cast %get3A_606 : vector<1x16xf32> to vector<16xf32>
        %add3A_608 = arith.addf %add3A_580, %get3A_607 : vector<16xf32>
        %add3A_609 = arith.constant 15 : i32
        %add3A_610 = arith.addi %mul3A_161, %add3A_609 : i32
        %get3A_611 = arith.index_cast %add3A_610 : i32 to index
        %get3A_612 = arith.constant 48 : index
        %get3A_613 = tpu.vector_load %arg8[%get3A_611, %get3A_612] {strides = array<i32>} : memref<320x64xf32, #tpu.memory_space<vmem>>, vector<1x16xf32>,
        %get3A_614 = vector.shape_cast %get3A_613 : vector<1x16xf32> to vector<16xf32>
        %add3A_615 = arith.addf %add3A_587, %get3A_614 : vector<16xf32>
        %add3A_616 = arith.constant 16 : i32
        %add3A_617 = arith.addi %mul3A_161, %add3A_616 : i32
        %get3A_618 = arith.index_cast %add3A_617 : i32 to index
        %get3A_619 = arith.constant 0 : index
        %get3A_620 = tpu.vector_load %arg8[%get3A_618, %get3A_619] {strides = array<i32>} : memref<320x64xf32, #tpu.memory_space<vmem>>, vector<1x16xf32>,
        %get3A_621 = vector.shape_cast %get3A_620 : vector<1x16xf32> to vector<16xf32>
        %add3A_622 = arith.addf %add3A_594, %get3A_621 : vector<16xf32>
        %add3A_623 = arith.constant 16 : i32
        %add3A_624 = arith.addi %mul3A_161, %add3A_623 : i32
        %get3A_625 = arith.index_cast %add3A_624 : i32 to index
        %get3A_626 = arith.constant 16 : index
        %get3A_627 = tpu.vector_load %arg8[%get3A_625, %get3A_626] {strides = array<i32>} : memref<320x64xf32, #tpu.memory_space<vmem>>, vector<1x16xf32>,
        %get3A_628 = vector.shape_cast %get3A_627 : vector<1x16xf32> to vector<16xf32>
        %add3A_629 = arith.addf %add3A_601, %get3A_628 : vector<16xf32>
        %add3A_630 = arith.constant 16 : i32
        %add3A_631 = arith.addi %mul3A_161, %add3A_630 : i32
        %get3A_632 = arith.index_cast %add3A_631 : i32 to index
        %get3A_633 = arith.constant 32 : index
        %get3A_634 = tpu.vector_load %arg8[%get3A_632, %get3A_633] {strides = array<i32>} : memref<320x64xf32, #tpu.memory_space<vmem>>, vector<1x16xf32>,
        %get3A_635 = vector.shape_cast %get3A_634 : vector<1x16xf32> to vector<16xf32>
        %add3A_636 = arith.addf %add3A_608, %get3A_635 : vector<16xf32>
        %add3A_637 = arith.constant 16 : i32
        %add3A_638 = arith.addi %mul3A_161, %add3A_637 : i32
        %get3A_639 = arith.index_cast %add3A_638 : i32 to index
        %get3A_640 = arith.constant 48 : index
        %get3A_641 = tpu.vector_load %arg8[%get3A_639, %get3A_640] {strides = array<i32>} : memref<320x64xf32, #tpu.memory_space<vmem>>, vector<1x16xf32>,
        %get3A_642 = vector.shape_cast %get3A_641 : vector<1x16xf32> to vector<16xf32>
        %add3A_643 = arith.addf %add3A_615, %get3A_642 : vector<16xf32>
        %add3A_644 = arith.constant 17 : i32
        %add3A_645 = arith.addi %mul3A_161, %add3A_644 : i32
        %get3A_646 = arith.index_cast %add3A_645 : i32 to index
        %get3A_647 = arith.constant 0 : index
        %get3A_648 = tpu.vector_load %arg8[%get3A_646, %get3A_647] {strides = array<i32>} : memref<320x64xf32, #tpu.memory_space<vmem>>, vector<1x16xf32>,
        %get3A_649 = vector.shape_cast %get3A_648 : vector<1x16xf32> to vector<16xf32>
        %add3A_650 = arith.addf %add3A_622, %get3A_649 : vector<16xf32>
        %add3A_651 = arith.constant 17 : i32
        %add3A_652 = arith.addi %mul3A_161, %add3A_651 : i32
        %get3A_653 = arith.index_cast %add3A_652 : i32 to index
        %get3A_654 = arith.constant 16 : index
        %get3A_655 = tpu.vector_load %arg8[%get3A_653, %get3A_654] {strides = array<i32>} : memref<320x64xf32, #tpu.memory_space<vmem>>, vector<1x16xf32>,
        %get3A_656 = vector.shape_cast %get3A_655 : vector<1x16xf32> to vector<16xf32>
        %add3A_657 = arith.addf %add3A_629, %get3A_656 : vector<16xf32>
        %add3A_658 = arith.constant 17 : i32
        %add3A_659 = arith.addi %mul3A_161, %add3A_658 : i32
        %get3A_660 = arith.index_cast %add3A_659 : i32 to index
        %get3A_661 = arith.constant 32 : index
        %get3A_662 = tpu.vector_load %arg8[%get3A_660, %get3A_661] {strides = array<i32>} : memref<320x64xf32, #tpu.memory_space<vmem>>, vector<1x16xf32>,
        %get3A_663 = vector.shape_cast %get3A_662 : vector<1x16xf32> to vector<16xf32>
        %add3A_664 = arith.addf %add3A_636, %get3A_663 : vector<16xf32>
        %add3A_665 = arith.constant 17 : i32
        %add3A_666 = arith.addi %mul3A_161, %add3A_665 : i32
        %get3A_667 = arith.index_cast %add3A_666 : i32 to index
        %get3A_668 = arith.constant 48 : index
        %get3A_669 = tpu.vector_load %arg8[%get3A_667, %get3A_668] {strides = array<i32>} : memref<320x64xf32, #tpu.memory_space<vmem>>, vector<1x16xf32>,
        %get3A_670 = vector.shape_cast %get3A_669 : vector<1x16xf32> to vector<16xf32>
        %add3A_671 = arith.addf %add3A_643, %get3A_670 : vector<16xf32>
        %add3A_672 = arith.constant 18 : i32
        %add3A_673 = arith.addi %mul3A_161, %add3A_672 : i32
        %get3A_674 = arith.index_cast %add3A_673 : i32 to index
        %get3A_675 = arith.constant 0 : index
        %get3A_676 = tpu.vector_load %arg8[%get3A_674, %get3A_675] {strides = array<i32>} : memref<320x64xf32, #tpu.memory_space<vmem>>, vector<1x16xf32>,
        %get3A_677 = vector.shape_cast %get3A_676 : vector<1x16xf32> to vector<16xf32>
        %add3A_678 = arith.addf %add3A_650, %get3A_677 : vector<16xf32>
        %add3A_679 = arith.constant 18 : i32
        %add3A_680 = arith.addi %mul3A_161, %add3A_679 : i32
        %get3A_681 = arith.index_cast %add3A_680 : i32 to index
        %get3A_682 = arith.constant 16 : index
        %get3A_683 = tpu.vector_load %arg8[%get3A_681, %get3A_682] {strides = array<i32>} : memref<320x64xf32, #tpu.memory_space<vmem>>, vector<1x16xf32>,
        %get3A_684 = vector.shape_cast %get3A_683 : vector<1x16xf32> to vector<16xf32>
        %add3A_685 = arith.addf %add3A_657, %get3A_684 : vector<16xf32>
        %add3A_686 = arith.constant 18 : i32
        %add3A_687 = arith.addi %mul3A_161, %add3A_686 : i32
        %get3A_688 = arith.index_cast %add3A_687 : i32 to index
        %get3A_689 = arith.constant 32 : index
        %get3A_690 = tpu.vector_load %arg8[%get3A_688, %get3A_689] {strides = array<i32>} : memref<320x64xf32, #tpu.memory_space<vmem>>, vector<1x16xf32>,
        %get3A_691 = vector.shape_cast %get3A_690 : vector<1x16xf32> to vector<16xf32>
        %add3A_692 = arith.addf %add3A_664, %get3A_691 : vector<16xf32>
        %add3A_693 = arith.constant 18 : i32
        %add3A_694 = arith.addi %mul3A_161, %add3A_693 : i32
        %get3A_695 = arith.index_cast %add3A_694 : i32 to index
        %get3A_696 = arith.constant 48 : index
        %get3A_697 = tpu.vector_load %arg8[%get3A_695, %get3A_696] {strides = array<i32>} : memref<320x64xf32, #tpu.memory_space<vmem>>, vector<1x16xf32>,
        %get3A_698 = vector.shape_cast %get3A_697 : vector<1x16xf32> to vector<16xf32>
        %add3A_699 = arith.addf %add3A_671, %get3A_698 : vector<16xf32>
        %add3A_700 = arith.constant 19 : i32
        %add3A_701 = arith.addi %mul3A_161, %add3A_700 : i32
        %get3A_702 = arith.index_cast %add3A_701 : i32 to index
        %get3A_703 = arith.constant 0 : index
        %get3A_704 = tpu.vector_load %arg8[%get3A_702, %get3A_703] {strides = array<i32>} : memref<320x64xf32, #tpu.memory_space<vmem>>, vector<1x16xf32>,
        %get3A_705 = vector.shape_cast %get3A_704 : vector<1x16xf32> to vector<16xf32>
        %add3A_706 = arith.addf %add3A_678, %get3A_705 : vector<16xf32>
        %add3A_707 = arith.constant 19 : i32
        %add3A_708 = arith.addi %mul3A_161, %add3A_707 : i32
        %get3A_709 = arith.index_cast %add3A_708 : i32 to index
        %get3A_710 = arith.constant 16 : index
        %get3A_711 = tpu.vector_load %arg8[%get3A_709, %get3A_710] {strides = array<i32>} : memref<320x64xf32, #tpu.memory_space<vmem>>, vector<1x16xf32>,
        %get3A_712 = vector.shape_cast %get3A_711 : vector<1x16xf32> to vector<16xf32>
        %add3A_713 = arith.addf %add3A_685, %get3A_712 : vector<16xf32>
        %add3A_714 = arith.constant 19 : i32
        %add3A_715 = arith.addi %mul3A_161, %add3A_714 : i32
        %get3A_716 = arith.index_cast %add3A_715 : i32 to index
        %get3A_717 = arith.constant 32 : index
        %get3A_718 = tpu.vector_load %arg8[%get3A_716, %get3A_717] {strides = array<i32>} : memref<320x64xf32, #tpu.memory_space<vmem>>, vector<1x16xf32>,
        %get3A_719 = vector.shape_cast %get3A_718 : vector<1x16xf32> to vector<16xf32>
        %add3A_720 = arith.addf %add3A_692, %get3A_719 : vector<16xf32>
        %add3A_721 = arith.constant 19 : i32
        %add3A_722 = arith.addi %mul3A_161, %add3A_721 : i32
        %get3A_723 = arith.index_cast %add3A_722 : i32 to index
        %get3A_724 = arith.constant 48 : index
        %get3A_725 = tpu.vector_load %arg8[%get3A_723, %get3A_724] {strides = array<i32>} : memref<320x64xf32, #tpu.memory_space<vmem>>, vector<1x16xf32>,
        %get3A_726 = vector.shape_cast %get3A_725 : vector<1x16xf32> to vector<16xf32>
        %add3A_727 = arith.addf %add3A_699, %get3A_726 : vector<16xf32>
        %mul3A_728 = arith.constant 16 : i32
        %mul3A_729 = arith.muli %add3A_44, %mul3A_728 : i32
        %add3A_730 = arith.addi %mul3A_729, %add3A_159 : i32
        %swap3A = arith.index_cast %add3A_730 : i32 to index
        %swap3A_731 = arith.constant 0 : index
        %swap3A_732 = tpu.vector_load %arg9[%swap3A, %swap3A_731] {strides = array<i32>} : memref<1024x64xf32, #tpu.memory_space<vmem>>, vector<1x16xf32>,
        %swap3A_733 = vector.shape_cast %swap3A_732 : vector<1x16xf32> to vector<16xf32>
        %swap3A_734 = vector.shape_cast %add3A_706 : vector<16xf32> to vector<1x16xf32>
        tpu.vector_store %arg9[%swap3A, %swap3A_731], %swap3A_734 {strides = array<i32>} : memref<1024x64xf32, #tpu.memory_space<vmem>>, vector<1x16xf32>,
        %mul3A_735 = arith.constant 16 : i32
        %mul3A_736 = arith.muli %add3A_44, %mul3A_735 : i32
        %add3A_737 = arith.addi %mul3A_736, %add3A_159 : i32
        %swap3A_738 = arith.index_cast %add3A_737 : i32 to index
        %swap3A_739 = arith.constant 16 : index
        %swap3A_740 = tpu.vector_load %arg9[%swap3A_738, %swap3A_739] {strides = array<i32>} : memref<1024x64xf32, #tpu.memory_space<vmem>>, vector<1x16xf32>,
        %swap3A_741 = vector.shape_cast %swap3A_740 : vector<1x16xf32> to vector<16xf32>
        %swap3A_742 = vector.shape_cast %add3A_713 : vector<16xf32> to vector<1x16xf32>
        tpu.vector_store %arg9[%swap3A_738, %swap3A_739], %swap3A_742 {strides = array<i32>} : memref<1024x64xf32, #tpu.memory_space<vmem>>, vector<1x16xf32>,
        %mul3A_743 = arith.constant 16 : i32
        %mul3A_744 = arith.muli %add3A_44, %mul3A_743 : i32
        %add3A_745 = arith.addi %mul3A_744, %add3A_159 : i32
        %swap3A_746 = arith.index_cast %add3A_745 : i32 to index
        %swap3A_747 = arith.constant 32 : index
        %swap3A_748 = tpu.vector_load %arg9[%swap3A_746, %swap3A_747] {strides = array<i32>} : memref<1024x64xf32, #tpu.memory_space<vmem>>, vector<1x16xf32>,
        %swap3A_749 = vector.shape_cast %swap3A_748 : vector<1x16xf32> to vector<16xf32>
        %swap3A_750 = vector.shape_cast %add3A_720 : vector<16xf32> to vector<1x16xf32>
        tpu.vector_store %arg9[%swap3A_746, %swap3A_747], %swap3A_750 {strides = array<i32>} : memref<1024x64xf32, #tpu.memory_space<vmem>>, vector<1x16xf32>,
        %mul3A_751 = arith.constant 16 : i32
        %mul3A_752 = arith.muli %add3A_44, %mul3A_751 : i32
        %add3A_753 = arith.addi %mul3A_752, %add3A_159 : i32
        %swap3A_754 = arith.index_cast %add3A_753 : i32 to index
        %swap3A_755 = arith.constant 48 : index
        %swap3A_756 = tpu.vector_load %arg9[%swap3A_754, %swap3A_755] {strides = array<i32>} : memref<1024x64xf32, #tpu.memory_space<vmem>>, vector<1x16xf32>,
        %swap3A_757 = vector.shape_cast %swap3A_756 : vector<1x16xf32> to vector<16xf32>
        %swap3A_758 = vector.shape_cast %add3A_727 : vector<16xf32> to vector<1x16xf32>
        tpu.vector_store %arg9[%swap3A_754, %swap3A_755], %swap3A_758 {strides = array<i32>} : memref<1024x64xf32, #tpu.memory_space<vmem>>, vector<1x16xf32>,
      }
      %scan3A_154 = arith.constant 16 : i32
    }
    %scan3A_33 = arith.constant 32 : i32
    "tpu.region"() ({
      %run_scoped3A = tpu.sem_alloc : memref<!tpu.dma_semaphore, #tpu.memory_space<semaphore_mem>>
      %dma_start3A_36 = arith.constant 0 : i32
      %dma_start3A_37 = arith.constant 0 : i32
      %dma_start3A_38 = tpu.memref_slice %arg9[%dma_start3A_36, %dma_start3A_37] : memref<1024x64xf32, #tpu.memory_space<vmem>> -> memref<512x64xf32, #tpu.memory_space<vmem>>
      %dma_start3A_39 = arith.constant 0 : i32
      %dma_start3A_40 = tpu.memref_slice %arg5[%mul3A_2, %dma_start3A_39] : memref<32768x64xf32, #tpu.memory_space<hbm>> -> memref<512x64xf32, #tpu.memory_space<hbm>>
      %dma_start3A_41 = arith.constant 0 : i32
      %dma_start3A_42 = tpu.memref_slice %arg5[%mul3A_2, %dma_start3A_41] : memref<32768x64xf32, #tpu.memory_space<hbm>> -> memref<512x64xf32, #tpu.memory_space<hbm>>
      %dma_start3A_43 = arith.constant 0 : i32
      %dma_start3A_44 = arith.constant 0 : i32
      %dma_start3A_45 = tpu.memref_slice %arg9[%dma_start3A_43, %dma_start3A_44] : memref<1024x64xf32, #tpu.memory_space<vmem>> -> memref<512x64xf32, #tpu.memory_space<vmem>>
      tpu.enqueue_dma source(%dma_start3A_45 : memref<512x64xf32, #tpu.memory_space<vmem>>) target(%dma_start3A_42 : memref<512x64xf32, #tpu.memory_space<hbm>>) target_semaphore(%run_scoped3A : memref<!tpu.dma_semaphore, #tpu.memory_space<semaphore_mem>>)
      %dma_wait3A = arith.constant 0 : i32
      %dma_wait3A_46 = arith.constant 0 : i32
      %dma_wait3A_47 = tpu.memref_slice %arg9[%dma_wait3A, %dma_wait3A_46] : memref<1024x64xf32, #tpu.memory_space<vmem>> -> memref<512x64xf32, #tpu.memory_space<vmem>>
      %dma_wait3A_48 = arith.constant 0 : i32
      %dma_wait3A_49 = tpu.memref_slice %arg5[%mul3A_2, %dma_wait3A_48] : memref<32768x64xf32, #tpu.memory_space<hbm>> -> memref<512x64xf32, #tpu.memory_space<hbm>>
      %dma_wait3A_50 = arith.constant 0 : i32
      %dma_wait3A_51 = tpu.memref_slice %arg5[%mul3A_2, %dma_wait3A_50] : memref<32768x64xf32, #tpu.memory_space<hbm>> -> memref<512x64xf32, #tpu.memory_space<hbm>>
      %dma_wait3A_52 = arith.constant 0 : i32
      %dma_wait3A_53 = arith.constant 0 : i32
      %dma_wait3A_54 = tpu.memref_slice %arg9[%dma_wait3A_52, %dma_wait3A_53] : memref<1024x64xf32, #tpu.memory_space<vmem>> -> memref<512x64xf32, #tpu.memory_space<vmem>>
      tpu.wait_dma2 semaphore(%run_scoped3A : memref<!tpu.dma_semaphore, #tpu.memory_space<semaphore_mem>>) src(%dma_wait3A_54 : memref<512x64xf32, #tpu.memory_space<vmem>>) dst(%dma_wait3A_51 : memref<512x64xf32, #tpu.memory_space<hbm>>)
      tpu.yield
    }) : () -> ()
    %add3A_34 = arith.constant 16384 : i32
    %add3A_35 = arith.addi %add3A_34, %mul3A_2 : i32
    "tpu.region"() ({
      %run_scoped3A = tpu.sem_alloc : memref<!tpu.dma_semaphore, #tpu.memory_space<semaphore_mem>>
      %dma_start3A_36 = arith.constant 512 : i32
      %dma_start3A_37 = arith.constant 0 : i32
      %dma_start3A_38 = tpu.memref_slice %arg9[%dma_start3A_36, %dma_start3A_37] : memref<1024x64xf32, #tpu.memory_space<vmem>> -> memref<512x64xf32, #tpu.memory_space<vmem>>
      %dma_start3A_39 = arith.constant 0 : i32
      %dma_start3A_40 = tpu.memref_slice %arg5[%add3A_35, %dma_start3A_39] : memref<32768x64xf32, #tpu.memory_space<hbm>> -> memref<512x64xf32, #tpu.memory_space<hbm>>
      %dma_start3A_41 = arith.constant 0 : i32
      %dma_start3A_42 = tpu.memref_slice %arg5[%add3A_35, %dma_start3A_41] : memref<32768x64xf32, #tpu.memory_space<hbm>> -> memref<512x64xf32, #tpu.memory_space<hbm>>
      %dma_start3A_43 = arith.constant 512 : i32
      %dma_start3A_44 = arith.constant 0 : i32
      %dma_start3A_45 = tpu.memref_slice %arg9[%dma_start3A_43, %dma_start3A_44] : memref<1024x64xf32, #tpu.memory_space<vmem>> -> memref<512x64xf32, #tpu.memory_space<vmem>>
      tpu.enqueue_dma source(%dma_start3A_45 : memref<512x64xf32, #tpu.memory_space<vmem>>) target(%dma_start3A_42 : memref<512x64xf32, #tpu.memory_space<hbm>>) target_semaphore(%run_scoped3A : memref<!tpu.dma_semaphore, #tpu.memory_space<semaphore_mem>>)
      %dma_wait3A = arith.constant 512 : i32
      %dma_wait3A_46 = arith.constant 0 : i32
      %dma_wait3A_47 = tpu.memref_slice %arg9[%dma_wait3A, %dma_wait3A_46] : memref<1024x64xf32, #tpu.memory_space<vmem>> -> memref<512x64xf32, #tpu.memory_space<vmem>>
      %dma_wait3A_48 = arith.constant 0 : i32
      %dma_wait3A_49 = tpu.memref_slice %arg5[%add3A_35, %dma_wait3A_48] : memref<32768x64xf32, #tpu.memory_space<hbm>> -> memref<512x64xf32, #tpu.memory_space<hbm>>
      %dma_wait3A_50 = arith.constant 0 : i32
      %dma_wait3A_51 = tpu.memref_slice %arg5[%add3A_35, %dma_wait3A_50] : memref<32768x64xf32, #tpu.memory_space<hbm>> -> memref<512x64xf32, #tpu.memory_space<hbm>>
      %dma_wait3A_52 = arith.constant 512 : i32
      %dma_wait3A_53 = arith.constant 0 : i32
      %dma_wait3A_54 = tpu.memref_slice %arg9[%dma_wait3A_52, %dma_wait3A_53] : memref<1024x64xf32, #tpu.memory_space<vmem>> -> memref<512x64xf32, #tpu.memory_space<vmem>>
      tpu.wait_dma2 semaphore(%run_scoped3A : memref<!tpu.dma_semaphore, #tpu.memory_space<semaphore_mem>>) src(%dma_wait3A_54 : memref<512x64xf32, #tpu.memory_space<vmem>>) dst(%dma_wait3A_51 : memref<512x64xf32, #tpu.memory_space<hbm>>)
      tpu.yield
    }) : () -> ()
    return
  }
}

module attributes {stable_mosaic.version = 14 : i64} {
  func.func @_tc_loss_body(%arg0: memref<256x128xf32, #tpu.memory_space<vmem>>, %arg1: memref<1x1xf32, #tpu.memory_space<smem>>) attributes {dimension_semantics = [], scalar_prefetch = 0 : i64, scratch_operands = 0 : i64, tpu.core_type = #tpu.core_type<tc>} {
    %get3A = arith.constant 0 : index
    %get3A_0 = arith.constant 0 : index
    %get3A_1 = vector.load %arg0[%get3A, %get3A_0] : memref<256x128xf32, #tpu.memory_space<vmem>>, vector<256x128xf32>
    %iota3A = tpu.iota {dimensions = array<i32: 0>} : vector<256x128xi32>
    %lt3A = arith.constant 128 : i32
    %lt3A_2 = vector.broadcast %lt3A : i32 to vector<256x128xi32>
    %lt3A_3 = arith.cmpi slt, %iota3A, %lt3A_2 : vector<256x128xi32>
    %neg3A = arith.constant 0.000000e+00 : f32
    %neg3A_4 = vector.broadcast %neg3A : f32 to vector<256x128xf32>
    %neg3A_5 = arith.subf %neg3A_4, %get3A_1 : vector<256x128xf32>
    %select_n3A = arith.select %lt3A_3, %get3A_1, %neg3A_5 : vector<256x128xi1>, vector<256x128xf32>
    %min3A = arith.constant 0.000000e+00 : f32
    %min3A_6 = vector.broadcast %min3A : f32 to vector<256x128xf32>
    %min3A_7 = arith.minimumf %select_n3A, %min3A_6 : vector<256x128xf32>
    %abs3A = math.absf %select_n3A : vector<256x128xf32>
    %neg3A_8 = arith.constant 0.000000e+00 : f32
    %neg3A_9 = vector.broadcast %neg3A_8 : f32 to vector<256x128xf32>
    %neg3A_10 = arith.subf %neg3A_9, %abs3A : vector<256x128xf32>
    %exp3A = math.exp %neg3A_10 : vector<256x128xf32>
    %log1p3A = math.log1p %exp3A : vector<256x128xf32>
    %sub3A = arith.subf %min3A_7, %log1p3A : vector<256x128xf32>
    %reduce_sum3A = vector.shape_cast %sub3A : vector<256x128xf32> to vector<1x256x128xf32>
    %reduce_sum3A_11 = arith.constant dense<0.000000e+00> : vector<1xf32>
    %reduce_sum3A_12 = vector.multi_reduction <add>, %reduce_sum3A, %reduce_sum3A_11 [1, 2] : vector<1x256x128xf32> to vector<1xf32>
    %reduce_sum3A_13 = vector.shape_cast %reduce_sum3A_12 : vector<1xf32> to vector<1x1x1xf32>
    %reduce_sum3A_14 = vector.extract %reduce_sum3A_13[0, 0, 0] : f32 from vector<1x1x1xf32>
    %neg3A_15 = arith.constant 0.000000e+00 : f32
    %neg3A_16 = arith.subf %neg3A_15, %reduce_sum3A_14 : f32
    %swap3A = arith.constant 0 : index
    %swap3A_17 = arith.constant 0 : index
    %swap3A_18 = memref.load %arg1[%swap3A, %swap3A_17] : memref<1x1xf32, #tpu.memory_space<smem>>
    memref.store %neg3A_16, %arg1[%swap3A, %swap3A_17] : memref<1x1xf32, #tpu.memory_space<smem>>
    return
  }
}

</mosaic_0001>

<sc_bundles>
// kernel: kernel.5.cloned.1.call-start
scs
__scs_entry_jumppad:
0x0: {  	(pc) =	sbr.rel $0x88, $3  }
0x1: {  	(tag) =	ssettag $0x0;
	lr =	simm.s32 $0x1  }
0x2: {  	[smem:$0x3F9B] =	sst lr;
	_ =	strace $0xD0000000  }
0x3: {  	_ = 	snop  }
0x4: {  	_ = 	snop  }
0x5: {  	_ = 	snop  }
0x6: {  	_ = 	snop  }
0x7: {  	_ = 	snop  }
__scs_overlays_trampoline_lowered:
0x8: {  	[smem:$0x3FAA] =	sst s0  }
0x9: {  	[smem:$0x3FAB] =	sst s1  }
0xa: {  	[smem:$0x3FAC] =	sst s2  }
0xb: {  	[smem:$0x3FAD] =	sst s3  }
0xc: {  	[smem:$0x3FAE] =	sst s4  }
0xd: {  	[smem:$0x3FAF] =	sst s5  }
0xe: {  	[smem:$0x3FB0] =	sst s6  }
0xf: {  	[smem:$0x3FB1] =	sst s7  }
0x10: {  	[smem:$0x3FB2] =	sst s8  }
0x11: {  	[smem:$0x3FB3] =	sst s9;
	s0 =	simm.s32 @!p0 $0x0  }
0x12: {  	s1 =	sld [smem:$0x3F99];
	s0 =	simm.s32 @p0 $0x1  }
0x13: {  	[smem:$0x3FB4] =	sst s0;
	s0 =	simm.s32 @!p1 $0x0  }
0x14: {  	s2 =	sld [smem:$0x3F98];
	s0 =	simm.s32 @p1 $0x1  }
0x15: {  	[smem:$0x3FB5] =	sst s0;
	s0 =	simm.s32 @!p2 $0x0  }
0x16: {  	s3 =	sld [smem:$0x3FDB];
	s0 =	simm.s32 @p2 $0x1  }
0x17: {  	s4 =	simm.s32 $0x1BF5;
	[smem:$0x3FB7] =	sst s0  }
0x18: {  	s0 =	sld [smem:$0x3F9A];
	_ =	swait.ge [sflag:s4], $0x0  }
0x19: {  	s7 =	sld [smem:$0x3F9B]  }
0x1a: {  	s8 =	sadd.s32 $0xFFFFE003, lr  }
0x1b: {  	s9 =	sadd.s32 $0xFFFFFEF7, lr;
	s5 =	simm.s32 $0xFFFFFFFF;
	p2 =	slt.u32 s8, $0xFFFFF086  }
0x1c: {  	p1 =	slt.u32 s9, $0xF7A;
	s5 =	simm.s32 @!p2 $0x0  }
0x1d: {  	s5 =	simm.s32 @p1 $0x1;
	p0 =	seq.s32 s7, s2  }
0x1e: {  	s7 =	smul.u32 @!p0 $0xF7A, s2;
	p2 =	seq.s32 @!p0 s5, $0x0  }
0x1f: {  	s9 =	smul.u32 $0xF7A, s1;
	s8 =	simm.s32 @!p0 $0x1BF5;
	p2 =	por !p2, p0  }
0x20: {  	[sflag:s8] =	ssyncset.s32 @!p0 $0xFFFFF086;
	s6 =	sadd.s32 @!p0 s3, s7;
	s7 =	simm.s32 @!p0 $0x108  }
0x21: {  	s3 =	sadd.s32 s3, s9;
	s6 =	sadd.s32 @!p0 $0x88, s6;
	s7 =	simm.s32 @p2 $0x1082  }
0x22: {  	[simem:s7], [sflag:s8] =	dma.local @!p0 [hbm:s6], $0xF7A  }
0x23: {  	s9 =	sor.u32 $0xD0000000, s2;
	s6 =	simm.s32 $0x108;
	_ =	swait.ge @!p0 [sflag:s8], $0x0  }
0x24: {  	s3 =	sadd.s32 $0x88, s3;
	s6 =	simm.s32 @!p1 $0x1082;
	[sflag:s4] =	ssyncset.s32 $0xFFFFF086  }
0x25: {  	[simem:s6], [sflag:s4] =	dma.local [hbm:s3], $0xF7A  }
0x26: {  	[smem:$0x3F9B] =	sst s1;
	(tag) =	ssettag s2;
	_ =	strace s9  }
0x27: {  	s1 =	sld [smem:$0x3FAB]  }
0x28: {  	s2 =	sld [smem:$0x3FAC]  }
0x29: {  	s4 =	sld [smem:$0x3FAE]  }
0x2a: {  	p0 =	seq.s32 s5, $0x0;
	s5 =	sld [smem:$0x3FAF]  }
0x2b: {  	s6 =	sld [smem:$0x3FB0]  }
0x2c: {  	s7 =	sld [smem:$0x3FB1]  }
0x2d: {  	s3 =	simm.s32 $0x108;
	s8 =	sld [smem:$0x3FB2]  }
0x2e: {  	s3 =	simm.s32 @!p0 $0x1082;
	s9 =	sld [smem:$0x3FB3]  }
0x2f: {  	lr =	sadd.s32 s0, s3;
	s0 =	sld [smem:$0x3FAA]  }
0x30: {  	s3 =	sld [smem:$0x3FAD]  }
0x31: {  	[smem:$0x3FB6] =	sst s10  }
0x32: {  	s10 =	sld [smem:$0x3FB4];
	_ =	sdelay $0x3  }
0x33: {  	p0 =	seq.s32 s10, $0x1;
	s10 =	sld [smem:$0x3FB6];
	_ =	sdelay $0x3  }
0x34: {  	[smem:$0x3FB6] =	sst s10  }
0x35: {  	s10 =	sld [smem:$0x3FB5];
	_ =	sdelay $0x3  }
0x36: {  	p1 =	seq.s32 s10, $0x1;
	s10 =	sld [smem:$0x3FB6];
	_ =	sdelay $0x3  }
0x37: {  	[smem:$0x3FB6] =	sst s10  }
0x38: {  	s10 =	sld [smem:$0x3FB7]  }
0x39: {  	_ = 	snop;
	(pc) =	sbr.ind lr, $3  }
0x3a: {  	_ = 	snop  }
0x3b: {  	_ = 	snop  }
0x3c: {  	p2 =	seq.s32 s10, $0x1;
	s10 =	sld [smem:$0x3FB6]  }
0x3d: {  	_ =	shalt  }
0x3e: {  	_ =	shalt  }
0x3f: {  	_ =	shalt  }
0x40: {  	_ =	shalt  }
0x41: {  	_ =	shalt  }
0x42: {  	_ =	shalt  }
0x43: {  	_ =	shalt  }
0x44: {  	_ =	shalt  }
0x45: {  	_ =	shalt  }
0x46: {  	_ =	shalt  }
0x47: {  	_ =	shalt  }
0x48: {  	_ =	shalt  }
0x49: {  	_ =	shalt  }
0x4a: {  	_ =	shalt  }
0x4b: {  	_ =	shalt  }
0x4c: {  	_ =	shalt  }
0x4d: {  	_ =	shalt  }
0x4e: {  	_ =	shalt  }
0x4f: {  	_ =	shalt  }
0x50: {  	_ =	shalt  }
0x51: {  	_ =	shalt  }
0x52: {  	_ =	shalt  }
0x53: {  	_ =	shalt  }
0x54: {  	_ =	shalt  }
0x55: {  	_ =	shalt  }
0x56: {  	_ =	shalt  }
0x57: {  	_ =	shalt  }
0x58: {  	_ =	shalt  }
0x59: {  	_ =	shalt  }
0x5a: {  	_ =	shalt  }
0x5b: {  	_ =	shalt  }
0x5c: {  	_ =	shalt  }
0x5d: {  	_ =	shalt  }
0x5e: {  	_ =	shalt  }
0x5f: {  	_ =	shalt  }
0x60: {  	_ =	shalt  }
0x61: {  	_ =	shalt  }
0x62: {  	_ =	shalt  }
0x63: {  	_ =	shalt  }
0x64: {  	_ =	shalt  }
0x65: {  	_ =	shalt  }
0x66: {  	_ =	shalt  }
0x67: {  	_ =	shalt  }
0x68: {  	_ =	shalt  }
0x69: {  	_ =	shalt  }
0x6a: {  	_ =	shalt  }
0x6b: {  	_ =	shalt  }
0x6c: {  	_ =	shalt  }
0x6d: {  	_ =	shalt  }
0x6e: {  	_ =	shalt  }
0x6f: {  	_ =	shalt  }
0x70: {  	_ =	shalt  }
0x71: {  	_ =	shalt  }
0x72: {  	_ =	shalt  }
0x73: {  	_ =	shalt  }
0x74: {  	_ =	shalt  }
0x75: {  	_ =	shalt  }
0x76: {  	_ =	shalt  }
0x77: {  	_ =	shalt  }
0x78: {  	_ =	shalt  }
0x79: {  	_ =	shalt  }
0x7a: {  	_ =	shalt  }
0x7b: {  	_ =	shalt  }
0x7c: {  	_ =	shalt  }
0x7d: {  	_ =	shalt  }
0x7e: {  	_ =	shalt  }
0x7f: {  	_ =	shalt  }
0x80: {  	_ =	shalt  }
0x81: {  	_ =	shalt  }
0x82: {  	_ =	shalt  }
0x83: {  	_ =	shalt  }
0x84: {  	_ =	shalt  }
0x85: {  	_ =	shalt  }
0x86: {  	_ =	shalt  }
0x87: {  	_ =	shalt  }
.Lfunc_end0:
.L_simem_size_0:
called_computation_lowered:
.L_overlay_start_0:
0x88: {  	s2 =	sld [smem:$0x3FD9]  }
0x89: {  	s3 =	sld [smem:$0x3FFE];
	_ =	sdelay $0x1  }
0x8a: {  	s1 =	srdreg.scid  }
0x8b: {  	s0 =	sand.u32 $0x1, s1  }
0x8c: {  	s16 =	sshll.u32 s0, $0xA;
	s2 =	sadd.s32 s3, s2  }
0x8d: {  	s2 =	sadd.s32 s2, s16  }
0x8e: {  	[smem:$0x3FC2] =	sst s2  }
0x8f: {  	_ = 	snop  }
0x90: {  	(tm) =	ssettm $0x1  }
0x91: {  	s17 =	sld [smem:$0x3FFB];
	_ =	sdelay $0x3  }
0x92: {  	_ =	strace s17  }
0x93: {  	s2 =	sld [smem:$0x3FFC];
	_ =	sdelay $0x3  }
0x94: {  	_ =	strace s2  }
0x95: {  	s2 =	sld [smem:$0x3FFD];
	_ =	sdelay $0x3  }
0x96: {  	_ =	strace s2  }
0x97: {  	_ =	strace $0x8FFFFFFF  }
0x98: {  	s18 =	sld [smem:$0x3FDB];
	_ =	sdelay $0x1  }
0x99: {  	s19 =	simm.s32 $_scs_section_size  }
0x9a: {  	s4 =	simm.s32 $_size__tile_overlayer_lowered;
	s5 =	simm.s32 $_tile_overlayer_lowered  }
0x9b: {  	s22 =	simm.s32 $0x1BFF;
	s21 =	sshll.u32 s5, $0x1;
	s2 =	sadd.s32 s19, s18  }
0x9c: {  	s6 =	simm.s32 $0x0;
	s20 =	sshll.u32 s4, $0x1;
	s4 =	sadd.s32 s21, s2  }
0x9d: {  	[timem:s6], [sflag:s22] =	dma.local [hbm:s4], s20  }
0x9e: {  	_ =	swait.ge [sflag:s22], s20  }
0x9f: {  	s3 =	ssub.s32 $0x0, s20;
	[sflag:s22] =	ssyncset.done $0x0  }
0xa0: {  	[sflag:s22] =	ssyncadd.s32 s3;
	_ =	sdelay $0x1  }
0xa1: {  	s23 =	simm.s32 $0x1B8B  }
0xa2: {  	_ =	swait.ge [sflag:s23], $0x1  }
0xa3: {  	[sflag:s23] =	ssyncset.done $0x0  }
0xa4: {  	s25 =	simm.s32 $0x1B8E;
	s24 =	sld [smem:$0x3FFE];
	[sflag:s23] =	ssyncadd.s32 $0xFFFFFFFF  }
0xa5: {  	s26 =	simm.s32 $execute0_lowered;
	[smem:$0x3FD2] =	sst s25  }
0xa6: {  	s4 =	sshll.u32 s26, $0x1;
	_ =	strace $0x80000046;
	[dreg:$0x1] =	wrdreg $0xFFFFFFFF  }
0xa7: {  	s28 =	simm.s32 $_size_execute0_lowered;
	s2 =	sadd.s32 s2, s4;
	[dreg:$0x0] =	wrdreg $0x0  }
0xa8: {  	s4 =	sshll.u32 s28, $0x1;
	[dreg:$0x2] =	wrdreg s2  }
0xa9: {  	[dreg:$0x3] =	wrdreg s4  }
0xaa: {  	[dreg:$0x4] =	wrdreg $0xC0  }
0xab: {  	_ =	task [dreg:s6], $0x5FFFF  }
0xac: {  	[dreg:$0x1] =	wrdreg $0xFFFFFFFF  }
0xad: {  	[dreg:$0x0] =	wrdreg $0x60  }
0xae: {  	[dreg:$0x2] =	wrdreg s24  }
0xaf: {  	[dreg:$0x3] =	wrdreg $0x9  }
0xb0: {  	_ =	task.clear_ibuf [dreg:s6], $0x4FFFF;
	_ =	strace $0x90000046  }
0xb1: {  	s29 =	simm.s32 $0x9;
	_ =	strace $0x80000048  }
0xb2: {  	_ =	swait.ge [sflag:s29], $0x1  }
0xb3: {  	[sflag:s29] =	ssyncadd.s32 $0xFFFFFFFF  }
0xb4: {  	_ =	strace $0x90000048  }
0xb5: {  	_ =	sfence  }
0xb6: {  	s30 =	sld [smem:$0x0];
	_ =	sdelay $0x2  }
0xb7: {  	s31 =	sshll.u32 s1, $0xD;
	s1 =	sshrl.u32 s1, $0x2  }
0xb8: {  	s3 =	sand.u32 $0x4000, s31;
	s1 =	sadd.s32 s1, s30  }
0xb9: {  	s0 =	sor.u32 s3, s0;
	s1 =	sshll.u32 s1, $0x11  }
0xba: {  	s0 =	sor.u32 s1, s0  }
0xbb: {  	s0 =	sadd.s32 $0x8F2B, s0  }
0xbc: {  	[sflag:s0] =	ssyncadd.remote.s32 $0x1  }
0xbd: {  	_ =	sfence.sel $0xFFFF  }
0xbe: {  	[dreg:$0x0] =	wrdreg $0xFFFFFFFF;
	(pc) =	sbr.abs _section_cstart, $3  }
0xbf: {  	[dreg:$0x1] =	wrdreg $0xFFFFFFFF  }
0xc0: {  	_ =	task.clear_ibuf [dreg:s6], $0x2FFFF;
	_ =	strace $0x9FFFFFFF  }
0xc1: {  	(tm) =	ssettm $0x7FFFFFFF  }
tec
execute0_lowered:
.L_overlay_start_1:
0x0: {  	(tag) =	ssettag $0x1  }
0x1: {  	s1 =	srdreg.scid;
	s0 =	stileid.u32  }
0x2: {  	s4 =	rddreg [dreg:$0x0];
	s2 =	simm.s32 $0x0;
	s10 =	simm.s32 $0x2800  }
0x3: {  	s11 =	simm.s32 $0x80;
	s12 =	simm.s32 $0x5000;
	s13 =	simm.s32 $0x7000  }
0x4: {  	s14 =	simm.s32 $0x40;
	s15 =	simm.s32 $0x100;
	s16 =	simm.s32 $0x9000  }
0x5: {  	s17 =	simm.s32 $0xA000;
	s18 =	simm.s32 $0xC000;
	s19 =	simm.s32 $0xE000  }
0x6: {  	s20 =	simm.s32 $0x1;
	s21 =	simm.s32 $0x2;
	s22 =	simm.s32 $0xF000  }
0x7: {  	s23 =	simm.s32 $0x17000;
	s3 =	sand.u32 $0x1, s1;
	s5 =	sshll.u32 s0, $0x1  }
0x8: {  	s24 =	simm.s32 $0x0;
	[smem:$0x7FF] =	sst s2;
	s5 =	sor.u32 s3, s5  }
0x9: {  	_ =	strace $0x80000047;
	s7 =	ssub.s32 $0x2, s3;
	s6 =	smul.u32 $0x500, s5  }
0xa: {  	s3 =	sadd.s32 $0x322000, s4;
	s5 =	sshll.u32 s5, $0xC;
	s8 =	sshrl.u32 s7, $0x1  }
0xb: {  	s9 =	sadd.s32 s5, s4;
	s8 =	ssub.s32 s7, s8;
	s6 =	sadd.s32 s6, s4  }
0xc: {  	s7 =	sadd.s32 $0x34C00, s9;
	s8 =	smax.u32 s8, $0x1;
	s4 =	sadd.s32 $0xC00, s6  }
0xd: {  	s5 =	sadd.s32 $0xAC00, s6;
	s6 =	sadd.s32 $0x14C00, s9;
	s9 =	simm.s32 $0x3  }
.LBB2_1:
0xe: {  	[tilespmem:s2], [sflag:$0x3] =	stream.linear.gather [hbm4b:s4+s2], $0x2800, $0x38;
	[tilespmem:$0x1F000] =	vst v63  }
0xf: {  	_ =	swait.ge [sflag:s9], $0x2800  }
0x10: {  	[sflag:s9] =	ssyncset.done $0x0  }
0x11: {  	[sflag:s9] =	ssyncadd.s32 $0xFFFFD800  }
0x12: {  	[tilespmem:s10], [sflag:$0x3] =	stream.linear.gather [hbm4b:s5+s2], $0x2800, $0x38;
	[tilespmem:$0x1F000] =	vst v63  }
0x13: {  	_ =	swait.ge [sflag:s9], $0x2800  }
0x14: {  	[sflag:s9] =	ssyncset.done $0x0  }
0x15: {  	[sflag:s9] =	ssyncadd.s32 $0xFFFFD800  }
0x16: {  	[tilespmem:s12], [sflag:$0x1] =	stream.indirect.gather [hbm4b:s3+s11], $0x40, s2, s11, $0xb8;
	[tilespmem:$0x1F000] =	vst v63  }
0x17: {  	_ = 	snop  }
0x18: {  	[tilespmem:s13], [sflag:$0x1] =	stream.indirect.gather [hbm4b:s3+s11], $0x40, s11, s11, $0xb8;
	[tilespmem:$0x1F000] =	vst v63  }
0x19: {  	s25 =	simm.s32 $0xF030;
	s26 =	simm.s32 $0xF430;
	s28 =	simm.s32 $0x0  }
0x1a: {  	[tilespmem:s16], [sflag:$0x1] =	stream.indirect.gather [hbm4b:s3+s14], $0x40, s15, s14, $0xb8;
	[tilespmem:$0x1F000] =	vst v63  }
.LBB2_2:
0x1b: {  	s29 =	sshllo.u32 s28, $0x1  }
0x1c: {  	s29 =	smul.u32 $0x500, s29;
	_ =	sdelay $0x1  }
0x1d: {  	s29 =	sshra.s32 s29, $0x2  }
0x1e: {  	[tilespmem:s17], [sflag:$0x2] =	stream.indirect.gather [hbm4b:s3+s11], $0x40, s29, s11, $0xb8;
	[tilespmem:$0x1F000] =	vst v63  }
0x1f: {  	s30 =	sadd.s32 $0x80, s29  }
0x20: {  	[tilespmem:s18], [sflag:$0x2] =	stream.indirect.gather [hbm4b:s3+s11], $0x40, s30, s11, $0xb8;
	[tilespmem:$0x1F000] =	vst v63  }
0x21: {  	s29 =	sadd.s32 $0x100, s29  }
0x22: {  	[tilespmem:s19], [sflag:$0x2] =	stream.indirect.gather [hbm4b:s3+s14], $0x40, s29, s14, $0xb8;
	[tilespmem:$0x1F000] =	vst v63  }
0x23: {  	_ =	swait.ge [sflag:s20], $0x2000  }
0x24: {  	[sflag:s20] =	ssyncset.done $0x0  }
0x25: {  	[sflag:s20] =	ssyncadd.s32 $0xFFFFE000  }
0x26: {  	_ =	swait.ge [sflag:s20], $0x2000  }
0x27: {  	[sflag:s20] =	ssyncset.done $0x0  }
0x28: {  	[sflag:s20] =	ssyncadd.s32 $0xFFFFE000  }
0x29: {  	_ =	swait.ge [sflag:s20], $0x1000  }
0x2a: {  	[sflag:s20] =	ssyncset.done $0x0  }
0x2b: {  	s29 =	simm.s32 $0x5280;
	[sflag:s20] =	ssyncadd.s32 $0xFFFFF000  }
0x2c: {  	v7 =	vld [tilespmem:s29+$0xFFFFFD90]  }
0x2d: {  	v8 =	vld [tilespmem:s29+$0xFFFFFDA0]  }
0x2e: {  	v9 =	vld [tilespmem:s29+$0xFFFFFDC0]  }
0x2f: {  	v1 =	vld [tilespmem:s29+$0x250]  }
0x30: {  	v2 =	vld [tilespmem:s29+$0x240]  }
0x31: {  	v3 =	vld [tilespmem:s29+$0x210]  }
0x32: {  	v4 =	vld [tilespmem:s29+$0x200]  }
0x33: {  	v5 =	vld [tilespmem:s29+$0x1D0]  }
0x34: {  	v0 =	vld [tilespmem:s29+$0x1C0]  }
0x35: {  	v6 =	vld [tilespmem:s29+$0x190]  }
0x36: {  	v10 =	vld [tilespmem:s29+$0x180]  }
0x37: {  	v11 =	vld [tilespmem:s29+$0x150]  }
0x38: {  	v12 =	vld [tilespmem:s29+$0x140]  }
0x39: {  	v13 =	vld [tilespmem:s29+$0x110]  }
0x3a: {  	v14 =	vld [tilespmem:s29+$0x100]  }
0x3b: {  	v15 =	vld [tilespmem:s29+$0xD0]  }
0x3c: {  	v16 =	vld [tilespmem:s29+$0xC0]  }
0x3d: {  	v17 =	vld [tilespmem:s29+$0x90]  }
0x3e: {  	v18 =	vld [tilespmem:s29+$0x80]  }
0x3f: {  	v19 =	vld [tilespmem:s29+$0x50]  }
0x40: {  	v20 =	vld [tilespmem:s29+$0x40]  }
0x41: {  	v21 =	vld [tilespmem:s29+$0x10]  }
0x42: {  	v22 =	vld [tilespmem:s29+$0x0]  }
0x43: {  	v23 =	vld [tilespmem:s29+$0xFFFFFFD0]  }
0x44: {  	v24 =	vld [tilespmem:s29+$0xFFFFFFC0]  }
0x45: {  	v25 =	vld [tilespmem:s29+$0xFFFFFF90]  }
0x46: {  	v26 =	vld [tilespmem:s29+$0xFFFFFF80]  }
0x47: {  	v27 =	vld [tilespmem:s29+$0xFFFFFF50]  }
0x48: {  	v28 =	vld [tilespmem:s29+$0xFFFFFF40]  }
0x49: {  	v29 =	vld [tilespmem:s29+$0xFFFFFF10]  }
0x4a: {  	v30 =	vld [tilespmem:s29+$0xFFFFFF00]  }
0x4b: {  	v31 =	vld [tilespmem:s29+$0xFFFFFED0]  }
0x4c: {  	v32 =	vld [tilespmem:s29+$0xFFFFFEC0]  }
0x4d: {  	v33 =	vld [tilespmem:s29+$0xFFFFFE90]  }
0x4e: {  	v34 =	vld [tilespmem:s29+$0xFFFFFE80]  }
0x4f: {  	v35 =	vld [tilespmem:s29+$0xFFFFFE50]  }
0x50: {  	v36 =	vld [tilespmem:s29+$0xFFFFFE40]  }
0x51: {  	v37 =	vld [tilespmem:s29+$0xFFFFFE10]  }
0x52: {  	v38 =	vld [tilespmem:s29+$0xFFFFFD80]  }
0x53: {  	v39 =	vld [tilespmem:s29+$0xFFFFFE00]  }
0x54: {  	v40 =	vld [tilespmem:s29+$0xFFFFFDD0]  }
0x55: {  	v41 =	vld [tilespmem:s29+$0xFFFFFDB0]  }
0x56: {  	v42 =	vld [tilespmem:s29+$0xFFFFFDE0]  }
0x57: {  	v43 =	vld [tilespmem:s29+$0xFFFFFDF0];
	v38 =	vadd.f32 $0.0e+00, v38  }
0x58: {  	v44 =	vld [tilespmem:s29+$0xFFFFFE20];
	v7 =	vadd.f32 $0.0e+00, v7  }
0x59: {  	v53 =	vld [tilespmem:s29+$0xFFFFFE30];
	v8 =	vadd.f32 $0.0e+00, v8;
	v9 =	vadd.f32 v9, v38  }
0x5a: {  	v55 =	vld [tilespmem:s29+$0xFFFFFE60];
	v54 =	vadd.f32 $0.0e+00, v41;
	v7 =	vadd.f32 v40, v7  }
0x5b: {  	v56 =	vld [tilespmem:s29+$0xFFFFFE70];
	v8 =	vadd.f32 v42, v8;
	v9 =	vadd.f32 v39, v9  }
0x5c: {  	v57 =	vld [tilespmem:s29+$0xFFFFFEA0];
	v40 =	vadd.f32 v43, v54;
	v7 =	vadd.f32 v37, v7  }
0x5d: {  	v58 =	vld [tilespmem:s29+$0xFFFFFEB0];
	v8 =	vadd.f32 v44, v8;
	v9 =	vadd.f32 v36, v9  }
0x5e: {  	v59 =	vld [tilespmem:s29+$0xFFFFFEE0];
	v38 =	vadd.f32 v53, v40;
	v7 =	vadd.f32 v35, v7  }
0x5f: {  	v60 =	vld [tilespmem:s29+$0xFFFFFEF0];
	v8 =	vadd.f32 v55, v8;
	v9 =	vadd.f32 v34, v9  }
0x60: {  	v61 =	vld [tilespmem:s29+$0xFFFFFF20];
	v38 =	vadd.f32 v56, v38;
	v7 =	vadd.f32 v33, v7  }
0x61: {  	v62 =	vld [tilespmem:s29+$0xFFFFFF30];
	v8 =	vadd.f32 v57, v8;
	v9 =	vadd.f32 v32, v9  }
0x62: {  	v63 =	vld [tilespmem:s29+$0xFFFFFF60];
	v36 =	vadd.f32 v58, v38;
	v7 =	vadd.f32 v31, v7  }
0x63: {  	v37 =	vld [tilespmem:s29+$0xFFFFFF70];
	v8 =	vadd.f32 v59, v8;
	v9 =	vadd.f32 v30, v9  }
0x64: {  	v38 =	vld [tilespmem:s29+$0xFFFFFFA0];
	v34 =	vadd.f32 v60, v36;
	v7 =	vadd.f32 v29, v7  }
0x65: {  	v39 =	vld [tilespmem:s29+$0xFFFFFFB0];
	v8 =	vadd.f32 v61, v8;
	v9 =	vadd.f32 v28, v9  }
0x66: {  	v40 =	vld [tilespmem:s29+$0xFFFFFFE0];
	v32 =	vadd.f32 v62, v34;
	v7 =	vadd.f32 v27, v7  }
0x67: {  	v41 =	vld [tilespmem:s29+$0xFFFFFFF0];
	v8 =	vadd.f32 v63, v8;
	v9 =	vadd.f32 v26, v9  }
0x68: {  	v42 =	vld [tilespmem:s29+$0x20];
	v30 =	vadd.f32 v37, v32;
	v7 =	vadd.f32 v25, v7  }
0x69: {  	v43 =	vld [tilespmem:s29+$0x30];
	v8 =	vadd.f32 v38, v8;
	v9 =	vadd.f32 v24, v9  }
0x6a: {  	v44 =	vld [tilespmem:s29+$0x60];
	v28 =	vadd.f32 v39, v30;
	v7 =	vadd.f32 v23, v7  }
0x6b: {  	v45 =	vld [tilespmem:s29+$0x70];
	v8 =	vadd.f32 v40, v8;
	v9 =	vadd.f32 v22, v9  }
0x6c: {  	v46 =	vld [tilespmem:s29+$0xA0];
	v26 =	vadd.f32 v41, v28;
	v7 =	vadd.f32 v21, v7  }
0x6d: {  	v47 =	vld [tilespmem:s29+$0xB0];
	v8 =	vadd.f32 v42, v8;
	v9 =	vadd.f32 v20, v9  }
0x6e: {  	v48 =	vld [tilespmem:s29+$0xE0];
	v24 =	vadd.f32 v43, v26;
	v7 =	vadd.f32 v19, v7  }
0x6f: {  	v49 =	vld [tilespmem:s29+$0xF0];
	v8 =	vadd.f32 v44, v8;
	v9 =	vadd.f32 v18, v9  }
0x70: {  	v50 =	vld [tilespmem:s29+$0x120];
	v22 =	vadd.f32 v45, v24;
	v7 =	vadd.f32 v17, v7  }
0x71: {  	v51 =	vld [tilespmem:s29+$0x130];
	v8 =	vadd.f32 v46, v8;
	v9 =	vadd.f32 v16, v9  }
0x72: {  	v52 =	vld [tilespmem:s29+$0x160];
	v20 =	vadd.f32 v47, v22;
	v7 =	vadd.f32 v15, v7  }
0x73: {  	v53 =	vld [tilespmem:s29+$0x170];
	v8 =	vadd.f32 v48, v8;
	v9 =	vadd.f32 v14, v9  }
0x74: {  	v54 =	vld [tilespmem:s29+$0x1A0];
	v18 =	vadd.f32 v49, v20;
	v7 =	vadd.f32 v13, v7  }
0x75: {  	v55 =	vld [tilespmem:s29+$0x1B0];
	v8 =	vadd.f32 v50, v8;
	v9 =	vadd.f32 v12, v9  }
0x76: {  	v56 =	vld [tilespmem:s29+$0x1E0];
	v16 =	vadd.f32 v51, v18;
	v7 =	vadd.f32 v11, v7  }
0x77: {  	v57 =	vld [tilespmem:s29+$0x1F0];
	v8 =	vadd.f32 v52, v8;
	v9 =	vadd.f32 v10, v9  }
0x78: {  	v58 =	vld [tilespmem:s29+$0x220];
	v14 =	vadd.f32 v53, v16;
	v6 =	vadd.f32 v6, v7  }
0x79: {  	v59 =	vld [tilespmem:s29+$0x230];
	v8 =	vadd.f32 v54, v8;
	v9 =	vadd.f32 v0, v9  }
0x7a: {  	v60 =	vld [tilespmem:s29+$0x260];
	v12 =	vadd.f32 v55, v14;
	v0 =	vmov s25;
	v5 =	vadd.f32 v5, v6  }
0x7b: {  	v8 =	vadd.f32 v56, v8;
	v4 =	vadd.f32 v4, v9  }
0x7c: {  	v61 =	vld [tilespmem:s29+$0x270];
	v10 =	vadd.f32 v57, v12;
	v3 =	vadd.f32 v3, v5  }
0x7d: {  	v62 =	vadd.f32 v58, v8;
	v2 =	vadd.f32 v2, v4  }
0x7e: {  	s31 =	simm.s32 $0x0;
	v1 =	vadd.f32 v1, v3  }
0x7f: {  	v3 =	vadd.f32 v59, v10;
	v63 =	vadd.f32 v60, v62;
	[tilespmem:v0+s31+$0xFFFFFFD0 ss:$0x1] =	vst.idx.msk $0xffff, v2  }
0x80: {  	[tilespmem:v0+s31+$0xFFFFFFE0 ss:$0x1] =	vst.idx.msk $0xffff, v1  }
0x81: {  	s30 =	simm.s32 $0x100;
	v1 =	vadd.f32 v61, v3;
	[tilespmem:v0+s31+$0xFFFFFFF0 ss:$0x1] =	vst.idx.msk $0xffff, v63  }
.LBB2_3:
0x82: {  	p0 =	sne.s32 s30, $0xF00  }
0x83: {  	[tilespmem:v0+s31+$0x0 ss:$0x1] =	vst.idx.msk $0xffff, v1;
	s29 =	sadd.s32 $0x500, s29;
	s31 =	smov.u32 s30;
	s30 =	sadd.s32 $0x100, s30  }
0x84: {  	v19 =	vld [tilespmem:s29+$0xFFFFFD90]  }
0x85: {  	v20 =	vld [tilespmem:s29+$0xFFFFFDA0]  }
0x86: {  	v21 =	vld [tilespmem:s29+$0xFFFFFDC0]  }
0x87: {  	v1 =	vld [tilespmem:s29+$0x250]  }
0x88: {  	v2 =	vld [tilespmem:s29+$0x240]  }
0x89: {  	v3 =	vld [tilespmem:s29+$0x210]  }
0x8a: {  	v4 =	vld [tilespmem:s29+$0x200]  }
0x8b: {  	v5 =	vld [tilespmem:s29+$0x1D0]  }
0x8c: {  	v6 =	vld [tilespmem:s29+$0x1C0]  }
0x8d: {  	v7 =	vld [tilespmem:s29+$0x190]  }
0x8e: {  	v8 =	vld [tilespmem:s29+$0x180]  }
0x8f: {  	v9 =	vld [tilespmem:s29+$0x150]  }
0x90: {  	v10 =	vld [tilespmem:s29+$0x140]  }
0x91: {  	v11 =	vld [tilespmem:s29+$0x110]  }
0x92: {  	v12 =	vld [tilespmem:s29+$0x100]  }
0x93: {  	v13 =	vld [tilespmem:s29+$0xD0]  }
0x94: {  	v14 =	vld [tilespmem:s29+$0xC0]  }
0x95: {  	v15 =	vld [tilespmem:s29+$0x90]  }
0x96: {  	v16 =	vld [tilespmem:s29+$0x80]  }
0x97: {  	v17 =	vld [tilespmem:s29+$0x50]  }
0x98: {  	v18 =	vld [tilespmem:s29+$0x40]  }
0x99: {  	v22 =	vld [tilespmem:s29+$0x10]  }
0x9a: {  	v23 =	vld [tilespmem:s29+$0x0]  }
0x9b: {  	v24 =	vld [tilespmem:s29+$0xFFFFFFD0]  }
0x9c: {  	v25 =	vld [tilespmem:s29+$0xFFFFFFC0]  }
0x9d: {  	v26 =	vld [tilespmem:s29+$0xFFFFFF90]  }
0x9e: {  	v27 =	vld [tilespmem:s29+$0xFFFFFF80]  }
0x9f: {  	v28 =	vld [tilespmem:s29+$0xFFFFFF50]  }
0xa0: {  	v29 =	vld [tilespmem:s29+$0xFFFFFF40]  }
0xa1: {  	v30 =	vld [tilespmem:s29+$0xFFFFFF10]  }
0xa2: {  	v31 =	vld [tilespmem:s29+$0xFFFFFF00]  }
0xa3: {  	v32 =	vld [tilespmem:s29+$0xFFFFFED0]  }
0xa4: {  	v33 =	vld [tilespmem:s29+$0xFFFFFEC0]  }
0xa5: {  	v34 =	vld [tilespmem:s29+$0xFFFFFE90]  }
0xa6: {  	v35 =	vld [tilespmem:s29+$0xFFFFFE80]  }
0xa7: {  	v36 =	vld [tilespmem:s29+$0xFFFFFE50]  }
0xa8: {  	v37 =	vld [tilespmem:s29+$0xFFFFFE40]  }
0xa9: {  	v38 =	vld [tilespmem:s29+$0xFFFFFE10]  }
0xaa: {  	v39 =	vld [tilespmem:s29+$0xFFFFFD80]  }
0xab: {  	v40 =	vld [tilespmem:s29+$0xFFFFFE00]  }
0xac: {  	v41 =	vld [tilespmem:s29+$0xFFFFFDD0]  }
0xad: {  	v42 =	vld [tilespmem:s29+$0xFFFFFDB0]  }
0xae: {  	v43 =	vld [tilespmem:s29+$0xFFFFFDE0]  }
0xaf: {  	v19 =	vadd.f32 $0.0e+00, v19;
	v39 =	vadd.f32 $0.0e+00, v39;
	v44 =	vld [tilespmem:s29+$0xFFFFFDF0]  }
0xb0: {  	v20 =	vadd.f32 $0.0e+00, v20;
	v45 =	vld [tilespmem:s29+$0xFFFFFE20]  }
0xb1: {  	v21 =	vadd.f32 v21, v39;
	v19 =	vadd.f32 v41, v19;
	v39 =	vld [tilespmem:s29+$0xFFFFFE30]  }
0xb2: {  	v41 =	vadd.f32 $0.0e+00, v42;
	v42 =	vld [tilespmem:s29+$0xFFFFFE60]  }
0xb3: {  	v20 =	vadd.f32 v43, v20;
	v21 =	vadd.f32 v40, v21;
	v40 =	vld [tilespmem:s29+$0xFFFFFE70]  }
0xb4: {  	v19 =	vadd.f32 v38, v19;
	v41 =	vadd.f32 v44, v41;
	v38 =	vld [tilespmem:s29+$0xFFFFFEA0]  }
0xb5: {  	v20 =	vadd.f32 v45, v20;
	v21 =	vadd.f32 v37, v21;
	v37 =	vld [tilespmem:s29+$0xFFFFFEB0]  }
0xb6: {  	v19 =	vadd.f32 v36, v19;
	v39 =	vadd.f32 v39, v41;
	v36 =	vld [tilespmem:s29+$0xFFFFFEE0]  }
0xb7: {  	v20 =	vadd.f32 v42, v20;
	v21 =	vadd.f32 v35, v21;
	v35 =	vld [tilespmem:s29+$0xFFFFFEF0]  }
0xb8: {  	v19 =	vadd.f32 v34, v19;
	v39 =	vadd.f32 v40, v39;
	v34 =	vld [tilespmem:s29+$0xFFFFFF20]  }
0xb9: {  	v20 =	vadd.f32 v38, v20;
	v21 =	vadd.f32 v33, v21;
	v33 =	vld [tilespmem:s29+$0xFFFFFF30]  }
0xba: {  	v19 =	vadd.f32 v32, v19;
	v37 =	vadd.f32 v37, v39;
	v32 =	vld [tilespmem:s29+$0xFFFFFF60]  }
0xbb: {  	v20 =	vadd.f32 v36, v20;
	v21 =	vadd.f32 v31, v21;
	v31 =	vld [tilespmem:s29+$0xFFFFFF70]  }
0xbc: {  	v19 =	vadd.f32 v30, v19;
	v35 =	vadd.f32 v35, v37;
	v30 =	vld [tilespmem:s29+$0xFFFFFFA0]  }
0xbd: {  	v20 =	vadd.f32 v34, v20;
	v21 =	vadd.f32 v29, v21;
	v29 =	vld [tilespmem:s29+$0xFFFFFFB0]  }
0xbe: {  	v19 =	vadd.f32 v28, v19;
	v33 =	vadd.f32 v33, v35;
	v28 =	vld [tilespmem:s29+$0xFFFFFFE0]  }
0xbf: {  	v20 =	vadd.f32 v32, v20;
	v21 =	vadd.f32 v27, v21;
	v27 =	vld [tilespmem:s29+$0xFFFFFFF0]  }
0xc0: {  	v19 =	vadd.f32 v26, v19;
	v31 =	vadd.f32 v31, v33;
	v26 =	vld [tilespmem:s29+$0x20]  }
0xc1: {  	v20 =	vadd.f32 v30, v20;
	v21 =	vadd.f32 v25, v21;
	v25 =	vld [tilespmem:s29+$0x30]  }
0xc2: {  	v19 =	vadd.f32 v24, v19;
	v29 =	vadd.f32 v29, v31;
	v24 =	vld [tilespmem:s29+$0x60]  }
0xc3: {  	v20 =	vadd.f32 v28, v20;
	v21 =	vadd.f32 v23, v21;
	v23 =	vld [tilespmem:s29+$0x70]  }
0xc4: {  	v19 =	vadd.f32 v22, v19;
	v27 =	vadd.f32 v27, v29;
	v22 =	vld [tilespmem:s29+$0xA0]  }
0xc5: {  	v20 =	vadd.f32 v26, v20;
	v18 =	vadd.f32 v18, v21;
	v21 =	vld [tilespmem:s29+$0xB0]  }
0xc6: {  	v17 =	vadd.f32 v17, v19;
	v25 =	vadd.f32 v25, v27;
	v19 =	vld [tilespmem:s29+$0xE0]  }
0xc7: {  	v20 =	vadd.f32 v24, v20;
	v16 =	vadd.f32 v16, v18;
	v18 =	vld [tilespmem:s29+$0xF0]  }
0xc8: {  	v15 =	vadd.f32 v15, v17;
	v23 =	vadd.f32 v23, v25;
	v17 =	vld [tilespmem:s29+$0x120]  }
0xc9: {  	v20 =	vadd.f32 v22, v20;
	v14 =	vadd.f32 v14, v16;
	v16 =	vld [tilespmem:s29+$0x130]  }
0xca: {  	v13 =	vadd.f32 v13, v15;
	v21 =	vadd.f32 v21, v23;
	v15 =	vld [tilespmem:s29+$0x160]  }
0xcb: {  	v19 =	vadd.f32 v19, v20;
	v12 =	vadd.f32 v12, v14;
	v14 =	vld [tilespmem:s29+$0x170]  }
0xcc: {  	v11 =	vadd.f32 v11, v13;
	v18 =	vadd.f32 v18, v21;
	v13 =	vld [tilespmem:s29+$0x1A0]  }
0xcd: {  	v17 =	vadd.f32 v17, v19;
	v10 =	vadd.f32 v10, v12;
	v12 =	vld [tilespmem:s29+$0x1B0]  }
0xce: {  	v9 =	vadd.f32 v9, v11;
	v16 =	vadd.f32 v16, v18;
	v11 =	vld [tilespmem:s29+$0x1E0]  }
0xcf: {  	v15 =	vadd.f32 v15, v17;
	v8 =	vadd.f32 v8, v10;
	v10 =	vld [tilespmem:s29+$0x1F0]  }
0xd0: {  	v7 =	vadd.f32 v7, v9;
	v14 =	vadd.f32 v14, v16;
	v9 =	vld [tilespmem:s29+$0x220]  }
0xd1: {  	v13 =	vadd.f32 v13, v15;
	v6 =	vadd.f32 v6, v8;
	v8 =	vld [tilespmem:s29+$0x230]  }
0xd2: {  	v5 =	vadd.f32 v5, v7;
	v12 =	vadd.f32 v12, v14;
	v7 =	vld [tilespmem:s29+$0x260]  }
0xd3: {  	v11 =	vadd.f32 v11, v13;
	v4 =	vadd.f32 v4, v6;
	v6 =	vld [tilespmem:s29+$0x270]  }
0xd4: {  	v3 =	vadd.f32 v3, v5;
	v10 =	vadd.f32 v10, v12  }
.Ltmp0:
0xd5: {  	v5 =	vadd.f32 v9, v11;
	v2 =	vadd.f32 v2, v4;
	(pc) =	sbr.rel @p0 .LBB2_3-.Ltmp0, $4  }
0xd6: {  	s31 =	sshra.s32 s31, $0x2;
	v3 =	vadd.f32 v1, v3;
	v4 =	vadd.f32 v8, v10  }
0xd7: {  	v5 =	vadd.f32 v7, v5;
	[tilespmem:v0+s31+$0xFFFFFFD0 ss:$0x1] =	vst.idx.msk $0xffff, v2  }
0xd8: {  	v1 =	vadd.f32 v6, v4;
	[tilespmem:v0+s31+$0xFFFFFFE0 ss:$0x1] =	vst.idx.msk $0xffff, v3  }
0xd9: {  	[tilespmem:v0+s31+$0xFFFFFFF0 ss:$0x1] =	vst.idx.msk $0xffff, v5  }
0xda: {  	p0 =	seq.s32 s28, $0x1F  }
0xdb: {  	s29 =	smul.u32 @!p0 $0xA00, s28;
	_ =	sdelay $0x1  }
0xdc: {  	s29 =	sshra.s32 @!p0 s29, $0x2  }
0xdd: {  	[tilespmem:v0+s31+$0x0 ss:$0x1] =	vst.idx.msk $0xffff, v1;
	s31 =	simm.s32 @!p0 $0x80;
	s1 =	simm.s32 @!p0 $0x5000;
	s30 =	sadd.s32 @!p0 $0x280, s29  }
0xde: {  	[tilespmem:s1], [sflag:$0x1] =	stream.indirect.gather @!p0 [hbm4b:s3+s31], $0x40, s30, s31, $0xb8;
	[tilespmem:$0x1F000] =	vst v63  }
0xdf: {  	s1 =	sadd.s32 @!p0 $0x300, s29;
	s30 =	simm.s32 @!p0 $0x7000  }
0xe0: {  	[tilespmem:s30], [sflag:$0x1] =	stream.indirect.gather @!p0 [hbm4b:s3+s31], $0x40, s1, s31, $0xb8;
	[tilespmem:$0x1F000] =	vst v63  }
0xe1: {  	s1 =	sadd.s32 @!p0 $0x380, s29;
	s29 =	simm.s32 @!p0 $0x40;
	s30 =	simm.s32 @!p0 $0x9000  }
0xe2: {  	[tilespmem:s30], [sflag:$0x1] =	stream.indirect.gather @!p0 [hbm4b:s3+s29], $0x40, s1, s29, $0xb8;
	[tilespmem:$0x1F000] =	vst v63  }
0xe3: {  	_ =	swait.ge [sflag:s21], $0x2000  }
0xe4: {  	[sflag:s21] =	ssyncset.done $0x0  }
0xe5: {  	[sflag:s21] =	ssyncadd.s32 $0xFFFFE000  }
0xe6: {  	_ =	swait.ge [sflag:s21], $0x2000  }
0xe7: {  	[sflag:s21] =	ssyncset.done $0x0  }
0xe8: {  	[sflag:s21] =	ssyncadd.s32 $0xFFFFE000  }
0xe9: {  	_ =	swait.ge [sflag:s21], $0x1000  }
0xea: {  	[sflag:s21] =	ssyncset.done $0x0  }
0xeb: {  	s29 =	simm.s32 $0xA280;
	[sflag:s21] =	ssyncadd.s32 $0xFFFFF000  }
0xec: {  	v7 =	vld [tilespmem:s29+$0xFFFFFD90]  }
0xed: {  	v8 =	vld [tilespmem:s29+$0xFFFFFDA0]  }
0xee: {  	v9 =	vld [tilespmem:s29+$0xFFFFFDC0]  }
0xef: {  	v1 =	vld [tilespmem:s29+$0x250]  }
0xf0: {  	v2 =	vld [tilespmem:s29+$0x240]  }
0xf1: {  	v3 =	vld [tilespmem:s29+$0x210]  }
0xf2: {  	v4 =	vld [tilespmem:s29+$0x200]  }
0xf3: {  	v5 =	vld [tilespmem:s29+$0x1D0]  }
0xf4: {  	v0 =	vld [tilespmem:s29+$0x1C0]  }
0xf5: {  	v6 =	vld [tilespmem:s29+$0x190]  }
0xf6: {  	v10 =	vld [tilespmem:s29+$0x180]  }
0xf7: {  	v11 =	vld [tilespmem:s29+$0x150]  }
0xf8: {  	v12 =	vld [tilespmem:s29+$0x140]  }
0xf9: {  	v13 =	vld [tilespmem:s29+$0x110]  }
0xfa: {  	v14 =	vld [tilespmem:s29+$0x100]  }
0xfb: {  	v15 =	vld [tilespmem:s29+$0xD0]  }
0xfc: {  	v16 =	vld [tilespmem:s29+$0xC0]  }
0xfd: {  	v17 =	vld [tilespmem:s29+$0x90]  }
0xfe: {  	v18 =	vld [tilespmem:s29+$0x80]  }
0xff: {  	v19 =	vld [tilespmem:s29+$0x50]  }
0x100: {  	v20 =	vld [tilespmem:s29+$0x40]  }
0x101: {  	v21 =	vld [tilespmem:s29+$0x10]  }
0x102: {  	v22 =	vld [tilespmem:s29+$0x0]  }
0x103: {  	v23 =	vld [tilespmem:s29+$0xFFFFFFD0]  }
0x104: {  	v24 =	vld [tilespmem:s29+$0xFFFFFFC0]  }
0x105: {  	v25 =	vld [tilespmem:s29+$0xFFFFFF90]  }
0x106: {  	v26 =	vld [tilespmem:s29+$0xFFFFFF80]  }
0x107: {  	v27 =	vld [tilespmem:s29+$0xFFFFFF50]  }
0x108: {  	v28 =	vld [tilespmem:s29+$0xFFFFFF40]  }
0x109: {  	v29 =	vld [tilespmem:s29+$0xFFFFFF10]  }
0x10a: {  	v30 =	vld [tilespmem:s29+$0xFFFFFF00]  }
0x10b: {  	v31 =	vld [tilespmem:s29+$0xFFFFFED0]  }
0x10c: {  	v32 =	vld [tilespmem:s29+$0xFFFFFEC0]  }
0x10d: {  	v33 =	vld [tilespmem:s29+$0xFFFFFE90]  }
0x10e: {  	v34 =	vld [tilespmem:s29+$0xFFFFFE80]  }
0x10f: {  	v35 =	vld [tilespmem:s29+$0xFFFFFE50]  }
0x110: {  	v36 =	vld [tilespmem:s29+$0xFFFFFE40]  }
0x111: {  	v37 =	vld [tilespmem:s29+$0xFFFFFE10]  }
0x112: {  	v38 =	vld [tilespmem:s29+$0xFFFFFD80]  }
0x113: {  	v39 =	vld [tilespmem:s29+$0xFFFFFE00]  }
0x114: {  	v40 =	vld [tilespmem:s29+$0xFFFFFDD0]  }
0x115: {  	v41 =	vld [tilespmem:s29+$0xFFFFFDB0]  }
0x116: {  	v42 =	vld [tilespmem:s29+$0xFFFFFDE0]  }
0x117: {  	v43 =	vld [tilespmem:s29+$0xFFFFFDF0];
	v38 =	vadd.f32 $0.0e+00, v38  }
0x118: {  	v44 =	vld [tilespmem:s29+$0xFFFFFE20];
	v7 =	vadd.f32 $0.0e+00, v7  }
0x119: {  	v53 =	vld [tilespmem:s29+$0xFFFFFE30];
	v8 =	vadd.f32 $0.0e+00, v8;
	v9 =	vadd.f32 v9, v38  }
0x11a: {  	v55 =	vld [tilespmem:s29+$0xFFFFFE60];
	v54 =	vadd.f32 $0.0e+00, v41;
	v7 =	vadd.f32 v40, v7  }
0x11b: {  	v56 =	vld [tilespmem:s29+$0xFFFFFE70];
	v8 =	vadd.f32 v42, v8;
	v9 =	vadd.f32 v39, v9  }
0x11c: {  	v57 =	vld [tilespmem:s29+$0xFFFFFEA0];
	v40 =	vadd.f32 v43, v54;
	v7 =	vadd.f32 v37, v7  }
0x11d: {  	v58 =	vld [tilespmem:s29+$0xFFFFFEB0];
	v8 =	vadd.f32 v44, v8;
	v9 =	vadd.f32 v36, v9  }
0x11e: {  	v59 =	vld [tilespmem:s29+$0xFFFFFEE0];
	v38 =	vadd.f32 v53, v40;
	v7 =	vadd.f32 v35, v7  }
0x11f: {  	v60 =	vld [tilespmem:s29+$0xFFFFFEF0];
	v8 =	vadd.f32 v55, v8;
	v9 =	vadd.f32 v34, v9  }
0x120: {  	v61 =	vld [tilespmem:s29+$0xFFFFFF20];
	v38 =	vadd.f32 v56, v38;
	v7 =	vadd.f32 v33, v7  }
0x121: {  	v62 =	vld [tilespmem:s29+$0xFFFFFF30];
	v8 =	vadd.f32 v57, v8;
	v9 =	vadd.f32 v32, v9  }
0x122: {  	v63 =	vld [tilespmem:s29+$0xFFFFFF60];
	v36 =	vadd.f32 v58, v38;
	v7 =	vadd.f32 v31, v7  }
0x123: {  	v37 =	vld [tilespmem:s29+$0xFFFFFF70];
	v8 =	vadd.f32 v59, v8;
	v9 =	vadd.f32 v30, v9  }
0x124: {  	v38 =	vld [tilespmem:s29+$0xFFFFFFA0];
	v34 =	vadd.f32 v60, v36;
	v7 =	vadd.f32 v29, v7  }
0x125: {  	v39 =	vld [tilespmem:s29+$0xFFFFFFB0];
	v8 =	vadd.f32 v61, v8;
	v9 =	vadd.f32 v28, v9  }
0x126: {  	v40 =	vld [tilespmem:s29+$0xFFFFFFE0];
	v32 =	vadd.f32 v62, v34;
	v7 =	vadd.f32 v27, v7  }
0x127: {  	v41 =	vld [tilespmem:s29+$0xFFFFFFF0];
	v8 =	vadd.f32 v63, v8;
	v9 =	vadd.f32 v26, v9  }
0x128: {  	v42 =	vld [tilespmem:s29+$0x20];
	v30 =	vadd.f32 v37, v32;
	v7 =	vadd.f32 v25, v7  }
0x129: {  	v43 =	vld [tilespmem:s29+$0x30];
	v8 =	vadd.f32 v38, v8;
	v9 =	vadd.f32 v24, v9  }
0x12a: {  	v44 =	vld [tilespmem:s29+$0x60];
	v28 =	vadd.f32 v39, v30;
	v7 =	vadd.f32 v23, v7  }
0x12b: {  	v45 =	vld [tilespmem:s29+$0x70];
	v8 =	vadd.f32 v40, v8;
	v9 =	vadd.f32 v22, v9  }
0x12c: {  	v46 =	vld [tilespmem:s29+$0xA0];
	v26 =	vadd.f32 v41, v28;
	v7 =	vadd.f32 v21, v7  }
0x12d: {  	v47 =	vld [tilespmem:s29+$0xB0];
	v8 =	vadd.f32 v42, v8;
	v9 =	vadd.f32 v20, v9  }
0x12e: {  	v48 =	vld [tilespmem:s29+$0xE0];
	v24 =	vadd.f32 v43, v26;
	v7 =	vadd.f32 v19, v7  }
0x12f: {  	v49 =	vld [tilespmem:s29+$0xF0];
	v8 =	vadd.f32 v44, v8;
	v9 =	vadd.f32 v18, v9  }
0x130: {  	v50 =	vld [tilespmem:s29+$0x120];
	v22 =	vadd.f32 v45, v24;
	v7 =	vadd.f32 v17, v7  }
0x131: {  	v51 =	vld [tilespmem:s29+$0x130];
	v8 =	vadd.f32 v46, v8;
	v9 =	vadd.f32 v16, v9  }
0x132: {  	v52 =	vld [tilespmem:s29+$0x160];
	v20 =	vadd.f32 v47, v22;
	v7 =	vadd.f32 v15, v7  }
0x133: {  	v53 =	vld [tilespmem:s29+$0x170];
	v8 =	vadd.f32 v48, v8;
	v9 =	vadd.f32 v14, v9  }
0x134: {  	v54 =	vld [tilespmem:s29+$0x1A0];
	v18 =	vadd.f32 v49, v20;
	v7 =	vadd.f32 v13, v7  }
0x135: {  	v55 =	vld [tilespmem:s29+$0x1B0];
	v8 =	vadd.f32 v50, v8;
	v9 =	vadd.f32 v12, v9  }
0x136: {  	v56 =	vld [tilespmem:s29+$0x1E0];
	v16 =	vadd.f32 v51, v18;
	v7 =	vadd.f32 v11, v7  }
0x137: {  	v57 =	vld [tilespmem:s29+$0x1F0];
	v8 =	vadd.f32 v52, v8;
	v9 =	vadd.f32 v10, v9  }
0x138: {  	v58 =	vld [tilespmem:s29+$0x220];
	v14 =	vadd.f32 v53, v16;
	v6 =	vadd.f32 v6, v7  }
0x139: {  	v59 =	vld [tilespmem:s29+$0x230];
	v8 =	vadd.f32 v54, v8;
	v9 =	vadd.f32 v0, v9  }
0x13a: {  	v60 =	vld [tilespmem:s29+$0x260];
	v12 =	vadd.f32 v55, v14;
	v0 =	vmov s26;
	v5 =	vadd.f32 v5, v6  }
0x13b: {  	v8 =	vadd.f32 v56, v8;
	v4 =	vadd.f32 v4, v9  }
0x13c: {  	v61 =	vld [tilespmem:s29+$0x270];
	v10 =	vadd.f32 v57, v12;
	v3 =	vadd.f32 v3, v5  }
0x13d: {  	v62 =	vadd.f32 v58, v8;
	v2 =	vadd.f32 v2, v4  }
0x13e: {  	s31 =	simm.s32 $0x0;
	v1 =	vadd.f32 v1, v3  }
0x13f: {  	v3 =	vadd.f32 v59, v10;
	v63 =	vadd.f32 v60, v62;
	[tilespmem:v0+s31+$0xFFFFFFD0 ss:$0x1] =	vst.idx.msk $0xffff, v2  }
0x140: {  	[tilespmem:v0+s31+$0xFFFFFFE0 ss:$0x1] =	vst.idx.msk $0xffff, v1  }
0x141: {  	s30 =	simm.s32 $0x100;
	v1 =	vadd.f32 v61, v3;
	[tilespmem:v0+s31+$0xFFFFFFF0 ss:$0x1] =	vst.idx.msk $0xffff, v63  }
.LBB2_5:
0x142: {  	p0 =	sne.s32 s30, $0xF00  }
0x143: {  	[tilespmem:v0+s31+$0x0 ss:$0x1] =	vst.idx.msk $0xffff, v1;
	s29 =	sadd.s32 $0x500, s29;
	s31 =	smov.u32 s30;
	s30 =	sadd.s32 $0x100, s30  }
0x144: {  	v19 =	vld [tilespmem:s29+$0xFFFFFD90]  }
0x145: {  	v20 =	vld [tilespmem:s29+$0xFFFFFDA0]  }
0x146: {  	v21 =	vld [tilespmem:s29+$0xFFFFFDC0]  }
0x147: {  	v1 =	vld [tilespmem:s29+$0x250]  }
0x148: {  	v2 =	vld [tilespmem:s29+$0x240]  }
0x149: {  	v3 =	vld [tilespmem:s29+$0x210]  }
0x14a: {  	v4 =	vld [tilespmem:s29+$0x200]  }
0x14b: {  	v5 =	vld [tilespmem:s29+$0x1D0]  }
0x14c: {  	v6 =	vld [tilespmem:s29+$0x1C0]  }
0x14d: {  	v7 =	vld [tilespmem:s29+$0x190]  }
0x14e: {  	v8 =	vld [tilespmem:s29+$0x180]  }
0x14f: {  	v9 =	vld [tilespmem:s29+$0x150]  }
0x150: {  	v10 =	vld [tilespmem:s29+$0x140]  }
0x151: {  	v11 =	vld [tilespmem:s29+$0x110]  }
0x152: {  	v12 =	vld [tilespmem:s29+$0x100]  }
0x153: {  	v13 =	vld [tilespmem:s29+$0xD0]  }
0x154: {  	v14 =	vld [tilespmem:s29+$0xC0]  }
0x155: {  	v15 =	vld [tilespmem:s29+$0x90]  }
0x156: {  	v16 =	vld [tilespmem:s29+$0x80]  }
0x157: {  	v17 =	vld [tilespmem:s29+$0x50]  }
0x158: {  	v18 =	vld [tilespmem:s29+$0x40]  }
0x159: {  	v22 =	vld [tilespmem:s29+$0x10]  }
0x15a: {  	v23 =	vld [tilespmem:s29+$0x0]  }
0x15b: {  	v24 =	vld [tilespmem:s29+$0xFFFFFFD0]  }
0x15c: {  	v25 =	vld [tilespmem:s29+$0xFFFFFFC0]  }
0x15d: {  	v26 =	vld [tilespmem:s29+$0xFFFFFF90]  }
0x15e: {  	v27 =	vld [tilespmem:s29+$0xFFFFFF80]  }
0x15f: {  	v28 =	vld [tilespmem:s29+$0xFFFFFF50]  }
0x160: {  	v29 =	vld [tilespmem:s29+$0xFFFFFF40]  }
0x161: {  	v30 =	vld [tilespmem:s29+$0xFFFFFF10]  }
0x162: {  	v31 =	vld [tilespmem:s29+$0xFFFFFF00]  }
0x163: {  	v32 =	vld [tilespmem:s29+$0xFFFFFED0]  }
0x164: {  	v33 =	vld [tilespmem:s29+$0xFFFFFEC0]  }
0x165: {  	v34 =	vld [tilespmem:s29+$0xFFFFFE90]  }
0x166: {  	v35 =	vld [tilespmem:s29+$0xFFFFFE80]  }
0x167: {  	v36 =	vld [tilespmem:s29+$0xFFFFFE50]  }
0x168: {  	v37 =	vld [tilespmem:s29+$0xFFFFFE40]  }
0x169: {  	v38 =	vld [tilespmem:s29+$0xFFFFFE10]  }
0x16a: {  	v39 =	vld [tilespmem:s29+$0xFFFFFD80]  }
0x16b: {  	v40 =	vld [tilespmem:s29+$0xFFFFFE00]  }
0x16c: {  	v41 =	vld [tilespmem:s29+$0xFFFFFDD0]  }
0x16d: {  	v42 =	vld [tilespmem:s29+$0xFFFFFDB0]  }
0x16e: {  	v43 =	vld [tilespmem:s29+$0xFFFFFDE0]  }
0x16f: {  	v19 =	vadd.f32 $0.0e+00, v19;
	v39 =	vadd.f32 $0.0e+00, v39;
	v44 =	vld [tilespmem:s29+$0xFFFFFDF0]  }
0x170: {  	v20 =	vadd.f32 $0.0e+00, v20;
	v45 =	vld [tilespmem:s29+$0xFFFFFE20]  }
0x171: {  	v21 =	vadd.f32 v21, v39;
	v19 =	vadd.f32 v41, v19;
	v39 =	vld [tilespmem:s29+$0xFFFFFE30]  }
0x172: {  	v41 =	vadd.f32 $0.0e+00, v42;
	v42 =	vld [tilespmem:s29+$0xFFFFFE60]  }
0x173: {  	v20 =	vadd.f32 v43, v20;
	v21 =	vadd.f32 v40, v21;
	v40 =	vld [tilespmem:s29+$0xFFFFFE70]  }
0x174: {  	v19 =	vadd.f32 v38, v19;
	v41 =	vadd.f32 v44, v41;
	v38 =	vld [tilespmem:s29+$0xFFFFFEA0]  }
0x175: {  	v20 =	vadd.f32 v45, v20;
	v21 =	vadd.f32 v37, v21;
	v37 =	vld [tilespmem:s29+$0xFFFFFEB0]  }
0x176: {  	v19 =	vadd.f32 v36, v19;
	v39 =	vadd.f32 v39, v41;
	v36 =	vld [tilespmem:s29+$0xFFFFFEE0]  }
0x177: {  	v20 =	vadd.f32 v42, v20;
	v21 =	vadd.f32 v35, v21;
	v35 =	vld [tilespmem:s29+$0xFFFFFEF0]  }
0x178: {  	v19 =	vadd.f32 v34, v19;
	v39 =	vadd.f32 v40, v39;
	v34 =	vld [tilespmem:s29+$0xFFFFFF20]  }
0x179: {  	v20 =	vadd.f32 v38, v20;
	v21 =	vadd.f32 v33, v21;
	v33 =	vld [tilespmem:s29+$0xFFFFFF30]  }
0x17a: {  	v19 =	vadd.f32 v32, v19;
	v37 =	vadd.f32 v37, v39;
	v32 =	vld [tilespmem:s29+$0xFFFFFF60]  }
0x17b: {  	v20 =	vadd.f32 v36, v20;
	v21 =	vadd.f32 v31, v21;
	v31 =	vld [tilespmem:s29+$0xFFFFFF70]  }
0x17c: {  	v19 =	vadd.f32 v30, v19;
	v35 =	vadd.f32 v35, v37;
	v30 =	vld [tilespmem:s29+$0xFFFFFFA0]  }
0x17d: {  	v20 =	vadd.f32 v34, v20;
	v21 =	vadd.f32 v29, v21;
	v29 =	vld [tilespmem:s29+$0xFFFFFFB0]  }
0x17e: {  	v19 =	vadd.f32 v28, v19;
	v33 =	vadd.f32 v33, v35;
	v28 =	vld [tilespmem:s29+$0xFFFFFFE0]  }
0x17f: {  	v20 =	vadd.f32 v32, v20;
	v21 =	vadd.f32 v27, v21;
	v27 =	vld [tilespmem:s29+$0xFFFFFFF0]  }
0x180: {  	v19 =	vadd.f32 v26, v19;
	v31 =	vadd.f32 v31, v33;
	v26 =	vld [tilespmem:s29+$0x20]  }
0x181: {  	v20 =	vadd.f32 v30, v20;
	v21 =	vadd.f32 v25, v21;
	v25 =	vld [tilespmem:s29+$0x30]  }
0x182: {  	v19 =	vadd.f32 v24, v19;
	v29 =	vadd.f32 v29, v31;
	v24 =	vld [tilespmem:s29+$0x60]  }
0x183: {  	v20 =	vadd.f32 v28, v20;
	v21 =	vadd.f32 v23, v21;
	v23 =	vld [tilespmem:s29+$0x70]  }
0x184: {  	v19 =	vadd.f32 v22, v19;
	v27 =	vadd.f32 v27, v29;
	v22 =	vld [tilespmem:s29+$0xA0]  }
0x185: {  	v20 =	vadd.f32 v26, v20;
	v18 =	vadd.f32 v18, v21;
	v21 =	vld [tilespmem:s29+$0xB0]  }
0x186: {  	v17 =	vadd.f32 v17, v19;
	v25 =	vadd.f32 v25, v27;
	v19 =	vld [tilespmem:s29+$0xE0]  }
0x187: {  	v20 =	vadd.f32 v24, v20;
	v16 =	vadd.f32 v16, v18;
	v18 =	vld [tilespmem:s29+$0xF0]  }
0x188: {  	v15 =	vadd.f32 v15, v17;
	v23 =	vadd.f32 v23, v25;
	v17 =	vld [tilespmem:s29+$0x120]  }
0x189: {  	v20 =	vadd.f32 v22, v20;
	v14 =	vadd.f32 v14, v16;
	v16 =	vld [tilespmem:s29+$0x130]  }
0x18a: {  	v13 =	vadd.f32 v13, v15;
	v21 =	vadd.f32 v21, v23;
	v15 =	vld [tilespmem:s29+$0x160]  }
0x18b: {  	v19 =	vadd.f32 v19, v20;
	v12 =	vadd.f32 v12, v14;
	v14 =	vld [tilespmem:s29+$0x170]  }
0x18c: {  	v11 =	vadd.f32 v11, v13;
	v18 =	vadd.f32 v18, v21;
	v13 =	vld [tilespmem:s29+$0x1A0]  }
0x18d: {  	v17 =	vadd.f32 v17, v19;
	v10 =	vadd.f32 v10, v12;
	v12 =	vld [tilespmem:s29+$0x1B0]  }
0x18e: {  	v9 =	vadd.f32 v9, v11;
	v16 =	vadd.f32 v16, v18;
	v11 =	vld [tilespmem:s29+$0x1E0]  }
0x18f: {  	v15 =	vadd.f32 v15, v17;
	v8 =	vadd.f32 v8, v10;
	v10 =	vld [tilespmem:s29+$0x1F0]  }
0x190: {  	v7 =	vadd.f32 v7, v9;
	v14 =	vadd.f32 v14, v16;
	v9 =	vld [tilespmem:s29+$0x220]  }
0x191: {  	v13 =	vadd.f32 v13, v15;
	v6 =	vadd.f32 v6, v8;
	v8 =	vld [tilespmem:s29+$0x230]  }
0x192: {  	v5 =	vadd.f32 v5, v7;
	v12 =	vadd.f32 v12, v14;
	v7 =	vld [tilespmem:s29+$0x260]  }
0x193: {  	v11 =	vadd.f32 v11, v13;
	v4 =	vadd.f32 v4, v6;
	v6 =	vld [tilespmem:s29+$0x270]  }
0x194: {  	v3 =	vadd.f32 v3, v5;
	v10 =	vadd.f32 v10, v12  }
.Ltmp1:
0x195: {  	v5 =	vadd.f32 v9, v11;
	v2 =	vadd.f32 v2, v4;
	(pc) =	sbr.rel @p0 .LBB2_5-.Ltmp1, $4  }
0x196: {  	s31 =	sshra.s32 s31, $0x2;
	v3 =	vadd.f32 v1, v3;
	v4 =	vadd.f32 v8, v10  }
0x197: {  	v5 =	vadd.f32 v7, v5;
	[tilespmem:v0+s31+$0xFFFFFFD0 ss:$0x1] =	vst.idx.msk $0xffff, v2  }
0x198: {  	v1 =	vadd.f32 v6, v4;
	[tilespmem:v0+s31+$0xFFFFFFE0 ss:$0x1] =	vst.idx.msk $0xffff, v3  }
0x199: {  	[tilespmem:v0+s31+$0xFFFFFFF0 ss:$0x1] =	vst.idx.msk $0xffff, v5  }
0x19a: {  	s28 =	sadd.s32 $0x1, s28  }
0x19b: {  	p0 =	sne.s32 s28, $0x20  }
.Ltmp2:
0x19c: {  	_ = 	snop;
	(pc) =	sbr.rel @p0 .LBB2_2-.Ltmp2, $2  }
0x19d: {  	_ =	sdelay $0x2  }
0x19e: {  	[tilespmem:v0+s31+$0x0 ss:$0x1] =	vst.idx.msk $0xffff, v1;
	s25 =	sadd.s32 $0x800, s25;
	s26 =	sadd.s32 $0x800, s26  }
0x19f: {  	[hbm4b:s6+s2] =	stream.linear.scatter [tilespmem:s22], [sflag:$0x3], $0x8000, $0x38;
	[tilespmem:$0x1F000] =	vst v63  }
0x1a0: {  	s24 =	sadd.s32 $0x1, s24;
	_ =	swait.ge [sflag:s9], $0x8000  }
0x1a1: {  	p0 =	sne.s32 s24, s8;
	[sflag:s9] =	ssyncset.done $0x0  }
.Ltmp3:
0x1a2: {  	[sflag:s9] =	ssyncadd.s32 $0xFFFF8000;
	(pc) =	sbr.rel @p0 .LBB2_1-.Ltmp3, $4  }
0x1a3: {  	[hbm4b:s7+s2] =	stream.linear.scatter [tilespmem:s23], [sflag:$0x3], $0x8000, $0x38;
	[tilespmem:$0x1F000] =	vst v63  }
0x1a4: {  	_ =	swait.ge [sflag:s9], $0x8000  }
0x1a5: {  	[sflag:s9] =	ssyncset.done $0x0  }
0x1a6: {  	[sflag:s9] =	ssyncadd.s32 $0xFFFF8000  }
0x1a7: {  	_ =	sfence.sel $0x180000  }
0x1a8: {  	[bflag:$0x0] =	sbarrier.arrive $0xFFFF  }
0x1a9: {  	_ =	strace $0x90000047  }
0x1aa: {  	[bflag:$0x2] =	sbarrier.arrive $0xFFFF  }
0x1ab: {  	p0 =	sne.s32 s0, $0x0;
	s0 =	rddreg [dreg:$0x1]  }
0x1ac: {  	s0 =	sadd.s32 @!p0 $0x100000, s0  }
0x1ad: {  	[sflag:s0] =	ssyncadd.tile.s32 @!p0 $0x1;
	_ =	shalt  }
.Lfunc_end2:
_tile_overlayer_lowered:
.L_overlay_start_2:
0x1ae: {  	(tag) =	ssettag $0x2  }
0x1af: {  	s0 =	rddreg [dreg:$0x0];
	s2 =	stileid.u32  }
0x1b0: {  	s1 =	rddreg [dreg:$0x1];
	p0 =	sne.s32 s2, $0x0  }
0x1b1: {  	s3 =	rddreg [dreg:$0x2];
	[bflag:$0x3] =	sbarrier.arrive $0xFFFF;
	s2 =	simm.s32 @!p0 $0x1C03  }
0x1b2: {  	[timem:s3], [sflag:s2] =	dma.local @!p0 [hbm:s0], s1  }
0x1b3: {  	s0 =	simm.s32 @!p0 $0x3  }
0x1b4: {  	_ =	swait.ge @!p0 [sflag:s0], s1  }
0x1b5: {  	s1 =	ssub.s32 @!p0 $0x0, s1;
	[sflag:s0] =	ssyncset.done @!p0 $0x0  }
0x1b6: {  	[sflag:s0] =	ssyncadd.s32 @!p0 s1  }
0x1b7: {  	[bflag:$0x3] =	sbarrier.arrive $0xFFFF  }
0x1b8: {  	_ =	shalt  }

// kernel: kernel.8.cloned.1.call-start
scs
__scs_entry_jumppad:
0x0: {  	(pc) =	sbr.rel $0x88, $3  }
0x1: {  	(tag) =	ssettag $0x0;
	lr =	simm.s32 $0x1  }
0x2: {  	[smem:$0x3F9B] =	sst lr;
	_ =	strace $0xD0000000  }
0x3: {  	_ = 	snop  }
0x4: {  	_ = 	snop  }
0x5: {  	_ = 	snop  }
0x6: {  	_ = 	snop  }
0x7: {  	_ = 	snop  }
__scs_overlays_trampoline_lowered:
0x8: {  	[smem:$0x3FAA] =	sst s0  }
0x9: {  	[smem:$0x3FAB] =	sst s1  }
0xa: {  	[smem:$0x3FAC] =	sst s2  }
0xb: {  	[smem:$0x3FAD] =	sst s3  }
0xc: {  	[smem:$0x3FAE] =	sst s4  }
0xd: {  	[smem:$0x3FAF] =	sst s5  }
0xe: {  	[smem:$0x3FB0] =	sst s6  }
0xf: {  	[smem:$0x3FB1] =	sst s7  }
0x10: {  	[smem:$0x3FB2] =	sst s8  }
0x11: {  	[smem:$0x3FB3] =	sst s9;
	s0 =	simm.s32 @!p0 $0x0  }
0x12: {  	s1 =	sld [smem:$0x3F99];
	s0 =	simm.s32 @p0 $0x1  }
0x13: {  	[smem:$0x3FB4] =	sst s0;
	s0 =	simm.s32 @!p1 $0x0  }
0x14: {  	s2 =	sld [smem:$0x3F98];
	s0 =	simm.s32 @p1 $0x1  }
0x15: {  	[smem:$0x3FB5] =	sst s0;
	s0 =	simm.s32 @!p2 $0x0  }
0x16: {  	s3 =	sld [smem:$0x3FDB];
	s0 =	simm.s32 @p2 $0x1  }
0x17: {  	s4 =	simm.s32 $0x1BF5;
	[smem:$0x3FB7] =	sst s0  }
0x18: {  	s0 =	sld [smem:$0x3F9A];
	_ =	swait.ge [sflag:s4], $0x0  }
0x19: {  	s7 =	sld [smem:$0x3F9B]  }
0x1a: {  	s8 =	sadd.s32 $0xFFFFE003, lr  }
0x1b: {  	s9 =	sadd.s32 $0xFFFFFEF7, lr;
	s5 =	simm.s32 $0xFFFFFFFF;
	p2 =	slt.u32 s8, $0xFFFFF086  }
0x1c: {  	p1 =	slt.u32 s9, $0xF7A;
	s5 =	simm.s32 @!p2 $0x0  }
0x1d: {  	s5 =	simm.s32 @p1 $0x1;
	p0 =	seq.s32 s7, s2  }
0x1e: {  	s7 =	smul.u32 @!p0 $0xF7A, s2;
	p2 =	seq.s32 @!p0 s5, $0x0  }
0x1f: {  	s9 =	smul.u32 $0xF7A, s1;
	s8 =	simm.s32 @!p0 $0x1BF5;
	p2 =	por !p2, p0  }
0x20: {  	[sflag:s8] =	ssyncset.s32 @!p0 $0xFFFFF086;
	s6 =	sadd.s32 @!p0 s3, s7;
	s7 =	simm.s32 @!p0 $0x108  }
0x21: {  	s3 =	sadd.s32 s3, s9;
	s6 =	sadd.s32 @!p0 $0x88, s6;
	s7 =	simm.s32 @p2 $0x1082  }
0x22: {  	[simem:s7], [sflag:s8] =	dma.local @!p0 [hbm:s6], $0xF7A  }
0x23: {  	s9 =	sor.u32 $0xD0000000, s2;
	s6 =	simm.s32 $0x108;
	_ =	swait.ge @!p0 [sflag:s8], $0x0  }
0x24: {  	s3 =	sadd.s32 $0x88, s3;
	s6 =	simm.s32 @!p1 $0x1082;
	[sflag:s4] =	ssyncset.s32 $0xFFFFF086  }
0x25: {  	[simem:s6], [sflag:s4] =	dma.local [hbm:s3], $0xF7A  }
0x26: {  	[smem:$0x3F9B] =	sst s1;
	(tag) =	ssettag s2;
	_ =	strace s9  }
0x27: {  	s1 =	sld [smem:$0x3FAB]  }
0x28: {  	s2 =	sld [smem:$0x3FAC]  }
0x29: {  	s4 =	sld [smem:$0x3FAE]  }
0x2a: {  	p0 =	seq.s32 s5, $0x0;
	s5 =	sld [smem:$0x3FAF]  }
0x2b: {  	s6 =	sld [smem:$0x3FB0]  }
0x2c: {  	s7 =	sld [smem:$0x3FB1]  }
0x2d: {  	s3 =	simm.s32 $0x108;
	s8 =	sld [smem:$0x3FB2]  }
0x2e: {  	s3 =	simm.s32 @!p0 $0x1082;
	s9 =	sld [smem:$0x3FB3]  }
0x2f: {  	lr =	sadd.s32 s0, s3;
	s0 =	sld [smem:$0x3FAA]  }
0x30: {  	s3 =	sld [smem:$0x3FAD]  }
0x31: {  	[smem:$0x3FB6] =	sst s10  }
0x32: {  	s10 =	sld [smem:$0x3FB4];
	_ =	sdelay $0x3  }
0x33: {  	p0 =	seq.s32 s10, $0x1;
	s10 =	sld [smem:$0x3FB6];
	_ =	sdelay $0x3  }
0x34: {  	[smem:$0x3FB6] =	sst s10  }
0x35: {  	s10 =	sld [smem:$0x3FB5];
	_ =	sdelay $0x3  }
0x36: {  	p1 =	seq.s32 s10, $0x1;
	s10 =	sld [smem:$0x3FB6];
	_ =	sdelay $0x3  }
0x37: {  	[smem:$0x3FB6] =	sst s10  }
0x38: {  	s10 =	sld [smem:$0x3FB7]  }
0x39: {  	_ = 	snop;
	(pc) =	sbr.ind lr, $3  }
0x3a: {  	_ = 	snop  }
0x3b: {  	_ = 	snop  }
0x3c: {  	p2 =	seq.s32 s10, $0x1;
	s10 =	sld [smem:$0x3FB6]  }
0x3d: {  	_ =	shalt  }
0x3e: {  	_ =	shalt  }
0x3f: {  	_ =	shalt  }
0x40: {  	_ =	shalt  }
0x41: {  	_ =	shalt  }
0x42: {  	_ =	shalt  }
0x43: {  	_ =	shalt  }
0x44: {  	_ =	shalt  }
0x45: {  	_ =	shalt  }
0x46: {  	_ =	shalt  }
0x47: {  	_ =	shalt  }
0x48: {  	_ =	shalt  }
0x49: {  	_ =	shalt  }
0x4a: {  	_ =	shalt  }
0x4b: {  	_ =	shalt  }
0x4c: {  	_ =	shalt  }
0x4d: {  	_ =	shalt  }
0x4e: {  	_ =	shalt  }
0x4f: {  	_ =	shalt  }
0x50: {  	_ =	shalt  }
0x51: {  	_ =	shalt  }
0x52: {  	_ =	shalt  }
0x53: {  	_ =	shalt  }
0x54: {  	_ =	shalt  }
0x55: {  	_ =	shalt  }
0x56: {  	_ =	shalt  }
0x57: {  	_ =	shalt  }
0x58: {  	_ =	shalt  }
0x59: {  	_ =	shalt  }
0x5a: {  	_ =	shalt  }
0x5b: {  	_ =	shalt  }
0x5c: {  	_ =	shalt  }
0x5d: {  	_ =	shalt  }
0x5e: {  	_ =	shalt  }
0x5f: {  	_ =	shalt  }
0x60: {  	_ =	shalt  }
0x61: {  	_ =	shalt  }
0x62: {  	_ =	shalt  }
0x63: {  	_ =	shalt  }
0x64: {  	_ =	shalt  }
0x65: {  	_ =	shalt  }
0x66: {  	_ =	shalt  }
0x67: {  	_ =	shalt  }
0x68: {  	_ =	shalt  }
0x69: {  	_ =	shalt  }
0x6a: {  	_ =	shalt  }
0x6b: {  	_ =	shalt  }
0x6c: {  	_ =	shalt  }
0x6d: {  	_ =	shalt  }
0x6e: {  	_ =	shalt  }
0x6f: {  	_ =	shalt  }
0x70: {  	_ =	shalt  }
0x71: {  	_ =	shalt  }
0x72: {  	_ =	shalt  }
0x73: {  	_ =	shalt  }
0x74: {  	_ =	shalt  }
0x75: {  	_ =	shalt  }
0x76: {  	_ =	shalt  }
0x77: {  	_ =	shalt  }
0x78: {  	_ =	shalt  }
0x79: {  	_ =	shalt  }
0x7a: {  	_ =	shalt  }
0x7b: {  	_ =	shalt  }
0x7c: {  	_ =	shalt  }
0x7d: {  	_ =	shalt  }
0x7e: {  	_ =	shalt  }
0x7f: {  	_ =	shalt  }
0x80: {  	_ =	shalt  }
0x81: {  	_ =	shalt  }
0x82: {  	_ =	shalt  }
0x83: {  	_ =	shalt  }
0x84: {  	_ =	shalt  }
0x85: {  	_ =	shalt  }
0x86: {  	_ =	shalt  }
0x87: {  	_ =	shalt  }
.Lfunc_end0:
.L_simem_size_0:
called_computation.1_lowered:
.L_overlay_start_0:
0x88: {  	s2 =	sld [smem:$0x3FD9]  }
0x89: {  	s3 =	sld [smem:$0x3FFE];
	_ =	sdelay $0x1  }
0x8a: {  	s1 =	srdreg.scid  }
0x8b: {  	s0 =	sand.u32 $0x1, s1  }
0x8c: {  	s17 =	sshll.u32 s0, $0xA;
	s2 =	sadd.s32 s3, s2  }
0x8d: {  	s2 =	sadd.s32 s2, s17  }
0x8e: {  	[smem:$0x3FC2] =	sst s2  }
0x8f: {  	_ = 	snop  }
0x90: {  	s2 =	sld [smem:$0x3FC8]  }
0x91: {  	s18 =	sld [smem:$0x3FC6];
	(tm) =	ssettm $0x1  }
0x92: {  	s4 =	sld [smem:$0x3FFB];
	_ =	sdelay $0x3  }
0x93: {  	_ =	strace s4  }
0x94: {  	s4 =	sld [smem:$0x3FFC];
	_ =	sdelay $0x3  }
0x95: {  	_ =	strace s4  }
0x96: {  	s4 =	sld [smem:$0x3FFD];
	_ =	sdelay $0x3  }
0x97: {  	_ =	strace s4  }
0x98: {  	_ =	strace $0x8FFFFFFF  }
0x99: {  	s19 =	sld [smem:$0x3FDB];
	_ =	sdelay $0x1  }
0x9a: {  	s5 =	simm.s32 $_scs_section_size  }
0x9b: {  	s6 =	simm.s32 $_size__tile_overlayer_lowered;
	s7 =	simm.s32 $_tile_overlayer_lowered  }
0x9c: {  	s22 =	simm.s32 $0x1BFF;
	s21 =	sshll.u32 s7, $0x1;
	s4 =	sadd.s32 s5, s19  }
0x9d: {  	s8 =	simm.s32 $0x0;
	s20 =	sshll.u32 s6, $0x1;
	s6 =	sadd.s32 s21, s4  }
0x9e: {  	[timem:s8], [sflag:s22] =	dma.local [hbm:s6], s20  }
0x9f: {  	_ =	swait.ge [sflag:s22], s20  }
0xa0: {  	s5 =	ssub.s32 $0x0, s20;
	[sflag:s22] =	ssyncset.done $0x0  }
0xa1: {  	[sflag:s22] =	ssyncadd.s32 s5;
	_ =	sdelay $0x1  }
0xa2: {  	s23 =	simm.s32 $0x1B8B  }
0xa3: {  	_ =	swait.ge [sflag:s23], $0x1  }
0xa4: {  	[sflag:s23] =	ssyncset.done $0x0  }
0xa5: {  	s25 =	simm.s32 $0x1B8E;
	s24 =	sld [smem:$0x3FFE];
	[sflag:s23] =	ssyncadd.s32 $0xFFFFFFFF  }
0xa6: {  	s26 =	simm.s32 $execute0_lowered;
	[smem:$0x3FD2] =	sst s25  }
0xa7: {  	s6 =	sshll.u32 s26, $0x1;
	_ =	strace $0x80000049;
	[dreg:$0x1] =	wrdreg $0xFFFFFFFF  }
0xa8: {  	s28 =	simm.s32 $_size_execute0_lowered;
	s4 =	sadd.s32 s4, s6;
	[dreg:$0x0] =	wrdreg $0x0  }
0xa9: {  	s6 =	sshll.u32 s28, $0x1;
	[dreg:$0x2] =	wrdreg s4  }
0xaa: {  	[dreg:$0x3] =	wrdreg s6  }
0xab: {  	[dreg:$0x4] =	wrdreg $0xC0  }
0xac: {  	_ =	task [dreg:s8], $0x5FFFF  }
0xad: {  	[dreg:$0x1] =	wrdreg $0xFFFFFFFF  }
0xae: {  	[dreg:$0x0] =	wrdreg $0x60  }
0xaf: {  	[dreg:$0x2] =	wrdreg s2  }
0xb0: {  	[dreg:$0x3] =	wrdreg s18  }
0xb1: {  	[dreg:$0x4] =	wrdreg s24  }
0xb2: {  	[dreg:$0x5] =	wrdreg $0x9  }
0xb3: {  	_ =	task.clear_ibuf [dreg:s8], $0x6FFFF;
	_ =	strace $0x90000049  }
0xb4: {  	s29 =	simm.s32 $0x9;
	_ =	strace $0x8000004B  }
0xb5: {  	_ =	swait.ge [sflag:s29], $0x1  }
0xb6: {  	[sflag:s29] =	ssyncadd.s32 $0xFFFFFFFF  }
0xb7: {  	_ =	strace $0x9000004B  }
0xb8: {  	_ =	sfence  }
0xb9: {  	s30 =	sld [smem:$0x0];
	_ =	sdelay $0x2  }
0xba: {  	s31 =	sshll.u32 s1, $0xD;
	s1 =	sshrl.u32 s1, $0x2  }
0xbb: {  	s3 =	sand.u32 $0x4000, s31;
	s1 =	sadd.s32 s1, s30  }
0xbc: {  	s0 =	sor.u32 s3, s0;
	s1 =	sshll.u32 s1, $0x11  }
0xbd: {  	s0 =	sor.u32 s1, s0  }
0xbe: {  	s0 =	sadd.s32 $0x8F2B, s0  }
0xbf: {  	[sflag:s0] =	ssyncadd.remote.s32 $0x1  }
0xc0: {  	_ =	sfence.sel $0xFFFF  }
0xc1: {  	[dreg:$0x0] =	wrdreg $0xFFFFFFFF;
	(pc) =	sbr.abs _section_cstart, $3  }
0xc2: {  	[dreg:$0x1] =	wrdreg $0xFFFFFFFF  }
0xc3: {  	_ =	task.clear_ibuf [dreg:s8], $0x2FFFF;
	_ =	strace $0x9FFFFFFF  }
0xc4: {  	(tm) =	ssettm $0x7FFFFFFF  }
0xc5: {  	_ =	shalt  }
tec
execute0_lowered:
.L_overlay_start_1:
0x0: {  	(tag) =	ssettag $0x1  }
0x1: {  	s4 =	rddreg [dreg:$0x0]  }
0x2: {  	v0 =	vimm.s32 $0xFEDCBA98;
	s7 =	rddreg [dreg:$0x1];
	v1 =	vimm.s32 $0x76543210  }
0x3: {  	s5 =	rddreg [dreg:$0x2];
	v2 =	vimm.s32 $0xBA98FEDC;
	v3 =	vimm.s32 $0x32107654;
	v4 =	vimm.s32 $0xDCFE98BA  }
0x4: {  	s1 =	simm.s32 $0x0;
	s0 =	rddreg [dreg:$0x3];
	v5 =	vimm.s32 $0x54761032;
	v6 =	vimm.s32 $0xEFCDAB89;
	v7 =	vimm.s32 $0x67452301  }
0x5: {  	s6 =	srdreg.scid;
	s2 =	stileid.u32;
	vm0 =	vmmov $0x1;
	vm1 =	vmmov $0x3;
	vm2 =	vmmov $0x7;
	s14 =	simm.s32 $0x200  }
0x6: {  	vm3 =	vmmov $0xf;
	vm4 =	vmmov $0x1f;
	s15 =	simm.s32 $0x2200;
	s16 =	simm.s32 $0x100;
	s17 =	simm.s32 $0x4200;
	v0 =	vunpack.c.l.s4.s8 v0  }
0x7: {  	s18 =	simm.s32 $0x180;
	s19 =	simm.s32 $0x6200;
	s20 =	simm.s32 $0x2;
	v1 =	vunpack.c.l.s4.s8 v1;
	v2 =	vunpack.c.l.s4.s8 v2;
	v3 =	vunpack.c.l.s4.s8 v3  }
0x8: {  	s21 =	simm.s32 $0x1;
	s22 =	simm.s32 $0x10200;
	s23 =	simm.s32 $0x0;
	v4 =	vunpack.c.l.s4.s8 v4;
	v5 =	vunpack.c.l.s4.s8 v5;
	v6 =	vunpack.c.l.s4.s8 v6  }
0x9: {  	[smem:$0x7FF] =	sst s1;
	s3 =	sadd.s32 $0x54C00, s5;
	s6 =	sand.u32 $0x1, s6;
	v7 =	vunpack.c.l.s4.s8 v7;
	v0 =	vunpack.c.0.s8.s32 v0;
	v2 =	vunpack.c.0.s8.s32 v2  }
0xa: {  	s9 =	sshll.u32 s2, $0xA;
	s10 =	sadd.s32 $0x14C00, s5;
	s8 =	ssub.s32 $0x2, s6;
	v3 =	vunpack.c.0.s8.s32 v3;
	v4 =	vunpack.c.0.s8.s32 v4;
	v1 =	vunpack.c.0.s8.s32 v1  }
0xb: {  	s28 =	sadd.s32 $0xC00, s5;
	s6 =	sshll.u32 s6, $0x9;
	s11 =	sshrl.u32 s8, $0x1;
	v5 =	vunpack.c.0.s8.s32 v5;
	v6 =	vunpack.c.0.s8.s32 v6;
	v0 =	vand.u32 $0xF, v0  }
0xc: {  	_ =	strace $0x8000004A;
	s6 =	sor.u32 s6, s9;
	v7 =	vunpack.c.0.s8.s32 v7;
	s11 =	ssub.s32 s8, s11;
	v2 =	vcombine.low v3, v2;
	v0 =	vcombine.low v0, v1  }
0xd: {  	vm5 =	vmmov $0x3f;
	vm6 =	vmmov $0x7f;
	s29 =	sshrl.u32 s6, $0x3;
	s30 =	sshll.u32 s6, $0x3;
	s12 =	sor.u32 $0x4000, s6;
	v59 =	vcombine.low v5, v4  }
0xe: {  	vm7 =	vmmov $0xff;
	v60 =	vcombine.low v7, v6;
	s4 =	sadd.s32 s4, s29;
	s5 =	sadd.s32 s10, s30;
	s6 =	sadd.s32 s28, s29;
	v61 =	vand.u32 $0xF, v2;
	[tilespmem:$0x1FFC0] =	vst v0  }
0xf: {  	vm8 =	vmmov $0x1ff;
	vm9 =	vmmov $0x3ff;
	s13 =	sshll.u32 s12, $0x3;
	s7 =	sadd.s32 s7, s29;
	s31 =	sshrl.u32 s12, $0x3;
	v62 =	vand.u32 $0xF, v59;
	[tilespmem:$0x1FFD0] =	vst v61  }
0x10: {  	vm10 =	vmmov $0x7ff;
	vm11 =	vmmov $0xfff;
	s12 =	simm.s32 $0x8200;
	s8 =	sadd.s32 s10, s13;
	s9 =	sadd.s32 s28, s31;
	v63 =	vand.u32 $0xF, v60;
	[tilespmem:$0x1FFE0] =	vst v62  }
0x11: {  	vm12 =	vmmov $0x1fff;
	vm13 =	vmmov $0x3fff;
	vm14 =	vmmov $0x7fff;
	s10 =	smax.u32 s11, $0x1;
	s11 =	simm.s32 $0x3;
	s13 =	simm.s32 $0x80;
	[tilespmem:$0x1FFF0] =	vst v63  }
.LBB2_1:
0x12: {  	[tilespmem:s1], [sflag:$0x3] =	stream.linear.gather [hbm4b:s4+s1], $0x200, $0x38;
	[tilespmem:$0x10400] =	vst v63  }
0x13: {  	_ =	swait.ge [sflag:s11], $0x200  }
0x14: {  	[sflag:s11] =	ssyncset.done $0x0  }
0x15: {  	[sflag:s11] =	ssyncadd.s32 $0xFFFFFE00  }
0x16: {  	[tilespmem:s12], [sflag:$0x2] =	stream.linear.gather [hbm4b:s5+s1], $0x8000, $0x38;
	[tilespmem:$0x10400] =	vst v63  }
0x17: {  	_ = 	snop  }
0x18: {  	[tilespmem:s14], [sflag:$0x1] =	stream.indirect.gather [hbm4b:s3+s13], $0x40, s1, s13, $0xb8;
	[tilespmem:$0x10400] =	vst v63  }
0x19: {  	_ = 	snop  }
0x1a: {  	[tilespmem:s15], [sflag:$0x1] =	stream.indirect.gather [hbm4b:s3+s13], $0x40, s13, s13, $0xb8;
	[tilespmem:$0x10400] =	vst v63  }
0x1b: {  	_ = 	snop  }
0x1c: {  	[tilespmem:s17], [sflag:$0x1] =	stream.indirect.gather [hbm4b:s3+s13], $0x40, s16, s13, $0xb8;
	[tilespmem:$0x10400] =	vst v63  }
0x1d: {  	_ = 	snop  }
0x1e: {  	[tilespmem:s19], [sflag:$0x1] =	stream.indirect.gather [hbm4b:s3+s13], $0x40, s18, s13, $0xb8;
	[tilespmem:$0x10400] =	vst v63  }
0x1f: {  	_ =	swait.ge [sflag:s20], $0x8000  }
0x20: {  	[sflag:s20] =	ssyncset.done $0x0  }
0x21: {  	[sflag:s20] =	ssyncadd.s32 $0xFFFF8000  }
0x22: {  	_ =	swait.ge [sflag:s21], $0x2000  }
0x23: {  	[sflag:s21] =	ssyncset.done $0x0  }
0x24: {  	[sflag:s21] =	ssyncadd.s32 $0xFFFFE000  }
0x25: {  	_ =	swait.ge [sflag:s21], $0x2000  }
0x26: {  	[sflag:s21] =	ssyncset.done $0x0  }
0x27: {  	[sflag:s21] =	ssyncadd.s32 $0xFFFFE000  }
0x28: {  	_ =	swait.ge [sflag:s21], $0x2000  }
0x29: {  	[sflag:s21] =	ssyncset.done $0x0  }
0x2a: {  	[sflag:s21] =	ssyncadd.s32 $0xFFFFE000  }
0x2b: {  	_ =	swait.ge [sflag:s21], $0x2000  }
0x2c: {  	[sflag:s21] =	ssyncset.done $0x0;
	v1 =	vld [tilespmem:$0x1FFC0]  }
0x2d: {  	s24 =	simm.s32 $0x0;
	v2 =	vld [tilespmem:$0x1FFD0];
	[sflag:s21] =	ssyncadd.s32 $0xFFFFE000  }
0x2e: {  	v7 =	vld [tilespmem:s24+$0x85F0]  }
0x2f: {  	v6 =	vld [tilespmem:s24+$0x5F0]  }
0x30: {  	v11 =	vld [tilespmem:s24+$0x85B0]  }
0x31: {  	v9 =	vld [tilespmem:s24+$0x5B0]  }
0x32: {  	v8 =	vld [tilespmem:s24+$0x85E0]  }
0x33: {  	v13 =	vld [tilespmem:s24+$0x5E0]  }
0x34: {  	v15 =	vld [tilespmem:s24+$0x8570]  }
0x35: {  	v24 =	vld [tilespmem:s24+$0x570]  }
0x36: {  	v14 =	vld [tilespmem:s24+$0x85A0]  }
0x37: {  	v16 =	vld [tilespmem:s24+$0x5A0]  }
0x38: {  	v17 =	vld [tilespmem:s24+$0x85D0]  }
0x39: {  	v21 =	vld [tilespmem:s24+$0x5D0]  }
0x3a: {  	v25 =	vld [tilespmem:s24+$0x8530]  }
0x3b: {  	v28 =	vld [tilespmem:s24+$0x530]  }
0x3c: {  	v29 =	vld [tilespmem:s24+$0x8560]  }
0x3d: {  	v30 =	vld [tilespmem:s24+$0x560]  }
0x3e: {  	v31 =	vld [tilespmem:s24+$0x8590]  }
0x3f: {  	v32 =	vld [tilespmem:s24+$0x590]  }
0x40: {  	v10 =	vld [tilespmem:s24+$0x85C0]  }
0x41: {  	v20 =	vld [tilespmem:s24+$0x5C0]  }
0x42: {  	v0 =	vld [tilespmem:s24+$0x84F0]  }
0x43: {  	v34 =	vld [tilespmem:s24+$0x4F0]  }
0x44: {  	v35 =	vld [tilespmem:s24+$0x8520]  }
0x45: {  	v36 =	vld [tilespmem:s24+$0x520]  }
0x46: {  	v37 =	vld [tilespmem:s24+$0x8550]  }
0x47: {  	v38 =	vld [tilespmem:s24+$0x550]  }
0x48: {  	v39 =	vld [tilespmem:s24+$0x8580]  }
0x49: {  	v40 =	vld [tilespmem:s24+$0x580]  }
0x4a: {  	v41 =	vld [tilespmem:s24+$0x84B0]  }
0x4b: {  	v42 =	vld [tilespmem:s24+$0x4B0]  }
0x4c: {  	v43 =	vld [tilespmem:s24+$0x84E0]  }
0x4d: {  	v44 =	vld [tilespmem:s24+$0x4E0]  }
0x4e: {  	v45 =	vld [tilespmem:s24+$0x8510]  }
0x4f: {  	v46 =	vld [tilespmem:s24+$0x510]  }
0x50: {  	v47 =	vld [tilespmem:s24+$0x8540]  }
0x51: {  	v48 =	vld [tilespmem:s24+$0x540]  }
0x52: {  	v49 =	vld [tilespmem:s24+$0x8470]  }
0x53: {  	v50 =	vld [tilespmem:s24+$0x470]  }
0x54: {  	v51 =	vld [tilespmem:s24+$0x84A0]  }
0x55: {  	v52 =	vld [tilespmem:s24+$0x4A0]  }
0x56: {  	v53 =	vld [tilespmem:s24+$0x84D0]  }
0x57: {  	v54 =	vld [tilespmem:s24+$0x4D0]  }
0x58: {  	v55 =	vld [tilespmem:s24+$0x8500]  }
0x59: {  	v56 =	vld [tilespmem:s24+$0x500]  }
0x5a: {  	v57 =	vld [tilespmem:s24+$0x8430]  }
0x5b: {  	v58 =	vld [tilespmem:s24+$0x430]  }
0x5c: {  	v59 =	vld [tilespmem:s24+$0x8460]  }
0x5d: {  	v60 =	vld [tilespmem:s24+$0x460]  }
0x5e: {  	v61 =	vld [tilespmem:s24+$0x8490]  }
0x5f: {  	v62 =	vld [tilespmem:s24+$0x490]  }
0x60: {  	v63 =	vld [tilespmem:s24+$0x84C0]  }
0x61: {  	v5 =	vld [tilespmem:s24+$0x4C0]  }
0x62: {  	v33 =	vld [tilespmem:s24+$0x8450]  }
0x63: {  	v26 =	vld [tilespmem:s24+$0x450]  }
0x64: {  	v18 =	vld [tilespmem:s24+$0x8480]  }
0x65: {  	v12 =	vld [tilespmem:s24+$0x480]  }
0x66: {  	v3 =	vld [tilespmem:s24+$0x83B0]  }
0x67: {  	v27 =	vld [tilespmem:s24+$0x8410]  }
0x68: {  	v23 =	vld [tilespmem:s24+$0x410]  }
0x69: {  	v22 =	vld [tilespmem:s24+$0x8440]  }
0x6a: {  	v19 =	vld [tilespmem:s24+$0x440]  }
0x6b: {  	[tilespmem:$0x1FEA0] =	vst v0;
	v0 =	vld [tilespmem:s24+$0x83F0]  }
0x6c: {  	v4 =	vmul.f32 v20, v10;
	v10 =	vld [tilespmem:s24+$0x370]  }
0x6d: {  	v20 =	vld [tilespmem:s24+$0x83A0]  }
0x6e: {  	v17 =	vmul.f32 v21, v17;
	v21 =	vld [tilespmem:s24+$0x3A0]  }
0x6f: {  	v39 =	vmul.f32 v40, v39;
	v40 =	vld [tilespmem:s24+$0x83D0]  }
0x70: {  	v6 =	vmul.f32 v6, v7;
	v7 =	vmul.f32 v32, v31;
	v31 =	vld [tilespmem:s24+$0x3D0]  }
0x71: {  	v9 =	vmul.f32 v9, v11;
	v11 =	vld [tilespmem:s24+$0x8400]  }
0x72: {  	v32 =	vld [tilespmem:s24+$0x400]  }
0x73: {  	v14 =	vmul.f32 v16, v14;
	v16 =	vld [tilespmem:s24+$0x330]  }
0x74: {  	v25 =	vmul.f32 v28, v25;
	v28 =	vld [tilespmem:s24+$0x320]  }
0x75: {  	v41 =	vmul.f32 v42, v41;
	v42 =	vld [tilespmem:s24+$0x2E0]  }
0x76: {  	[tilespmem:$0x1FEF0] =	vst v0;
	v0 =	vld [tilespmem:s24+$0x3F0]  }
0x77: {  	v19 =	vmul.f32 v19, v22;
	v22 =	vld [tilespmem:s24+$0x340]  }
0x78: {  	v37 =	vmul.f32 v38, v37;
	v38 =	vld [tilespmem:s24+$0x2D0]  }
0x79: {  	v26 =	vmul.f32 v26, v33;
	v33 =	vld [tilespmem:s24+$0x8300]  }
0x7a: {  	v8 =	vmul.f32 v13, v8;
	v13 =	vadd.f32 $0.0e+00, v39;
	v39 =	vld [tilespmem:s24+$0x82E0]  }
0x7b: {  	v4 =	vadd.f32 $0.0e+00, v4;
	v19 =	vadd.f32 $0.0e+00, v19;
	[tilespmem:$0x1FF00] =	vst v0;
	v0 =	vld [tilespmem:s24+$0x8420]  }
0x7c: {  	v7 =	vadd.f32 v7, v13;
	v13 =	vld [tilespmem:s24+$0x8330]  }
0x7d: {  	v4 =	vadd.f32 v17, v4;
	v19 =	vadd.f32 v26, v19;
	v26 =	vld [tilespmem:s24+$0x82A0]  }
0x7e: {  	v17 =	vmul.f32 v48, v47;
	v11 =	vmul.f32 v32, v11;
	v32 =	vld [tilespmem:s24+$0x230]  }
0x7f: {  	v23 =	vmul.f32 v23, v27;
	v27 =	vmul.f32 v31, v40;
	v31 =	vld [tilespmem:s24+$0x82D0];
	v4 =	vadd.f32 v8, v4  }
0x80: {  	v8 =	vmul.f32 v56, v55;
	v17 =	vadd.f32 $0.0e+00, v17;
	[tilespmem:$0x1FEB0] =	vst v0;
	v0 =	vld [tilespmem:s24+$0x420]  }
0x81: {  	v29 =	vmul.f32 v30, v29;
	v40 =	vld [tilespmem:s24+$0x300];
	v7 =	vadd.f32 v14, v7;
	v4 =	vadd.f32 v6, v4  }
0x82: {  	v14 =	vld [tilespmem:s24+$0x8360];
	v6 =	vadd.f32 $0.0e+00, v8;
	v8 =	vmul.f32 v46, v45;
	v30 =	vadd.f32 v37, v17  }
0x83: {  	v15 =	vmul.f32 v24, v15;
	v56 =	vld [tilespmem:$0x1FFE0];
	v55 =	vmul.f32 v44, v43  }
0x84: {  	v44 =	vld [tilespmem:s24+$0x380];
	v6 =	vadd.f32 v8, v6;
	v8 =	vmul.f32 v36, v35;
	v24 =	vadd.f32 v29, v30  }
0x85: {  	[tilespmem:$0x1FEC0] =	vst v0;
	v0 =	vld [tilespmem:s24+$0x3B0]  }
0x86: {  	v43 =	vmul.f32 v50, v49;
	v49 =	vld [tilespmem:s24+$0x8340];
	v6 =	vadd.f32 v8, v6;
	v15 =	vadd.f32 v15, v24  }
0x87: {  	v39 =	vmul.f32 v42, v39;
	v42 =	vld [tilespmem:s24+$0x290]  }
0x88: {  	v5 =	vmul.f32 v5, v63;
	v17 =	vld [tilespmem:s24+$0x360];
	v6 =	vadd.f32 v25, v6;
	v25 =	vperm.xlane v15, v1  }
0x89: {  	v7 =	vadd.f32 v9, v7;
	v9 =	vperm.xlane v4, v1;
	v35 =	vld [tilespmem:s24+$0x3C0]  }
0x8a: {  	v5 =	vadd.f32 $0.0e+00, v5;
	v48 =	vmul.f32 v54, v53;
	v15 =	vadd.f32 v15, v25;
	[tilespmem:$0x1FF10] =	vst v0;
	v0 =	vld [tilespmem:s24+$0x83E0]  }
0x8b: {  	v4 =	vadd.f32 v4, v9;
	v9 =	vld [tilespmem:s24+$0x83C0]  }
0x8c: {  	v5 =	vadd.f32 v48, v5;
	v37 =	vld [tilespmem:s24+$0x8390];
	v53 =	vperm.xlane v15, v2  }
0x8d: {  	v45 =	vld [tilespmem:s24+$0x8380]  }
0x8e: {  	v36 =	vadd.f32 v15, v53;
	v53 =	vadd.f32 v55, v5;
	v5 =	vld [tilespmem:$0x1FEA0]  }
0x8f: {  	v29 =	vperm.xlane v7, v1;
	[tilespmem:$0x1FED0] =	vst v0;
	v0 =	vld [tilespmem:s24+$0x3E0]  }
0x90: {  	v30 =	vld [tilespmem:s24+$0x390];
	v9 =	vmul.f32 v35, v9  }
0x91: {  	v12 =	vmul.f32 v12, v18;
	v7 =	vadd.f32 v7, v29;
	v8 =	vld [tilespmem:s24+$0x82F0];
	v29 =	vperm.xlane v4, v2  }
0x92: {  	v25 =	vld [tilespmem:s24+$0x8350];
	v9 =	vadd.f32 $0.0e+00, v9  }
0x93: {  	v12 =	vadd.f32 $0.0e+00, v12;
	v4 =	vadd.f32 v4, v29;
	v29 =	vld [tilespmem:s24+$0x350];
	v34 =	vmul.f32 v34, v5  }
0x94: {  	v20 =	vmul.f32 v21, v20;
	v11 =	vadd.f32 $0.0e+00, v11;
	v9 =	vadd.f32 v27, v9;
	v27 =	vld [tilespmem:$0x1FED0];
	[tilespmem:$0x1FEE0] =	vst v0  }
0x95: {  	v13 =	vmul.f32 v16, v13;
	v22 =	vmul.f32 v22, v49;
	v18 =	vadd.f32 v34, v53;
	v53 =	vld [tilespmem:$0x1FEE0]  }
0x96: {  	v11 =	vadd.f32 v23, v11;
	v33 =	vmul.f32 v40, v33;
	v24 =	vld [tilespmem:s24+$0x8320];
	v46 =	vperm.xlane v7, v2  }
0x97: {  	v22 =	vadd.f32 $0.0e+00, v22;
	v47 =	vperm.xlane v6, v1;
	v23 =	vld [tilespmem:$0x1FEB0];
	v54 =	vperm.xlane v4, v56  }
0x98: {  	v30 =	vmul.f32 v30, v37;
	v7 =	vadd.f32 v7, v46;
	v35 =	vld [tilespmem:s24+$0x8270];
	v55 =	vmul.f32 v62, v61  }
0x99: {  	v6 =	vadd.f32 v6, v47;
	v47 =	vld [tilespmem:s24+$0x8230];
	v4 =	vadd.f32 v4, v54;
	v25 =	vmul.f32 v29, v25  }
0x9a: {  	v54 =	vmul.f32 v52, v51;
	v52 =	vld [tilespmem:$0x1FEC0];
	v12 =	vadd.f32 v55, v12;
	v27 =	vmul.f32 v53, v27  }
0x9b: {  	v63 =	vperm.xlane v7, v56;
	v48 =	vperm.xlane v6, v2;
	v55 =	vld [tilespmem:$0x1FF00];
	v22 =	vadd.f32 v25, v22  }
0x9c: {  	v12 =	vadd.f32 v54, v12;
	v54 =	vmul.f32 v44, v45;
	v9 =	vadd.f32 v27, v9;
	v27 =	vld [tilespmem:$0x1FEF0]  }
0x9d: {  	v29 =	vld [tilespmem:s24+$0x250];
	v5 =	vadd.f32 v7, v63;
	v7 =	vadd.f32 v6, v48;
	v6 =	vperm.xlane v36, v56  }
0x9e: {  	v25 =	vld [tilespmem:s24+$0x260];
	v63 =	vmul.f32 v60, v59;
	v12 =	vadd.f32 v41, v12;
	v41 =	vadd.f32 $0.0e+00, v54  }
0x9f: {  	v31 =	vmul.f32 v38, v31;
	v45 =	vld [tilespmem:s24+$0x8290];
	v23 =	vmul.f32 v52, v23;
	v6 =	vadd.f32 v36, v6  }
0xa0: {  	v62 =	vmul.f32 v58, v57;
	v44 =	vld [tilespmem:s24+$0x2C0];
	v19 =	vadd.f32 v63, v19;
	v30 =	vadd.f32 v30, v41  }
0xa1: {  	v48 =	vld [tilespmem:s24+$0x210];
	v11 =	vadd.f32 v23, v11;
	v23 =	vperm.xlane v12, v1;
	v27 =	vmul.f32 v55, v27  }
0xa2: {  	v61 =	vperm.xlane v18, v1;
	v19 =	vadd.f32 v43, v19;
	v20 =	vadd.f32 v20, v30;
	v30 =	vld [tilespmem:$0x1FF10]  }
0xa3: {  	v34 =	vld [tilespmem:s24+$0x8310];
	v46 =	vperm.xlane v7, v56;
	v12 =	vadd.f32 v12, v23;
	v9 =	vadd.f32 v27, v9  }
0xa4: {  	v36 =	vld [tilespmem:s24+$0x310];
	v11 =	vadd.f32 v62, v11;
	v18 =	vadd.f32 v18, v61;
	v57 =	vperm.xlane v19, v1  }
0xa5: {  	v41 =	vld [tilespmem:s24+$0x82C0];
	v7 =	vadd.f32 v7, v46;
	v59 =	vperm.xlane v12, v2;
	v21 =	vperm.xlane v9, v1  }
0xa6: {  	v43 =	vld [tilespmem:s24+$0x8220];
	v58 =	vperm.xlane v11, v1;
	v51 =	vperm.xlane v18, v2;
	v19 =	vadd.f32 v19, v57  }
0xa7: {  	v23 =	vld [tilespmem:s24+$0x220];
	v12 =	vadd.f32 v12, v59;
	v30 =	vmul.f32 v30, v3;
	v9 =	vadd.f32 v9, v21  }
0xa8: {  	v57 =	vld [tilespmem:s24+$0x8250];
	v11 =	vadd.f32 v11, v58;
	v18 =	vadd.f32 v18, v51;
	v60 =	vperm.xlane v19, v2  }
0xa9: {  	v0 =	vld [tilespmem:s24+$0x8370];
	v63 =	vperm.xlane v12, v56;
	v20 =	vadd.f32 v30, v20;
	v30 =	vperm.xlane v9, v2  }
0xaa: {  	v61 =	vperm.xlane v11, v2;
	v19 =	vadd.f32 v19, v60;
	v62 =	vperm.xlane v18, v56;
	v60 =	vld [tilespmem:s24+$0x200]  }
0xab: {  	v12 =	vadd.f32 v12, v63;
	v63 =	vld [tilespmem:s24+$0x240];
	v59 =	vperm.xlane v20, v1;
	v30 =	vadd.f32 v9, v30  }
0xac: {  	v46 =	vadd.f32 v11, v61;
	v58 =	vperm.xlane v19, v56;
	v11 =	vadd.f32 v18, v62;
	v18 =	vld [tilespmem:s24+$0x8280]  }
0xad: {  	v33 =	vadd.f32 $0.0e+00, v33;
	v62 =	vld [tilespmem:s24+$0x8240];
	v16 =	vadd.f32 v20, v59;
	v20 =	vperm.xlane v30, v56  }
0xae: {  	v14 =	vmul.f32 v17, v14;
	v24 =	vmul.f32 v28, v24;
	v9 =	vadd.f32 v19, v58;
	v19 =	vld [tilespmem:s24+$0x8200]  }
0xaf: {  	v23 =	vmul.f32 v23, v43;
	v43 =	vmul.f32 v44, v41;
	v20 =	vadd.f32 v30, v20;
	v30 =	vld [tilespmem:s24+$0x280]  }
0xb0: {  	v14 =	vadd.f32 v14, v22;
	v34 =	vmul.f32 v36, v34;
	v61 =	vperm.xlane v46, v56;
	v21 =	vld [tilespmem:s24+$0x8210]  }
0xb1: {  	v36 =	vadd.f32 $0.0e+00, v43;
	v29 =	vmul.f32 v29, v57;
	v28 =	vperm.xlane v16, v2;
	v27 =	vld [tilespmem:s24+$0x8260]  }
0xb2: {  	v15 =	vld [tilespmem:s24+$0x82B0];
	v10 =	vmul.f32 v10, v0;
	v17 =	vadd.f32 v46, v61;
	v37 =	vmul.f32 v63, v62  }
0xb3: {  	v44 =	vld [tilespmem:s24+$0x2A0];
	v16 =	vadd.f32 v16, v28;
	v28 =	vmul.f32 v32, v47;
	v19 =	vmul.f32 v60, v19  }
0xb4: {  	v22 =	vld [tilespmem:s24+$0x270];
	v10 =	vadd.f32 v10, v14;
	v32 =	vmul.f32 v42, v45;
	v18 =	vmul.f32 v30, v18  }
0xb5: {  	v47 =	vld [tilespmem:s24+$0x2B0];
	v46 =	vadd.f32 $0.0e+00, v37;
	v21 =	vmul.f32 v48, v21;
	v19 =	vadd.f32 $0.0e+00, v19  }
0xb6: {  	v25 =	vmul.f32 v25, v27;
	v27 =	vadd.f32 v31, v36;
	v48 =	vld [tilespmem:s24+$0x2F0];
	v18 =	vadd.f32 $0.0e+00, v18  }
0xb7: {  	v19 =	vadd.f32 v21, v19;
	v21 =	vadd.f32 v29, v46  }
0xb8: {  	v26 =	vmul.f32 v44, v26;
	v30 =	vadd.f32 v34, v33;
	v18 =	vadd.f32 v32, v18  }
0xb9: {  	v22 =	vmul.f32 v22, v35;
	v19 =	vadd.f32 v23, v19;
	v21 =	vadd.f32 v25, v21  }
0xba: {  	v15 =	vmul.f32 v47, v15;
	v23 =	vadd.f32 v39, v27;
	v18 =	vadd.f32 v26, v18  }
0xbb: {  	v8 =	vmul.f32 v48, v8;
	v19 =	vadd.f32 v28, v19;
	v21 =	vadd.f32 v22, v21  }
0xbc: {  	v15 =	vadd.f32 v15, v18;
	v18 =	vadd.f32 v24, v30  }
0xbd: {  	v8 =	vadd.f32 v8, v23;
	v25 =	vperm.xlane v21, v1;
	v24 =	vperm.xlane v19, v1  }
0xbe: {  	v22 =	vperm.xlane v16, v56;
	v23 =	vperm.xlane v15, v1;
	v13 =	vadd.f32 v13, v18  }
0xbf: {  	v14 =	vadd.f32 v19, v24;
	v18 =	vadd.f32 v21, v25;
	v19 =	vperm.xlane v8, v1  }
0xc0: {  	v15 =	vadd.f32 v15, v23;
	v21 =	vperm.xlane v13, v1;
	v23 =	vperm.xlane v10, v1  }
0xc1: {  	v24 =	vperm.xlane v14, v2;
	v25 =	vperm.xlane v18, v2;
	v8 =	vadd.f32 v8, v19  }
0xc2: {  	v19 =	vperm.xlane v15, v2;
	v13 =	vadd.f32 v13, v21;
	v10 =	vadd.f32 v10, v23  }
0xc3: {  	v14 =	vadd.f32 v14, v24;
	v18 =	vadd.f32 v18, v25;
	v21 =	vperm.xlane v8, v2  }
0xc4: {  	v0 =	vld [tilespmem:$0x1FFF0];
	v15 =	vadd.f32 v15, v19;
	v19 =	vperm.xlane v13, v2;
	v23 =	vperm.xlane v10, v2  }
0xc5: {  	v24 =	vperm.xlane v14, v56;
	v25 =	vperm.xlane v18, v56;
	v8 =	vadd.f32 v8, v21  }
0xc6: {  	v21 =	vperm.xlane v15, v56;
	v13 =	vadd.f32 v13, v19;
	v10 =	vadd.f32 v10, v23  }
0xc7: {  	v14 =	vadd.f32 v14, v24;
	v18 =	vadd.f32 v18, v25;
	v19 =	vperm.xlane v8, v56  }
0xc8: {  	v15 =	vadd.f32 v15, v21;
	v21 =	vperm.xlane v13, v56;
	v23 =	vperm.xlane v10, v56  }
0xc9: {  	v24 =	vperm.xlane v14, v0;
	v25 =	vperm.xlane v18, v0;
	v8 =	vadd.f32 v8, v19  }
0xca: {  	v19 =	vperm.xlane v15, v0;
	v13 =	vadd.f32 v13, v21;
	v10 =	vadd.f32 v10, v23  }
0xcb: {  	v14 =	vadd.f32 v14, v24;
	v18 =	vadd.f32 v18, v25;
	v21 =	vperm.xlane v8, v0  }
0xcc: {  	v16 =	vadd.f32 v16, v22;
	v15 =	vadd.f32 v15, v19;
	v19 =	vperm.xlane v13, v0  }
0xcd: {  	v14 =	vsel vm0, v14, v18;
	v8 =	vadd.f32 v8, v21;
	v18 =	vperm.xlane v10, v0  }
0xce: {  	v14 =	vsel vm1, v14, v15;
	v13 =	vadd.f32 v13, v19;
	v15 =	vperm.xlane v16, v0  }
0xcf: {  	v10 =	vadd.f32 v10, v18;
	v8 =	vsel vm2, v14, v8;
	v14 =	vperm.xlane v20, v0  }
0xd0: {  	v8 =	vsel vm3, v8, v13;
	v13 =	vadd.f32 v16, v15;
	v15 =	vperm.xlane v17, v0  }
0xd1: {  	v8 =	vsel vm4, v8, v10;
	v10 =	vadd.f32 v20, v14;
	v14 =	vperm.xlane v9, v0  }
0xd2: {  	v8 =	vsel vm5, v8, v13;
	v13 =	vadd.f32 v17, v15;
	v15 =	vperm.xlane v12, v0  }
0xd3: {  	v8 =	vsel vm6, v8, v10;
	v9 =	vadd.f32 v9, v14;
	v10 =	vperm.xlane v11, v0  }
0xd4: {  	v8 =	vsel vm7, v8, v13;
	v12 =	vadd.f32 v12, v15;
	v13 =	vperm.xlane v7, v0  }
0xd5: {  	v8 =	vsel vm8, v8, v9;
	v9 =	vadd.f32 v11, v10;
	v10 =	vperm.xlane v6, v0  }
0xd6: {  	v11 =	vperm.xlane v5, v0;
	v8 =	vsel vm9, v8, v12;
	v7 =	vadd.f32 v7, v13  }
0xd7: {  	v8 =	vsel vm10, v8, v9;
	v6 =	vadd.f32 v6, v10;
	v9 =	vperm.xlane v4, v0  }
0xd8: {  	v5 =	vadd.f32 v5, v11;
	v7 =	vsel vm11, v8, v7  }
0xd9: {  	v6 =	vsel vm12, v7, v6;
	v4 =	vadd.f32 v4, v9  }
0xda: {  	v5 =	vsel vm13, v6, v5  }
0xdb: {  	v4 =	vsel vm14, v5, v4  }
0xdc: {  	s24 =	simm.s32 $0x400;
	[tilespmem:s22+$0x0] =	vst v4  }
0xdd: {  	v7 =	vld [tilespmem:s24+$0x85F0]  }
0xde: {  	v6 =	vld [tilespmem:s24+$0x5F0]  }
0xdf: {  	v11 =	vld [tilespmem:s24+$0x85B0]  }
0xe0: {  	v10 =	vld [tilespmem:s24+$0x5B0]  }
0xe1: {  	v8 =	vld [tilespmem:s24+$0x85E0]  }
0xe2: {  	v9 =	vld [tilespmem:s24+$0x5E0]  }
0xe3: {  	v12 =	vld [tilespmem:s24+$0x8570]  }
0xe4: {  	v13 =	vld [tilespmem:s24+$0x570]  }
0xe5: {  	v15 =	vld [tilespmem:s24+$0x85A0]  }
0xe6: {  	v16 =	vld [tilespmem:s24+$0x5A0]  }
0xe7: {  	v18 =	vld [tilespmem:s24+$0x85D0]  }
0xe8: {  	v19 =	vld [tilespmem:s24+$0x5D0]  }
0xe9: {  	v32 =	vld [tilespmem:s24+$0x8530]  }
0xea: {  	v21 =	vld [tilespmem:s24+$0x530]  }
0xeb: {  	v22 =	vld [tilespmem:s24+$0x8560]  }
0xec: {  	v23 =	vld [tilespmem:s24+$0x560]  }
0xed: {  	v24 =	vld [tilespmem:s24+$0x8590]  }
0xee: {  	v25 =	vld [tilespmem:s24+$0x590]  }
0xef: {  	v17 =	vld [tilespmem:s24+$0x85C0]  }
0xf0: {  	v28 =	vld [tilespmem:s24+$0x5C0]  }
0xf1: {  	v38 =	vld [tilespmem:s24+$0x84F0]  }
0xf2: {  	v39 =	vld [tilespmem:s24+$0x4F0]  }
0xf3: {  	v40 =	vld [tilespmem:s24+$0x8520]  }
0xf4: {  	v41 =	vld [tilespmem:s24+$0x520]  }
0xf5: {  	v29 =	vld [tilespmem:s24+$0x8550]  }
0xf6: {  	v30 =	vld [tilespmem:s24+$0x550]  }
0xf7: {  	v31 =	vld [tilespmem:s24+$0x8580]  }
0xf8: {  	v34 =	vld [tilespmem:s24+$0x580]  }
0xf9: {  	v42 =	vld [tilespmem:s24+$0x84B0]  }
0xfa: {  	v43 =	vld [tilespmem:s24+$0x4B0]  }
0xfb: {  	v44 =	vld [tilespmem:s24+$0x84E0]  }
0xfc: {  	v45 =	vld [tilespmem:s24+$0x4E0]  }
0xfd: {  	v46 =	vld [tilespmem:s24+$0x8510]  }
0xfe: {  	v47 =	vld [tilespmem:s24+$0x510]  }
0xff: {  	v48 =	vld [tilespmem:s24+$0x8540]  }
0x100: {  	v49 =	vld [tilespmem:s24+$0x540]  }
0x101: {  	v50 =	vld [tilespmem:s24+$0x8470]  }
0x102: {  	v51 =	vld [tilespmem:s24+$0x470]  }
0x103: {  	v52 =	vld [tilespmem:s24+$0x84A0]  }
0x104: {  	v53 =	vld [tilespmem:s24+$0x4A0]  }
0x105: {  	v54 =	vld [tilespmem:s24+$0x84D0]  }
0x106: {  	v55 =	vld [tilespmem:s24+$0x4D0]  }
0x107: {  	v0 =	vld [tilespmem:s24+$0x8500]  }
0x108: {  	v57 =	vld [tilespmem:s24+$0x500]  }
0x109: {  	v58 =	vld [tilespmem:s24+$0x8430]  }
0x10a: {  	v59 =	vld [tilespmem:s24+$0x430]  }
0x10b: {  	v60 =	vld [tilespmem:s24+$0x8460]  }
0x10c: {  	v3 =	vld [tilespmem:s24+$0x460]  }
0x10d: {  	v62 =	vld [tilespmem:s24+$0x8490]  }
0x10e: {  	v63 =	vld [tilespmem:s24+$0x490]  }
0x10f: {  	v5 =	vld [tilespmem:s24+$0x84C0]  }
0x110: {  	v4 =	vld [tilespmem:s24+$0x4C0]  }
0x111: {  	v14 =	vld [tilespmem:s24+$0x83F0]  }
0x112: {  	v37 =	vld [tilespmem:s24+$0x8450]  }
0x113: {  	v36 =	vld [tilespmem:s24+$0x450]  }
0x114: {  	v20 =	vld [tilespmem:s24+$0x8480]  }
0x115: {  	v26 =	vld [tilespmem:s24+$0x83B0]  }
0x116: {  	v35 =	vld [tilespmem:s24+$0x8410]  }
0x117: {  	v33 =	vld [tilespmem:s24+$0x410]  }
0x118: {  	v27 =	vld [tilespmem:s24+$0x8440]  }
0x119: {  	v61 =	vld [tilespmem:s24+$0x8370]  }
0x11a: {  	[tilespmem:$0x1FF60] =	vst v14;
	v14 =	vld [tilespmem:s24+$0x3F0]  }
0x11b: {  	[tilespmem:$0x1FF80] =	vst v26;
	v26 =	vld [tilespmem:s24+$0x3B0]  }
0x11c: {  	v28 =	vmul.f32 v28, v17;
	v17 =	vld [tilespmem:s24+$0x370]  }
0x11d: {  	v31 =	vmul.f32 v34, v31;
	v34 =	vld [tilespmem:s24+$0x3A0]  }
0x11e: {  	v10 =	vmul.f32 v10, v11;
	v11 =	vld [tilespmem:s24+$0x8400]  }
0x11f: {  	v15 =	vmul.f32 v16, v15;
	v16 =	vmul.f32 v30, v29;
	v30 =	vld [tilespmem:s24+$0x330]  }
0x120: {  	v29 =	vld [tilespmem:s24+$0x8360]  }
0x121: {  	v6 =	vmul.f32 v6, v7;
	v7 =	vmul.f32 v25, v24;
	v25 =	vld [tilespmem:s24+$0x3C0]  }
0x122: {  	[tilespmem:$0x1FFA0] =	vst v61;
	v61 =	vld [tilespmem:s24+$0x8320]  }
0x123: {  	v22 =	vmul.f32 v23, v22;
	v23 =	vmul.f32 v45, v44;
	v44 =	vld [tilespmem:s24+$0x380]  }
0x124: {  	v18 =	vmul.f32 v19, v18;
	v45 =	vld [tilespmem:s24+$0x200];
	v19 =	vadd.f32 $0.0e+00, v28  }
0x125: {  	v28 =	vld [tilespmem:s24+$0x83D0]  }
0x126: {  	v8 =	vmul.f32 v9, v8;
	v9 =	vadd.f32 v18, v19;
	v18 =	vadd.f32 $0.0e+00, v31;
	v31 =	vld [tilespmem:s24+$0x3D0]  }
0x127: {  	v19 =	vmul.f32 v49, v48;
	v48 =	vld [tilespmem:s24+$0x8330]  }
0x128: {  	[tilespmem:$0x1FF70] =	vst v14;
	v14 =	vld [tilespmem:s24+$0x8420]  }
0x129: {  	[tilespmem:$0x1FF90] =	vst v26;
	v26 =	vld [tilespmem:s24+$0x83E0]  }
0x12a: {  	[tilespmem:$0x1FFB0] =	vst v17;
	v17 =	vld [tilespmem:s24+$0x83A0];
	v7 =	vadd.f32 v7, v18;
	v8 =	vadd.f32 v8, v9  }
0x12b: {  	v18 =	vld [tilespmem:s24+$0x400];
	v9 =	vmul.f32 v57, v0;
	v19 =	vadd.f32 $0.0e+00, v19  }
0x12c: {  	v57 =	vld [tilespmem:s24+$0x360];
	v7 =	vadd.f32 v15, v7;
	v6 =	vadd.f32 v6, v8  }
0x12d: {  	v0 =	vld [tilespmem:s24+$0x82F0];
	v8 =	vmul.f32 v47, v46;
	v9 =	vadd.f32 $0.0e+00, v9;
	v15 =	vadd.f32 v16, v19  }
0x12e: {  	v12 =	vmul.f32 v13, v12;
	v46 =	vld [tilespmem:s24+$0x8390];
	v16 =	vmul.f32 v21, v32;
	v7 =	vadd.f32 v10, v7  }
0x12f: {  	v32 =	vld [tilespmem:s24+$0x82D0];
	v8 =	vadd.f32 v8, v9;
	v9 =	vmul.f32 v41, v40;
	v13 =	vadd.f32 v22, v15  }
0x130: {  	[tilespmem:$0x1FF20] =	vst v14;
	v14 =	vld [tilespmem:s24+$0x420];
	v10 =	vperm.xlane v6, v1  }
0x131: {  	[tilespmem:$0x1FF40] =	vst v26;
	v26 =	vld [tilespmem:s24+$0x3E0];
	v15 =	vperm.xlane v7, v1;
	v9 =	vadd.f32 v9, v8;
	v13 =	vadd.f32 v12, v13  }
0x132: {  	v4 =	vmul.f32 v4, v5;
	v40 =	vld [tilespmem:s24+$0x390];
	v17 =	vmul.f32 v34, v17;
	v6 =	vadd.f32 v6, v10  }
0x133: {  	v41 =	vld [tilespmem:s24+$0x8380];
	v7 =	vadd.f32 v7, v15;
	v9 =	vadd.f32 v16, v9;
	v16 =	vperm.xlane v13, v1  }
0x134: {  	v4 =	vadd.f32 $0.0e+00, v4;
	v34 =	vld [tilespmem:s24+$0x82C0];
	v11 =	vmul.f32 v18, v11;
	v19 =	vperm.xlane v6, v2  }
0x135: {  	v18 =	vmul.f32 v36, v37;
	v36 =	vld [tilespmem:s24+$0x8300];
	v5 =	vperm.xlane v7, v2;
	v21 =	vadd.f32 v13, v16  }
0x136: {  	v37 =	vld [tilespmem:s24+$0x8220];
	v22 =	vperm.xlane v9, v1;
	v6 =	vadd.f32 v6, v19;
	v19 =	vmul.f32 v55, v54  }
0x137: {  	[tilespmem:$0x1FF30] =	vst v14;
	v14 =	vld [tilespmem:s24+$0x480];
	v5 =	vadd.f32 v7, v5  }
0x138: {  	[tilespmem:$0x1FF50] =	vst v26;
	v26 =	vld [tilespmem:s24+$0x440];
	v7 =	vadd.f32 v9, v22;
	v9 =	vperm.xlane v21, v2;
	v19 =	vadd.f32 v19, v4  }
0x139: {  	v10 =	vld [tilespmem:s24+$0x83C0]  }
0x13a: {  	v15 =	vld [tilespmem:s24+$0x320];
	v49 =	vadd.f32 v21, v9;
	v21 =	vadd.f32 v23, v19;
	v23 =	vmul.f32 v39, v38  }
0x13b: {  	v40 =	vmul.f32 v40, v46;
	v46 =	vld [tilespmem:s24+$0x8200]  }
0x13c: {  	v8 =	vld [tilespmem:$0x1FF30];
	v14 =	vmul.f32 v14, v20;
	v20 =	vadd.f32 v23, v21  }
0x13d: {  	v26 =	vmul.f32 v26, v27;
	v27 =	vmul.f32 v3, v60;
	v3 =	vld [tilespmem:$0x1FF20]  }
0x13e: {  	v13 =	vld [tilespmem:s24+$0x8350];
	v55 =	vperm.xlane v20, v1  }
0x13f: {  	v11 =	vadd.f32 $0.0e+00, v11;
	v16 =	vld [tilespmem:s24+$0x350];
	v10 =	vmul.f32 v25, v10;
	v38 =	vmul.f32 v43, v42  }
0x140: {  	v25 =	vld [tilespmem:s24+$0x230];
	v43 =	vadd.f32 v20, v55;
	v20 =	vadd.f32 $0.0e+00, v26;
	v26 =	vmul.f32 v33, v35  }
0x141: {  	v9 =	vld [tilespmem:s24+$0x82B0]  }
0x142: {  	v11 =	vadd.f32 v26, v11;
	v26 =	vmul.f32 v8, v3;
	v3 =	vld [tilespmem:$0x1FF40]  }
0x143: {  	v22 =	vperm.xlane v6, v56;
	v8 =	vld [tilespmem:$0x1FF50]  }
0x144: {  	v28 =	vmul.f32 v31, v28;
	v19 =	vld [tilespmem:s24+$0x82E0]  }
0x145: {  	v54 =	vmul.f32 v63, v62;
	v10 =	vadd.f32 $0.0e+00, v10;
	v4 =	vadd.f32 v6, v22;
	v22 =	vld [tilespmem:s24+$0x2E0]  }
0x146: {  	v6 =	vperm.xlane v7, v2;
	v42 =	vmul.f32 v53, v52;
	v53 =	vld [tilespmem:s24+$0x310]  }
0x147: {  	v24 =	vperm.xlane v5, v56;
	v39 =	vmul.f32 v51, v50;
	v50 =	vld [tilespmem:s24+$0x340];
	v10 =	vadd.f32 v28, v10  }
0x148: {  	v7 =	vadd.f32 v7, v6;
	v14 =	vadd.f32 $0.0e+00, v14;
	v28 =	vmul.f32 v8, v3;
	v3 =	vld [tilespmem:$0x1FF60]  }
0x149: {  	v60 =	vmul.f32 v44, v41;
	v6 =	vperm.xlane v49, v56;
	v8 =	vld [tilespmem:$0x1FF70]  }
0x14a: {  	v41 =	vld [tilespmem:s24+$0x2C0];
	v5 =	vadd.f32 v5, v24;
	v24 =	vperm.xlane v7, v56;
	v14 =	vadd.f32 v54, v14  }
0x14b: {  	v58 =	vmul.f32 v59, v58;
	v44 =	vld [tilespmem:s24+$0x8280];
	v6 =	vadd.f32 v49, v6;
	v59 =	vadd.f32 v18, v20  }
0x14c: {  	v21 =	vld [tilespmem:s24+$0x8310];
	v7 =	vadd.f32 v7, v24;
	v14 =	vadd.f32 v42, v14  }
0x14d: {  	v49 =	vld [tilespmem:s24+$0x8340];
	v33 =	vadd.f32 $0.0e+00, v60;
	v27 =	vadd.f32 v27, v59  }
0x14e: {  	v14 =	vadd.f32 v38, v14;
	v10 =	vadd.f32 v28, v10;
	v28 =	vmul.f32 v8, v3;
	v3 =	vld [tilespmem:$0x1FF80]  }
0x14f: {  	v11 =	vadd.f32 v26, v11;
	v27 =	vadd.f32 v39, v27;
	v8 =	vld [tilespmem:$0x1FF90]  }
0x150: {  	v24 =	vld [tilespmem:s24+$0x8230];
	v31 =	vperm.xlane v43, v2;
	v33 =	vadd.f32 v40, v33;
	v26 =	vperm.xlane v14, v1  }
0x151: {  	v35 =	vld [tilespmem:s24+$0x2D0];
	v11 =	vadd.f32 v58, v11;
	v62 =	vperm.xlane v27, v1;
	v10 =	vadd.f32 v28, v10  }
0x152: {  	v42 =	vld [tilespmem:s24+$0x8250];
	v31 =	vadd.f32 v43, v31;
	v14 =	vadd.f32 v14, v26  }
0x153: {  	v18 =	vld [tilespmem:s24+$0x8270];
	v63 =	vadd.f32 v27, v62;
	v28 =	vperm.xlane v11, v1;
	v52 =	vperm.xlane v10, v1  }
0x154: {  	v20 =	vld [tilespmem:s24+$0x82A0];
	v17 =	vadd.f32 v17, v33;
	v51 =	vperm.xlane v14, v2;
	v54 =	vmul.f32 v8, v3  }
0x155: {  	v38 =	vld [tilespmem:s24+$0x300];
	v11 =	vadd.f32 v11, v28;
	v28 =	vperm.xlane v63, v2;
	v55 =	vadd.f32 v10, v52  }
0x156: {  	v40 =	vld [tilespmem:s24+$0x8210];
	v58 =	vperm.xlane v31, v56;
	v14 =	vadd.f32 v14, v51;
	v17 =	vadd.f32 v54, v17  }
0x157: {  	v10 =	vperm.xlane v11, v2;
	v28 =	vadd.f32 v63, v28;
	v59 =	vperm.xlane v55, v2;
	v2 =	vld [tilespmem:$0x1FFB0]  }
0x158: {  	v60 =	vperm.xlane v14, v56;
	v63 =	vperm.xlane v17, v1;
	v1 =	vld [tilespmem:$0x1FFA0]  }
0x159: {  	v43 =	vld [tilespmem:s24+$0x210];
	v62 =	vadd.f32 v11, v10;
	v10 =	vadd.f32 v31, v58;
	v31 =	vperm.xlane v28, v56  }
0x15a: {  	v29 =	vmul.f32 v57, v29;
	v39 =	vld [tilespmem:s24+$0x220];
	v11 =	vadd.f32 v14, v60  }
0x15b: {  	v26 =	vld [tilespmem:s24+$0x8260];
	v47 =	vadd.f32 v55, v59;
	v14 =	vadd.f32 v28, v31;
	v31 =	vperm.xlane v62, v56  }
0x15c: {  	v49 =	vmul.f32 v50, v49;
	v27 =	vld [tilespmem:s24+$0x8290];
	v28 =	vmul.f32 v30, v48;
	v48 =	vadd.f32 v17, v63  }
0x15d: {  	s26 =	simm.s32 $0x2000;
	s25 =	simm.s32 $0x10200;
	v30 =	vld [tilespmem:s24+$0x8240];
	v50 =	vperm.xlane v47, v56;
	v17 =	vadd.f32 v62, v31;
	v33 =	vmul.f32 v2, v1  }
.LBB2_2:
0x15e: {  	v52 =	vld [tilespmem:$0x1FFD0]  }
0x15f: {  	v31 =	vld [tilespmem:s24+$0x240]  }
0x160: {  	v15 =	vmul.f32 v15, v61;
	v19 =	vmul.f32 v22, v19  }
0x161: {  	v61 =	vld [tilespmem:s24+$0x280];
	v13 =	vmul.f32 v16, v13;
	v36 =	vmul.f32 v38, v36  }
0x162: {  	v22 =	vadd.f32 $0.0e+00, v49;
	v16 =	vld [tilespmem:s24+$0x250];
	v21 =	vmul.f32 v53, v21;
	v24 =	vmul.f32 v25, v24  }
0x163: {  	v12 =	vadd.f32 v47, v50;
	v25 =	vld [tilespmem:s24+$0x290];
	v63 =	vmul.f32 v45, v46;
	v51 =	vperm.xlane v48, v52  }
0x164: {  	v30 =	vmul.f32 v31, v30;
	v13 =	vadd.f32 v13, v22;
	v36 =	vadd.f32 $0.0e+00, v36  }
0x165: {  	v62 =	vld [tilespmem:s24+$0x260];
	v32 =	vmul.f32 v35, v32;
	v45 =	vadd.f32 $0.0e+00, v63;
	v1 =	vadd.f32 v48, v51  }
0x166: {  	v34 =	vmul.f32 v41, v34;
	v31 =	vld [tilespmem:s24+$0x2A0];
	v30 =	vadd.f32 $0.0e+00, v30;
	v13 =	vadd.f32 v29, v13  }
0x167: {  	v29 =	vmul.f32 v43, v40;
	v43 =	vld [tilespmem:s24+$0x270];
	v21 =	vadd.f32 v21, v36;
	v44 =	vmul.f32 v61, v44  }
0x168: {  	v46 =	vld [tilespmem:s24+$0x2B0];
	v16 =	vmul.f32 v16, v42;
	v25 =	vmul.f32 v25, v27;
	v27 =	vadd.f32 $0.0e+00, v34  }
0x169: {  	v47 =	vld [tilespmem:s24+$0x2F0];
	v22 =	vmul.f32 v39, v37;
	v29 =	vadd.f32 v29, v45;
	v39 =	vadd.f32 $0.0e+00, v44  }
0x16a: {  	v26 =	vmul.f32 v62, v26;
	v15 =	vadd.f32 v15, v21;
	v16 =	vadd.f32 v16, v30  }
0x16b: {  	v23 =	vld [tilespmem:$0x1FFC0];
	v20 =	vmul.f32 v31, v20;
	v27 =	vadd.f32 v32, v27;
	v25 =	vadd.f32 v25, v39  }
0x16c: {  	v22 =	vadd.f32 v22, v29;
	v29 =	vld [tilespmem:$0x1FFE0];
	v16 =	vadd.f32 v26, v16;
	v18 =	vmul.f32 v43, v18  }
0x16d: {  	v9 =	vmul.f32 v46, v9;
	v19 =	vadd.f32 v19, v27;
	v20 =	vadd.f32 v20, v25  }
0x16e: {  	v8 =	vmul.f32 v47, v0;
	v22 =	vadd.f32 v24, v22;
	v16 =	vadd.f32 v18, v16  }
0x16f: {  	v13 =	vadd.f32 v33, v13;
	v9 =	vadd.f32 v9, v20  }
0x170: {  	v8 =	vadd.f32 v8, v19;
	v20 =	vperm.xlane v22, v23;
	v21 =	vperm.xlane v16, v23  }
0x171: {  	v15 =	vadd.f32 v28, v15;
	v18 =	vperm.xlane v1, v29;
	v19 =	vperm.xlane v9, v23  }
0x172: {  	v20 =	vadd.f32 v22, v20;
	v16 =	vadd.f32 v16, v21;
	v21 =	vperm.xlane v8, v23  }
0x173: {  	v22 =	vperm.xlane v13, v23;
	v9 =	vadd.f32 v9, v19;
	v19 =	vperm.xlane v15, v23  }
0x174: {  	v24 =	vperm.xlane v20, v52;
	v25 =	vperm.xlane v16, v52;
	v8 =	vadd.f32 v8, v21  }
0x175: {  	v13 =	vadd.f32 v13, v22;
	v21 =	vperm.xlane v9, v52;
	v15 =	vadd.f32 v15, v19  }
0x176: {  	v19 =	vadd.f32 v20, v24;
	v16 =	vadd.f32 v16, v25;
	v20 =	vperm.xlane v8, v52  }
0x177: {  	v0 =	vld [tilespmem:$0x1FFF0];
	v22 =	vperm.xlane v13, v52;
	v9 =	vadd.f32 v9, v21;
	v21 =	vperm.xlane v15, v52  }
0x178: {  	v24 =	vperm.xlane v19, v29;
	v25 =	vperm.xlane v16, v29;
	v8 =	vadd.f32 v8, v20  }
0x179: {  	v13 =	vadd.f32 v13, v22;
	v20 =	vperm.xlane v9, v29;
	v15 =	vadd.f32 v15, v21  }
0x17a: {  	v19 =	vadd.f32 v19, v24;
	v16 =	vadd.f32 v16, v25;
	v21 =	vperm.xlane v8, v29  }
0x17b: {  	v22 =	vperm.xlane v13, v29;
	v9 =	vadd.f32 v9, v20;
	v20 =	vperm.xlane v15, v29  }
0x17c: {  	v24 =	vperm.xlane v19, v0;
	v25 =	vperm.xlane v16, v0;
	v8 =	vadd.f32 v8, v21  }
0x17d: {  	v13 =	vadd.f32 v13, v22;
	v21 =	vperm.xlane v9, v0;
	v15 =	vadd.f32 v15, v20  }
0x17e: {  	v19 =	vadd.f32 v19, v24;
	v16 =	vadd.f32 v16, v25;
	v20 =	vperm.xlane v8, v0  }
0x17f: {  	v18 =	vadd.f32 v1, v18;
	v9 =	vadd.f32 v9, v21;
	v21 =	vperm.xlane v15, v0  }
0x180: {  	v16 =	vsel vm0, v19, v16;
	v8 =	vadd.f32 v8, v20;
	v19 =	vperm.xlane v13, v0  }
0x181: {  	v9 =	vsel vm1, v16, v9;
	v15 =	vadd.f32 v15, v21;
	v16 =	vperm.xlane v18, v0  }
0x182: {  	v8 =	vsel vm2, v9, v8;
	v9 =	vadd.f32 v13, v19;
	v13 =	vperm.xlane v12, v0  }
0x183: {  	v8 =	vsel vm3, v8, v15;
	v15 =	vadd.f32 v18, v16;
	v16 =	vperm.xlane v17, v0  }
0x184: {  	v8 =	vsel vm4, v8, v9;
	v9 =	vadd.f32 v12, v13;
	v12 =	vperm.xlane v14, v0  }
0x185: {  	v8 =	vsel vm5, v8, v15;
	v13 =	vadd.f32 v17, v16;
	v15 =	vperm.xlane v11, v0  }
0x186: {  	v8 =	vsel vm6, v8, v9;
	v9 =	vadd.f32 v14, v12;
	v12 =	vperm.xlane v10, v0  }
0x187: {  	v8 =	vsel vm7, v8, v13;
	v11 =	vadd.f32 v11, v15;
	v13 =	vperm.xlane v7, v0  }
0x188: {  	v8 =	vsel vm8, v8, v9;
	v9 =	vadd.f32 v10, v12;
	v10 =	vperm.xlane v6, v0  }
0x189: {  	v8 =	vsel vm9, v8, v11;
	v7 =	vadd.f32 v7, v13;
	v11 =	vperm.xlane v5, v0  }
0x18a: {  	v8 =	vsel vm10, v8, v9;
	v6 =	vadd.f32 v6, v10;
	v9 =	vperm.xlane v4, v0  }
0x18b: {  	v7 =	vsel vm11, v8, v7;
	v5 =	vadd.f32 v5, v11  }
0x18c: {  	v6 =	vsel vm12, v7, v6;
	v4 =	vadd.f32 v4, v9  }
0x18d: {  	v5 =	vsel vm13, v6, v5  }
0x18e: {  	s25 =	sadd.s32 $0x10, s25;
	v4 =	vsel vm14, v5, v4  }
0x18f: {  	s24 =	sshra.s32 s26, $0x2;
	[tilespmem:s25+$0x0] =	vst v4  }
0x190: {  	v16 =	vld [tilespmem:s24+$0x85F0]  }
0x191: {  	v28 =	vld [tilespmem:s24+$0x5F0]  }
0x192: {  	v13 =	vld [tilespmem:s24+$0x85B0]  }
0x193: {  	v15 =	vld [tilespmem:s24+$0x5B0]  }
0x194: {  	v51 =	vld [tilespmem:s24+$0x85E0]  }
0x195: {  	v53 =	vld [tilespmem:s24+$0x5E0]  }
0x196: {  	v17 =	vld [tilespmem:s24+$0x8570]  }
0x197: {  	v14 =	vld [tilespmem:s24+$0x570]  }
0x198: {  	v11 =	vld [tilespmem:s24+$0x85A0]  }
0x199: {  	v30 =	vld [tilespmem:s24+$0x5A0]  }
0x19a: {  	v50 =	vld [tilespmem:s24+$0x85D0]  }
0x19b: {  	v59 =	vld [tilespmem:s24+$0x5D0]  }
0x19c: {  	v20 =	vld [tilespmem:s24+$0x8530]  }
0x19d: {  	v18 =	vld [tilespmem:s24+$0x530]  }
0x19e: {  	v0 =	vld [tilespmem:s24+$0x84F0]  }
0x19f: {  	v31 =	vld [tilespmem:s24+$0x8560]  }
0x1a0: {  	v49 =	vld [tilespmem:s24+$0x560]  }
0x1a1: {  	v60 =	vld [tilespmem:s24+$0x8590]  }
0x1a2: {  	v61 =	vld [tilespmem:s24+$0x590]  }
0x1a3: {  	[tilespmem:$0x1FE00] =	vst v0;
	v0 =	vld [tilespmem:s24+$0x4F0]  }
0x1a4: {  	v33 =	vld [tilespmem:s24+$0x85C0]  }
0x1a5: {  	v34 =	vld [tilespmem:s24+$0x5C0]  }
0x1a6: {  	v47 =	vld [tilespmem:s24+$0x8520]  }
0x1a7: {  	v48 =	vld [tilespmem:s24+$0x520]  }
0x1a8: {  	[tilespmem:$0x1FE10] =	vst v0;
	v0 =	vld [tilespmem:s24+$0x83F0]  }
0x1a9: {  	v62 =	vld [tilespmem:s24+$0x8550]  }
0x1aa: {  	v63 =	vld [tilespmem:s24+$0x550]  }
0x1ab: {  	v6 =	vld [tilespmem:s24+$0x8580]  }
0x1ac: {  	v5 =	vld [tilespmem:s24+$0x580]  }
0x1ad: {  	[tilespmem:$0x1FE40] =	vst v0;
	v0 =	vld [tilespmem:s24+$0x3F0]  }
0x1ae: {  	v27 =	vld [tilespmem:s24+$0x84B0]  }
0x1af: {  	v26 =	vld [tilespmem:s24+$0x4B0]  }
0x1b0: {  	v19 =	vld [tilespmem:s24+$0x84E0]  }
0x1b1: {  	v22 =	vld [tilespmem:s24+$0x4E0]  }
0x1b2: {  	[tilespmem:$0x1FE50] =	vst v0;
	v0 =	vld [tilespmem:s24+$0x8420]  }
0x1b3: {  	v10 =	vld [tilespmem:s24+$0x8510]  }
0x1b4: {  	v9 =	vld [tilespmem:s24+$0x510]  }
0x1b5: {  	v4 =	vld [tilespmem:s24+$0x8540]  }
0x1b6: {  	v3 =	vld [tilespmem:s24+$0x540]  }
0x1b7: {  	[tilespmem:$0x1FE20] =	vst v0;
	v0 =	vld [tilespmem:s24+$0x420]  }
0x1b8: {  	v21 =	vld [tilespmem:s24+$0x8470]  }
0x1b9: {  	v38 =	vld [tilespmem:s24+$0x470]  }
0x1ba: {  	v36 =	vld [tilespmem:s24+$0x84A0]  }
0x1bb: {  	v24 =	vld [tilespmem:s24+$0x4A0]  }
0x1bc: {  	[tilespmem:$0x1FE30] =	vst v0;
	v0 =	vld [tilespmem:s24+$0x83B0]  }
0x1bd: {  	v12 =	vld [tilespmem:s24+$0x84D0]  }
0x1be: {  	v54 =	vld [tilespmem:s24+$0x4D0]  }
0x1bf: {  	v2 =	vld [tilespmem:s24+$0x8500]  }
0x1c0: {  	v1 =	vld [tilespmem:s24+$0x500]  }
0x1c1: {  	[tilespmem:$0x1FE60] =	vst v0;
	v0 =	vld [tilespmem:s24+$0x3B0]  }
0x1c2: {  	v25 =	vld [tilespmem:s24+$0x8430]  }
0x1c3: {  	v40 =	vld [tilespmem:s24+$0x430]  }
0x1c4: {  	v35 =	vld [tilespmem:s24+$0x8460]  }
0x1c5: {  	v32 =	vld [tilespmem:s24+$0x460]  }
0x1c6: {  	[tilespmem:$0x1FE70] =	vst v0;
	v0 =	vld [tilespmem:s24+$0x8370]  }
0x1c7: {  	v42 =	vld [tilespmem:s24+$0x8490]  }
0x1c8: {  	v44 =	vld [tilespmem:s24+$0x490]  }
0x1c9: {  	v8 =	vld [tilespmem:s24+$0x84C0]  }
0x1ca: {  	v7 =	vld [tilespmem:s24+$0x4C0]  }
0x1cb: {  	[tilespmem:$0x1FE80] =	vst v0;
	v0 =	vld [tilespmem:s24+$0x370]  }
0x1cc: {  	v41 =	vld [tilespmem:s24+$0x8450]  }
0x1cd: {  	v43 =	vld [tilespmem:s24+$0x450]  }
0x1ce: {  	v55 =	vld [tilespmem:s24+$0x8480]  }
0x1cf: {  	v57 =	vld [tilespmem:s24+$0x480]  }
0x1d0: {  	v37 =	vld [tilespmem:s24+$0x83E0];
	v5 =	vmul.f32 v5, v6;
	[tilespmem:$0x1FE90] =	vst v0;
	v0 =	vmul.f32 v34, v33  }
0x1d1: {  	v39 =	vld [tilespmem:s24+$0x3E0];
	v6 =	vmul.f32 v59, v50;
	v53 =	vmul.f32 v53, v51  }
0x1d2: {  	v45 =	vld [tilespmem:s24+$0x8410];
	v16 =	vmul.f32 v28, v16;
	v3 =	vmul.f32 v3, v4;
	v0 =	vadd.f32 $0.0e+00, v0  }
0x1d3: {  	v46 =	vld [tilespmem:s24+$0x410];
	v28 =	vmul.f32 v61, v60;
	v4 =	vmul.f32 v15, v13;
	v5 =	vadd.f32 $0.0e+00, v5  }
0x1d4: {  	v56 =	vld [tilespmem:s24+$0x8440];
	v1 =	vmul.f32 v1, v2;
	v2 =	vadd.f32 $0.0e+00, v3;
	v0 =	vadd.f32 v6, v0  }
0x1d5: {  	v58 =	vld [tilespmem:s24+$0x440];
	v3 =	vmul.f32 v63, v62;
	v5 =	vadd.f32 v28, v5;
	v6 =	vmul.f32 v30, v11  }
0x1d6: {  	v50 =	vld [tilespmem:s24+$0x83D0];
	v13 =	vmul.f32 v49, v31;
	v1 =	vadd.f32 $0.0e+00, v1;
	v0 =	vadd.f32 v53, v0  }
0x1d7: {  	v51 =	vld [tilespmem:s24+$0x3D0];
	v2 =	vadd.f32 v3, v2;
	v5 =	vadd.f32 v6, v5;
	v6 =	vmul.f32 v9, v10  }
0x1d8: {  	v59 =	vld [tilespmem:s24+$0x8400];
	v3 =	vmul.f32 v14, v17;
	v0 =	vadd.f32 v16, v0  }
0x1d9: {  	v60 =	vld [tilespmem:s24+$0x400];
	v2 =	vadd.f32 v13, v2;
	v1 =	vadd.f32 v6, v1;
	v6 =	vmul.f32 v48, v47  }
0x1da: {  	v31 =	vld [tilespmem:s24+$0x360];
	v7 =	vmul.f32 v7, v8;
	v4 =	vadd.f32 v4, v5;
	v5 =	vperm.xlane v0, v23  }
0x1db: {  	v49 =	vld [tilespmem:s24+$0x8390];
	v2 =	vadd.f32 v3, v2;
	v1 =	vadd.f32 v6, v1;
	v6 =	vmul.f32 v18, v20  }
0x1dc: {  	v61 =	vld [tilespmem:s24+$0x8320];
	v40 =	vmul.f32 v40, v25;
	v9 =	vperm.xlane v4, v23;
	v5 =	vadd.f32 v0, v5  }
0x1dd: {  	v15 =	vld [tilespmem:s24+$0x320];
	v25 =	vmul.f32 v58, v56;
	v1 =	vadd.f32 v6, v1;
	v6 =	vperm.xlane v2, v23  }
0x1de: {  	v58 =	vmul.f32 v32, v35;
	v32 =	vld [tilespmem:s24+$0x82D0];
	v4 =	vadd.f32 v4, v9;
	v9 =	vperm.xlane v5, v52  }
0x1df: {  	v35 =	vld [tilespmem:s24+$0x2D0];
	v2 =	vadd.f32 v2, v6;
	v6 =	vadd.f32 $0.0e+00, v7;
	v7 =	vmul.f32 v54, v12  }
0x1e0: {  	v37 =	vmul.f32 v39, v37;
	v39 =	vld [tilespmem:s24+$0x220];
	v8 =	vperm.xlane v4, v52;
	v5 =	vadd.f32 v5, v9  }
0x1e1: {  	v41 =	vmul.f32 v43, v41;
	v43 =	vld [tilespmem:s24+$0x210];
	v6 =	vadd.f32 v7, v6;
	v7 =	vmul.f32 v22, v19  }
0x1e2: {  	v62 =	vld [tilespmem:s24+$0x8360];
	v8 =	vadd.f32 v4, v8;
	v4 =	vperm.xlane v2, v52;
	v9 =	vperm.xlane v5, v29  }
0x1e3: {  	v6 =	vadd.f32 v7, v6;
	v7 =	vld [tilespmem:$0x1FE10]  }
0x1e4: {  	v2 =	vadd.f32 v2, v4;
	v4 =	vadd.f32 v5, v9;
	v5 =	vld [tilespmem:$0x1FE00]  }
0x1e5: {  	v63 =	vadd.f32 $0.0e+00, v25;
	v25 =	vld [tilespmem:s24+$0x230]  }
0x1e6: {  	v28 =	vld [tilespmem:s24+$0x8330]  }
0x1e7: {  	v13 =	vld [tilespmem:s24+$0x8350]  }
0x1e8: {  	v3 =	vld [tilespmem:s24+$0x3C0];
	v17 =	vperm.xlane v8, v29  }
0x1e9: {  	v33 =	vld [tilespmem:s24+$0x83A0];
	v7 =	vmul.f32 v7, v5  }
0x1ea: {  	v34 =	vld [tilespmem:s24+$0x3A0];
	v5 =	vadd.f32 v8, v17;
	v17 =	vperm.xlane v2, v29  }
0x1eb: {  	v30 =	vld [tilespmem:s24+$0x330];
	v18 =	vmul.f32 v57, v55;
	v8 =	vmul.f32 v26, v27;
	v27 =	vadd.f32 v7, v6  }
0x1ec: {  	v11 =	vld [tilespmem:s24+$0x83C0];
	v6 =	vadd.f32 v2, v17  }
0x1ed: {  	v10 =	vld [tilespmem:s24+$0x390];
	v2 =	vadd.f32 $0.0e+00, v18;
	v17 =	vmul.f32 v44, v42;
	v18 =	vperm.xlane v27, v23  }
0x1ee: {  	v53 =	vld [tilespmem:s24+$0x310];
	v20 =	vmul.f32 v24, v36  }
0x1ef: {  	v16 =	vld [tilespmem:s24+$0x350];
	v2 =	vadd.f32 v17, v2;
	v17 =	vadd.f32 v27, v18;
	v27 =	vmul.f32 v60, v59  }
0x1f0: {  	v48 =	vld [tilespmem:s24+$0x380]  }
0x1f1: {  	v47 =	vld [tilespmem:$0x1FE50];
	v36 =	vmul.f32 v46, v45;
	v2 =	vadd.f32 v20, v2;
	v27 =	vadd.f32 $0.0e+00, v27  }
0x1f2: {  	v46 =	vld [tilespmem:$0x1FE30];
	v14 =	vperm.xlane v1, v23  }
0x1f3: {  	v2 =	vadd.f32 v8, v2;
	v8 =	vadd.f32 v36, v27;
	v27 =	vld [tilespmem:$0x1FE20]  }
0x1f4: {  	v1 =	vadd.f32 v1, v14;
	v14 =	vld [tilespmem:s24+$0x8380]  }
0x1f5: {  	v3 =	vmul.f32 v3, v11;
	v28 =	vmul.f32 v30, v28;
	v30 =	vld [tilespmem:s24+$0x8240]  }
0x1f6: {  	v24 =	vld [tilespmem:s24+$0x8230]  }
0x1f7: {  	v45 =	vmul.f32 v51, v50;
	v55 =	vld [tilespmem:$0x1FE70];
	v3 =	vadd.f32 $0.0e+00, v3  }
0x1f8: {  	v0 =	vld [tilespmem:s24+$0x82F0];
	v27 =	vmul.f32 v46, v27  }
0x1f9: {  	v3 =	vadd.f32 v45, v3;
	v45 =	vld [tilespmem:s24+$0x200];
	v14 =	vmul.f32 v48, v14  }
0x1fa: {  	v41 =	vadd.f32 v41, v63;
	v8 =	vadd.f32 v27, v8;
	v27 =	vld [tilespmem:$0x1FE40]  }
0x1fb: {  	v10 =	vmul.f32 v10, v49;
	v12 =	vld [tilespmem:s24+$0x8340];
	v3 =	vadd.f32 v37, v3;
	v14 =	vadd.f32 $0.0e+00, v14  }
0x1fc: {  	v37 =	vld [tilespmem:s24+$0x8220];
	v26 =	vmul.f32 v38, v21;
	v38 =	vadd.f32 v58, v41;
	v11 =	vperm.xlane v17, v52  }
0x1fd: {  	v19 =	vld [tilespmem:s24+$0x82E0];
	v22 =	vperm.xlane v1, v52;
	v10 =	vadd.f32 v10, v14;
	v14 =	vmul.f32 v34, v33  }
0x1fe: {  	v9 =	vld [tilespmem:s24+$0x82B0];
	v11 =	vadd.f32 v17, v11;
	v17 =	vadd.f32 v26, v38;
	v26 =	vperm.xlane v2, v23  }
0x1ff: {  	v1 =	vadd.f32 v1, v22;
	v10 =	vadd.f32 v14, v10;
	v14 =	vld [tilespmem:$0x1FE60];
	v27 =	vmul.f32 v47, v27  }
0x200: {  	v22 =	vld [tilespmem:s24+$0x2E0];
	v2 =	vadd.f32 v2, v26  }
0x201: {  	v21 =	vld [tilespmem:s24+$0x8310];
	v7 =	vperm.xlane v1, v29;
	v3 =	vadd.f32 v27, v3  }
0x202: {  	v34 =	vld [tilespmem:s24+$0x82C0];
	v50 =	vperm.xlane v2, v52  }
0x203: {  	v41 =	vld [tilespmem:s24+$0x2C0];
	v7 =	vadd.f32 v1, v7;
	v51 =	vperm.xlane v3, v23  }
0x204: {  	v42 =	vld [tilespmem:s24+$0x8250];
	v14 =	vmul.f32 v55, v14;
	v2 =	vadd.f32 v2, v50;
	v8 =	vadd.f32 v40, v8  }
0x205: {  	v44 =	vld [tilespmem:s24+$0x8280];
	v48 =	vperm.xlane v17, v23;
	v57 =	vperm.xlane v11, v29;
	v3 =	vadd.f32 v3, v51  }
0x206: {  	v1 =	vld [tilespmem:s24+$0x340];
	v58 =	vadd.f32 v14, v10;
	v59 =	vperm.xlane v2, v29;
	v49 =	vperm.xlane v8, v23  }
0x207: {  	v18 =	vld [tilespmem:s24+$0x8270];
	v17 =	vadd.f32 v17, v48;
	v10 =	vadd.f32 v11, v57;
	v14 =	vperm.xlane v3, v52  }
0x208: {  	v11 =	vadd.f32 v2, v59;
	v2 =	vld [tilespmem:$0x1FE80];
	v8 =	vadd.f32 v8, v49  }
0x209: {  	v54 =	vperm.xlane v17, v52;
	v47 =	vadd.f32 v3, v14;
	v3 =	vld [tilespmem:$0x1FE90]  }
0x20a: {  	v20 =	vld [tilespmem:s24+$0x82A0];
	v56 =	vperm.xlane v8, v52  }
0x20b: {  	p0 =	sne.s32 s26, $0x1F000;
	v36 =	vld [tilespmem:s24+$0x8300];
	v17 =	vadd.f32 v17, v54  }
.Ltmp0:
0x20c: {  	v38 =	vld [tilespmem:s24+$0x300];
	v8 =	vadd.f32 v8, v56;
	(pc) =	sbr.rel @p0 .LBB2_2-.Ltmp0, $4  }
0x20d: {  	v63 =	vperm.xlane v58, v23;
	v26 =	vld [tilespmem:s24+$0x8260];
	v60 =	vperm.xlane v17, v29  }
0x20e: {  	v46 =	vld [tilespmem:s24+$0x8200];
	v33 =	vmul.f32 v3, v2;
	v2 =	vperm.xlane v8, v29  }
0x20f: {  	v48 =	vadd.f32 v58, v63;
	v40 =	vld [tilespmem:s24+$0x8210];
	v49 =	vmul.f32 v1, v12;
	v14 =	vadd.f32 v17, v60  }
0x210: {  	s26 =	sadd.s32 $0x1000, s26;
	v27 =	vld [tilespmem:s24+$0x8290];
	v50 =	vperm.xlane v47, v29;
	v29 =	vmul.f32 v31, v62;
	v17 =	vadd.f32 v8, v2  }
0x211: {  	v2 =	vmul.f32 v15, v61;
	v51 =	vld [tilespmem:$0x1FFD0]  }
0x212: {  	v1 =	vld [tilespmem:s24+$0x240];
	v15 =	vmul.f32 v22, v19;
	v13 =	vmul.f32 v16, v13  }
0x213: {  	v12 =	vld [tilespmem:s24+$0x280];
	v19 =	vadd.f32 $0.0e+00, v49;
	v22 =	vmul.f32 v38, v36;
	v21 =	vmul.f32 v53, v21  }
0x214: {  	v16 =	vld [tilespmem:s24+$0x250];
	v23 =	vmul.f32 v25, v24;
	v25 =	vmul.f32 v35, v32  }
0x215: {  	v24 =	vld [tilespmem:s24+$0x290];
	v41 =	vmul.f32 v41, v34;
	v8 =	vadd.f32 v47, v50;
	v13 =	vadd.f32 v13, v19  }
0x216: {  	v31 =	vld [tilespmem:s24+$0x260];
	v22 =	vadd.f32 $0.0e+00, v22;
	v47 =	vmul.f32 v45, v46;
	v3 =	vperm.xlane v48, v51  }
0x217: {  	v13 =	vadd.f32 v29, v13;
	v29 =	vmul.f32 v43, v40;
	v1 =	vmul.f32 v1, v30;
	v30 =	vld [tilespmem:s24+$0x2A0]  }
0x218: {  	v21 =	vadd.f32 v21, v22;
	v12 =	vmul.f32 v12, v44;
	v3 =	vadd.f32 v48, v3;
	v48 =	vld [tilespmem:s24+$0x270]  }
0x219: {  	v50 =	vld [tilespmem:s24+$0x2F0];
	v22 =	vadd.f32 $0.0e+00, v47;
	v16 =	vmul.f32 v16, v42;
	v1 =	vadd.f32 $0.0e+00, v1  }
0x21a: {  	v49 =	vld [tilespmem:s24+$0x2B0];
	v24 =	vmul.f32 v24, v27;
	v27 =	vadd.f32 $0.0e+00, v41;
	v12 =	vadd.f32 $0.0e+00, v12  }
0x21b: {  	v22 =	vadd.f32 v29, v22;
	v1 =	vadd.f32 v16, v1;
	v16 =	vmul.f32 v31, v26  }
0x21c: {  	v19 =	vmul.f32 v39, v37;
	v12 =	vadd.f32 v24, v12;
	v24 =	vadd.f32 v25, v27  }
0x21d: {  	v20 =	vmul.f32 v30, v20;
	v1 =	vadd.f32 v16, v1;
	v16 =	vmul.f32 v48, v18;
	v48 =	vld [tilespmem:$0x1FFC0]  }
0x21e: {  	v0 =	vmul.f32 v50, v0;
	v2 =	vadd.f32 v2, v21;
	v50 =	vld [tilespmem:$0x1FFE0];
	v19 =	vadd.f32 v19, v22  }
0x21f: {  	v9 =	vmul.f32 v49, v9;
	v15 =	vadd.f32 v15, v24;
	v12 =	vadd.f32 v20, v12  }
0x220: {  	v18 =	vadd.f32 v23, v19;
	v1 =	vadd.f32 v16, v1  }
0x221: {  	v13 =	vadd.f32 v33, v13;
	v9 =	vadd.f32 v9, v12  }
0x222: {  	v0 =	vadd.f32 v0, v15;
	v16 =	vperm.xlane v18, v48;
	v19 =	vperm.xlane v1, v48  }
0x223: {  	v2 =	vadd.f32 v28, v2;
	v12 =	vperm.xlane v3, v50;
	v15 =	vperm.xlane v9, v48  }
0x224: {  	v16 =	vadd.f32 v18, v16;
	v1 =	vadd.f32 v1, v19;
	v18 =	vperm.xlane v0, v48  }
0x225: {  	v9 =	vadd.f32 v9, v15;
	v15 =	vperm.xlane v2, v48;
	v19 =	vperm.xlane v13, v48  }
0x226: {  	v20 =	vperm.xlane v16, v51;
	v21 =	vperm.xlane v1, v51;
	v0 =	vadd.f32 v0, v18  }
0x227: {  	v18 =	vperm.xlane v9, v51;
	v2 =	vadd.f32 v2, v15;
	v13 =	vadd.f32 v13, v19  }
0x228: {  	v15 =	vadd.f32 v16, v20;
	v1 =	vadd.f32 v1, v21;
	v16 =	vperm.xlane v0, v51  }
0x229: {  	v23 =	vld [tilespmem:$0x1FFF0];
	v9 =	vadd.f32 v9, v18;
	v18 =	vperm.xlane v2, v51;
	v19 =	vperm.xlane v13, v51  }
0x22a: {  	v20 =	vperm.xlane v15, v50;
	v21 =	vperm.xlane v1, v50;
	v0 =	vadd.f32 v0, v16  }
0x22b: {  	v16 =	vperm.xlane v9, v50;
	v2 =	vadd.f32 v2, v18;
	v13 =	vadd.f32 v13, v19  }
0x22c: {  	v15 =	vadd.f32 v15, v20;
	v1 =	vadd.f32 v1, v21;
	v18 =	vperm.xlane v0, v50  }
0x22d: {  	v9 =	vadd.f32 v9, v16;
	v16 =	vperm.xlane v2, v50;
	v19 =	vperm.xlane v13, v50  }
0x22e: {  	v20 =	vperm.xlane v15, v23;
	v21 =	vperm.xlane v1, v23;
	v0 =	vadd.f32 v0, v18  }
0x22f: {  	v18 =	vperm.xlane v9, v23;
	v2 =	vadd.f32 v2, v16;
	v13 =	vadd.f32 v13, v19  }
0x230: {  	v15 =	vadd.f32 v15, v20;
	v1 =	vadd.f32 v1, v21;
	v16 =	vperm.xlane v0, v23  }
0x231: {  	v3 =	vadd.f32 v3, v12;
	v9 =	vadd.f32 v9, v18;
	v18 =	vperm.xlane v2, v23  }
0x232: {  	v12 =	vperm.xlane v13, v23;
	v1 =	vsel vm0, v15, v1;
	v0 =	vadd.f32 v0, v16  }
0x233: {  	v2 =	vadd.f32 v2, v18;
	v1 =	vsel vm1, v1, v9;
	v9 =	vperm.xlane v3, v23  }
0x234: {  	v52 =	vadd.f32 v13, v12;
	v12 =	vperm.xlane v8, v23;
	v0 =	vsel vm2, v1, v0  }
0x235: {  	v0 =	vsel vm3, v0, v2;
	v53 =	vadd.f32 v3, v9;
	v3 =	vperm.xlane v17, v23  }
0x236: {  	v54 =	vadd.f32 v8, v12;
	v8 =	vperm.xlane v14, v23;
	v0 =	vsel vm4, v0, v52  }
0x237: {  	v0 =	vsel vm5, v0, v53;
	v55 =	vadd.f32 v17, v3;
	v3 =	vperm.xlane v11, v23  }
0x238: {  	v56 =	vadd.f32 v14, v8;
	v8 =	vperm.xlane v10, v23;
	v0 =	vsel vm6, v0, v54  }
0x239: {  	v0 =	vsel vm7, v0, v55;
	v57 =	vadd.f32 v11, v3;
	v3 =	vperm.xlane v7, v23  }
0x23a: {  	v58 =	vadd.f32 v10, v8;
	v8 =	vperm.xlane v6, v23;
	v0 =	vsel vm8, v0, v56  }
0x23b: {  	v0 =	vsel vm9, v0, v57;
	v59 =	vadd.f32 v7, v3;
	v3 =	vperm.xlane v5, v23  }
0x23c: {  	v60 =	vadd.f32 v6, v8;
	v6 =	vperm.xlane v4, v23;
	v0 =	vsel vm10, v0, v58  }
0x23d: {  	v0 =	vsel vm11, v0, v59;
	v61 =	vadd.f32 v5, v3  }
0x23e: {  	v62 =	vadd.f32 v4, v6;
	v0 =	vsel vm12, v0, v60  }
0x23f: {  	v0 =	vsel vm13, v0, v61  }
0x240: {  	s29 =	sadd.s32 $0x10, s25;
	v0 =	vsel vm14, v0, v62  }
0x241: {  	s30 =	simm.s32 $0x0;
	s24 =	simm.s32 $0x10200;
	[tilespmem:s29+$0x0] =	vst v0  }
0x242: {  	[hbm4b:s6+s30] =	stream.linear.scatter [tilespmem:s24], [sflag:$0x3], $0x200, $0x38;
	[tilespmem:$0x10400] =	vst v63  }
0x243: {  	_ =	swait.ge [sflag:s11], $0x200  }
0x244: {  	[sflag:s11] =	ssyncset.done $0x0  }
0x245: {  	[sflag:s11] =	ssyncadd.s32 $0xFFFFFE00  }
0x246: {  	[tilespmem:s30], [sflag:$0x3] =	stream.linear.gather [hbm4b:s7+s30], $0x200, $0x38;
	[tilespmem:$0x10400] =	vst v63  }
0x247: {  	_ =	swait.ge [sflag:s11], $0x200  }
0x248: {  	[sflag:s11] =	ssyncset.done $0x0  }
0x249: {  	[sflag:s11] =	ssyncadd.s32 $0xFFFFFE00  }
0x24a: {  	[tilespmem:s12], [sflag:$0x2] =	stream.linear.gather [hbm4b:s8+s30], $0x8000, $0x38;
	[tilespmem:$0x10400] =	vst v63  }
0x24b: {  	_ = 	snop  }
0x24c: {  	[tilespmem:s14], [sflag:$0x1] =	stream.indirect.gather [hbm4b:s3+s13], $0x40, s30, s13, $0xb8;
	[tilespmem:$0x10400] =	vst v63  }
0x24d: {  	_ = 	snop  }
0x24e: {  	[tilespmem:s15], [sflag:$0x1] =	stream.indirect.gather [hbm4b:s3+s13], $0x40, s13, s13, $0xb8;
	[tilespmem:$0x10400] =	vst v63  }
0x24f: {  	_ = 	snop  }
0x250: {  	[tilespmem:s17], [sflag:$0x1] =	stream.indirect.gather [hbm4b:s3+s13], $0x40, s16, s13, $0xb8;
	[tilespmem:$0x10400] =	vst v63  }
0x251: {  	_ = 	snop  }
0x252: {  	[tilespmem:s19], [sflag:$0x1] =	stream.indirect.gather [hbm4b:s3+s13], $0x40, s18, s13, $0xb8;
	[tilespmem:$0x10400] =	vst v63  }
0x253: {  	_ =	swait.ge [sflag:s20], $0x8000  }
0x254: {  	[sflag:s20] =	ssyncset.done $0x0  }
0x255: {  	[sflag:s20] =	ssyncadd.s32 $0xFFFF8000  }
0x256: {  	_ =	swait.ge [sflag:s21], $0x2000  }
0x257: {  	[sflag:s21] =	ssyncset.done $0x0  }
0x258: {  	[sflag:s21] =	ssyncadd.s32 $0xFFFFE000  }
0x259: {  	_ =	swait.ge [sflag:s21], $0x2000  }
0x25a: {  	[sflag:s21] =	ssyncset.done $0x0  }
0x25b: {  	[sflag:s21] =	ssyncadd.s32 $0xFFFFE000  }
0x25c: {  	_ =	swait.ge [sflag:s21], $0x2000  }
0x25d: {  	[sflag:s21] =	ssyncset.done $0x0  }
0x25e: {  	[sflag:s21] =	ssyncadd.s32 $0xFFFFE000  }
0x25f: {  	_ =	swait.ge [sflag:s21], $0x2000  }
0x260: {  	[sflag:s21] =	ssyncset.done $0x0  }
0x261: {  	s31 =	simm.s32 $0x0;
	[sflag:s21] =	ssyncadd.s32 $0xFFFFE000  }
0x262: {  	v3 =	vld [tilespmem:s31+$0x85F0]  }
0x263: {  	v1 =	vld [tilespmem:s31+$0x5F0]  }
0x264: {  	v7 =	vld [tilespmem:s31+$0x85B0]  }
0x265: {  	v6 =	vld [tilespmem:s31+$0x5B0]  }
0x266: {  	v4 =	vld [tilespmem:s31+$0x85E0]  }
0x267: {  	v5 =	vld [tilespmem:s31+$0x5E0]  }
0x268: {  	v18 =	vld [tilespmem:s31+$0x8570]  }
0x269: {  	v11 =	vld [tilespmem:s31+$0x570]  }
0x26a: {  	v8 =	vld [tilespmem:s31+$0x85A0]  }
0x26b: {  	v13 =	vld [tilespmem:s31+$0x5A0]  }
0x26c: {  	v14 =	vld [tilespmem:s31+$0x85D0]  }
0x26d: {  	v15 =	vld [tilespmem:s31+$0x5D0]  }
0x26e: {  	v24 =	vld [tilespmem:s31+$0x8530]  }
0x26f: {  	v25 =	vld [tilespmem:s31+$0x530]  }
0x270: {  	v17 =	vld [tilespmem:s31+$0x8560]  }
0x271: {  	v28 =	vld [tilespmem:s31+$0x560]  }
0x272: {  	v16 =	vld [tilespmem:s31+$0x8590]  }
0x273: {  	v29 =	vld [tilespmem:s31+$0x590]  }
0x274: {  	v10 =	vld [tilespmem:s31+$0x85C0]  }
0x275: {  	v20 =	vld [tilespmem:s31+$0x5C0]  }
0x276: {  	v30 =	vld [tilespmem:s31+$0x84F0]  }
0x277: {  	v31 =	vld [tilespmem:s31+$0x4F0]  }
0x278: {  	v32 =	vld [tilespmem:s31+$0x8520]  }
0x279: {  	v33 =	vld [tilespmem:s31+$0x520]  }
0x27a: {  	v34 =	vld [tilespmem:s31+$0x8550]  }
0x27b: {  	v35 =	vld [tilespmem:s31+$0x550]  }
0x27c: {  	v21 =	vld [tilespmem:s31+$0x8580]  }
0x27d: {  	v36 =	vld [tilespmem:s31+$0x580]  }
0x27e: {  	v37 =	vld [tilespmem:s31+$0x84B0]  }
0x27f: {  	v38 =	vld [tilespmem:s31+$0x4B0]  }
0x280: {  	v39 =	vld [tilespmem:s31+$0x84E0]  }
0x281: {  	v40 =	vld [tilespmem:s31+$0x4E0]  }
0x282: {  	v41 =	vld [tilespmem:s31+$0x8510]  }
0x283: {  	v42 =	vld [tilespmem:s31+$0x510]  }
0x284: {  	v43 =	vld [tilespmem:s31+$0x8540]  }
0x285: {  	v44 =	vld [tilespmem:s31+$0x540]  }
0x286: {  	v45 =	vld [tilespmem:s31+$0x8470]  }
0x287: {  	v46 =	vld [tilespmem:s31+$0x470]  }
0x288: {  	v47 =	vld [tilespmem:s31+$0x84A0]  }
0x289: {  	v27 =	vld [tilespmem:s31+$0x4A0]  }
0x28a: {  	v49 =	vld [tilespmem:s31+$0x84D0]  }
0x28b: {  	v9 =	vld [tilespmem:s31+$0x4D0]  }
0x28c: {  	v2 =	vld [tilespmem:s31+$0x8500]  }
0x28d: {  	v52 =	vld [tilespmem:s31+$0x500]  }
0x28e: {  	v55 =	vld [tilespmem:s31+$0x8430]  }
0x28f: {  	v54 =	vld [tilespmem:s31+$0x430]  }
0x290: {  	v63 =	vld [tilespmem:s31+$0x8460]  }
0x291: {  	v56 =	vld [tilespmem:s31+$0x460]  }
0x292: {  	v57 =	vld [tilespmem:s31+$0x8490]  }
0x293: {  	v58 =	vld [tilespmem:s31+$0x490]  }
0x294: {  	v59 =	vld [tilespmem:s31+$0x84C0]  }
0x295: {  	v60 =	vld [tilespmem:s31+$0x4C0]  }
0x296: {  	v53 =	vld [tilespmem:s31+$0x83F0]  }
0x297: {  	v61 =	vld [tilespmem:s31+$0x3F0]  }
0x298: {  	v62 =	vld [tilespmem:s31+$0x8420]  }
0x299: {  	v12 =	vld [tilespmem:s31+$0x480]  }
0x29a: {  	v26 =	vld [tilespmem:s31+$0x410]  }
0x29b: {  	v22 =	vld [tilespmem:s31+$0x8440]  }
0x29c: {  	v19 =	vld [tilespmem:s31+$0x440]  }
0x29d: {  	v0 =	vld [tilespmem:s31+$0x8370]  }
0x29e: {  	[tilespmem:$0x1FCB0] =	vst v63;
	v63 =	vld [tilespmem:s31+$0x420]  }
0x29f: {  	[tilespmem:$0x1FD10] =	vst v61;
	v61 =	vld [tilespmem:s31+$0x8450]  }
0x2a0: {  	[tilespmem:$0x1FCC0] =	vst v62;
	v62 =	vld [tilespmem:s31+$0x450]  }
0x2a1: {  	[tilespmem:$0x1FD00] =	vst v53;
	v53 =	vld [tilespmem:s31+$0x83B0]  }
0x2a2: {  	[tilespmem:$0x1FD40] =	vst v0;
	v0 =	vmul.f32 v20, v10;
	v10 =	vld [tilespmem:s31+$0x370]  }
0x2a3: {  	v20 =	vld [tilespmem:s31+$0x83A0]  }
0x2a4: {  	v36 =	vmul.f32 v36, v21;
	v21 =	vld [tilespmem:s31+$0x3A0]  }
0x2a5: {  	v14 =	vmul.f32 v15, v14;
	v15 =	vmul.f32 v44, v43;
	v43 =	vld [tilespmem:s31+$0x8400]  }
0x2a6: {  	v1 =	vmul.f32 v1, v3;
	v44 =	vld [tilespmem:s31+$0x400]  }
0x2a7: {  	v3 =	vmul.f32 v6, v7;
	v6 =	vmul.f32 v13, v8;
	v13 =	vld [tilespmem:s31+$0x8330]  }
0x2a8: {  	v4 =	vmul.f32 v5, v4;
	v5 =	vmul.f32 v29, v16;
	v16 =	vld [tilespmem:s31+$0x330]  }
0x2a9: {  	v28 =	vmul.f32 v28, v17;
	v17 =	vld [tilespmem:s31+$0x360]  }
0x2aa: {  	v7 =	vmul.f32 v11, v18;
	v11 =	vld [tilespmem:s31+$0x8390]  }
0x2ab: {  	v29 =	vld [tilespmem:s31+$0x350];
	v0 =	vadd.f32 $0.0e+00, v0  }
0x2ac: {  	v8 =	vadd.f32 $0.0e+00, v15;
	v15 =	vmul.f32 v35, v34;
	v34 =	vld [tilespmem:s31+$0x3C0]  }
0x2ad: {  	v0 =	vadd.f32 v14, v0;
	v14 =	vadd.f32 $0.0e+00, v36;
	v36 =	vld [tilespmem:s31+$0x3D0]  }
0x2ae: {  	[tilespmem:$0x1FD20] =	vst v53;
	v53 =	vld [tilespmem:s31+$0x3B0]  }
0x2af: {  	[tilespmem:$0x1FCD0] =	vst v63;
	v63 =	vld [tilespmem:s31+$0x8480]  }
0x2b0: {  	[tilespmem:$0x1FD50] =	vst v10;
	v10 =	vld [tilespmem:s31+$0x83D0];
	v0 =	vadd.f32 v4, v0;
	v4 =	vmul.f32 v52, v2  }
0x2b1: {  	v5 =	vadd.f32 v5, v14;
	v14 =	vld [tilespmem:s31+$0x8360]  }
0x2b2: {  	v35 =	vadd.f32 $0.0e+00, v4;
	v4 =	vmul.f32 v42, v41;
	v41 =	vld [tilespmem:s31+$0x8270]  }
0x2b3: {  	v5 =	vadd.f32 v6, v5;
	v0 =	vadd.f32 v1, v0;
	[tilespmem:$0x1FD30] =	vst v53;
	v53 =	vld [tilespmem:s31+$0x83E0]  }
0x2b4: {  	v6 =	vadd.f32 v15, v8;
	v1 =	vadd.f32 v4, v35;
	v4 =	vmul.f32 v33, v32;
	v32 =	vld [tilespmem:s31+$0x390]  }
0x2b5: {  	v33 =	vld [tilespmem:s31+$0x83C0]  }
0x2b6: {  	v6 =	vadd.f32 v28, v6;
	v28 =	vld [tilespmem:s31+$0x320]  }
0x2b7: {  	v3 =	vadd.f32 v3, v5;
	v5 =	vperm.xlane v0, v48;
	v35 =	vld [tilespmem:s31+$0x8380]  }
0x2b8: {  	v43 =	vmul.f32 v44, v43;
	v44 =	vmul.f32 v36, v10;
	v10 =	vld [tilespmem:$0x1FCC0]  }
0x2b9: {  	v36 =	vld [tilespmem:s31+$0x2C0];
	v0 =	vadd.f32 v0, v5  }
0x2ba: {  	v8 =	vperm.xlane v3, v48;
	v1 =	vadd.f32 v4, v1;
	v4 =	vmul.f32 v25, v24;
	v24 =	vld [tilespmem:s31+$0x8320]  }
0x2bb: {  	v5 =	vadd.f32 v7, v6;
	v25 =	vld [tilespmem:s31+$0x8350];
	v6 =	vperm.xlane v0, v51  }
0x2bc: {  	v7 =	vmul.f32 v60, v59;
	v3 =	vadd.f32 v3, v8;
	v8 =	vld [tilespmem:s31+$0x82F0];
	v1 =	vadd.f32 v4, v1  }
0x2bd: {  	v4 =	vperm.xlane v5, v48;
	[tilespmem:$0x1FCE0] =	vst v53;
	v53 =	vld [tilespmem:s31+$0x3E0];
	v0 =	vadd.f32 v0, v6;
	v6 =	vmul.f32 v9, v49  }
0x2be: {  	v9 =	vmul.f32 v12, v63;
	v63 =	vmul.f32 v27, v47;
	v47 =	vld [tilespmem:s31+$0x8340]  }
0x2bf: {  	v4 =	vadd.f32 v5, v4;
	v5 =	vadd.f32 $0.0e+00, v7;
	v12 =	vmul.f32 v19, v22;
	v22 =	vld [tilespmem:s31+$0x82A0]  }
0x2c0: {  	v33 =	vmul.f32 v34, v33;
	v25 =	vmul.f32 v29, v25;
	v29 =	vld [tilespmem:s31+$0x250]  }
0x2c1: {  	v15 =	vperm.xlane v3, v51;
	v5 =	vadd.f32 v6, v5;
	v6 =	vmul.f32 v40, v39;
	v40 =	vld [tilespmem:s31+$0x380]  }
0x2c2: {  	v42 =	vperm.xlane v1, v48;
	[tilespmem:$0x1FCF0] =	vst v53;
	v53 =	vld [tilespmem:s31+$0x8410]  }
0x2c3: {  	v33 =	vadd.f32 $0.0e+00, v33;
	v3 =	vadd.f32 v3, v15;
	v39 =	vld [tilespmem:s31+$0x8310]  }
0x2c4: {  	v1 =	vadd.f32 v1, v42;
	v7 =	vperm.xlane v4, v51;
	v15 =	vperm.xlane v0, v50;
	v42 =	vld [tilespmem:s31+$0x8230]  }
0x2c5: {  	v2 =	vadd.f32 v44, v33;
	v33 =	vld [tilespmem:s31+$0x300]  }
0x2c6: {  	v7 =	vadd.f32 v4, v7;
	v4 =	vadd.f32 v0, v15;
	v15 =	vld [tilespmem:s31+$0x82B0]  }
0x2c7: {  	v52 =	vperm.xlane v3, v50;
	v19 =	vmul.f32 v26, v53;
	v26 =	vld [tilespmem:$0x1FCD0]  }
0x2c8: {  	v60 =	vadd.f32 v6, v5;
	v6 =	vmul.f32 v31, v30;
	v30 =	vmul.f32 v38, v37;
	v37 =	vld [tilespmem:s31+$0x2E0]  }
0x2c9: {  	v57 =	vmul.f32 v58, v57;
	v9 =	vadd.f32 $0.0e+00, v9;
	v27 =	vld [tilespmem:$0x1FCF0]  }
0x2ca: {  	v5 =	vadd.f32 v3, v52;
	v3 =	vld [tilespmem:s31+$0x82E0]  }
0x2cb: {  	v9 =	vadd.f32 v57, v9;
	v0 =	vadd.f32 v6, v60;
	v60 =	vld [tilespmem:$0x1FCB0]  }
0x2cc: {  	v31 =	vperm.xlane v7, v50;
	v10 =	vmul.f32 v26, v10;
	v26 =	vld [tilespmem:$0x1FCE0]  }
0x2cd: {  	v38 =	vmul.f32 v46, v45;
	v9 =	vadd.f32 v63, v9;
	v46 =	vmul.f32 v40, v35;
	v35 =	vld [tilespmem:s31+$0x8220]  }
0x2ce: {  	v59 =	vperm.xlane v1, v51;
	v6 =	vadd.f32 v7, v31;
	v31 =	vld [tilespmem:s31+$0x310]  }
0x2cf: {  	v9 =	vadd.f32 v30, v9;
	v30 =	vld [tilespmem:s31+$0x82D0]  }
0x2d0: {  	v62 =	vmul.f32 v62, v61;
	v12 =	vadd.f32 $0.0e+00, v12;
	v1 =	vadd.f32 v1, v59;
	v53 =	vld [tilespmem:s31+$0x220]  }
0x2d1: {  	v43 =	vadd.f32 $0.0e+00, v43;
	v34 =	vadd.f32 $0.0e+00, v46;
	v46 =	vld [tilespmem:s31+$0x290];
	v26 =	vmul.f32 v27, v26  }
0x2d2: {  	v12 =	vadd.f32 v62, v12;
	v52 =	vperm.xlane v1, v50;
	v18 =	vmul.f32 v56, v60;
	v56 =	vld [tilespmem:$0x1FD10]  }
0x2d3: {  	v20 =	vmul.f32 v21, v20;
	v19 =	vadd.f32 v19, v43;
	v2 =	vadd.f32 v26, v2;
	v26 =	vld [tilespmem:$0x1FD00]  }
0x2d4: {  	v11 =	vmul.f32 v32, v11;
	v7 =	vadd.f32 v1, v52;
	v1 =	vld [tilespmem:s31+$0x340];
	v12 =	vadd.f32 v18, v12  }
0x2d5: {  	v59 =	vmul.f32 v54, v55;
	v58 =	vperm.xlane v0, v48;
	v52 =	vld [tilespmem:s31+$0x2F0];
	v19 =	vadd.f32 v10, v19  }
0x2d6: {  	v13 =	vmul.f32 v16, v13;
	v11 =	vadd.f32 v11, v34;
	v34 =	vld [tilespmem:s31+$0x82C0];
	v12 =	vadd.f32 v38, v12  }
0x2d7: {  	v0 =	vadd.f32 v0, v58;
	v43 =	vld [tilespmem:s31+$0x210];
	v10 =	vperm.xlane v9, v48;
	v19 =	vadd.f32 v59, v19  }
0x2d8: {  	v11 =	vadd.f32 v20, v11;
	v20 =	vld [tilespmem:$0x1FD30];
	v57 =	vperm.xlane v12, v48;
	v26 =	vmul.f32 v56, v26  }
0x2d9: {  	v14 =	vmul.f32 v17, v14;
	v9 =	vadd.f32 v9, v10;
	v10 =	vld [tilespmem:$0x1FD20];
	v58 =	vperm.xlane v19, v48  }
0x2da: {  	v63 =	vperm.xlane v0, v51;
	v18 =	vld [tilespmem:s31+$0x2D0];
	v12 =	vadd.f32 v12, v57;
	v2 =	vadd.f32 v26, v2  }
0x2db: {  	v38 =	vld [tilespmem:s31+$0x8290];
	v1 =	vmul.f32 v1, v47;
	v59 =	vperm.xlane v9, v51;
	v19 =	vadd.f32 v19, v58  }
0x2dc: {  	v47 =	vld [tilespmem:s31+$0x2A0];
	v60 =	vperm.xlane v12, v51;
	v21 =	vperm.xlane v2, v48  }
0x2dd: {  	v0 =	vadd.f32 v0, v63;
	v27 =	vld [tilespmem:s31+$0x8300];
	v9 =	vadd.f32 v9, v59;
	v61 =	vperm.xlane v19, v51  }
0x2de: {  	v58 =	vld [tilespmem:s31+$0x8280];
	v20 =	vmul.f32 v20, v10;
	v32 =	vadd.f32 v12, v60;
	v2 =	vadd.f32 v2, v21  }
0x2df: {  	v12 =	vperm.xlane v0, v50;
	v60 =	vld [tilespmem:s31+$0x200];
	v63 =	vperm.xlane v9, v50;
	v19 =	vadd.f32 v19, v61  }
0x2e0: {  	v24 =	vmul.f32 v28, v24;
	v10 =	vld [tilespmem:$0x1FD50];
	v20 =	vadd.f32 v20, v11;
	v62 =	vperm.xlane v2, v51  }
0x2e1: {  	v11 =	vadd.f32 v0, v12;
	v12 =	vadd.f32 v9, v63;
	v9 =	vld [tilespmem:$0x1FD40];
	v61 =	vperm.xlane v19, v50  }
0x2e2: {  	v3 =	vmul.f32 v37, v3;
	v63 =	vld [tilespmem:s31+$0x8240];
	v59 =	vperm.xlane v20, v48;
	v2 =	vadd.f32 v2, v62  }
0x2e3: {  	v31 =	vmul.f32 v31, v39;
	v35 =	vmul.f32 v53, v35;
	v17 =	vadd.f32 v19, v61;
	v19 =	vld [tilespmem:s31+$0x240]  }
0x2e4: {  	v1 =	vadd.f32 $0.0e+00, v1;
	v16 =	vadd.f32 v20, v59;
	v21 =	vld [tilespmem:s31+$0x8210];
	v20 =	vperm.xlane v2, v50  }
0x2e5: {  	v18 =	vmul.f32 v18, v30;
	v30 =	vmul.f32 v36, v34;
	v62 =	vld [tilespmem:s31+$0x8200]  }
0x2e6: {  	v8 =	vmul.f32 v52, v8;
	v1 =	vadd.f32 v25, v1;
	v2 =	vadd.f32 v2, v20;
	v20 =	vld [tilespmem:s31+$0x280]  }
0x2e7: {  	v49 =	vmul.f32 v46, v38;
	v30 =	vadd.f32 $0.0e+00, v30;
	v27 =	vmul.f32 v33, v27;
	v56 =	vld [tilespmem:s31+$0x8250]  }
0x2e8: {  	v25 =	vld [tilespmem:s31+$0x260];
	v22 =	vmul.f32 v47, v22;
	v1 =	vadd.f32 v14, v1;
	v57 =	vperm.xlane v32, v50  }
0x2e9: {  	v18 =	vadd.f32 v18, v30;
	v27 =	vadd.f32 $0.0e+00, v27;
	v26 =	vld [tilespmem:s31+$0x8260];
	v19 =	vmul.f32 v19, v63  }
0x2ea: {  	v45 =	vld [tilespmem:s31+$0x230];
	v10 =	vmul.f32 v10, v9;
	v9 =	vadd.f32 v32, v57;
	v32 =	vmul.f32 v60, v62  }
0x2eb: {  	v14 =	vmul.f32 v43, v21;
	v21 =	vld [tilespmem:s31+$0x270];
	v19 =	vadd.f32 $0.0e+00, v19;
	v0 =	vmul.f32 v20, v58  }
0x2ec: {  	v29 =	vmul.f32 v29, v56;
	v20 =	vadd.f32 v31, v27;
	v27 =	vadd.f32 $0.0e+00, v32;
	v31 =	vld [tilespmem:s31+$0x2B0]  }
0x2ed: {  	v3 =	vadd.f32 v3, v18;
	v28 =	vperm.xlane v16, v51;
	v0 =	vadd.f32 $0.0e+00, v0  }
0x2ee: {  	v25 =	vmul.f32 v25, v26;
	v19 =	vadd.f32 v29, v19;
	v14 =	vadd.f32 v14, v27  }
0x2ef: {  	v16 =	vadd.f32 v16, v28;
	v28 =	vmul.f32 v45, v42;
	v0 =	vadd.f32 v49, v0  }
0x2f0: {  	v19 =	vadd.f32 v25, v19;
	v21 =	vmul.f32 v21, v41;
	v14 =	vadd.f32 v35, v14  }
0x2f1: {  	v3 =	vadd.f32 v8, v3;
	v15 =	vmul.f32 v31, v15;
	v0 =	vadd.f32 v22, v0  }
0x2f2: {  	v18 =	vadd.f32 v21, v19;
	v14 =	vadd.f32 v28, v14  }
0x2f3: {  	v0 =	vadd.f32 v15, v0;
	v15 =	vadd.f32 v24, v20  }
0x2f4: {  	v1 =	vadd.f32 v10, v1;
	v21 =	vperm.xlane v18, v48;
	v20 =	vperm.xlane v14, v48  }
0x2f5: {  	v19 =	vperm.xlane v16, v50;
	v8 =	vperm.xlane v0, v48;
	v13 =	vadd.f32 v13, v15  }
0x2f6: {  	v10 =	vadd.f32 v14, v20;
	v14 =	vadd.f32 v18, v21;
	v15 =	vperm.xlane v3, v48  }
0x2f7: {  	v18 =	vperm.xlane v1, v48;
	v0 =	vadd.f32 v0, v8;
	v8 =	vperm.xlane v13, v48  }
0x2f8: {  	v20 =	vperm.xlane v10, v51;
	v21 =	vperm.xlane v14, v51;
	v3 =	vadd.f32 v3, v15  }
0x2f9: {  	v1 =	vadd.f32 v1, v18;
	v15 =	vperm.xlane v0, v51;
	v8 =	vadd.f32 v13, v8  }
0x2fa: {  	v10 =	vadd.f32 v10, v20;
	v13 =	vadd.f32 v14, v21;
	v14 =	vperm.xlane v3, v51  }
0x2fb: {  	v18 =	vperm.xlane v1, v51;
	v0 =	vadd.f32 v0, v15;
	v15 =	vperm.xlane v8, v51  }
0x2fc: {  	v20 =	vperm.xlane v10, v50;
	v21 =	vperm.xlane v13, v50;
	v3 =	vadd.f32 v3, v14  }
0x2fd: {  	v1 =	vadd.f32 v1, v18;
	v14 =	vperm.xlane v0, v50;
	v8 =	vadd.f32 v8, v15  }
0x2fe: {  	v10 =	vadd.f32 v10, v20;
	v13 =	vadd.f32 v13, v21;
	v15 =	vperm.xlane v3, v50  }
0x2ff: {  	v18 =	vperm.xlane v1, v50;
	v0 =	vadd.f32 v0, v14;
	v14 =	vperm.xlane v8, v50  }
0x300: {  	v20 =	vperm.xlane v10, v23;
	v21 =	vperm.xlane v13, v23;
	v3 =	vadd.f32 v3, v15  }
0x301: {  	v1 =	vadd.f32 v1, v18;
	v15 =	vperm.xlane v0, v23;
	v8 =	vadd.f32 v8, v14  }
0x302: {  	v10 =	vadd.f32 v10, v20;
	v13 =	vadd.f32 v13, v21;
	v14 =	vperm.xlane v3, v23  }
0x303: {  	v16 =	vadd.f32 v16, v19;
	v0 =	vadd.f32 v0, v15;
	v15 =	vperm.xlane v8, v23  }
0x304: {  	v10 =	vsel vm0, v10, v13;
	v3 =	vadd.f32 v3, v14;
	v13 =	vperm.xlane v1, v23  }
0x305: {  	v0 =	vsel vm1, v10, v0;
	v8 =	vadd.f32 v8, v15;
	v10 =	vperm.xlane v16, v23  }
0x306: {  	v1 =	vadd.f32 v1, v13;
	v0 =	vsel vm2, v0, v3;
	v3 =	vperm.xlane v2, v23  }
0x307: {  	v0 =	vsel vm3, v0, v8;
	v8 =	vadd.f32 v16, v10;
	v10 =	vperm.xlane v17, v23  }
0x308: {  	v54 =	vperm.xlane v9, v23;
	v0 =	vsel vm4, v0, v1;
	v53 =	vadd.f32 v2, v3  }
0x309: {  	v0 =	vsel vm5, v0, v8;
	v3 =	vadd.f32 v17, v10;
	v8 =	vperm.xlane v12, v23  }
0x30a: {  	v56 =	vperm.xlane v11, v23;
	v55 =	vadd.f32 v9, v54;
	v0 =	vsel vm6, v0, v53  }
0x30b: {  	v0 =	vsel vm7, v0, v3;
	v3 =	vadd.f32 v12, v8;
	v8 =	vperm.xlane v7, v23  }
0x30c: {  	v57 =	vadd.f32 v11, v56;
	v58 =	vperm.xlane v6, v23;
	v0 =	vsel vm8, v0, v55  }
0x30d: {  	v0 =	vsel vm9, v0, v3;
	v3 =	vadd.f32 v7, v8;
	v7 =	vperm.xlane v5, v23  }
0x30e: {  	v60 =	vperm.xlane v4, v23;
	v59 =	vadd.f32 v6, v58;
	v0 =	vsel vm10, v0, v57  }
0x30f: {  	v0 =	vsel vm11, v0, v3;
	v3 =	vadd.f32 v5, v7  }
0x310: {  	v61 =	vadd.f32 v4, v60;
	v0 =	vsel vm12, v0, v59  }
0x311: {  	v0 =	vsel vm13, v0, v3  }
0x312: {  	v0 =	vsel vm14, v0, v61  }
0x313: {  	s25 =	simm.s32 $0x400;
	[tilespmem:s24+$0x0] =	vst v0  }
0x314: {  	v0 =	vld [tilespmem:s25+$0x85F0]  }
0x315: {  	v1 =	vld [tilespmem:s25+$0x5F0]  }
0x316: {  	v2 =	vld [tilespmem:s25+$0x85B0]  }
0x317: {  	v3 =	vld [tilespmem:s25+$0x5B0]  }
0x318: {  	v4 =	vld [tilespmem:s25+$0x85E0]  }
0x319: {  	v5 =	vld [tilespmem:s25+$0x5E0]  }
0x31a: {  	v63 =	vld [tilespmem:s25+$0x8570]  }
0x31b: {  	v7 =	vld [tilespmem:s25+$0x570]  }
0x31c: {  	v8 =	vld [tilespmem:s25+$0x85A0]  }
0x31d: {  	v9 =	vld [tilespmem:s25+$0x5A0]  }
0x31e: {  	v12 =	vld [tilespmem:s25+$0x85D0]  }
0x31f: {  	v13 =	vld [tilespmem:s25+$0x5D0]  }
0x320: {  	v15 =	vld [tilespmem:s25+$0x8530]  }
0x321: {  	v16 =	vld [tilespmem:s25+$0x530]  }
0x322: {  	v18 =	vld [tilespmem:s25+$0x8560]  }
0x323: {  	v19 =	vld [tilespmem:s25+$0x560]  }
0x324: {  	v20 =	vld [tilespmem:s25+$0x8590]  }
0x325: {  	v21 =	vld [tilespmem:s25+$0x590]  }
0x326: {  	v17 =	vld [tilespmem:s25+$0x85C0]  }
0x327: {  	v22 =	vld [tilespmem:s25+$0x5C0]  }
0x328: {  	v33 =	vld [tilespmem:s25+$0x84F0]  }
0x329: {  	v23 =	vld [tilespmem:s25+$0x4F0]  }
0x32a: {  	v25 =	vld [tilespmem:s25+$0x8520]  }
0x32b: {  	v38 =	vld [tilespmem:s25+$0x520]  }
0x32c: {  	v28 =	vld [tilespmem:s25+$0x8550]  }
0x32d: {  	v29 =	vld [tilespmem:s25+$0x550]  }
0x32e: {  	v30 =	vld [tilespmem:s25+$0x8580]  }
0x32f: {  	v31 =	vld [tilespmem:s25+$0x580]  }
0x330: {  	v39 =	vld [tilespmem:s25+$0x84B0]  }
0x331: {  	v40 =	vld [tilespmem:s25+$0x4B0]  }
0x332: {  	v41 =	vld [tilespmem:s25+$0x84E0]  }
0x333: {  	v42 =	vld [tilespmem:s25+$0x4E0]  }
0x334: {  	v43 =	vld [tilespmem:s25+$0x8510]  }
0x335: {  	v44 =	vld [tilespmem:s25+$0x510]  }
0x336: {  	v45 =	vld [tilespmem:s25+$0x8540]  }
0x337: {  	v46 =	vld [tilespmem:s25+$0x540]  }
0x338: {  	v47 =	vld [tilespmem:s25+$0x8470]  }
0x339: {  	v32 =	vld [tilespmem:s25+$0x470]  }
0x33a: {  	v49 =	vld [tilespmem:s25+$0x84A0]  }
0x33b: {  	v36 =	vld [tilespmem:s25+$0x4A0]  }
0x33c: {  	v11 =	vld [tilespmem:s25+$0x84D0]  }
0x33d: {  	v52 =	vld [tilespmem:s25+$0x4D0]  }
0x33e: {  	v53 =	vld [tilespmem:s25+$0x8500]  }
0x33f: {  	v54 =	vld [tilespmem:s25+$0x500]  }
0x340: {  	v55 =	vld [tilespmem:s25+$0x8430]  }
0x341: {  	v56 =	vld [tilespmem:s25+$0x430]  }
0x342: {  	v57 =	vld [tilespmem:s25+$0x8460]  }
0x343: {  	v58 =	vld [tilespmem:s25+$0x460]  }
0x344: {  	v59 =	vld [tilespmem:s25+$0x8490]  }
0x345: {  	v60 =	vld [tilespmem:s25+$0x490]  }
0x346: {  	v61 =	vld [tilespmem:s25+$0x84C0]  }
0x347: {  	v62 =	vld [tilespmem:s25+$0x4C0]  }
0x348: {  	v6 =	vld [tilespmem:s25+$0x83F0]  }
0x349: {  	v34 =	vld [tilespmem:s25+$0x8450]  }
0x34a: {  	v35 =	vld [tilespmem:s25+$0x450]  }
0x34b: {  	v10 =	vld [tilespmem:s25+$0x8480]  }
0x34c: {  	v14 =	vld [tilespmem:s25+$0x83B0]  }
0x34d: {  	v27 =	vld [tilespmem:s25+$0x8410]  }
0x34e: {  	v26 =	vld [tilespmem:s25+$0x410]  }
0x34f: {  	v24 =	vld [tilespmem:s25+$0x8440]  }
0x350: {  	v37 =	vld [tilespmem:s25+$0x8370]  }
0x351: {  	[tilespmem:$0x1FDA0] =	vst v6;
	v6 =	vld [tilespmem:s25+$0x3F0]  }
0x352: {  	[tilespmem:$0x1FDC0] =	vst v14;
	v14 =	vld [tilespmem:s25+$0x3B0]  }
0x353: {  	v22 =	vmul.f32 v22, v17;
	v17 =	vld [tilespmem:s25+$0x370]  }
0x354: {  	v31 =	vmul.f32 v31, v30;
	v30 =	vld [tilespmem:s25+$0x3A0]  }
0x355: {  	v0 =	vmul.f32 v1, v0;
	v1 =	vld [tilespmem:s25+$0x83D0]  }
0x356: {  	v4 =	vmul.f32 v5, v4;
	v5 =	vmul.f32 v21, v20;
	v20 =	vld [tilespmem:s25+$0x3D0]  }
0x357: {  	v2 =	vmul.f32 v3, v2;
	v3 =	vld [tilespmem:s25+$0x8400]  }
0x358: {  	v21 =	vmul.f32 v46, v45;
	v45 =	vld [tilespmem:s25+$0x400]  }
0x359: {  	v8 =	vmul.f32 v9, v8;
	v9 =	vmul.f32 v54, v53;
	v53 =	vld [tilespmem:s25+$0x8390]  }
0x35a: {  	v7 =	vmul.f32 v7, v63;
	v63 =	vld [tilespmem:s25+$0x8320]  }
0x35b: {  	v12 =	vmul.f32 v13, v12;
	v46 =	vld [tilespmem:s25+$0x8340];
	v13 =	vadd.f32 $0.0e+00, v22  }
0x35c: {  	[tilespmem:$0x1FDE0] =	vst v37;
	v37 =	vld [tilespmem:s25+$0x8220]  }
0x35d: {  	v12 =	vadd.f32 v12, v13;
	v13 =	vadd.f32 $0.0e+00, v31;
	v31 =	vld [tilespmem:s25+$0x360]  }
0x35e: {  	[tilespmem:$0x1FDB0] =	vst v6;
	v6 =	vld [tilespmem:s25+$0x8420]  }
0x35f: {  	v18 =	vmul.f32 v19, v18;
	[tilespmem:$0x1FDD0] =	vst v14;
	v14 =	vld [tilespmem:s25+$0x83E0];
	v5 =	vadd.f32 v5, v13;
	v4 =	vadd.f32 v4, v12  }
0x360: {  	v9 =	vadd.f32 $0.0e+00, v9;
	[tilespmem:$0x1FDF0] =	vst v17;
	v17 =	vld [tilespmem:s25+$0x83A0];
	v12 =	vmul.f32 v29, v28;
	v13 =	vadd.f32 $0.0e+00, v21  }
0x361: {  	v1 =	vmul.f32 v20, v1;
	v20 =	vld [tilespmem:s25+$0x82A0];
	v5 =	vadd.f32 v8, v5;
	v4 =	vadd.f32 v0, v4  }
0x362: {  	v3 =	vmul.f32 v45, v3;
	v45 =	vld [tilespmem:s25+$0x200];
	v8 =	vmul.f32 v44, v43;
	v12 =	vadd.f32 v12, v13  }
0x363: {  	v28 =	vld [tilespmem:s25+$0x8330];
	v2 =	vadd.f32 v2, v5;
	v5 =	vperm.xlane v4, v48  }
0x364: {  	v29 =	vld [tilespmem:s25+$0x8360];
	v8 =	vadd.f32 v8, v9;
	v9 =	vmul.f32 v38, v25;
	v12 =	vadd.f32 v18, v12  }
0x365: {  	[tilespmem:$0x1FD60] =	vst v6;
	v6 =	vld [tilespmem:s25+$0x420];
	v13 =	vperm.xlane v2, v48;
	v4 =	vadd.f32 v4, v5  }
0x366: {  	v0 =	vld [tilespmem:s25+$0x330];
	v5 =	vadd.f32 v9, v8;
	v9 =	vmul.f32 v16, v15;
	v7 =	vadd.f32 v7, v12  }
0x367: {  	v43 =	vld [tilespmem:s25+$0x390];
	v2 =	vadd.f32 v2, v13  }
0x368: {  	v44 =	vld [tilespmem:s25+$0x8380];
	v16 =	vmul.f32 v62, v61;
	v5 =	vadd.f32 v9, v5;
	v9 =	vperm.xlane v7, v48  }
0x369: {  	v22 =	vmul.f32 v52, v11;
	[tilespmem:$0x1FD80] =	vst v14;
	v14 =	vld [tilespmem:s25+$0x3E0];
	v19 =	vperm.xlane v2, v51  }
0x36a: {  	v21 =	vadd.f32 $0.0e+00, v16;
	[tilespmem:$0x1FD70] =	vst v6;
	v6 =	vld [tilespmem:s25+$0x480];
	v7 =	vadd.f32 v7, v9;
	v9 =	vperm.xlane v5, v48  }
0x36b: {  	v18 =	vld [tilespmem:s25+$0x83C0];
	v2 =	vadd.f32 v2, v19  }
0x36c: {  	v25 =	vld [tilespmem:s25+$0x3C0];
	v62 =	vadd.f32 v5, v9;
	v19 =	vadd.f32 v22, v21;
	v21 =	vmul.f32 v42, v41  }
0x36d: {  	v38 =	vld [tilespmem:s25+$0x300]  }
0x36e: {  	v23 =	vmul.f32 v23, v33;
	v11 =	vld [tilespmem:$0x1FD60];
	v52 =	vperm.xlane v62, v51;
	v21 =	vadd.f32 v21, v19  }
0x36f: {  	v8 =	vld [tilespmem:s25+$0x82F0];
	v12 =	vmul.f32 v56, v55;
	v10 =	vmul.f32 v6, v10  }
0x370: {  	v15 =	vld [tilespmem:s25+$0x320];
	v13 =	vperm.xlane v4, v51;
	v33 =	vadd.f32 v62, v52;
	v61 =	vadd.f32 v23, v21  }
0x371: {  	v55 =	vld [tilespmem:s25+$0x8300];
	v62 =	vmul.f32 v36, v49;
	v10 =	vadd.f32 $0.0e+00, v10;
	v49 =	vmul.f32 v60, v59  }
0x372: {  	v16 =	vld [tilespmem:s25+$0x350];
	v5 =	vperm.xlane v7, v51;
	v22 =	vperm.xlane v2, v50  }
0x373: {  	v4 =	vadd.f32 v4, v13;
	v23 =	vld [tilespmem:$0x1FD70];
	v52 =	vperm.xlane v61, v48;
	v10 =	vadd.f32 v49, v10  }
0x374: {  	[tilespmem:$0x1FD90] =	vst v14;
	v14 =	vld [tilespmem:s25+$0x440];
	v7 =	vadd.f32 v7, v5;
	v5 =	vadd.f32 v2, v22;
	v2 =	vmul.f32 v40, v39  }
0x375: {  	v13 =	vld [tilespmem:s25+$0x8350];
	v59 =	vadd.f32 v61, v52;
	v61 =	vmul.f32 v25, v18;
	v10 =	vadd.f32 v62, v10  }
0x376: {  	v26 =	vmul.f32 v26, v27;
	v3 =	vadd.f32 $0.0e+00, v3;
	v41 =	vld [tilespmem:s25+$0x380]  }
0x377: {  	v42 =	vld [tilespmem:s25+$0x8250];
	v2 =	vadd.f32 v2, v10;
	v10 =	vadd.f32 $0.0e+00, v61  }
0x378: {  	v3 =	vadd.f32 v26, v3;
	v9 =	vperm.xlane v4, v50;
	v26 =	vmul.f32 v23, v11;
	v11 =	vld [tilespmem:$0x1FD90]  }
0x379: {  	v1 =	vadd.f32 v1, v10;
	v10 =	vld [tilespmem:$0x1FD80]  }
0x37a: {  	v4 =	vadd.f32 v4, v9;
	v9 =	vld [tilespmem:s25+$0x82B0]  }
0x37b: {  	v19 =	vld [tilespmem:s25+$0x82E0]  }
0x37c: {  	v14 =	vmul.f32 v14, v24;
	v24 =	vld [tilespmem:s25+$0x8230]  }
0x37d: {  	v22 =	vld [tilespmem:s25+$0x2E0]  }
0x37e: {  	v21 =	vld [tilespmem:s25+$0x8310];
	v10 =	vmul.f32 v11, v10  }
0x37f: {  	v11 =	vld [tilespmem:$0x1FDB0]  }
0x380: {  	v60 =	vmul.f32 v35, v34;
	v14 =	vadd.f32 $0.0e+00, v14;
	v1 =	vadd.f32 v10, v1;
	v10 =	vld [tilespmem:$0x1FDA0]  }
0x381: {  	v35 =	vld [tilespmem:s25+$0x2D0];
	v27 =	vperm.xlane v59, v51  }
0x382: {  	v58 =	vmul.f32 v58, v57;
	v54 =	vperm.xlane v7, v50;
	v34 =	vld [tilespmem:s25+$0x82C0];
	v14 =	vadd.f32 v60, v14  }
0x383: {  	v40 =	vld [tilespmem:s25+$0x8210];
	v62 =	vadd.f32 v59, v27;
	v27 =	vmul.f32 v41, v44  }
0x384: {  	v39 =	vmul.f32 v32, v47;
	v6 =	vadd.f32 v7, v54;
	v54 =	vld [tilespmem:s25+$0x310];
	v14 =	vadd.f32 v58, v14  }
0x385: {  	v49 =	vld [tilespmem:s25+$0x340];
	v57 =	vadd.f32 $0.0e+00, v27;
	v10 =	vmul.f32 v11, v10;
	v11 =	vmul.f32 v43, v53  }
0x386: {  	v25 =	vld [tilespmem:s25+$0x230];
	v3 =	vadd.f32 v26, v3  }
0x387: {  	v17 =	vmul.f32 v30, v17;
	v18 =	vld [tilespmem:s25+$0x8270];
	v14 =	vadd.f32 v39, v14;
	v11 =	vadd.f32 v11, v57  }
0x388: {  	v29 =	vmul.f32 v31, v29;
	v32 =	vperm.xlane v33, v50;
	v3 =	vadd.f32 v12, v3;
	v12 =	vld [tilespmem:$0x1FDC0]  }
0x389: {  	v26 =	vperm.xlane v2, v48;
	v56 =	vperm.xlane v14, v48;
	v11 =	vadd.f32 v17, v11;
	v17 =	vld [tilespmem:$0x1FDD0]  }
0x38a: {  	v7 =	vadd.f32 v33, v32;
	v33 =	vld [tilespmem:s25+$0x82D0];
	v1 =	vadd.f32 v10, v1;
	v10 =	vperm.xlane v3, v48  }
0x38b: {  	v28 =	vmul.f32 v0, v28;
	v39 =	vld [tilespmem:s25+$0x220];
	v2 =	vadd.f32 v2, v26;
	v14 =	vadd.f32 v14, v56  }
0x38c: {  	v61 =	vld [tilespmem:$0x1FDE0];
	v49 =	vmul.f32 v49, v46;
	v30 =	vperm.xlane v1, v48;
	v3 =	vadd.f32 v3, v10  }
0x38d: {  	v46 =	vld [tilespmem:s25+$0x8200];
	v58 =	vperm.xlane v2, v51;
	v10 =	vperm.xlane v14, v51  }
0x38e: {  	v1 =	vadd.f32 v1, v30;
	v30 =	vperm.xlane v3, v51;
	v17 =	vmul.f32 v17, v12;
	v12 =	vld [tilespmem:$0x1FDF0]  }
0x38f: {  	v41 =	vld [tilespmem:s25+$0x2C0];
	v2 =	vadd.f32 v2, v58;
	v14 =	vadd.f32 v14, v10;
	v10 =	vperm.xlane v62, v50  }
0x390: {  	v44 =	vld [tilespmem:s25+$0x8280];
	v3 =	vadd.f32 v3, v30;
	v17 =	vadd.f32 v17, v11;
	v11 =	vperm.xlane v1, v51  }
0x391: {  	v26 =	vld [tilespmem:s25+$0x8260];
	v59 =	vperm.xlane v2, v50;
	v10 =	vadd.f32 v62, v10;
	v30 =	vperm.xlane v14, v50  }
0x392: {  	v27 =	vld [tilespmem:s25+$0x8290];
	v62 =	vperm.xlane v3, v50;
	v47 =	vadd.f32 v1, v11;
	v60 =	vperm.xlane v17, v48  }
0x393: {  	v43 =	vld [tilespmem:s25+$0x210];
	v14 =	vadd.f32 v14, v30;
	v11 =	vadd.f32 v2, v59;
	v32 =	vmul.f32 v12, v61  }
0x394: {  	s26 =	simm.s32 $0x2000;
	v30 =	vld [tilespmem:s25+$0x8240];
	v48 =	vadd.f32 v17, v60;
	v50 =	vperm.xlane v47, v50;
	v17 =	vadd.f32 v3, v62  }
.LBB2_4:
0x395: {  	v0 =	vld [tilespmem:s25+$0x240];
	v1 =	vmul.f32 v15, v63  }
0x396: {  	v36 =	vld [tilespmem:$0x1FFD0];
	v15 =	vmul.f32 v22, v19;
	v19 =	vadd.f32 $0.0e+00, v49;
	v13 =	vmul.f32 v16, v13  }
0x397: {  	v3 =	vld [tilespmem:s25+$0x280];
	v22 =	vmul.f32 v38, v55  }
0x398: {  	v16 =	vld [tilespmem:s25+$0x250];
	v21 =	vmul.f32 v54, v21;
	v12 =	vmul.f32 v25, v24;
	v13 =	vadd.f32 v13, v19  }
0x399: {  	v24 =	vld [tilespmem:s25+$0x290];
	v25 =	vmul.f32 v35, v33;
	v54 =	vmul.f32 v45, v46;
	v22 =	vadd.f32 $0.0e+00, v22  }
0x39a: {  	v31 =	vld [tilespmem:s25+$0x260];
	v53 =	vmul.f32 v41, v34;
	v0 =	vmul.f32 v0, v30;
	v13 =	vadd.f32 v29, v13  }
0x39b: {  	v30 =	vld [tilespmem:s25+$0x2A0];
	v29 =	vmul.f32 v43, v40;
	v21 =	vadd.f32 v21, v22;
	v22 =	vadd.f32 $0.0e+00, v54  }
0x39c: {  	v47 =	vadd.f32 v47, v50;
	v55 =	vld [tilespmem:s25+$0x270];
	v3 =	vmul.f32 v3, v44;
	v19 =	vmul.f32 v39, v37  }
0x39d: {  	v0 =	vadd.f32 $0.0e+00, v0;
	v16 =	vmul.f32 v16, v42;
	v22 =	vadd.f32 v29, v22  }
0x39e: {  	v56 =	vld [tilespmem:s25+$0x2B0];
	v2 =	vperm.xlane v48, v36;
	v3 =	vadd.f32 $0.0e+00, v3;
	v24 =	vmul.f32 v24, v27  }
0x39f: {  	v57 =	vld [tilespmem:s25+$0x2F0];
	v0 =	vadd.f32 v16, v0;
	v16 =	vmul.f32 v31, v26;
	v19 =	vadd.f32 v19, v22  }
0x3a0: {  	v27 =	vadd.f32 $0.0e+00, v53;
	v20 =	vmul.f32 v30, v20;
	v3 =	vadd.f32 v24, v3  }
0x3a1: {  	v0 =	vadd.f32 v16, v0;
	v16 =	vmul.f32 v55, v18;
	v18 =	vadd.f32 v12, v19;
	v12 =	vld [tilespmem:$0x1FFC0]  }
0x3a2: {  	v23 =	vld [tilespmem:$0x1FFE0];
	v2 =	vadd.f32 v48, v2;
	v24 =	vadd.f32 v25, v27  }
0x3a3: {  	v9 =	vmul.f32 v56, v9;
	v1 =	vadd.f32 v1, v21;
	v3 =	vadd.f32 v20, v3  }
0x3a4: {  	v8 =	vmul.f32 v57, v8;
	v15 =	vadd.f32 v15, v24;
	v0 =	vadd.f32 v16, v0  }
0x3a5: {  	v13 =	vadd.f32 v32, v13;
	v3 =	vadd.f32 v9, v3  }
0x3a6: {  	v8 =	vadd.f32 v8, v15;
	v16 =	vperm.xlane v18, v12;
	v19 =	vperm.xlane v0, v12  }
0x3a7: {  	v1 =	vadd.f32 v28, v1;
	v9 =	vperm.xlane v2, v23;
	v15 =	vperm.xlane v3, v12  }
0x3a8: {  	v16 =	vadd.f32 v18, v16;
	v0 =	vadd.f32 v0, v19;
	v18 =	vperm.xlane v8, v12  }
0x3a9: {  	v3 =	vadd.f32 v3, v15;
	v15 =	vperm.xlane v1, v12;
	v19 =	vperm.xlane v13, v12  }
0x3aa: {  	v20 =	vperm.xlane v16, v36;
	v21 =	vperm.xlane v0, v36;
	v8 =	vadd.f32 v8, v18  }
0x3ab: {  	v18 =	vperm.xlane v3, v36;
	v1 =	vadd.f32 v1, v15;
	v13 =	vadd.f32 v13, v19  }
0x3ac: {  	v15 =	vadd.f32 v16, v20;
	v0 =	vadd.f32 v0, v21;
	v16 =	vperm.xlane v8, v36  }
0x3ad: {  	v22 =	vld [tilespmem:$0x1FFF0];
	v3 =	vadd.f32 v3, v18;
	v18 =	vperm.xlane v1, v36;
	v19 =	vperm.xlane v13, v36  }
0x3ae: {  	v20 =	vperm.xlane v15, v23;
	v21 =	vperm.xlane v0, v23;
	v8 =	vadd.f32 v8, v16  }
0x3af: {  	v16 =	vperm.xlane v3, v23;
	v1 =	vadd.f32 v1, v18;
	v13 =	vadd.f32 v13, v19  }
0x3b0: {  	v15 =	vadd.f32 v15, v20;
	v0 =	vadd.f32 v0, v21;
	v18 =	vperm.xlane v8, v23  }
0x3b1: {  	v3 =	vadd.f32 v3, v16;
	v16 =	vperm.xlane v1, v23;
	v19 =	vperm.xlane v13, v23  }
0x3b2: {  	v20 =	vperm.xlane v15, v22;
	v21 =	vperm.xlane v0, v22;
	v8 =	vadd.f32 v8, v18  }
0x3b3: {  	v18 =	vperm.xlane v3, v22;
	v1 =	vadd.f32 v1, v16;
	v13 =	vadd.f32 v13, v19  }
0x3b4: {  	v15 =	vadd.f32 v15, v20;
	v0 =	vadd.f32 v0, v21;
	v16 =	vperm.xlane v8, v22  }
0x3b5: {  	v2 =	vadd.f32 v2, v9;
	v3 =	vadd.f32 v3, v18;
	v18 =	vperm.xlane v1, v22  }
0x3b6: {  	v9 =	vperm.xlane v13, v22;
	v0 =	vsel vm0, v15, v0;
	v8 =	vadd.f32 v8, v16  }
0x3b7: {  	v1 =	vadd.f32 v1, v18;
	v0 =	vsel vm1, v0, v3;
	v3 =	vperm.xlane v2, v22  }
0x3b8: {  	v0 =	vsel vm2, v0, v8;
	v8 =	vadd.f32 v13, v9;
	v9 =	vperm.xlane v47, v22  }
0x3b9: {  	v59 =	vperm.xlane v17, v22;
	v0 =	vsel vm3, v0, v1;
	v58 =	vadd.f32 v2, v3  }
0x3ba: {  	v0 =	vsel vm4, v0, v8;
	v3 =	vadd.f32 v47, v9;
	v8 =	vperm.xlane v14, v22  }
0x3bb: {  	v61 =	vperm.xlane v11, v22;
	v60 =	vadd.f32 v17, v59;
	v0 =	vsel vm5, v0, v58  }
0x3bc: {  	v0 =	vsel vm6, v0, v3;
	v3 =	vadd.f32 v14, v8;
	v8 =	vperm.xlane v10, v22  }
0x3bd: {  	v63 =	vperm.xlane v7, v22;
	v62 =	vadd.f32 v11, v61;
	v0 =	vsel vm7, v0, v60  }
0x3be: {  	v0 =	vsel vm8, v0, v3;
	v3 =	vadd.f32 v10, v8;
	v8 =	vperm.xlane v6, v22  }
0x3bf: {  	v33 =	vperm.xlane v5, v22;
	v32 =	vadd.f32 v7, v63;
	v0 =	vsel vm9, v0, v62  }
0x3c0: {  	v0 =	vsel vm10, v0, v3;
	v3 =	vadd.f32 v6, v8;
	v6 =	vperm.xlane v4, v22  }
0x3c1: {  	v34 =	vadd.f32 v5, v33;
	v0 =	vsel vm11, v0, v32  }
0x3c2: {  	v0 =	vsel vm12, v0, v3;
	v35 =	vadd.f32 v4, v6  }
0x3c3: {  	v0 =	vsel vm13, v0, v34  }
0x3c4: {  	s24 =	sadd.s32 $0x10, s24;
	v0 =	vsel vm14, v0, v35  }
0x3c5: {  	s25 =	sshra.s32 s26, $0x2;
	[tilespmem:s24+$0x0] =	vst v0  }
0x3c6: {  	v16 =	vld [tilespmem:s25+$0x85F0]  }
0x3c7: {  	v28 =	vld [tilespmem:s25+$0x5F0]  }
0x3c8: {  	v13 =	vld [tilespmem:s25+$0x85B0]  }
0x3c9: {  	v15 =	vld [tilespmem:s25+$0x5B0]  }
0x3ca: {  	v51 =	vld [tilespmem:s25+$0x85E0]  }
0x3cb: {  	v53 =	vld [tilespmem:s25+$0x5E0]  }
0x3cc: {  	v14 =	vld [tilespmem:s25+$0x8570]  }
0x3cd: {  	v11 =	vld [tilespmem:s25+$0x570]  }
0x3ce: {  	v29 =	vld [tilespmem:s25+$0x85A0]  }
0x3cf: {  	v30 =	vld [tilespmem:s25+$0x5A0]  }
0x3d0: {  	v10 =	vld [tilespmem:s25+$0x85D0]  }
0x3d1: {  	v9 =	vld [tilespmem:s25+$0x5D0]  }
0x3d2: {  	v18 =	vld [tilespmem:s25+$0x8530]  }
0x3d3: {  	v17 =	vld [tilespmem:s25+$0x530]  }
0x3d4: {  	v31 =	vld [tilespmem:s25+$0x8560]  }
0x3d5: {  	v49 =	vld [tilespmem:s25+$0x560]  }
0x3d6: {  	v8 =	vld [tilespmem:s25+$0x8590]  }
0x3d7: {  	v7 =	vld [tilespmem:s25+$0x590]  }
0x3d8: {  	v32 =	vld [tilespmem:s25+$0x85C0]  }
0x3d9: {  	v34 =	vld [tilespmem:s25+$0x5C0]  }
0x3da: {  	v0 =	vld [tilespmem:s25+$0x84F0]  }
0x3db: {  	v37 =	vld [tilespmem:s25+$0x4F0]  }
0x3dc: {  	v47 =	vld [tilespmem:s25+$0x8520]  }
0x3dd: {  	v48 =	vld [tilespmem:s25+$0x520]  }
0x3de: {  	v59 =	vld [tilespmem:s25+$0x8550]  }
0x3df: {  	v60 =	vld [tilespmem:s25+$0x550]  }
0x3e0: {  	v50 =	vld [tilespmem:s25+$0x8580]  }
0x3e1: {  	v61 =	vld [tilespmem:s25+$0x580]  }
0x3e2: {  	v38 =	vld [tilespmem:s25+$0x84B0]  }
0x3e3: {  	v26 =	vld [tilespmem:s25+$0x4B0]  }
0x3e4: {  	v19 =	vld [tilespmem:s25+$0x84E0]  }
0x3e5: {  	v22 =	vld [tilespmem:s25+$0x4E0]  }
0x3e6: {  	v62 =	vld [tilespmem:s25+$0x8510]  }
0x3e7: {  	v63 =	vld [tilespmem:s25+$0x510]  }
0x3e8: {  	v4 =	vld [tilespmem:s25+$0x8540]  }
0x3e9: {  	v3 =	vld [tilespmem:s25+$0x540]  }
0x3ea: {  	v21 =	vld [tilespmem:s25+$0x8470]  }
0x3eb: {  	v27 =	vld [tilespmem:s25+$0x84A0]  }
0x3ec: {  	v20 =	vld [tilespmem:s25+$0x4A0]  }
0x3ed: {  	v52 =	vld [tilespmem:s25+$0x84D0]  }
0x3ee: {  	v54 =	vld [tilespmem:s25+$0x4D0]  }
0x3ef: {  	v2 =	vld [tilespmem:s25+$0x8500]  }
0x3f0: {  	v1 =	vld [tilespmem:s25+$0x500]  }
0x3f1: {  	v25 =	vld [tilespmem:s25+$0x8430]  }
0x3f2: {  	v40 =	vld [tilespmem:s25+$0x430]  }
0x3f3: {  	v24 =	vld [tilespmem:s25+$0x8460]  }
0x3f4: {  	v33 =	vld [tilespmem:s25+$0x460]  }
0x3f5: {  	v42 =	vld [tilespmem:s25+$0x8490]  }
0x3f6: {  	v44 =	vld [tilespmem:s25+$0x490]  }
0x3f7: {  	v6 =	vld [tilespmem:s25+$0x84C0]  }
0x3f8: {  	v5 =	vld [tilespmem:s25+$0x4C0]  }
0x3f9: {  	v39 =	vld [tilespmem:s25+$0x83F0]  }
0x3fa: {  	v41 =	vld [tilespmem:s25+$0x3F0]  }
0x3fb: {  	v43 =	vld [tilespmem:s25+$0x8420]  }
0x3fc: {  	[tilespmem:$0x1FC10] =	vst v0;
	v0 =	vld [tilespmem:s25+$0x8370]  }
0x3fd: {  	v35 =	vld [tilespmem:s25+$0x420]  }
0x3fe: {  	v55 =	vld [tilespmem:s25+$0x8480]  }
0x3ff: {  	v57 =	vld [tilespmem:s25+$0x480]  }
0x400: {  	v45 =	vld [tilespmem:s25+$0x83B0]  }
0x401: {  	[tilespmem:$0x1FC90] =	vst v0;
	v0 =	vld [tilespmem:s25+$0x370]  }
0x402: {  	v46 =	vld [tilespmem:s25+$0x3B0]  }
0x403: {  	v56 =	vld [tilespmem:s25+$0x8440]  }
0x404: {  	v58 =	vld [tilespmem:s25+$0x440];
	[tilespmem:$0x1FC30] =	vst v38  }
0x405: {  	v38 =	vld [tilespmem:s25+$0x470];
	[tilespmem:$0x1FC60] =	vst v41  }
0x406: {  	v41 =	vld [tilespmem:s25+$0x8450];
	[tilespmem:$0x1FCA0] =	vst v0;
	v0 =	vmul.f32 v34, v32  }
0x407: {  	[tilespmem:$0x1FC40] =	vst v43;
	v43 =	vld [tilespmem:s25+$0x450];
	v61 =	vmul.f32 v61, v50  }
0x408: {  	[tilespmem:$0x1FC20] =	vst v37;
	v37 =	vld [tilespmem:s25+$0x83E0];
	v9 =	vmul.f32 v9, v10;
	v10 =	vmul.f32 v53, v51;
	v0 =	vadd.f32 $0.0e+00, v0  }
0x409: {  	[tilespmem:$0x1FC50] =	vst v39;
	v39 =	vld [tilespmem:s25+$0x3E0];
	v16 =	vmul.f32 v28, v16;
	v7 =	vmul.f32 v7, v8;
	v28 =	vadd.f32 $0.0e+00, v61  }
0x40a: {  	[tilespmem:$0x1FC70] =	vst v45;
	v45 =	vld [tilespmem:s25+$0x8410];
	v3 =	vmul.f32 v3, v4;
	v4 =	vmul.f32 v15, v13;
	v0 =	vadd.f32 v9, v0  }
0x40b: {  	[tilespmem:$0x1FC80] =	vst v46;
	v46 =	vld [tilespmem:s25+$0x410];
	v8 =	vmul.f32 v30, v29;
	v1 =	vmul.f32 v1, v2;
	v7 =	vadd.f32 v7, v28  }
0x40c: {  	v50 =	vld [tilespmem:s25+$0x83D0];
	v2 =	vadd.f32 $0.0e+00, v3;
	v3 =	vmul.f32 v60, v59;
	v0 =	vadd.f32 v10, v0  }
0x40d: {  	v51 =	vld [tilespmem:s25+$0x3D0];
	v1 =	vadd.f32 $0.0e+00, v1;
	v7 =	vadd.f32 v8, v7;
	v8 =	vmul.f32 v63, v62  }
0x40e: {  	v53 =	vld [tilespmem:s25+$0x8400];
	v2 =	vadd.f32 v3, v2;
	v9 =	vmul.f32 v49, v31;
	v0 =	vadd.f32 v16, v0  }
0x40f: {  	v30 =	vld [tilespmem:s25+$0x330];
	v3 =	vmul.f32 v11, v14;
	v1 =	vadd.f32 v8, v1;
	v8 =	vmul.f32 v48, v47  }
0x410: {  	v29 =	vld [tilespmem:s25+$0x8360];
	v4 =	vadd.f32 v4, v7;
	v2 =	vadd.f32 v9, v2;
	v7 =	vperm.xlane v0, v12  }
0x411: {  	v15 =	vld [tilespmem:s25+$0x320];
	v1 =	vadd.f32 v8, v1  }
0x412: {  	v13 =	vld [tilespmem:s25+$0x8350];
	v2 =	vadd.f32 v3, v2;
	v0 =	vadd.f32 v0, v7;
	v7 =	vmul.f32 v17, v18  }
0x413: {  	v5 =	vmul.f32 v5, v6;
	v61 =	vld [tilespmem:s25+$0x400]  }
0x414: {  	v60 =	vmul.f32 v33, v24;
	v24 =	vld [tilespmem:s25+$0x8230];
	v1 =	vadd.f32 v7, v1;
	v7 =	vperm.xlane v2, v12  }
0x415: {  	v5 =	vadd.f32 $0.0e+00, v5;
	v33 =	vld [tilespmem:s25+$0x82D0]  }
0x416: {  	v28 =	vld [tilespmem:s25+$0x8330];
	v9 =	vperm.xlane v4, v12;
	v2 =	vadd.f32 v2, v7;
	v7 =	vmul.f32 v54, v52  }
0x417: {  	v11 =	vld [tilespmem:s25+$0x83C0];
	v50 =	vmul.f32 v51, v50  }
0x418: {  	v51 =	vld [tilespmem:$0x1FC60];
	v4 =	vadd.f32 v4, v9;
	v5 =	vadd.f32 v7, v5;
	v7 =	vmul.f32 v22, v19  }
0x419: {  	v37 =	vmul.f32 v39, v37;
	v39 =	vld [tilespmem:s25+$0x220]  }
0x41a: {  	v6 =	vperm.xlane v4, v36;
	v54 =	vadd.f32 v7, v5;
	v5 =	vld [tilespmem:$0x1FC10]  }
0x41b: {  	v40 =	vmul.f32 v40, v25;
	v25 =	vmul.f32 v58, v56;
	v7 =	vld [tilespmem:$0x1FC20]  }
0x41c: {  	v41 =	vmul.f32 v43, v41;
	v43 =	vld [tilespmem:s25+$0x210];
	v6 =	vadd.f32 v4, v6;
	v9 =	vperm.xlane v0, v36  }
0x41d: {  	v63 =	vld [tilespmem:s25+$0x8320]  }
0x41e: {  	v62 =	vadd.f32 $0.0e+00, v25;
	v25 =	vld [tilespmem:s25+$0x230];
	v17 =	vperm.xlane v6, v23;
	v0 =	vadd.f32 v0, v9  }
0x41f: {  	v47 =	vld [tilespmem:s25+$0x380];
	v4 =	vperm.xlane v2, v36  }
0x420: {  	v9 =	vperm.xlane v0, v23;
	v7 =	vmul.f32 v7, v5;
	v5 =	vadd.f32 v6, v17;
	v6 =	vld [tilespmem:$0x1FC30]  }
0x421: {  	v48 =	vmul.f32 v46, v45;
	v45 =	vld [tilespmem:s25+$0x200];
	v2 =	vadd.f32 v2, v4  }
0x422: {  	v46 =	vld [tilespmem:s25+$0x8200];
	v18 =	vmul.f32 v57, v55;
	v4 =	vadd.f32 v0, v9;
	v0 =	vadd.f32 v7, v54  }
0x423: {  	v20 =	vmul.f32 v20, v27;
	v28 =	vmul.f32 v30, v28;
	v30 =	vld [tilespmem:s25+$0x8240]  }
0x424: {  	v32 =	vld [tilespmem:s25+$0x83A0];
	v59 =	vadd.f32 $0.0e+00, v18;
	v18 =	vmul.f32 v44, v42;
	v27 =	vperm.xlane v0, v12  }
0x425: {  	v34 =	vld [tilespmem:s25+$0x3A0];
	v17 =	vmul.f32 v26, v6;
	v6 =	vperm.xlane v2, v23  }
0x426: {  	v8 =	vld [tilespmem:s25+$0x82F0];
	v0 =	vadd.f32 v0, v27  }
0x427: {  	v31 =	vld [tilespmem:s25+$0x360];
	v27 =	vmul.f32 v61, v53;
	v6 =	vadd.f32 v2, v6;
	v2 =	vadd.f32 v18, v59  }
0x428: {  	v3 =	vld [tilespmem:s25+$0x3C0];
	v14 =	vperm.xlane v1, v12  }
0x429: {  	v49 =	vld [tilespmem:s25+$0x8390];
	v27 =	vadd.f32 $0.0e+00, v27;
	v2 =	vadd.f32 v20, v2  }
0x42a: {  	v1 =	vadd.f32 v1, v14;
	v14 =	vld [tilespmem:s25+$0x8380]  }
0x42b: {  	v2 =	vadd.f32 v17, v2;
	v17 =	vadd.f32 v48, v27;
	v27 =	vld [tilespmem:$0x1FC40]  }
0x42c: {  	v10 =	vld [tilespmem:s25+$0x390]  }
0x42d: {  	v16 =	vld [tilespmem:s25+$0x350];
	v3 =	vmul.f32 v3, v11  }
0x42e: {  	v55 =	vld [tilespmem:s25+$0x8300]  }
0x42f: {  	v42 =	vld [tilespmem:s25+$0x8250];
	v3 =	vadd.f32 $0.0e+00, v3;
	v14 =	vmul.f32 v47, v14  }
0x430: {  	v44 =	vld [tilespmem:s25+$0x8280];
	v11 =	vperm.xlane v0, v36;
	v27 =	vmul.f32 v35, v27  }
0x431: {  	v52 =	vld [tilespmem:s25+$0x8340];
	v3 =	vadd.f32 v50, v3;
	v14 =	vadd.f32 $0.0e+00, v14  }
0x432: {  	v10 =	vmul.f32 v10, v49;
	v0 =	vadd.f32 v0, v11;
	v11 =	vadd.f32 v27, v17;
	v27 =	vld [tilespmem:$0x1FC50]  }
0x433: {  	v19 =	vld [tilespmem:s25+$0x82E0];
	v3 =	vadd.f32 v37, v3  }
0x434: {  	v37 =	vld [tilespmem:s25+$0x8220];
	v22 =	vperm.xlane v1, v36;
	v10 =	vadd.f32 v10, v14;
	v14 =	vmul.f32 v34, v32  }
0x435: {  	v41 =	vadd.f32 v41, v62;
	v9 =	vld [tilespmem:s25+$0x82B0]  }
0x436: {  	v1 =	vadd.f32 v1, v22;
	v22 =	vld [tilespmem:s25+$0x2E0];
	v10 =	vadd.f32 v14, v10  }
0x437: {  	v14 =	vld [tilespmem:$0x1FC70];
	v26 =	vmul.f32 v38, v21;
	v38 =	vadd.f32 v60, v41;
	v27 =	vmul.f32 v51, v27  }
0x438: {  	v60 =	vld [tilespmem:$0x1FC80];
	v11 =	vadd.f32 v40, v11  }
0x439: {  	v7 =	vperm.xlane v1, v23;
	v54 =	vld [tilespmem:s25+$0x310];
	v17 =	vadd.f32 v26, v38;
	v3 =	vadd.f32 v27, v3  }
0x43a: {  	v34 =	vld [tilespmem:s25+$0x82C0];
	v26 =	vperm.xlane v2, v12;
	v56 =	vperm.xlane v11, v12  }
0x43b: {  	v7 =	vadd.f32 v1, v7;
	v1 =	vld [tilespmem:s25+$0x340];
	v53 =	vperm.xlane v17, v12;
	v58 =	vperm.xlane v3, v12  }
0x43c: {  	v21 =	vld [tilespmem:s25+$0x8310];
	v2 =	vadd.f32 v2, v26;
	v11 =	vadd.f32 v11, v56  }
0x43d: {  	v41 =	vld [tilespmem:s25+$0x2C0];
	v14 =	vmul.f32 v60, v14;
	v17 =	vadd.f32 v17, v53;
	v3 =	vadd.f32 v3, v58  }
0x43e: {  	v18 =	vld [tilespmem:s25+$0x8270];
	v57 =	vperm.xlane v2, v36;
	v61 =	vperm.xlane v11, v36  }
0x43f: {  	v20 =	vld [tilespmem:s25+$0x82A0];
	v59 =	vperm.xlane v17, v36;
	v56 =	vadd.f32 v14, v10;
	v14 =	vperm.xlane v3, v36  }
0x440: {  	v2 =	vadd.f32 v2, v57;
	v58 =	vadd.f32 v11, v61;
	v61 =	vld [tilespmem:$0x1FC90]  }
0x441: {  	p0 =	sne.s32 s26, $0x1F000;
	v29 =	vmul.f32 v31, v29;
	v17 =	vadd.f32 v17, v59;
	v47 =	vadd.f32 v3, v14;
	v3 =	vld [tilespmem:$0x1FCA0]  }
.Ltmp1:
0x442: {  	v62 =	vperm.xlane v0, v23;
	v35 =	vld [tilespmem:s25+$0x2D0];
	v60 =	vperm.xlane v56, v12;
	(pc) =	sbr.rel @p0 .LBB2_4-.Ltmp1, $4  }
0x443: {  	v38 =	vld [tilespmem:s25+$0x300];
	v57 =	vperm.xlane v2, v23;
	v59 =	vperm.xlane v17, v23  }
0x444: {  	v26 =	vld [tilespmem:s25+$0x8260];
	v10 =	vadd.f32 v0, v62;
	v48 =	vadd.f32 v56, v60;
	v62 =	vperm.xlane v58, v23  }
0x445: {  	v49 =	vmul.f32 v1, v52;
	v40 =	vld [tilespmem:s25+$0x8210];
	v11 =	vadd.f32 v2, v57;
	v14 =	vadd.f32 v17, v59  }
0x446: {  	s26 =	sadd.s32 $0x1000, s26;
	v27 =	vld [tilespmem:s25+$0x8290];
	v17 =	vadd.f32 v58, v62;
	v50 =	vperm.xlane v47, v23;
	v32 =	vmul.f32 v3, v61  }
0x447: {  	v51 =	vld [tilespmem:$0x1FFD0]  }
0x448: {  	v1 =	vmul.f32 v15, v63;
	v60 =	vmul.f32 v22, v19  }
0x449: {  	v0 =	vld [tilespmem:s25+$0x240];
	v13 =	vmul.f32 v16, v13;
	v21 =	vmul.f32 v54, v21  }
0x44a: {  	v12 =	vld [tilespmem:s25+$0x280];
	v61 =	vadd.f32 $0.0e+00, v49;
	v23 =	vmul.f32 v25, v24;
	v39 =	vmul.f32 v39, v37  }
0x44b: {  	v62 =	vld [tilespmem:s25+$0x250];
	v3 =	vadd.f32 v47, v50;
	v63 =	vmul.f32 v38, v55;
	v47 =	vmul.f32 v41, v34  }
0x44c: {  	v36 =	vld [tilespmem:s25+$0x290];
	v38 =	vmul.f32 v35, v33;
	v13 =	vadd.f32 v13, v61;
	v2 =	vperm.xlane v48, v51  }
0x44d: {  	v31 =	vld [tilespmem:s25+$0x260];
	v22 =	vadd.f32 $0.0e+00, v63;
	v50 =	vmul.f32 v43, v40;
	v55 =	vadd.f32 $0.0e+00, v47  }
0x44e: {  	v49 =	vld [tilespmem:s25+$0x2A0];
	v0 =	vmul.f32 v0, v30;
	v2 =	vadd.f32 v48, v2;
	v48 =	vmul.f32 v45, v46  }
0x44f: {  	v52 =	vld [tilespmem:s25+$0x270];
	v13 =	vadd.f32 v29, v13;
	v12 =	vmul.f32 v12, v44;
	v21 =	vadd.f32 v21, v22  }
0x450: {  	v54 =	vld [tilespmem:s25+$0x2B0];
	v16 =	vmul.f32 v62, v42;
	v0 =	vadd.f32 $0.0e+00, v0;
	v53 =	vadd.f32 $0.0e+00, v48  }
0x451: {  	v56 =	vld [tilespmem:s25+$0x2F0];
	v24 =	vmul.f32 v36, v27;
	v58 =	vadd.f32 v38, v55;
	v12 =	vadd.f32 $0.0e+00, v12  }
0x452: {  	v57 =	vmul.f32 v31, v26;
	v0 =	vadd.f32 v16, v0;
	v22 =	vadd.f32 v50, v53  }
0x453: {  	v63 =	vld [tilespmem:$0x1FFC0];
	v20 =	vmul.f32 v49, v20;
	v13 =	vadd.f32 v32, v13;
	v12 =	vadd.f32 v24, v12  }
0x454: {  	v59 =	vmul.f32 v52, v18;
	v0 =	vadd.f32 v57, v0;
	v19 =	vadd.f32 v39, v22  }
0x455: {  	v9 =	vmul.f32 v54, v9;
	v15 =	vadd.f32 v60, v58;
	v12 =	vadd.f32 v20, v12  }
0x456: {  	v61 =	vld [tilespmem:$0x1FFE0];
	v8 =	vmul.f32 v56, v8;
	v0 =	vadd.f32 v59, v0;
	v60 =	vadd.f32 v23, v19  }
0x457: {  	v1 =	vadd.f32 v1, v21;
	v9 =	vadd.f32 v9, v12  }
0x458: {  	v8 =	vadd.f32 v8, v15;
	v25 =	vperm.xlane v0, v63;
	v24 =	vperm.xlane v60, v63  }
0x459: {  	v29 =	vperm.xlane v13, v63;
	v1 =	vadd.f32 v28, v1;
	v26 =	vperm.xlane v9, v63  }
0x45a: {  	v27 =	vperm.xlane v8, v63;
	v0 =	vadd.f32 v0, v25;
	v16 =	vadd.f32 v60, v24  }
0x45b: {  	v62 =	vperm.xlane v2, v61;
	v28 =	vperm.xlane v1, v63;
	v9 =	vadd.f32 v9, v26  }
0x45c: {  	v8 =	vadd.f32 v8, v27;
	v31 =	vperm.xlane v0, v51;
	v30 =	vperm.xlane v16, v51  }
0x45d: {  	v13 =	vadd.f32 v13, v29;
	v1 =	vadd.f32 v1, v28;
	v32 =	vperm.xlane v9, v51  }
0x45e: {  	v34 =	vperm.xlane v8, v51;
	v0 =	vadd.f32 v0, v31;
	v33 =	vadd.f32 v16, v30  }
0x45f: {  	v39 =	vld [tilespmem:$0x1FFF0];
	v35 =	vperm.xlane v1, v51;
	v19 =	vperm.xlane v13, v51;
	v9 =	vadd.f32 v9, v32  }
0x460: {  	v8 =	vadd.f32 v8, v34;
	v21 =	vperm.xlane v0, v61;
	v20 =	vperm.xlane v33, v61  }
0x461: {  	v1 =	vadd.f32 v1, v35;
	v13 =	vadd.f32 v13, v19;
	v36 =	vperm.xlane v9, v61  }
0x462: {  	v37 =	vperm.xlane v8, v61;
	v0 =	vadd.f32 v0, v21;
	v15 =	vadd.f32 v33, v20  }
0x463: {  	v38 =	vperm.xlane v1, v61;
	v19 =	vperm.xlane v13, v61;
	v9 =	vadd.f32 v9, v36  }
0x464: {  	v8 =	vadd.f32 v8, v37;
	v21 =	vperm.xlane v0, v39;
	v20 =	vperm.xlane v15, v39  }
0x465: {  	v1 =	vadd.f32 v1, v38;
	v13 =	vadd.f32 v13, v19;
	v40 =	vperm.xlane v9, v39  }
0x466: {  	v41 =	vperm.xlane v8, v39;
	v0 =	vadd.f32 v0, v21;
	v15 =	vadd.f32 v15, v20  }
0x467: {  	v2 =	vadd.f32 v2, v62;
	v42 =	vperm.xlane v1, v39;
	v9 =	vadd.f32 v9, v40  }
0x468: {  	v43 =	vperm.xlane v13, v39;
	v8 =	vadd.f32 v8, v41;
	v0 =	vsel vm0, v15, v0  }
0x469: {  	v44 =	vperm.xlane v2, v39;
	v1 =	vadd.f32 v1, v42;
	v0 =	vsel vm1, v0, v9  }
0x46a: {  	v46 =	vperm.xlane v3, v39;
	v45 =	vadd.f32 v13, v43;
	v0 =	vsel vm2, v0, v8  }
0x46b: {  	v48 =	vperm.xlane v17, v39;
	v47 =	vadd.f32 v2, v44;
	v0 =	vsel vm3, v0, v1  }
0x46c: {  	v49 =	vperm.xlane v14, v39;
	v3 =	vadd.f32 v3, v46;
	v0 =	vsel vm4, v0, v45  }
0x46d: {  	v50 =	vadd.f32 v17, v48;
	v51 =	vperm.xlane v11, v39;
	v0 =	vsel vm5, v0, v47  }
0x46e: {  	v53 =	vperm.xlane v10, v39;
	v52 =	vadd.f32 v14, v49;
	v0 =	vsel vm6, v0, v3  }
0x46f: {  	v55 =	vperm.xlane v7, v39;
	v54 =	vadd.f32 v11, v51;
	v0 =	vsel vm7, v0, v50  }
0x470: {  	v57 =	vperm.xlane v6, v39;
	v56 =	vadd.f32 v10, v53;
	v0 =	vsel vm8, v0, v52  }
0x471: {  	v59 =	vperm.xlane v5, v39;
	v58 =	vadd.f32 v7, v55;
	v0 =	vsel vm9, v0, v54  }
0x472: {  	v60 =	vadd.f32 v6, v57;
	v61 =	vperm.xlane v4, v39;
	v0 =	vsel vm10, v0, v56  }
0x473: {  	v62 =	vadd.f32 v5, v59;
	v0 =	vsel vm11, v0, v58  }
0x474: {  	v63 =	vadd.f32 v4, v61;
	v0 =	vsel vm12, v0, v60  }
0x475: {  	s23 =	sadd.s32 $0x1, s23;
	v0 =	vsel vm13, v0, v62  }
0x476: {  	s24 =	sadd.s32 $0x10, s24;
	p0 =	sne.s32 s23, s10;
	v0 =	vsel vm14, v0, v63  }
.Ltmp2:
0x477: {  	[tilespmem:s24+$0x0] =	vst v0;
	(pc) =	sbr.rel @p0 .LBB2_1-.Ltmp2, $4  }
0x478: {  	[hbm4b:s9+s1] =	stream.linear.scatter [tilespmem:s22], [sflag:$0x3], $0x200, $0x38;
	[tilespmem:$0x10400] =	vst v63  }
0x479: {  	_ =	swait.ge [sflag:s11], $0x200  }
0x47a: {  	[sflag:s11] =	ssyncset.done $0x0  }
0x47b: {  	[sflag:s11] =	ssyncadd.s32 $0xFFFFFE00  }
0x47c: {  	_ =	sfence.sel $0x180000  }
0x47d: {  	[bflag:$0x0] =	sbarrier.arrive $0xFFFF  }
0x47e: {  	p0 =	sne.s32 s2, $0x0;
	_ =	strace $0x9000004A  }
0x47f: {  	s0 =	sadd.s32 @!p0 $0x100000, s0;
	[bflag:$0x2] =	sbarrier.arrive $0xFFFF  }
0x480: {  	[sflag:s0] =	ssyncadd.tile.s32 @!p0 $0x1;
	_ =	shalt  }
.Lfunc_end2:
_tile_overlayer_lowered:
.L_overlay_start_2:
0x481: {  	(tag) =	ssettag $0x2  }
0x482: {  	s0 =	rddreg [dreg:$0x0];
	s2 =	stileid.u32  }
0x483: {  	s1 =	rddreg [dreg:$0x1];
	p0 =	sne.s32 s2, $0x0  }
0x484: {  	s3 =	rddreg [dreg:$0x2];
	[bflag:$0x3] =	sbarrier.arrive $0xFFFF;
	s2 =	simm.s32 @!p0 $0x1C03  }
0x485: {  	[timem:s3], [sflag:s2] =	dma.local @!p0 [hbm:s0], s1  }
0x486: {  	s0 =	simm.s32 @!p0 $0x3  }
0x487: {  	_ =	swait.ge @!p0 [sflag:s0], s1  }
0x488: {  	s1 =	ssub.s32 @!p0 $0x0, s1;
	[sflag:s0] =	ssyncset.done @!p0 $0x0  }
0x489: {  	[sflag:s0] =	ssyncadd.s32 @!p0 s1  }
0x48a: {  	[bflag:$0x3] =	sbarrier.arrive $0xFFFF  }
0x48b: {  	_ =	shalt  }

</sc_bundles>
